<compile_context>
chip_gen: v7x
topology: tpu7x:2x2x1
jax: 0.10.2.dev20260603
libtpu: 0.0.44.dev20260713+nightly
codegen_flags: <defaults>
</compile_context>

<pallas_src>
import functools

import jax
import jax.numpy as jnp
from jax import lax
from jax.experimental import pallas as pl
from jax.experimental.pallas import tpu as pltpu
from jax.experimental.pallas import tpu_sc as plsc

EMBED_DIM = 64
SEQ = 200
NVIS = 4096
TU = 2
RU = TU * 128
NU = SEQ // TU
JT, JS = EMBED_DIM // 8, 8
VT, VL = NVIS // 128, 128
TRN = JT * JS * VL


def _emb_lookup(idx4, table):
    info = plsc.get_sparse_core_info()
    NC = info.num_cores

    mesh = plsc.VectorSubcoreMesh(core_axis_name="c", subcore_axis_name="s")

    @functools.partial(
        pl.kernel,
        mesh=mesh,
        out_type=jax.ShapeDtypeStruct((SEQ, JT, VT, JS, VL), jnp.float32),
        scratch_types=[
            pltpu.VMEM((RU,), jnp.int32),
            pltpu.VMEM((RU,), jnp.int32),
            pltpu.VMEM((RU, EMBED_DIM), jnp.float32),
            pltpu.VMEM((RU, EMBED_DIM), jnp.float32),
            pltpu.VMEM((TU * JT, JS, VL + 1), jnp.float32),
            pltpu.VMEM((TU * JT, JS, VL + 1), jnp.float32),
            pltpu.SemaphoreType.DMA,
            pltpu.SemaphoreType.DMA,
            pltpu.SemaphoreType.DMA,
            pltpu.SemaphoreType.DMA,
            pltpu.SemaphoreType.DMA,
            pltpu.SemaphoreType.DMA,
        ],
        compiler_params=pltpu.CompilerParams(use_tc_tiling_on_sc=False,
                                             needs_layout_passes=False),
    )
    def emb_kernel(idx_hbm, table_hbm, out_hbm,
                   idx0, idx1, rows0, rows1, tr0, tr1,
                   si0, si1, sg0, sg1, ss0, ss1):
        idx_v = (idx0, idx1)
        rows_v = (rows0, rows1)
        tr_v = (tr0, tr1)
        si = (si0, si1)
        sg = (sg0, sg1)
        ss = (ss0, ss1)
        wid = lax.axis_index("s") * NC + lax.axis_index("c")
        iota16 = lax.iota(jnp.int32, 16)
        jtvec = [[(iota16 + (tu * EMBED_DIM + s * 16)) // JS for s in range(4)]
                 for tu in range(TU)]
        jsvec = [iota16 % JS + 0 * s for s in range(1)]

        def start_idx(i, b):
            tt = i // 4
            ts = (TU * i) % 8
            for tu in range(TU):
                pltpu.async_copy(idx_hbm.at[tt, wid, ts + tu, :],
                                 idx_v[b].at[pl.ds(tu * VL, VL)], si[b])

        def wait_idx(b):
            for tu in range(TU):
                pltpu.make_async_copy(idx_hbm.at[0, 0, 0, :],
                                      idx_v[b].at[pl.ds(0, VL)], si[b]).wait()

        def start_gather(b):
            pltpu.async_copy(table_hbm.at[idx_v[b]], rows_v[b], sg[b])

        def wait_gather(b):
            pltpu.make_async_copy(table_hbm.at[idx_v[b]],
                                  rows_v[b], sg[b]).wait()

        def start_store(i, b):
            for tu in range(TU):
                pltpu.async_copy(
                    tr_v[b].at[pl.ds(tu * JT, JT), :, pl.ds(0, VL)],
                    out_hbm.at[TU * i + tu, :, wid], ss[b])

        def wait_store(b):
            for _ in range(TU):
                pltpu.make_async_copy(
                    tr_v[b].at[pl.ds(0, JT), :, pl.ds(0, VL)],
                    out_hbm.at[0, :, 0], ss[b]).wait()

        def compute(b):
            rows = rows_v[b]
            tr = tr_v[b]
            for tu in range(TU):
                @plsc.parallel_loop(0, VL, unroll=4)
                def r_body(r):
                    cvec = jnp.full((16,), r, jnp.int32)
                    for s in range(4):
                        val = rows[tu * VL + r, pl.ds(s * 16, 16)]
                        plsc.store_scatter(
                            tr, [jtvec[tu][s], jsvec[0], cvec], val)

        def step(i, b):
            o = 1 - b
            wait_idx(b)
            start_gather(b)
            wait_gather(o)
            wait_store(o)
            compute(o)
            start_idx(i + 1, o)
            start_store(i - 1, o)

        start_idx(0, 0)
        start_idx(1, 1)
        wait_idx(0)
        start_gather(0)
        wait_idx(1)
        start_gather(1)
        wait_gather(0)
        compute(0)
        start_idx(2, 0)
        start_store(0, 0)
        wait_idx(0)
        start_gather(0)
        wait_gather(1)
        compute(1)
        start_idx(3, 1)
        start_store(1, 1)
        def pair(g, carry):
            i = 3 + 2 * g
            step(i, 1)
            step(i + 1, 0)
            return carry
        lax.fori_loop(0, (NU - 4) // 2, pair, 0)
        wait_idx(1)
        start_gather(1)
        wait_gather(0)
        wait_store(0)
        compute(0)
        start_store(NU - 2, 0)
        wait_gather(1)
        wait_store(1)
        compute(1)
        start_store(NU - 1, 1)
        wait_store(0)
        wait_store(1)

    return emb_kernel(idx4, table)


def kernel(visit_node_type, table):
    NV, S = visit_node_type.shape
    idx4 = (visit_node_type.astype(jnp.int32).T
            .reshape(S // 8, 8, NV // VL, VL).transpose(0, 2, 1, 3))
    out5 = _emb_lookup(idx4, table)
    return out5.transpose(2, 4, 0, 1, 3).reshape(NV, S, EMBED_DIM)

# --- scband reference (transcript-rebuilt; emitter-appended) ---
"""Pipeline reference for scband-code-type-embedding-9457517986355 (READ-ONLY COPY).

The authoritative reference and input builder live on the scoring server;
editing this copy changes nothing except your own understanding.
"""

import jax, jax.numpy as jnp
import numpy as np

EMBED_NUM = 100000
EMBED_DIM = 64
PADDING_IDX = 0

def setup_inputs(seed: int = 0) -> dict:
    key = jax.random.key(seed)
    k_idx, k_tab = jax.random.split(key)
    visit_node_type = jax.random.randint(k_idx, (4096, 200), 0, EMBED_NUM, dtype=jnp.int64)
    table = jax.random.normal(k_tab, (EMBED_NUM, EMBED_DIM), dtype=jnp.float32)
    # torch nn.Embedding zeros the padding_idx row
    table = table.at[PADDING_IDX].set(0.0)
    return {"visit_node_type": visit_node_type, "table": table}

def reference(visit_node_type, table):
    emb = jnp.take(table, visit_node_type, axis=0)
    # padding_idx semantics: output at padding indices is exactly zero
    mask = (visit_node_type != PADDING_IDX)[..., None]
    return jnp.where(mask, emb, 0.0)

if __name__ == "__main__":
    import jax
    _d = setup_inputs()
    print(jax.jit(kernel)(*tuple(_d.values())))

</pallas_src>

<mosaic_0001>
#map = affine_map<(d0, d1) -> (0, 0, 0, 0)>
#map1 = affine_map<(d0, d1) -> (0, 0)>
#map2 = affine_map<(d0, d1) -> (0, 0, 0, 0, 0)>
module attributes {stable_mosaic.version = 14 : i64} {
  func.func @emb_kernel(%arg0: i32, %arg1: i32, %arg2: memref<25x32x8x128xi32, #tpu.memory_space<hbm>>, %arg3: memref<100000x64xf32, #tpu.memory_space<hbm>>, %arg4: memref<200x8x32x8x128xf32, #tpu.memory_space<hbm>>, %arg5: memref<256xi32, #tpu.memory_space<vmem>>, %arg6: memref<256xi32, #tpu.memory_space<vmem>>, %arg7: memref<256x64xf32, #tpu.memory_space<vmem>>, %arg8: memref<256x64xf32, #tpu.memory_space<vmem>>, %arg9: memref<16x8x129xf32, #tpu.memory_space<vmem>>, %arg10: memref<16x8x129xf32, #tpu.memory_space<vmem>>, %arg11: memref<!tpu.dma_semaphore, #tpu.memory_space<semaphore_mem>>, %arg12: memref<!tpu.dma_semaphore, #tpu.memory_space<semaphore_mem>>, %arg13: memref<!tpu.dma_semaphore, #tpu.memory_space<semaphore_mem>>, %arg14: memref<!tpu.dma_semaphore, #tpu.memory_space<semaphore_mem>>, %arg15: memref<!tpu.dma_semaphore, #tpu.memory_space<semaphore_mem>>, %arg16: memref<!tpu.dma_semaphore, #tpu.memory_space<semaphore_mem>>) attributes {dimension_semantics = [#tpu.dimension_semantics<core_parallel>, #tpu.dimension_semantics<subcore_parallel>], iteration_bounds = array<i64: 2, 16>, scalar_prefetch = 0 : i64, scratch_operands = 12 : i64, tpu.core_type = #tpu.core_type<sc_vector_subcore>, window_params = [{transform_indices = #map}, {transform_indices = #map1}, {transform_indices = #map2}]} {
    %mul3A = arith.constant 2 : i32
    %mul3A_0 = arith.muli %arg1, %mul3A : i32
    %add3A = arith.addi %mul3A_0, %arg0 : i32
    %iota3A = tpu.iota {dimensions = array<i32: 0>} : vector<16xi32>
    %add3A_1 = arith.constant 0 : i32
    %add3A_2 = vector.broadcast %add3A_1 : i32 to vector<16xi32>
    %add3A_3 = arith.addi %iota3A, %add3A_2 : vector<16xi32>
    %jit3A = arith.constant 8 : i32
    %div3A = vector.broadcast %jit3A : i32 to vector<16xi32>
    %div3A_4 = arith.divsi %add3A_3, %div3A : vector<16xi32>
    %sign3A = arith.constant 0 : i32
    %sign3A_5 = vector.broadcast %sign3A : i32 to vector<16xi32>
    %sign3A_6 = arith.cmpi sgt, %add3A_3, %sign3A_5 : vector<16xi32>
    %sign3A_7 = arith.extui %sign3A_6 : vector<16xi1> to vector<16xi32>
    %sign3A_8 = arith.constant 0 : i32
    %sign3A_9 = vector.broadcast %sign3A_8 : i32 to vector<16xi32>
    %sign3A_10 = arith.cmpi slt, %add3A_3, %sign3A_9 : vector<16xi32>
    %sign3A_11 = arith.extui %sign3A_10 : vector<16xi1> to vector<16xi32>
    %sign3A_12 = arith.subi %sign3A_7, %sign3A_11 : vector<16xi32>
    %sign3A_13 = arith.constant 0 : i32
    %sign3A_14 = arith.cmpi sgt, %jit3A, %sign3A_13 : i32
    %sign3A_15 = arith.extui %sign3A_14 : i1 to i32
    %sign3A_16 = arith.constant 0 : i32
    %sign3A_17 = arith.cmpi slt, %jit3A, %sign3A_16 : i32
    %sign3A_18 = arith.extui %sign3A_17 : i1 to i32
    %sign3A_19 = arith.subi %sign3A_15, %sign3A_18 : i32
    %ne3A = vector.broadcast %sign3A_19 : i32 to vector<16xi32>
    %ne3A_20 = arith.cmpi ne, %sign3A_12, %ne3A : vector<16xi32>
    %rem3A = vector.broadcast %jit3A : i32 to vector<16xi32>
    %rem3A_21 = arith.remsi %add3A_3, %rem3A : vector<16xi32>
    %ne3A_22 = arith.constant 0 : i32
    %ne3A_23 = vector.broadcast %ne3A_22 : i32 to vector<16xi32>
    %ne3A_24 = arith.cmpi ne, %rem3A_21, %ne3A_23 : vector<16xi32>
    %and3A = arith.andi %ne3A_20, %ne3A_24 : vector<16xi1>
    %sub3A = arith.constant 1 : i32
    %sub3A_25 = vector.broadcast %sub3A : i32 to vector<16xi32>
    %sub3A_26 = arith.subi %div3A_4, %sub3A_25 : vector<16xi32>
    %select_n3A = arith.select %and3A, %sub3A_26, %div3A_4 : vector<16xi1>, vector<16xi32>
    %add3A_27 = arith.constant 16 : i32
    %add3A_28 = vector.broadcast %add3A_27 : i32 to vector<16xi32>
    %add3A_29 = arith.addi %iota3A, %add3A_28 : vector<16xi32>
    %jit3A_30 = arith.constant 8 : i32
    %div3A_31 = vector.broadcast %jit3A_30 : i32 to vector<16xi32>
    %div3A_32 = arith.divsi %add3A_29, %div3A_31 : vector<16xi32>
    %sign3A_33 = arith.constant 0 : i32
    %sign3A_34 = vector.broadcast %sign3A_33 : i32 to vector<16xi32>
    %sign3A_35 = arith.cmpi sgt, %add3A_29, %sign3A_34 : vector<16xi32>
    %sign3A_36 = arith.extui %sign3A_35 : vector<16xi1> to vector<16xi32>
    %sign3A_37 = arith.constant 0 : i32
    %sign3A_38 = vector.broadcast %sign3A_37 : i32 to vector<16xi32>
    %sign3A_39 = arith.cmpi slt, %add3A_29, %sign3A_38 : vector<16xi32>
    %sign3A_40 = arith.extui %sign3A_39 : vector<16xi1> to vector<16xi32>
    %sign3A_41 = arith.subi %sign3A_36, %sign3A_40 : vector<16xi32>
    %sign3A_42 = arith.constant 0 : i32
    %sign3A_43 = arith.cmpi sgt, %jit3A_30, %sign3A_42 : i32
    %sign3A_44 = arith.extui %sign3A_43 : i1 to i32
    %sign3A_45 = arith.constant 0 : i32
    %sign3A_46 = arith.cmpi slt, %jit3A_30, %sign3A_45 : i32
    %sign3A_47 = arith.extui %sign3A_46 : i1 to i32
    %sign3A_48 = arith.subi %sign3A_44, %sign3A_47 : i32
    %ne3A_49 = vector.broadcast %sign3A_48 : i32 to vector<16xi32>
    %ne3A_50 = arith.cmpi ne, %sign3A_41, %ne3A_49 : vector<16xi32>
    %rem3A_51 = vector.broadcast %jit3A_30 : i32 to vector<16xi32>
    %rem3A_52 = arith.remsi %add3A_29, %rem3A_51 : vector<16xi32>
    %ne3A_53 = arith.constant 0 : i32
    %ne3A_54 = vector.broadcast %ne3A_53 : i32 to vector<16xi32>
    %ne3A_55 = arith.cmpi ne, %rem3A_52, %ne3A_54 : vector<16xi32>
    %and3A_56 = arith.andi %ne3A_50, %ne3A_55 : vector<16xi1>
    %sub3A_57 = arith.constant 1 : i32
    %sub3A_58 = vector.broadcast %sub3A_57 : i32 to vector<16xi32>
    %sub3A_59 = arith.subi %div3A_32, %sub3A_58 : vector<16xi32>
    %select_n3A_60 = arith.select %and3A_56, %sub3A_59, %div3A_32 : vector<16xi1>, vector<16xi32>
    %add3A_61 = arith.constant 32 : i32
    %add3A_62 = vector.broadcast %add3A_61 : i32 to vector<16xi32>
    %add3A_63 = arith.addi %iota3A, %add3A_62 : vector<16xi32>
    %jit3A_64 = arith.constant 8 : i32
    %div3A_65 = vector.broadcast %jit3A_64 : i32 to vector<16xi32>
    %div3A_66 = arith.divsi %add3A_63, %div3A_65 : vector<16xi32>
    %sign3A_67 = arith.constant 0 : i32
    %sign3A_68 = vector.broadcast %sign3A_67 : i32 to vector<16xi32>
    %sign3A_69 = arith.cmpi sgt, %add3A_63, %sign3A_68 : vector<16xi32>
    %sign3A_70 = arith.extui %sign3A_69 : vector<16xi1> to vector<16xi32>
    %sign3A_71 = arith.constant 0 : i32
    %sign3A_72 = vector.broadcast %sign3A_71 : i32 to vector<16xi32>
    %sign3A_73 = arith.cmpi slt, %add3A_63, %sign3A_72 : vector<16xi32>
    %sign3A_74 = arith.extui %sign3A_73 : vector<16xi1> to vector<16xi32>
    %sign3A_75 = arith.subi %sign3A_70, %sign3A_74 : vector<16xi32>
    %sign3A_76 = arith.constant 0 : i32
    %sign3A_77 = arith.cmpi sgt, %jit3A_64, %sign3A_76 : i32
    %sign3A_78 = arith.extui %sign3A_77 : i1 to i32
    %sign3A_79 = arith.constant 0 : i32
    %sign3A_80 = arith.cmpi slt, %jit3A_64, %sign3A_79 : i32
    %sign3A_81 = arith.extui %sign3A_80 : i1 to i32
    %sign3A_82 = arith.subi %sign3A_78, %sign3A_81 : i32
    %ne3A_83 = vector.broadcast %sign3A_82 : i32 to vector<16xi32>
    %ne3A_84 = arith.cmpi ne, %sign3A_75, %ne3A_83 : vector<16xi32>
    %rem3A_85 = vector.broadcast %jit3A_64 : i32 to vector<16xi32>
    %rem3A_86 = arith.remsi %add3A_63, %rem3A_85 : vector<16xi32>
    %ne3A_87 = arith.constant 0 : i32
    %ne3A_88 = vector.broadcast %ne3A_87 : i32 to vector<16xi32>
    %ne3A_89 = arith.cmpi ne, %rem3A_86, %ne3A_88 : vector<16xi32>
    %and3A_90 = arith.andi %ne3A_84, %ne3A_89 : vector<16xi1>
    %sub3A_91 = arith.constant 1 : i32
    %sub3A_92 = vector.broadcast %sub3A_91 : i32 to vector<16xi32>
    %sub3A_93 = arith.subi %div3A_66, %sub3A_92 : vector<16xi32>
    %select_n3A_94 = arith.select %and3A_90, %sub3A_93, %div3A_66 : vector<16xi1>, vector<16xi32>
    %add3A_95 = arith.constant 48 : i32
    %add3A_96 = vector.broadcast %add3A_95 : i32 to vector<16xi32>
    %add3A_97 = arith.addi %iota3A, %add3A_96 : vector<16xi32>
    %jit3A_98 = arith.constant 8 : i32
    %div3A_99 = vector.broadcast %jit3A_98 : i32 to vector<16xi32>
    %div3A_100 = arith.divsi %add3A_97, %div3A_99 : vector<16xi32>
    %sign3A_101 = arith.constant 0 : i32
    %sign3A_102 = vector.broadcast %sign3A_101 : i32 to vector<16xi32>
    %sign3A_103 = arith.cmpi sgt, %add3A_97, %sign3A_102 : vector<16xi32>
    %sign3A_104 = arith.extui %sign3A_103 : vector<16xi1> to vector<16xi32>
    %sign3A_105 = arith.constant 0 : i32
    %sign3A_106 = vector.broadcast %sign3A_105 : i32 to vector<16xi32>
    %sign3A_107 = arith.cmpi slt, %add3A_97, %sign3A_106 : vector<16xi32>
    %sign3A_108 = arith.extui %sign3A_107 : vector<16xi1> to vector<16xi32>
    %sign3A_109 = arith.subi %sign3A_104, %sign3A_108 : vector<16xi32>
    %sign3A_110 = arith.constant 0 : i32
    %sign3A_111 = arith.cmpi sgt, %jit3A_98, %sign3A_110 : i32
    %sign3A_112 = arith.extui %sign3A_111 : i1 to i32
    %sign3A_113 = arith.constant 0 : i32
    %sign3A_114 = arith.cmpi slt, %jit3A_98, %sign3A_113 : i32
    %sign3A_115 = arith.extui %sign3A_114 : i1 to i32
    %sign3A_116 = arith.subi %sign3A_112, %sign3A_115 : i32
    %ne3A_117 = vector.broadcast %sign3A_116 : i32 to vector<16xi32>
    %ne3A_118 = arith.cmpi ne, %sign3A_109, %ne3A_117 : vector<16xi32>
    %rem3A_119 = vector.broadcast %jit3A_98 : i32 to vector<16xi32>
    %rem3A_120 = arith.remsi %add3A_97, %rem3A_119 : vector<16xi32>
    %ne3A_121 = arith.constant 0 : i32
    %ne3A_122 = vector.broadcast %ne3A_121 : i32 to vector<16xi32>
    %ne3A_123 = arith.cmpi ne, %rem3A_120, %ne3A_122 : vector<16xi32>
    %and3A_124 = arith.andi %ne3A_118, %ne3A_123 : vector<16xi1>
    %sub3A_125 = arith.constant 1 : i32
    %sub3A_126 = vector.broadcast %sub3A_125 : i32 to vector<16xi32>
    %sub3A_127 = arith.subi %div3A_100, %sub3A_126 : vector<16xi32>
    %select_n3A_128 = arith.select %and3A_124, %sub3A_127, %div3A_100 : vector<16xi1>, vector<16xi32>
    %add3A_129 = arith.constant 64 : i32
    %add3A_130 = vector.broadcast %add3A_129 : i32 to vector<16xi32>
    %add3A_131 = arith.addi %iota3A, %add3A_130 : vector<16xi32>
    %jit3A_132 = arith.constant 8 : i32
    %div3A_133 = vector.broadcast %jit3A_132 : i32 to vector<16xi32>
    %div3A_134 = arith.divsi %add3A_131, %div3A_133 : vector<16xi32>
    %sign3A_135 = arith.constant 0 : i32
    %sign3A_136 = vector.broadcast %sign3A_135 : i32 to vector<16xi32>
    %sign3A_137 = arith.cmpi sgt, %add3A_131, %sign3A_136 : vector<16xi32>
    %sign3A_138 = arith.extui %sign3A_137 : vector<16xi1> to vector<16xi32>
    %sign3A_139 = arith.constant 0 : i32
    %sign3A_140 = vector.broadcast %sign3A_139 : i32 to vector<16xi32>
    %sign3A_141 = arith.cmpi slt, %add3A_131, %sign3A_140 : vector<16xi32>
    %sign3A_142 = arith.extui %sign3A_141 : vector<16xi1> to vector<16xi32>
    %sign3A_143 = arith.subi %sign3A_138, %sign3A_142 : vector<16xi32>
    %sign3A_144 = arith.constant 0 : i32
    %sign3A_145 = arith.cmpi sgt, %jit3A_132, %sign3A_144 : i32
    %sign3A_146 = arith.extui %sign3A_145 : i1 to i32
    %sign3A_147 = arith.constant 0 : i32
    %sign3A_148 = arith.cmpi slt, %jit3A_132, %sign3A_147 : i32
    %sign3A_149 = arith.extui %sign3A_148 : i1 to i32
    %sign3A_150 = arith.subi %sign3A_146, %sign3A_149 : i32
    %ne3A_151 = vector.broadcast %sign3A_150 : i32 to vector<16xi32>
    %ne3A_152 = arith.cmpi ne, %sign3A_143, %ne3A_151 : vector<16xi32>
    %rem3A_153 = vector.broadcast %jit3A_132 : i32 to vector<16xi32>
    %rem3A_154 = arith.remsi %add3A_131, %rem3A_153 : vector<16xi32>
    %ne3A_155 = arith.constant 0 : i32
    %ne3A_156 = vector.broadcast %ne3A_155 : i32 to vector<16xi32>
    %ne3A_157 = arith.cmpi ne, %rem3A_154, %ne3A_156 : vector<16xi32>
    %and3A_158 = arith.andi %ne3A_152, %ne3A_157 : vector<16xi1>
    %sub3A_159 = arith.constant 1 : i32
    %sub3A_160 = vector.broadcast %sub3A_159 : i32 to vector<16xi32>
    %sub3A_161 = arith.subi %div3A_134, %sub3A_160 : vector<16xi32>
    %select_n3A_162 = arith.select %and3A_158, %sub3A_161, %div3A_134 : vector<16xi1>, vector<16xi32>
    %add3A_163 = arith.constant 80 : i32
    %add3A_164 = vector.broadcast %add3A_163 : i32 to vector<16xi32>
    %add3A_165 = arith.addi %iota3A, %add3A_164 : vector<16xi32>
    %jit3A_166 = arith.constant 8 : i32
    %div3A_167 = vector.broadcast %jit3A_166 : i32 to vector<16xi32>
    %div3A_168 = arith.divsi %add3A_165, %div3A_167 : vector<16xi32>
    %sign3A_169 = arith.constant 0 : i32
    %sign3A_170 = vector.broadcast %sign3A_169 : i32 to vector<16xi32>
    %sign3A_171 = arith.cmpi sgt, %add3A_165, %sign3A_170 : vector<16xi32>
    %sign3A_172 = arith.extui %sign3A_171 : vector<16xi1> to vector<16xi32>
    %sign3A_173 = arith.constant 0 : i32
    %sign3A_174 = vector.broadcast %sign3A_173 : i32 to vector<16xi32>
    %sign3A_175 = arith.cmpi slt, %add3A_165, %sign3A_174 : vector<16xi32>
    %sign3A_176 = arith.extui %sign3A_175 : vector<16xi1> to vector<16xi32>
    %sign3A_177 = arith.subi %sign3A_172, %sign3A_176 : vector<16xi32>
    %sign3A_178 = arith.constant 0 : i32
    %sign3A_179 = arith.cmpi sgt, %jit3A_166, %sign3A_178 : i32
    %sign3A_180 = arith.extui %sign3A_179 : i1 to i32
    %sign3A_181 = arith.constant 0 : i32
    %sign3A_182 = arith.cmpi slt, %jit3A_166, %sign3A_181 : i32
    %sign3A_183 = arith.extui %sign3A_182 : i1 to i32
    %sign3A_184 = arith.subi %sign3A_180, %sign3A_183 : i32
    %ne3A_185 = vector.broadcast %sign3A_184 : i32 to vector<16xi32>
    %ne3A_186 = arith.cmpi ne, %sign3A_177, %ne3A_185 : vector<16xi32>
    %rem3A_187 = vector.broadcast %jit3A_166 : i32 to vector<16xi32>
    %rem3A_188 = arith.remsi %add3A_165, %rem3A_187 : vector<16xi32>
    %ne3A_189 = arith.constant 0 : i32
    %ne3A_190 = vector.broadcast %ne3A_189 : i32 to vector<16xi32>
    %ne3A_191 = arith.cmpi ne, %rem3A_188, %ne3A_190 : vector<16xi32>
    %and3A_192 = arith.andi %ne3A_186, %ne3A_191 : vector<16xi1>
    %sub3A_193 = arith.constant 1 : i32
    %sub3A_194 = vector.broadcast %sub3A_193 : i32 to vector<16xi32>
    %sub3A_195 = arith.subi %div3A_168, %sub3A_194 : vector<16xi32>
    %select_n3A_196 = arith.select %and3A_192, %sub3A_195, %div3A_168 : vector<16xi1>, vector<16xi32>
    %add3A_197 = arith.constant 96 : i32
    %add3A_198 = vector.broadcast %add3A_197 : i32 to vector<16xi32>
    %add3A_199 = arith.addi %iota3A, %add3A_198 : vector<16xi32>
    %jit3A_200 = arith.constant 8 : i32
    %div3A_201 = vector.broadcast %jit3A_200 : i32 to vector<16xi32>
    %div3A_202 = arith.divsi %add3A_199, %div3A_201 : vector<16xi32>
    %sign3A_203 = arith.constant 0 : i32
    %sign3A_204 = vector.broadcast %sign3A_203 : i32 to vector<16xi32>
    %sign3A_205 = arith.cmpi sgt, %add3A_199, %sign3A_204 : vector<16xi32>
    %sign3A_206 = arith.extui %sign3A_205 : vector<16xi1> to vector<16xi32>
    %sign3A_207 = arith.constant 0 : i32
    %sign3A_208 = vector.broadcast %sign3A_207 : i32 to vector<16xi32>
    %sign3A_209 = arith.cmpi slt, %add3A_199, %sign3A_208 : vector<16xi32>
    %sign3A_210 = arith.extui %sign3A_209 : vector<16xi1> to vector<16xi32>
    %sign3A_211 = arith.subi %sign3A_206, %sign3A_210 : vector<16xi32>
    %sign3A_212 = arith.constant 0 : i32
    %sign3A_213 = arith.cmpi sgt, %jit3A_200, %sign3A_212 : i32
    %sign3A_214 = arith.extui %sign3A_213 : i1 to i32
    %sign3A_215 = arith.constant 0 : i32
    %sign3A_216 = arith.cmpi slt, %jit3A_200, %sign3A_215 : i32
    %sign3A_217 = arith.extui %sign3A_216 : i1 to i32
    %sign3A_218 = arith.subi %sign3A_214, %sign3A_217 : i32
    %ne3A_219 = vector.broadcast %sign3A_218 : i32 to vector<16xi32>
    %ne3A_220 = arith.cmpi ne, %sign3A_211, %ne3A_219 : vector<16xi32>
    %rem3A_221 = vector.broadcast %jit3A_200 : i32 to vector<16xi32>
    %rem3A_222 = arith.remsi %add3A_199, %rem3A_221 : vector<16xi32>
    %ne3A_223 = arith.constant 0 : i32
    %ne3A_224 = vector.broadcast %ne3A_223 : i32 to vector<16xi32>
    %ne3A_225 = arith.cmpi ne, %rem3A_222, %ne3A_224 : vector<16xi32>
    %and3A_226 = arith.andi %ne3A_220, %ne3A_225 : vector<16xi1>
    %sub3A_227 = arith.constant 1 : i32
    %sub3A_228 = vector.broadcast %sub3A_227 : i32 to vector<16xi32>
    %sub3A_229 = arith.subi %div3A_202, %sub3A_228 : vector<16xi32>
    %select_n3A_230 = arith.select %and3A_226, %sub3A_229, %div3A_202 : vector<16xi1>, vector<16xi32>
    %add3A_231 = arith.constant 112 : i32
    %add3A_232 = vector.broadcast %add3A_231 : i32 to vector<16xi32>
    %add3A_233 = arith.addi %iota3A, %add3A_232 : vector<16xi32>
    %jit3A_234 = arith.constant 8 : i32
    %div3A_235 = vector.broadcast %jit3A_234 : i32 to vector<16xi32>
    %div3A_236 = arith.divsi %add3A_233, %div3A_235 : vector<16xi32>
    %sign3A_237 = arith.constant 0 : i32
    %sign3A_238 = vector.broadcast %sign3A_237 : i32 to vector<16xi32>
    %sign3A_239 = arith.cmpi sgt, %add3A_233, %sign3A_238 : vector<16xi32>
    %sign3A_240 = arith.extui %sign3A_239 : vector<16xi1> to vector<16xi32>
    %sign3A_241 = arith.constant 0 : i32
    %sign3A_242 = vector.broadcast %sign3A_241 : i32 to vector<16xi32>
    %sign3A_243 = arith.cmpi slt, %add3A_233, %sign3A_242 : vector<16xi32>
    %sign3A_244 = arith.extui %sign3A_243 : vector<16xi1> to vector<16xi32>
    %sign3A_245 = arith.subi %sign3A_240, %sign3A_244 : vector<16xi32>
    %sign3A_246 = arith.constant 0 : i32
    %sign3A_247 = arith.cmpi sgt, %jit3A_234, %sign3A_246 : i32
    %sign3A_248 = arith.extui %sign3A_247 : i1 to i32
    %sign3A_249 = arith.constant 0 : i32
    %sign3A_250 = arith.cmpi slt, %jit3A_234, %sign3A_249 : i32
    %sign3A_251 = arith.extui %sign3A_250 : i1 to i32
    %sign3A_252 = arith.subi %sign3A_248, %sign3A_251 : i32
    %ne3A_253 = vector.broadcast %sign3A_252 : i32 to vector<16xi32>
    %ne3A_254 = arith.cmpi ne, %sign3A_245, %ne3A_253 : vector<16xi32>
    %rem3A_255 = vector.broadcast %jit3A_234 : i32 to vector<16xi32>
    %rem3A_256 = arith.remsi %add3A_233, %rem3A_255 : vector<16xi32>
    %ne3A_257 = arith.constant 0 : i32
    %ne3A_258 = vector.broadcast %ne3A_257 : i32 to vector<16xi32>
    %ne3A_259 = arith.cmpi ne, %rem3A_256, %ne3A_258 : vector<16xi32>
    %and3A_260 = arith.andi %ne3A_254, %ne3A_259 : vector<16xi1>
    %sub3A_261 = arith.constant 1 : i32
    %sub3A_262 = vector.broadcast %sub3A_261 : i32 to vector<16xi32>
    %sub3A_263 = arith.subi %div3A_236, %sub3A_262 : vector<16xi32>
    %select_n3A_264 = arith.select %and3A_260, %sub3A_263, %div3A_236 : vector<16xi1>, vector<16xi32>
    %jit3A_265 = arith.constant 8 : i32
    %eq3A = arith.constant 0 : i32
    %eq3A_266 = arith.cmpi eq, %jit3A_265, %eq3A : i32
    %jit3A_267 = arith.constant 1 : i32
    %select_n3A_268 = arith.select %eq3A_266, %jit3A_267, %jit3A_265 : i32
    %rem3A_269 = vector.broadcast %select_n3A_268 : i32 to vector<16xi32>
    %rem3A_270 = arith.remsi %iota3A, %rem3A_269 : vector<16xi32>
    %ne3A_271 = arith.constant 0 : i32
    %ne3A_272 = vector.broadcast %ne3A_271 : i32 to vector<16xi32>
    %ne3A_273 = arith.cmpi ne, %rem3A_270, %ne3A_272 : vector<16xi32>
    %lt3A = arith.constant 0 : i32
    %lt3A_274 = vector.broadcast %lt3A : i32 to vector<16xi32>
    %lt3A_275 = arith.cmpi slt, %rem3A_270, %lt3A_274 : vector<16xi32>
    %lt3A_276 = arith.constant 0 : i32
    %lt3A_277 = arith.cmpi slt, %select_n3A_268, %lt3A_276 : i32
    %ne3A_278 = vector.broadcast %lt3A_277 : i1 to vector<16xi1>
    %ne3A_279 = vector.broadcast %ne3A_278 : vector<16xi1> to vector<16xi1>
    %ne3A_280 = arith.xori %lt3A_275, %ne3A_279 : vector<16xi1>
    %and3A_281 = arith.andi %ne3A_280, %ne3A_273 : vector<16xi1>
    %add3A_282 = vector.broadcast %select_n3A_268 : i32 to vector<16xi32>
    %add3A_283 = arith.addi %rem3A_270, %add3A_282 : vector<16xi32>
    %select_n3A_284 = arith.select %and3A_281, %add3A_283, %rem3A_270 : vector<16xi1>, vector<16xi32>
    %add3A_285 = arith.constant 0 : i32
    %add3A_286 = vector.broadcast %add3A_285 : i32 to vector<16xi32>
    %add3A_287 = arith.addi %select_n3A_284, %add3A_286 : vector<16xi32>
    %dma_start3A = arith.constant 0 : i32
    %dma_start3A_288 = arith.constant 0 : i32
    %dma_start3A_289 = arith.constant 0 : i32
    %dma_start3A_290 = tpu.memref_slice %arg5[%dma_start3A_289] : memref<256xi32, #tpu.memory_space<vmem>> -> memref<128xi32, #tpu.memory_space<vmem>>
    %dma_start3A_291 = arith.constant 0 : i32
    %dma_start3A_292 = tpu.memref_slice %arg2[%dma_start3A, %add3A, %dma_start3A_288, %dma_start3A_291] : memref<25x32x8x128xi32, #tpu.memory_space<hbm>> -> memref<1x1x1x128xi32, #tpu.memory_space<hbm>>
    %dma_start3A_293 = tpu.memref_squeeze %dma_start3A_292 : memref<1x1x1x128xi32, #tpu.memory_space<hbm>> -> memref<128xi32, #tpu.memory_space<hbm>>
    %dma_start3A_294 = arith.constant 0 : i32
    %dma_start3A_295 = tpu.memref_slice %arg5[%dma_start3A_294] : memref<256xi32, #tpu.memory_space<vmem>> -> memref<128xi32, #tpu.memory_space<vmem>>
    %dma_start3A_296 = arith.constant 0 : i32
    %dma_start3A_297 = tpu.memref_slice %arg2[%dma_start3A, %add3A, %dma_start3A_288, %dma_start3A_296] : memref<25x32x8x128xi32, #tpu.memory_space<hbm>> -> memref<1x1x1x128xi32, #tpu.memory_space<hbm>>
    %dma_start3A_298 = tpu.memref_squeeze %dma_start3A_297 : memref<1x1x1x128xi32, #tpu.memory_space<hbm>> -> memref<128xi32, #tpu.memory_space<hbm>>
    tpu.enqueue_dma source(%dma_start3A_298 : memref<128xi32, #tpu.memory_space<hbm>>) target(%dma_start3A_295 : memref<128xi32, #tpu.memory_space<vmem>>) target_semaphore(%arg11 : memref<!tpu.dma_semaphore, #tpu.memory_space<semaphore_mem>>)
    %dma_start3A_299 = arith.constant 0 : i32
    %dma_start3A_300 = arith.constant 1 : i32
    %dma_start3A_301 = arith.constant 128 : i32
    %dma_start3A_302 = tpu.memref_slice %arg5[%dma_start3A_301] : memref<256xi32, #tpu.memory_space<vmem>> -> memref<128xi32, #tpu.memory_space<vmem>>
    %dma_start3A_303 = arith.constant 0 : i32
    %dma_start3A_304 = tpu.memref_slice %arg2[%dma_start3A_299, %add3A, %dma_start3A_300, %dma_start3A_303] : memref<25x32x8x128xi32, #tpu.memory_space<hbm>> -> memref<1x1x1x128xi32, #tpu.memory_space<hbm>>
    %dma_start3A_305 = tpu.memref_squeeze %dma_start3A_304 : memref<1x1x1x128xi32, #tpu.memory_space<hbm>> -> memref<128xi32, #tpu.memory_space<hbm>>
    %dma_start3A_306 = arith.constant 128 : i32
    %dma_start3A_307 = tpu.memref_slice %arg5[%dma_start3A_306] : memref<256xi32, #tpu.memory_space<vmem>> -> memref<128xi32, #tpu.memory_space<vmem>>
    %dma_start3A_308 = arith.constant 0 : i32
    %dma_start3A_309 = tpu.memref_slice %arg2[%dma_start3A_299, %add3A, %dma_start3A_300, %dma_start3A_308] : memref<25x32x8x128xi32, #tpu.memory_space<hbm>> -> memref<1x1x1x128xi32, #tpu.memory_space<hbm>>
    %dma_start3A_310 = tpu.memref_squeeze %dma_start3A_309 : memref<1x1x1x128xi32, #tpu.memory_space<hbm>> -> memref<128xi32, #tpu.memory_space<hbm>>
    tpu.enqueue_dma source(%dma_start3A_310 : memref<128xi32, #tpu.memory_space<hbm>>) target(%dma_start3A_307 : memref<128xi32, #tpu.memory_space<vmem>>) target_semaphore(%arg11 : memref<!tpu.dma_semaphore, #tpu.memory_space<semaphore_mem>>)
    %dma_start3A_311 = arith.constant 0 : i32
    %dma_start3A_312 = arith.constant 2 : i32
    %dma_start3A_313 = arith.constant 0 : i32
    %dma_start3A_314 = tpu.memref_slice %arg6[%dma_start3A_313] : memref<256xi32, #tpu.memory_space<vmem>> -> memref<128xi32, #tpu.memory_space<vmem>>
    %dma_start3A_315 = arith.constant 0 : i32
    %dma_start3A_316 = tpu.memref_slice %arg2[%dma_start3A_311, %add3A, %dma_start3A_312, %dma_start3A_315] : memref<25x32x8x128xi32, #tpu.memory_space<hbm>> -> memref<1x1x1x128xi32, #tpu.memory_space<hbm>>
    %dma_start3A_317 = tpu.memref_squeeze %dma_start3A_316 : memref<1x1x1x128xi32, #tpu.memory_space<hbm>> -> memref<128xi32, #tpu.memory_space<hbm>>
    %dma_start3A_318 = arith.constant 0 : i32
    %dma_start3A_319 = tpu.memref_slice %arg6[%dma_start3A_318] : memref<256xi32, #tpu.memory_space<vmem>> -> memref<128xi32, #tpu.memory_space<vmem>>
    %dma_start3A_320 = arith.constant 0 : i32
    %dma_start3A_321 = tpu.memref_slice %arg2[%dma_start3A_311, %add3A, %dma_start3A_312, %dma_start3A_320] : memref<25x32x8x128xi32, #tpu.memory_space<hbm>> -> memref<1x1x1x128xi32, #tpu.memory_space<hbm>>
    %dma_start3A_322 = tpu.memref_squeeze %dma_start3A_321 : memref<1x1x1x128xi32, #tpu.memory_space<hbm>> -> memref<128xi32, #tpu.memory_space<hbm>>
    tpu.enqueue_dma source(%dma_start3A_322 : memref<128xi32, #tpu.memory_space<hbm>>) target(%dma_start3A_319 : memref<128xi32, #tpu.memory_space<vmem>>) target_semaphore(%arg12 : memref<!tpu.dma_semaphore, #tpu.memory_space<semaphore_mem>>)
    %dma_start3A_323 = arith.constant 0 : i32
    %dma_start3A_324 = arith.constant 3 : i32
    %dma_start3A_325 = arith.constant 128 : i32
    %dma_start3A_326 = tpu.memref_slice %arg6[%dma_start3A_325] : memref<256xi32, #tpu.memory_space<vmem>> -> memref<128xi32, #tpu.memory_space<vmem>>
    %dma_start3A_327 = arith.constant 0 : i32
    %dma_start3A_328 = tpu.memref_slice %arg2[%dma_start3A_323, %add3A, %dma_start3A_324, %dma_start3A_327] : memref<25x32x8x128xi32, #tpu.memory_space<hbm>> -> memref<1x1x1x128xi32, #tpu.memory_space<hbm>>
    %dma_start3A_329 = tpu.memref_squeeze %dma_start3A_328 : memref<1x1x1x128xi32, #tpu.memory_space<hbm>> -> memref<128xi32, #tpu.memory_space<hbm>>
    %dma_start3A_330 = arith.constant 128 : i32
    %dma_start3A_331 = tpu.memref_slice %arg6[%dma_start3A_330] : memref<256xi32, #tpu.memory_space<vmem>> -> memref<128xi32, #tpu.memory_space<vmem>>
    %dma_start3A_332 = arith.constant 0 : i32
    %dma_start3A_333 = tpu.memref_slice %arg2[%dma_start3A_323, %add3A, %dma_start3A_324, %dma_start3A_332] : memref<25x32x8x128xi32, #tpu.memory_space<hbm>> -> memref<1x1x1x128xi32, #tpu.memory_space<hbm>>
    %dma_start3A_334 = tpu.memref_squeeze %dma_start3A_333 : memref<1x1x1x128xi32, #tpu.memory_space<hbm>> -> memref<128xi32, #tpu.memory_space<hbm>>
    tpu.enqueue_dma source(%dma_start3A_334 : memref<128xi32, #tpu.memory_space<hbm>>) target(%dma_start3A_331 : memref<128xi32, #tpu.memory_space<vmem>>) target_semaphore(%arg12 : memref<!tpu.dma_semaphore, #tpu.memory_space<semaphore_mem>>)
    %dma_wait3A = arith.constant 0 : i32
    %dma_wait3A_335 = arith.constant 0 : i32
    %dma_wait3A_336 = arith.constant 0 : i32
    %dma_wait3A_337 = arith.constant 0 : i32
    %dma_wait3A_338 = tpu.memref_slice %arg5[%dma_wait3A_337] : memref<256xi32, #tpu.memory_space<vmem>> -> memref<128xi32, #tpu.memory_space<vmem>>
    %dma_wait3A_339 = arith.constant 0 : i32
    %dma_wait3A_340 = tpu.memref_slice %arg2[%dma_wait3A, %dma_wait3A_335, %dma_wait3A_336, %dma_wait3A_339] : memref<25x32x8x128xi32, #tpu.memory_space<hbm>> -> memref<1x1x1x128xi32, #tpu.memory_space<hbm>>
    %dma_wait3A_341 = tpu.memref_squeeze %dma_wait3A_340 : memref<1x1x1x128xi32, #tpu.memory_space<hbm>> -> memref<128xi32, #tpu.memory_space<hbm>>
    %dma_wait3A_342 = arith.constant 0 : i32
    %dma_wait3A_343 = tpu.memref_slice %arg5[%dma_wait3A_342] : memref<256xi32, #tpu.memory_space<vmem>> -> memref<128xi32, #tpu.memory_space<vmem>>
    %dma_wait3A_344 = arith.constant 0 : i32
    %dma_wait3A_345 = tpu.memref_slice %arg2[%dma_wait3A, %dma_wait3A_335, %dma_wait3A_336, %dma_wait3A_344] : memref<25x32x8x128xi32, #tpu.memory_space<hbm>> -> memref<1x1x1x128xi32, #tpu.memory_space<hbm>>
    %dma_wait3A_346 = tpu.memref_squeeze %dma_wait3A_345 : memref<1x1x1x128xi32, #tpu.memory_space<hbm>> -> memref<128xi32, #tpu.memory_space<hbm>>
    tpu.wait_dma2 semaphore(%arg11 : memref<!tpu.dma_semaphore, #tpu.memory_space<semaphore_mem>>) src(%dma_wait3A_346 : memref<128xi32, #tpu.memory_space<hbm>>) dst(%dma_wait3A_343 : memref<128xi32, #tpu.memory_space<vmem>>)
    %dma_wait3A_347 = arith.constant 0 : i32
    %dma_wait3A_348 = arith.constant 0 : i32
    %dma_wait3A_349 = arith.constant 0 : i32
    %dma_wait3A_350 = arith.constant 0 : i32
    %dma_wait3A_351 = tpu.memref_slice %arg5[%dma_wait3A_350] : memref<256xi32, #tpu.memory_space<vmem>> -> memref<128xi32, #tpu.memory_space<vmem>>
    %dma_wait3A_352 = arith.constant 0 : i32
    %dma_wait3A_353 = tpu.memref_slice %arg2[%dma_wait3A_347, %dma_wait3A_348, %dma_wait3A_349, %dma_wait3A_352] : memref<25x32x8x128xi32, #tpu.memory_space<hbm>> -> memref<1x1x1x128xi32, #tpu.memory_space<hbm>>
    %dma_wait3A_354 = tpu.memref_squeeze %dma_wait3A_353 : memref<1x1x1x128xi32, #tpu.memory_space<hbm>> -> memref<128xi32, #tpu.memory_space<hbm>>
    %dma_wait3A_355 = arith.constant 0 : i32
    %dma_wait3A_356 = tpu.memref_slice %arg5[%dma_wait3A_355] : memref<256xi32, #tpu.memory_space<vmem>> -> memref<128xi32, #tpu.memory_space<vmem>>
    %dma_wait3A_357 = arith.constant 0 : i32
    %dma_wait3A_358 = tpu.memref_slice %arg2[%dma_wait3A_347, %dma_wait3A_348, %dma_wait3A_349, %dma_wait3A_357] : memref<25x32x8x128xi32, #tpu.memory_space<hbm>> -> memref<1x1x1x128xi32, #tpu.memory_space<hbm>>
    %dma_wait3A_359 = tpu.memref_squeeze %dma_wait3A_358 : memref<1x1x1x128xi32, #tpu.memory_space<hbm>> -> memref<128xi32, #tpu.memory_space<hbm>>
    tpu.wait_dma2 semaphore(%arg11 : memref<!tpu.dma_semaphore, #tpu.memory_space<semaphore_mem>>) src(%dma_wait3A_359 : memref<128xi32, #tpu.memory_space<hbm>>) dst(%dma_wait3A_356 : memref<128xi32, #tpu.memory_space<vmem>>)
    %dma_start3A_360 = arith.constant 0 : i32
    %dma_start3A_361 = arith.constant 0 : i32
    %dma_start3A_362 = tpu.memref_slice %arg3[%dma_start3A_360, %dma_start3A_361] : memref<100000x64xf32, #tpu.memory_space<hbm>> -> memref<100000x64xf32, #tpu.memory_space<hbm>>
    tpu.enqueue_indirect_dma source(%dma_start3A_362 : memref<100000x64xf32, #tpu.memory_space<hbm>>) target(%arg7 : memref<256x64xf32, #tpu.memory_space<vmem>>) offsets(%arg5 : memref<256xi32, #tpu.memory_space<vmem>>) semaphore(%arg13 : memref<!tpu.dma_semaphore, #tpu.memory_space<semaphore_mem>>)
    %dma_wait3A_363 = arith.constant 0 : i32
    %dma_wait3A_364 = arith.constant 0 : i32
    %dma_wait3A_365 = arith.constant 0 : i32
    %dma_wait3A_366 = arith.constant 0 : i32
    %dma_wait3A_367 = tpu.memref_slice %arg6[%dma_wait3A_366] : memref<256xi32, #tpu.memory_space<vmem>> -> memref<128xi32, #tpu.memory_space<vmem>>
    %dma_wait3A_368 = arith.constant 0 : i32
    %dma_wait3A_369 = tpu.memref_slice %arg2[%dma_wait3A_363, %dma_wait3A_364, %dma_wait3A_365, %dma_wait3A_368] : memref<25x32x8x128xi32, #tpu.memory_space<hbm>> -> memref<1x1x1x128xi32, #tpu.memory_space<hbm>>
    %dma_wait3A_370 = tpu.memref_squeeze %dma_wait3A_369 : memref<1x1x1x128xi32, #tpu.memory_space<hbm>> -> memref<128xi32, #tpu.memory_space<hbm>>
    %dma_wait3A_371 = arith.constant 0 : i32
    %dma_wait3A_372 = tpu.memref_slice %arg6[%dma_wait3A_371] : memref<256xi32, #tpu.memory_space<vmem>> -> memref<128xi32, #tpu.memory_space<vmem>>
    %dma_wait3A_373 = arith.constant 0 : i32
    %dma_wait3A_374 = tpu.memref_slice %arg2[%dma_wait3A_363, %dma_wait3A_364, %dma_wait3A_365, %dma_wait3A_373] : memref<25x32x8x128xi32, #tpu.memory_space<hbm>> -> memref<1x1x1x128xi32, #tpu.memory_space<hbm>>
    %dma_wait3A_375 = tpu.memref_squeeze %dma_wait3A_374 : memref<1x1x1x128xi32, #tpu.memory_space<hbm>> -> memref<128xi32, #tpu.memory_space<hbm>>
    tpu.wait_dma2 semaphore(%arg12 : memref<!tpu.dma_semaphore, #tpu.memory_space<semaphore_mem>>) src(%dma_wait3A_375 : memref<128xi32, #tpu.memory_space<hbm>>) dst(%dma_wait3A_372 : memref<128xi32, #tpu.memory_space<vmem>>)
    %dma_wait3A_376 = arith.constant 0 : i32
    %dma_wait3A_377 = arith.constant 0 : i32
    %dma_wait3A_378 = arith.constant 0 : i32
    %dma_wait3A_379 = arith.constant 0 : i32
    %dma_wait3A_380 = tpu.memref_slice %arg6[%dma_wait3A_379] : memref<256xi32, #tpu.memory_space<vmem>> -> memref<128xi32, #tpu.memory_space<vmem>>
    %dma_wait3A_381 = arith.constant 0 : i32
    %dma_wait3A_382 = tpu.memref_slice %arg2[%dma_wait3A_376, %dma_wait3A_377, %dma_wait3A_378, %dma_wait3A_381] : memref<25x32x8x128xi32, #tpu.memory_space<hbm>> -> memref<1x1x1x128xi32, #tpu.memory_space<hbm>>
    %dma_wait3A_383 = tpu.memref_squeeze %dma_wait3A_382 : memref<1x1x1x128xi32, #tpu.memory_space<hbm>> -> memref<128xi32, #tpu.memory_space<hbm>>
    %dma_wait3A_384 = arith.constant 0 : i32
    %dma_wait3A_385 = tpu.memref_slice %arg6[%dma_wait3A_384] : memref<256xi32, #tpu.memory_space<vmem>> -> memref<128xi32, #tpu.memory_space<vmem>>
    %dma_wait3A_386 = arith.constant 0 : i32
    %dma_wait3A_387 = tpu.memref_slice %arg2[%dma_wait3A_376, %dma_wait3A_377, %dma_wait3A_378, %dma_wait3A_386] : memref<25x32x8x128xi32, #tpu.memory_space<hbm>> -> memref<1x1x1x128xi32, #tpu.memory_space<hbm>>
    %dma_wait3A_388 = tpu.memref_squeeze %dma_wait3A_387 : memref<1x1x1x128xi32, #tpu.memory_space<hbm>> -> memref<128xi32, #tpu.memory_space<hbm>>
    tpu.wait_dma2 semaphore(%arg12 : memref<!tpu.dma_semaphore, #tpu.memory_space<semaphore_mem>>) src(%dma_wait3A_388 : memref<128xi32, #tpu.memory_space<hbm>>) dst(%dma_wait3A_385 : memref<128xi32, #tpu.memory_space<vmem>>)
    %dma_start3A_389 = arith.constant 0 : i32
    %dma_start3A_390 = arith.constant 0 : i32
    %dma_start3A_391 = tpu.memref_slice %arg3[%dma_start3A_389, %dma_start3A_390] : memref<100000x64xf32, #tpu.memory_space<hbm>> -> memref<100000x64xf32, #tpu.memory_space<hbm>>
    tpu.enqueue_indirect_dma source(%dma_start3A_391 : memref<100000x64xf32, #tpu.memory_space<hbm>>) target(%arg8 : memref<256x64xf32, #tpu.memory_space<vmem>>) offsets(%arg6 : memref<256xi32, #tpu.memory_space<vmem>>) semaphore(%arg14 : memref<!tpu.dma_semaphore, #tpu.memory_space<semaphore_mem>>)
    %dma_wait3A_392 = arith.constant 0 : i32
    %dma_wait3A_393 = arith.constant 0 : i32
    %dma_wait3A_394 = tpu.memref_slice %arg3[%dma_wait3A_392, %dma_wait3A_393] : memref<100000x64xf32, #tpu.memory_space<hbm>> -> memref<100000x64xf32, #tpu.memory_space<hbm>>
    tpu.wait_indirect_dma semaphore(%arg13 : memref<!tpu.dma_semaphore, #tpu.memory_space<semaphore_mem>>) src(%dma_wait3A_394 : memref<100000x64xf32, #tpu.memory_space<hbm>>) dst(%arg7 : memref<256x64xf32, #tpu.memory_space<vmem>>)
    %parallel_loop3A = arith.constant 0 : i32
    %parallel_loop3A_395 = arith.constant 128 : i32
    %parallel_loop3A_396 = arith.constant 1 : i32
    scf.for %parallel_loop3A_850 = %parallel_loop3A to %parallel_loop3A_395 step %parallel_loop3A_396  : i32 {
      %parallel_loop3A_851 = vector.broadcast %parallel_loop3A_850 : i32 to vector<16xi32>
      %parallel_loop3A_852 = arith.constant 0 : i32
      %parallel_loop3A_853 = arith.addi %parallel_loop3A_852, %parallel_loop3A_850 : i32
      %parallel_loop3A_854 = arith.index_cast %parallel_loop3A_853 : i32 to index
      %parallel_loop3A_855 = arith.constant 0 : index
      %parallel_loop3A_856 = tpu.vector_load %arg7[%parallel_loop3A_854, %parallel_loop3A_855] {strides = array<i32>} : memref<256x64xf32, #tpu.memory_space<vmem>>, vector<16xf32>,
      tpu.vector_store_idx %arg9[%select_n3A, %add3A_287, %parallel_loop3A_851], %parallel_loop3A_856 : memref<16x8x129xf32, #tpu.memory_space<vmem>>[vector<16xi32>, vector<16xi32>, vector<16xi32>], vector<16xf32>,
      %parallel_loop3A_857 = arith.constant 0 : i32
      %parallel_loop3A_858 = arith.addi %parallel_loop3A_857, %parallel_loop3A_850 : i32
      %parallel_loop3A_859 = arith.index_cast %parallel_loop3A_858 : i32 to index
      %parallel_loop3A_860 = arith.constant 16 : index
      %parallel_loop3A_861 = tpu.vector_load %arg7[%parallel_loop3A_859, %parallel_loop3A_860] {strides = array<i32>} : memref<256x64xf32, #tpu.memory_space<vmem>>, vector<16xf32>,
      tpu.vector_store_idx %arg9[%select_n3A_60, %add3A_287, %parallel_loop3A_851], %parallel_loop3A_861 : memref<16x8x129xf32, #tpu.memory_space<vmem>>[vector<16xi32>, vector<16xi32>, vector<16xi32>], vector<16xf32>,
      %parallel_loop3A_862 = arith.constant 0 : i32
      %parallel_loop3A_863 = arith.addi %parallel_loop3A_862, %parallel_loop3A_850 : i32
      %parallel_loop3A_864 = arith.index_cast %parallel_loop3A_863 : i32 to index
      %parallel_loop3A_865 = arith.constant 32 : index
      %parallel_loop3A_866 = tpu.vector_load %arg7[%parallel_loop3A_864, %parallel_loop3A_865] {strides = array<i32>} : memref<256x64xf32, #tpu.memory_space<vmem>>, vector<16xf32>,
      tpu.vector_store_idx %arg9[%select_n3A_94, %add3A_287, %parallel_loop3A_851], %parallel_loop3A_866 : memref<16x8x129xf32, #tpu.memory_space<vmem>>[vector<16xi32>, vector<16xi32>, vector<16xi32>], vector<16xf32>,
      %parallel_loop3A_867 = arith.constant 0 : i32
      %parallel_loop3A_868 = arith.addi %parallel_loop3A_867, %parallel_loop3A_850 : i32
      %parallel_loop3A_869 = arith.index_cast %parallel_loop3A_868 : i32 to index
      %parallel_loop3A_870 = arith.constant 48 : index
      %parallel_loop3A_871 = tpu.vector_load %arg7[%parallel_loop3A_869, %parallel_loop3A_870] {strides = array<i32>} : memref<256x64xf32, #tpu.memory_space<vmem>>, vector<16xf32>,
      tpu.vector_store_idx %arg9[%select_n3A_128, %add3A_287, %parallel_loop3A_851], %parallel_loop3A_871 : memref<16x8x129xf32, #tpu.memory_space<vmem>>[vector<16xi32>, vector<16xi32>, vector<16xi32>], vector<16xf32>,
    } {sc.loop_unroll_factor = 4 : i64, sc.parallel_access}
    %parallel_loop3A_397 = arith.constant 0 : i32
    %parallel_loop3A_398 = arith.constant 128 : i32
    %parallel_loop3A_399 = arith.constant 1 : i32
    scf.for %parallel_loop3A_850 = %parallel_loop3A_397 to %parallel_loop3A_398 step %parallel_loop3A_399  : i32 {
      %parallel_loop3A_851 = vector.broadcast %parallel_loop3A_850 : i32 to vector<16xi32>
      %parallel_loop3A_852 = arith.constant 128 : i32
      %parallel_loop3A_853 = arith.addi %parallel_loop3A_852, %parallel_loop3A_850 : i32
      %parallel_loop3A_854 = arith.index_cast %parallel_loop3A_853 : i32 to index
      %parallel_loop3A_855 = arith.constant 0 : index
      %parallel_loop3A_856 = tpu.vector_load %arg7[%parallel_loop3A_854, %parallel_loop3A_855] {strides = array<i32>} : memref<256x64xf32, #tpu.memory_space<vmem>>, vector<16xf32>,
      tpu.vector_store_idx %arg9[%select_n3A_162, %add3A_287, %parallel_loop3A_851], %parallel_loop3A_856 : memref<16x8x129xf32, #tpu.memory_space<vmem>>[vector<16xi32>, vector<16xi32>, vector<16xi32>], vector<16xf32>,
      %parallel_loop3A_857 = arith.constant 128 : i32
      %parallel_loop3A_858 = arith.addi %parallel_loop3A_857, %parallel_loop3A_850 : i32
      %parallel_loop3A_859 = arith.index_cast %parallel_loop3A_858 : i32 to index
      %parallel_loop3A_860 = arith.constant 16 : index
      %parallel_loop3A_861 = tpu.vector_load %arg7[%parallel_loop3A_859, %parallel_loop3A_860] {strides = array<i32>} : memref<256x64xf32, #tpu.memory_space<vmem>>, vector<16xf32>,
      tpu.vector_store_idx %arg9[%select_n3A_196, %add3A_287, %parallel_loop3A_851], %parallel_loop3A_861 : memref<16x8x129xf32, #tpu.memory_space<vmem>>[vector<16xi32>, vector<16xi32>, vector<16xi32>], vector<16xf32>,
      %parallel_loop3A_862 = arith.constant 128 : i32
      %parallel_loop3A_863 = arith.addi %parallel_loop3A_862, %parallel_loop3A_850 : i32
      %parallel_loop3A_864 = arith.index_cast %parallel_loop3A_863 : i32 to index
      %parallel_loop3A_865 = arith.constant 32 : index
      %parallel_loop3A_866 = tpu.vector_load %arg7[%parallel_loop3A_864, %parallel_loop3A_865] {strides = array<i32>} : memref<256x64xf32, #tpu.memory_space<vmem>>, vector<16xf32>,
      tpu.vector_store_idx %arg9[%select_n3A_230, %add3A_287, %parallel_loop3A_851], %parallel_loop3A_866 : memref<16x8x129xf32, #tpu.memory_space<vmem>>[vector<16xi32>, vector<16xi32>, vector<16xi32>], vector<16xf32>,
      %parallel_loop3A_867 = arith.constant 128 : i32
      %parallel_loop3A_868 = arith.addi %parallel_loop3A_867, %parallel_loop3A_850 : i32
      %parallel_loop3A_869 = arith.index_cast %parallel_loop3A_868 : i32 to index
      %parallel_loop3A_870 = arith.constant 48 : index
      %parallel_loop3A_871 = tpu.vector_load %arg7[%parallel_loop3A_869, %parallel_loop3A_870] {strides = array<i32>} : memref<256x64xf32, #tpu.memory_space<vmem>>, vector<16xf32>,
      tpu.vector_store_idx %arg9[%select_n3A_264, %add3A_287, %parallel_loop3A_851], %parallel_loop3A_871 : memref<16x8x129xf32, #tpu.memory_space<vmem>>[vector<16xi32>, vector<16xi32>, vector<16xi32>], vector<16xf32>,
    } {sc.loop_unroll_factor = 4 : i64, sc.parallel_access}
    %dma_start3A_400 = arith.constant 0 : i32
    %dma_start3A_401 = arith.constant 4 : i32
    %dma_start3A_402 = arith.constant 0 : i32
    %dma_start3A_403 = tpu.memref_slice %arg5[%dma_start3A_402] : memref<256xi32, #tpu.memory_space<vmem>> -> memref<128xi32, #tpu.memory_space<vmem>>
    %dma_start3A_404 = arith.constant 0 : i32
    %dma_start3A_405 = tpu.memref_slice %arg2[%dma_start3A_400, %add3A, %dma_start3A_401, %dma_start3A_404] : memref<25x32x8x128xi32, #tpu.memory_space<hbm>> -> memref<1x1x1x128xi32, #tpu.memory_space<hbm>>
    %dma_start3A_406 = tpu.memref_squeeze %dma_start3A_405 : memref<1x1x1x128xi32, #tpu.memory_space<hbm>> -> memref<128xi32, #tpu.memory_space<hbm>>
    %dma_start3A_407 = arith.constant 0 : i32
    %dma_start3A_408 = tpu.memref_slice %arg5[%dma_start3A_407] : memref<256xi32, #tpu.memory_space<vmem>> -> memref<128xi32, #tpu.memory_space<vmem>>
    %dma_start3A_409 = arith.constant 0 : i32
    %dma_start3A_410 = tpu.memref_slice %arg2[%dma_start3A_400, %add3A, %dma_start3A_401, %dma_start3A_409] : memref<25x32x8x128xi32, #tpu.memory_space<hbm>> -> memref<1x1x1x128xi32, #tpu.memory_space<hbm>>
    %dma_start3A_411 = tpu.memref_squeeze %dma_start3A_410 : memref<1x1x1x128xi32, #tpu.memory_space<hbm>> -> memref<128xi32, #tpu.memory_space<hbm>>
    tpu.enqueue_dma source(%dma_start3A_411 : memref<128xi32, #tpu.memory_space<hbm>>) target(%dma_start3A_408 : memref<128xi32, #tpu.memory_space<vmem>>) target_semaphore(%arg11 : memref<!tpu.dma_semaphore, #tpu.memory_space<semaphore_mem>>)
    %dma_start3A_412 = arith.constant 0 : i32
    %dma_start3A_413 = arith.constant 5 : i32
    %dma_start3A_414 = arith.constant 128 : i32
    %dma_start3A_415 = tpu.memref_slice %arg5[%dma_start3A_414] : memref<256xi32, #tpu.memory_space<vmem>> -> memref<128xi32, #tpu.memory_space<vmem>>
    %dma_start3A_416 = arith.constant 0 : i32
    %dma_start3A_417 = tpu.memref_slice %arg2[%dma_start3A_412, %add3A, %dma_start3A_413, %dma_start3A_416] : memref<25x32x8x128xi32, #tpu.memory_space<hbm>> -> memref<1x1x1x128xi32, #tpu.memory_space<hbm>>
    %dma_start3A_418 = tpu.memref_squeeze %dma_start3A_417 : memref<1x1x1x128xi32, #tpu.memory_space<hbm>> -> memref<128xi32, #tpu.memory_space<hbm>>
    %dma_start3A_419 = arith.constant 128 : i32
    %dma_start3A_420 = tpu.memref_slice %arg5[%dma_start3A_419] : memref<256xi32, #tpu.memory_space<vmem>> -> memref<128xi32, #tpu.memory_space<vmem>>
    %dma_start3A_421 = arith.constant 0 : i32
    %dma_start3A_422 = tpu.memref_slice %arg2[%dma_start3A_412, %add3A, %dma_start3A_413, %dma_start3A_421] : memref<25x32x8x128xi32, #tpu.memory_space<hbm>> -> memref<1x1x1x128xi32, #tpu.memory_space<hbm>>
    %dma_start3A_423 = tpu.memref_squeeze %dma_start3A_422 : memref<1x1x1x128xi32, #tpu.memory_space<hbm>> -> memref<128xi32, #tpu.memory_space<hbm>>
    tpu.enqueue_dma source(%dma_start3A_423 : memref<128xi32, #tpu.memory_space<hbm>>) target(%dma_start3A_420 : memref<128xi32, #tpu.memory_space<vmem>>) target_semaphore(%arg11 : memref<!tpu.dma_semaphore, #tpu.memory_space<semaphore_mem>>)
    %dma_start3A_424 = arith.constant 0 : i32
    %dma_start3A_425 = arith.constant 0 : i32
    %dma_start3A_426 = arith.constant 0 : i32
    %dma_start3A_427 = arith.constant 0 : i32
    %dma_start3A_428 = tpu.memref_slice %arg9[%dma_start3A_425, %dma_start3A_426, %dma_start3A_427] : memref<16x8x129xf32, #tpu.memory_space<vmem>> -> memref<8x8x128xf32, #tpu.memory_space<vmem>>
    %dma_start3A_429 = arith.constant 0 : i32
    %dma_start3A_430 = arith.constant 0 : i32
    %dma_start3A_431 = arith.constant 0 : i32
    %dma_start3A_432 = tpu.memref_slice %arg4[%dma_start3A_424, %dma_start3A_429, %add3A, %dma_start3A_430, %dma_start3A_431] : memref<200x8x32x8x128xf32, #tpu.memory_space<hbm>> -> memref<1x8x1x8x128xf32, #tpu.memory_space<hbm>>
    %dma_start3A_433 = tpu.memref_squeeze %dma_start3A_432 : memref<1x8x1x8x128xf32, #tpu.memory_space<hbm>> -> memref<8x8x128xf32, #tpu.memory_space<hbm>>
    %dma_start3A_434 = arith.constant 0 : i32
    %dma_start3A_435 = arith.constant 0 : i32
    %dma_start3A_436 = arith.constant 0 : i32
    %dma_start3A_437 = tpu.memref_slice %arg4[%dma_start3A_424, %dma_start3A_434, %add3A, %dma_start3A_435, %dma_start3A_436] : memref<200x8x32x8x128xf32, #tpu.memory_space<hbm>> -> memref<1x8x1x8x128xf32, #tpu.memory_space<hbm>>
    %dma_start3A_438 = tpu.memref_squeeze %dma_start3A_437 : memref<1x8x1x8x128xf32, #tpu.memory_space<hbm>> -> memref<8x8x128xf32, #tpu.memory_space<hbm>>
    %dma_start3A_439 = arith.constant 0 : i32
    %dma_start3A_440 = arith.constant 0 : i32
    %dma_start3A_441 = arith.constant 0 : i32
    %dma_start3A_442 = tpu.memref_slice %arg9[%dma_start3A_439, %dma_start3A_440, %dma_start3A_441] : memref<16x8x129xf32, #tpu.memory_space<vmem>> -> memref<8x8x128xf32, #tpu.memory_space<vmem>>
    tpu.enqueue_dma source(%dma_start3A_442 : memref<8x8x128xf32, #tpu.memory_space<vmem>>) target(%dma_start3A_438 : memref<8x8x128xf32, #tpu.memory_space<hbm>>) target_semaphore(%arg15 : memref<!tpu.dma_semaphore, #tpu.memory_space<semaphore_mem>>)
    %dma_start3A_443 = arith.constant 1 : i32
    %dma_start3A_444 = arith.constant 8 : i32
    %dma_start3A_445 = arith.constant 0 : i32
    %dma_start3A_446 = arith.constant 0 : i32
    %dma_start3A_447 = tpu.memref_slice %arg9[%dma_start3A_444, %dma_start3A_445, %dma_start3A_446] : memref<16x8x129xf32, #tpu.memory_space<vmem>> -> memref<8x8x128xf32, #tpu.memory_space<vmem>>
    %dma_start3A_448 = arith.constant 0 : i32
    %dma_start3A_449 = arith.constant 0 : i32
    %dma_start3A_450 = arith.constant 0 : i32
    %dma_start3A_451 = tpu.memref_slice %arg4[%dma_start3A_443, %dma_start3A_448, %add3A, %dma_start3A_449, %dma_start3A_450] : memref<200x8x32x8x128xf32, #tpu.memory_space<hbm>> -> memref<1x8x1x8x128xf32, #tpu.memory_space<hbm>>
    %dma_start3A_452 = tpu.memref_squeeze %dma_start3A_451 : memref<1x8x1x8x128xf32, #tpu.memory_space<hbm>> -> memref<8x8x128xf32, #tpu.memory_space<hbm>>
    %dma_start3A_453 = arith.constant 0 : i32
    %dma_start3A_454 = arith.constant 0 : i32
    %dma_start3A_455 = arith.constant 0 : i32
    %dma_start3A_456 = tpu.memref_slice %arg4[%dma_start3A_443, %dma_start3A_453, %add3A, %dma_start3A_454, %dma_start3A_455] : memref<200x8x32x8x128xf32, #tpu.memory_space<hbm>> -> memref<1x8x1x8x128xf32, #tpu.memory_space<hbm>>
    %dma_start3A_457 = tpu.memref_squeeze %dma_start3A_456 : memref<1x8x1x8x128xf32, #tpu.memory_space<hbm>> -> memref<8x8x128xf32, #tpu.memory_space<hbm>>
    %dma_start3A_458 = arith.constant 8 : i32
    %dma_start3A_459 = arith.constant 0 : i32
    %dma_start3A_460 = arith.constant 0 : i32
    %dma_start3A_461 = tpu.memref_slice %arg9[%dma_start3A_458, %dma_start3A_459, %dma_start3A_460] : memref<16x8x129xf32, #tpu.memory_space<vmem>> -> memref<8x8x128xf32, #tpu.memory_space<vmem>>
    tpu.enqueue_dma source(%dma_start3A_461 : memref<8x8x128xf32, #tpu.memory_space<vmem>>) target(%dma_start3A_457 : memref<8x8x128xf32, #tpu.memory_space<hbm>>) target_semaphore(%arg15 : memref<!tpu.dma_semaphore, #tpu.memory_space<semaphore_mem>>)
    %dma_wait3A_462 = arith.constant 0 : i32
    %dma_wait3A_463 = arith.constant 0 : i32
    %dma_wait3A_464 = arith.constant 0 : i32
    %dma_wait3A_465 = arith.constant 0 : i32
    %dma_wait3A_466 = tpu.memref_slice %arg5[%dma_wait3A_465] : memref<256xi32, #tpu.memory_space<vmem>> -> memref<128xi32, #tpu.memory_space<vmem>>
    %dma_wait3A_467 = arith.constant 0 : i32
    %dma_wait3A_468 = tpu.memref_slice %arg2[%dma_wait3A_462, %dma_wait3A_463, %dma_wait3A_464, %dma_wait3A_467] : memref<25x32x8x128xi32, #tpu.memory_space<hbm>> -> memref<1x1x1x128xi32, #tpu.memory_space<hbm>>
    %dma_wait3A_469 = tpu.memref_squeeze %dma_wait3A_468 : memref<1x1x1x128xi32, #tpu.memory_space<hbm>> -> memref<128xi32, #tpu.memory_space<hbm>>
    %dma_wait3A_470 = arith.constant 0 : i32
    %dma_wait3A_471 = tpu.memref_slice %arg5[%dma_wait3A_470] : memref<256xi32, #tpu.memory_space<vmem>> -> memref<128xi32, #tpu.memory_space<vmem>>
    %dma_wait3A_472 = arith.constant 0 : i32
    %dma_wait3A_473 = tpu.memref_slice %arg2[%dma_wait3A_462, %dma_wait3A_463, %dma_wait3A_464, %dma_wait3A_472] : memref<25x32x8x128xi32, #tpu.memory_space<hbm>> -> memref<1x1x1x128xi32, #tpu.memory_space<hbm>>
    %dma_wait3A_474 = tpu.memref_squeeze %dma_wait3A_473 : memref<1x1x1x128xi32, #tpu.memory_space<hbm>> -> memref<128xi32, #tpu.memory_space<hbm>>
    tpu.wait_dma2 semaphore(%arg11 : memref<!tpu.dma_semaphore, #tpu.memory_space<semaphore_mem>>) src(%dma_wait3A_474 : memref<128xi32, #tpu.memory_space<hbm>>) dst(%dma_wait3A_471 : memref<128xi32, #tpu.memory_space<vmem>>)
    %dma_wait3A_475 = arith.constant 0 : i32
    %dma_wait3A_476 = arith.constant 0 : i32
    %dma_wait3A_477 = arith.constant 0 : i32
    %dma_wait3A_478 = arith.constant 0 : i32
    %dma_wait3A_479 = tpu.memref_slice %arg5[%dma_wait3A_478] : memref<256xi32, #tpu.memory_space<vmem>> -> memref<128xi32, #tpu.memory_space<vmem>>
    %dma_wait3A_480 = arith.constant 0 : i32
    %dma_wait3A_481 = tpu.memref_slice %arg2[%dma_wait3A_475, %dma_wait3A_476, %dma_wait3A_477, %dma_wait3A_480] : memref<25x32x8x128xi32, #tpu.memory_space<hbm>> -> memref<1x1x1x128xi32, #tpu.memory_space<hbm>>
    %dma_wait3A_482 = tpu.memref_squeeze %dma_wait3A_481 : memref<1x1x1x128xi32, #tpu.memory_space<hbm>> -> memref<128xi32, #tpu.memory_space<hbm>>
    %dma_wait3A_483 = arith.constant 0 : i32
    %dma_wait3A_484 = tpu.memref_slice %arg5[%dma_wait3A_483] : memref<256xi32, #tpu.memory_space<vmem>> -> memref<128xi32, #tpu.memory_space<vmem>>
    %dma_wait3A_485 = arith.constant 0 : i32
    %dma_wait3A_486 = tpu.memref_slice %arg2[%dma_wait3A_475, %dma_wait3A_476, %dma_wait3A_477, %dma_wait3A_485] : memref<25x32x8x128xi32, #tpu.memory_space<hbm>> -> memref<1x1x1x128xi32, #tpu.memory_space<hbm>>
    %dma_wait3A_487 = tpu.memref_squeeze %dma_wait3A_486 : memref<1x1x1x128xi32, #tpu.memory_space<hbm>> -> memref<128xi32, #tpu.memory_space<hbm>>
    tpu.wait_dma2 semaphore(%arg11 : memref<!tpu.dma_semaphore, #tpu.memory_space<semaphore_mem>>) src(%dma_wait3A_487 : memref<128xi32, #tpu.memory_space<hbm>>) dst(%dma_wait3A_484 : memref<128xi32, #tpu.memory_space<vmem>>)
    %dma_start3A_488 = arith.constant 0 : i32
    %dma_start3A_489 = arith.constant 0 : i32
    %dma_start3A_490 = tpu.memref_slice %arg3[%dma_start3A_488, %dma_start3A_489] : memref<100000x64xf32, #tpu.memory_space<hbm>> -> memref<100000x64xf32, #tpu.memory_space<hbm>>
    tpu.enqueue_indirect_dma source(%dma_start3A_490 : memref<100000x64xf32, #tpu.memory_space<hbm>>) target(%arg7 : memref<256x64xf32, #tpu.memory_space<vmem>>) offsets(%arg5 : memref<256xi32, #tpu.memory_space<vmem>>) semaphore(%arg13 : memref<!tpu.dma_semaphore, #tpu.memory_space<semaphore_mem>>)
    %dma_wait3A_491 = arith.constant 0 : i32
    %dma_wait3A_492 = arith.constant 0 : i32
    %dma_wait3A_493 = tpu.memref_slice %arg3[%dma_wait3A_491, %dma_wait3A_492] : memref<100000x64xf32, #tpu.memory_space<hbm>> -> memref<100000x64xf32, #tpu.memory_space<hbm>>
    tpu.wait_indirect_dma semaphore(%arg14 : memref<!tpu.dma_semaphore, #tpu.memory_space<semaphore_mem>>) src(%dma_wait3A_493 : memref<100000x64xf32, #tpu.memory_space<hbm>>) dst(%arg8 : memref<256x64xf32, #tpu.memory_space<vmem>>)
    %parallel_loop3A_494 = arith.constant 0 : i32
    %parallel_loop3A_495 = arith.constant 128 : i32
    %parallel_loop3A_496 = arith.constant 1 : i32
    scf.for %parallel_loop3A_850 = %parallel_loop3A_494 to %parallel_loop3A_495 step %parallel_loop3A_496  : i32 {
      %parallel_loop3A_851 = vector.broadcast %parallel_loop3A_850 : i32 to vector<16xi32>
      %parallel_loop3A_852 = arith.constant 0 : i32
      %parallel_loop3A_853 = arith.addi %parallel_loop3A_852, %parallel_loop3A_850 : i32
      %parallel_loop3A_854 = arith.index_cast %parallel_loop3A_853 : i32 to index
      %parallel_loop3A_855 = arith.constant 0 : index
      %parallel_loop3A_856 = tpu.vector_load %arg8[%parallel_loop3A_854, %parallel_loop3A_855] {strides = array<i32>} : memref<256x64xf32, #tpu.memory_space<vmem>>, vector<16xf32>,
      tpu.vector_store_idx %arg10[%select_n3A, %add3A_287, %parallel_loop3A_851], %parallel_loop3A_856 : memref<16x8x129xf32, #tpu.memory_space<vmem>>[vector<16xi32>, vector<16xi32>, vector<16xi32>], vector<16xf32>,
      %parallel_loop3A_857 = arith.constant 0 : i32
      %parallel_loop3A_858 = arith.addi %parallel_loop3A_857, %parallel_loop3A_850 : i32
      %parallel_loop3A_859 = arith.index_cast %parallel_loop3A_858 : i32 to index
      %parallel_loop3A_860 = arith.constant 16 : index
      %parallel_loop3A_861 = tpu.vector_load %arg8[%parallel_loop3A_859, %parallel_loop3A_860] {strides = array<i32>} : memref<256x64xf32, #tpu.memory_space<vmem>>, vector<16xf32>,
      tpu.vector_store_idx %arg10[%select_n3A_60, %add3A_287, %parallel_loop3A_851], %parallel_loop3A_861 : memref<16x8x129xf32, #tpu.memory_space<vmem>>[vector<16xi32>, vector<16xi32>, vector<16xi32>], vector<16xf32>,
      %parallel_loop3A_862 = arith.constant 0 : i32
      %parallel_loop3A_863 = arith.addi %parallel_loop3A_862, %parallel_loop3A_850 : i32
      %parallel_loop3A_864 = arith.index_cast %parallel_loop3A_863 : i32 to index
      %parallel_loop3A_865 = arith.constant 32 : index
      %parallel_loop3A_866 = tpu.vector_load %arg8[%parallel_loop3A_864, %parallel_loop3A_865] {strides = array<i32>} : memref<256x64xf32, #tpu.memory_space<vmem>>, vector<16xf32>,
      tpu.vector_store_idx %arg10[%select_n3A_94, %add3A_287, %parallel_loop3A_851], %parallel_loop3A_866 : memref<16x8x129xf32, #tpu.memory_space<vmem>>[vector<16xi32>, vector<16xi32>, vector<16xi32>], vector<16xf32>,
      %parallel_loop3A_867 = arith.constant 0 : i32
      %parallel_loop3A_868 = arith.addi %parallel_loop3A_867, %parallel_loop3A_850 : i32
      %parallel_loop3A_869 = arith.index_cast %parallel_loop3A_868 : i32 to index
      %parallel_loop3A_870 = arith.constant 48 : index
      %parallel_loop3A_871 = tpu.vector_load %arg8[%parallel_loop3A_869, %parallel_loop3A_870] {strides = array<i32>} : memref<256x64xf32, #tpu.memory_space<vmem>>, vector<16xf32>,
      tpu.vector_store_idx %arg10[%select_n3A_128, %add3A_287, %parallel_loop3A_851], %parallel_loop3A_871 : memref<16x8x129xf32, #tpu.memory_space<vmem>>[vector<16xi32>, vector<16xi32>, vector<16xi32>], vector<16xf32>,
    } {sc.loop_unroll_factor = 4 : i64, sc.parallel_access}
    %parallel_loop3A_497 = arith.constant 0 : i32
    %parallel_loop3A_498 = arith.constant 128 : i32
    %parallel_loop3A_499 = arith.constant 1 : i32
    scf.for %parallel_loop3A_850 = %parallel_loop3A_497 to %parallel_loop3A_498 step %parallel_loop3A_499  : i32 {
      %parallel_loop3A_851 = vector.broadcast %parallel_loop3A_850 : i32 to vector<16xi32>
      %parallel_loop3A_852 = arith.constant 128 : i32
      %parallel_loop3A_853 = arith.addi %parallel_loop3A_852, %parallel_loop3A_850 : i32
      %parallel_loop3A_854 = arith.index_cast %parallel_loop3A_853 : i32 to index
      %parallel_loop3A_855 = arith.constant 0 : index
      %parallel_loop3A_856 = tpu.vector_load %arg8[%parallel_loop3A_854, %parallel_loop3A_855] {strides = array<i32>} : memref<256x64xf32, #tpu.memory_space<vmem>>, vector<16xf32>,
      tpu.vector_store_idx %arg10[%select_n3A_162, %add3A_287, %parallel_loop3A_851], %parallel_loop3A_856 : memref<16x8x129xf32, #tpu.memory_space<vmem>>[vector<16xi32>, vector<16xi32>, vector<16xi32>], vector<16xf32>,
      %parallel_loop3A_857 = arith.constant 128 : i32
      %parallel_loop3A_858 = arith.addi %parallel_loop3A_857, %parallel_loop3A_850 : i32
      %parallel_loop3A_859 = arith.index_cast %parallel_loop3A_858 : i32 to index
      %parallel_loop3A_860 = arith.constant 16 : index
      %parallel_loop3A_861 = tpu.vector_load %arg8[%parallel_loop3A_859, %parallel_loop3A_860] {strides = array<i32>} : memref<256x64xf32, #tpu.memory_space<vmem>>, vector<16xf32>,
      tpu.vector_store_idx %arg10[%select_n3A_196, %add3A_287, %parallel_loop3A_851], %parallel_loop3A_861 : memref<16x8x129xf32, #tpu.memory_space<vmem>>[vector<16xi32>, vector<16xi32>, vector<16xi32>], vector<16xf32>,
      %parallel_loop3A_862 = arith.constant 128 : i32
      %parallel_loop3A_863 = arith.addi %parallel_loop3A_862, %parallel_loop3A_850 : i32
      %parallel_loop3A_864 = arith.index_cast %parallel_loop3A_863 : i32 to index
      %parallel_loop3A_865 = arith.constant 32 : index
      %parallel_loop3A_866 = tpu.vector_load %arg8[%parallel_loop3A_864, %parallel_loop3A_865] {strides = array<i32>} : memref<256x64xf32, #tpu.memory_space<vmem>>, vector<16xf32>,
      tpu.vector_store_idx %arg10[%select_n3A_230, %add3A_287, %parallel_loop3A_851], %parallel_loop3A_866 : memref<16x8x129xf32, #tpu.memory_space<vmem>>[vector<16xi32>, vector<16xi32>, vector<16xi32>], vector<16xf32>,
      %parallel_loop3A_867 = arith.constant 128 : i32
      %parallel_loop3A_868 = arith.addi %parallel_loop3A_867, %parallel_loop3A_850 : i32
      %parallel_loop3A_869 = arith.index_cast %parallel_loop3A_868 : i32 to index
      %parallel_loop3A_870 = arith.constant 48 : index
      %parallel_loop3A_871 = tpu.vector_load %arg8[%parallel_loop3A_869, %parallel_loop3A_870] {strides = array<i32>} : memref<256x64xf32, #tpu.memory_space<vmem>>, vector<16xf32>,
      tpu.vector_store_idx %arg10[%select_n3A_264, %add3A_287, %parallel_loop3A_851], %parallel_loop3A_871 : memref<16x8x129xf32, #tpu.memory_space<vmem>>[vector<16xi32>, vector<16xi32>, vector<16xi32>], vector<16xf32>,
    } {sc.loop_unroll_factor = 4 : i64, sc.parallel_access}
    %dma_start3A_500 = arith.constant 0 : i32
    %dma_start3A_501 = arith.constant 6 : i32
    %dma_start3A_502 = arith.constant 0 : i32
    %dma_start3A_503 = tpu.memref_slice %arg6[%dma_start3A_502] : memref<256xi32, #tpu.memory_space<vmem>> -> memref<128xi32, #tpu.memory_space<vmem>>
    %dma_start3A_504 = arith.constant 0 : i32
    %dma_start3A_505 = tpu.memref_slice %arg2[%dma_start3A_500, %add3A, %dma_start3A_501, %dma_start3A_504] : memref<25x32x8x128xi32, #tpu.memory_space<hbm>> -> memref<1x1x1x128xi32, #tpu.memory_space<hbm>>
    %dma_start3A_506 = tpu.memref_squeeze %dma_start3A_505 : memref<1x1x1x128xi32, #tpu.memory_space<hbm>> -> memref<128xi32, #tpu.memory_space<hbm>>
    %dma_start3A_507 = arith.constant 0 : i32
    %dma_start3A_508 = tpu.memref_slice %arg6[%dma_start3A_507] : memref<256xi32, #tpu.memory_space<vmem>> -> memref<128xi32, #tpu.memory_space<vmem>>
    %dma_start3A_509 = arith.constant 0 : i32
    %dma_start3A_510 = tpu.memref_slice %arg2[%dma_start3A_500, %add3A, %dma_start3A_501, %dma_start3A_509] : memref<25x32x8x128xi32, #tpu.memory_space<hbm>> -> memref<1x1x1x128xi32, #tpu.memory_space<hbm>>
    %dma_start3A_511 = tpu.memref_squeeze %dma_start3A_510 : memref<1x1x1x128xi32, #tpu.memory_space<hbm>> -> memref<128xi32, #tpu.memory_space<hbm>>
    tpu.enqueue_dma source(%dma_start3A_511 : memref<128xi32, #tpu.memory_space<hbm>>) target(%dma_start3A_508 : memref<128xi32, #tpu.memory_space<vmem>>) target_semaphore(%arg12 : memref<!tpu.dma_semaphore, #tpu.memory_space<semaphore_mem>>)
    %dma_start3A_512 = arith.constant 0 : i32
    %dma_start3A_513 = arith.constant 7 : i32
    %dma_start3A_514 = arith.constant 128 : i32
    %dma_start3A_515 = tpu.memref_slice %arg6[%dma_start3A_514] : memref<256xi32, #tpu.memory_space<vmem>> -> memref<128xi32, #tpu.memory_space<vmem>>
    %dma_start3A_516 = arith.constant 0 : i32
    %dma_start3A_517 = tpu.memref_slice %arg2[%dma_start3A_512, %add3A, %dma_start3A_513, %dma_start3A_516] : memref<25x32x8x128xi32, #tpu.memory_space<hbm>> -> memref<1x1x1x128xi32, #tpu.memory_space<hbm>>
    %dma_start3A_518 = tpu.memref_squeeze %dma_start3A_517 : memref<1x1x1x128xi32, #tpu.memory_space<hbm>> -> memref<128xi32, #tpu.memory_space<hbm>>
    %dma_start3A_519 = arith.constant 128 : i32
    %dma_start3A_520 = tpu.memref_slice %arg6[%dma_start3A_519] : memref<256xi32, #tpu.memory_space<vmem>> -> memref<128xi32, #tpu.memory_space<vmem>>
    %dma_start3A_521 = arith.constant 0 : i32
    %dma_start3A_522 = tpu.memref_slice %arg2[%dma_start3A_512, %add3A, %dma_start3A_513, %dma_start3A_521] : memref<25x32x8x128xi32, #tpu.memory_space<hbm>> -> memref<1x1x1x128xi32, #tpu.memory_space<hbm>>
    %dma_start3A_523 = tpu.memref_squeeze %dma_start3A_522 : memref<1x1x1x128xi32, #tpu.memory_space<hbm>> -> memref<128xi32, #tpu.memory_space<hbm>>
    tpu.enqueue_dma source(%dma_start3A_523 : memref<128xi32, #tpu.memory_space<hbm>>) target(%dma_start3A_520 : memref<128xi32, #tpu.memory_space<vmem>>) target_semaphore(%arg12 : memref<!tpu.dma_semaphore, #tpu.memory_space<semaphore_mem>>)
    %dma_start3A_524 = arith.constant 2 : i32
    %dma_start3A_525 = arith.constant 0 : i32
    %dma_start3A_526 = arith.constant 0 : i32
    %dma_start3A_527 = arith.constant 0 : i32
    %dma_start3A_528 = tpu.memref_slice %arg10[%dma_start3A_525, %dma_start3A_526, %dma_start3A_527] : memref<16x8x129xf32, #tpu.memory_space<vmem>> -> memref<8x8x128xf32, #tpu.memory_space<vmem>>
    %dma_start3A_529 = arith.constant 0 : i32
    %dma_start3A_530 = arith.constant 0 : i32
    %dma_start3A_531 = arith.constant 0 : i32
    %dma_start3A_532 = tpu.memref_slice %arg4[%dma_start3A_524, %dma_start3A_529, %add3A, %dma_start3A_530, %dma_start3A_531] : memref<200x8x32x8x128xf32, #tpu.memory_space<hbm>> -> memref<1x8x1x8x128xf32, #tpu.memory_space<hbm>>
    %dma_start3A_533 = tpu.memref_squeeze %dma_start3A_532 : memref<1x8x1x8x128xf32, #tpu.memory_space<hbm>> -> memref<8x8x128xf32, #tpu.memory_space<hbm>>
    %dma_start3A_534 = arith.constant 0 : i32
    %dma_start3A_535 = arith.constant 0 : i32
    %dma_start3A_536 = arith.constant 0 : i32
    %dma_start3A_537 = tpu.memref_slice %arg4[%dma_start3A_524, %dma_start3A_534, %add3A, %dma_start3A_535, %dma_start3A_536] : memref<200x8x32x8x128xf32, #tpu.memory_space<hbm>> -> memref<1x8x1x8x128xf32, #tpu.memory_space<hbm>>
    %dma_start3A_538 = tpu.memref_squeeze %dma_start3A_537 : memref<1x8x1x8x128xf32, #tpu.memory_space<hbm>> -> memref<8x8x128xf32, #tpu.memory_space<hbm>>
    %dma_start3A_539 = arith.constant 0 : i32
    %dma_start3A_540 = arith.constant 0 : i32
    %dma_start3A_541 = arith.constant 0 : i32
    %dma_start3A_542 = tpu.memref_slice %arg10[%dma_start3A_539, %dma_start3A_540, %dma_start3A_541] : memref<16x8x129xf32, #tpu.memory_space<vmem>> -> memref<8x8x128xf32, #tpu.memory_space<vmem>>
    tpu.enqueue_dma source(%dma_start3A_542 : memref<8x8x128xf32, #tpu.memory_space<vmem>>) target(%dma_start3A_538 : memref<8x8x128xf32, #tpu.memory_space<hbm>>) target_semaphore(%arg16 : memref<!tpu.dma_semaphore, #tpu.memory_space<semaphore_mem>>)
    %dma_start3A_543 = arith.constant 3 : i32
    %dma_start3A_544 = arith.constant 8 : i32
    %dma_start3A_545 = arith.constant 0 : i32
    %dma_start3A_546 = arith.constant 0 : i32
    %dma_start3A_547 = tpu.memref_slice %arg10[%dma_start3A_544, %dma_start3A_545, %dma_start3A_546] : memref<16x8x129xf32, #tpu.memory_space<vmem>> -> memref<8x8x128xf32, #tpu.memory_space<vmem>>
    %dma_start3A_548 = arith.constant 0 : i32
    %dma_start3A_549 = arith.constant 0 : i32
    %dma_start3A_550 = arith.constant 0 : i32
    %dma_start3A_551 = tpu.memref_slice %arg4[%dma_start3A_543, %dma_start3A_548, %add3A, %dma_start3A_549, %dma_start3A_550] : memref<200x8x32x8x128xf32, #tpu.memory_space<hbm>> -> memref<1x8x1x8x128xf32, #tpu.memory_space<hbm>>
    %dma_start3A_552 = tpu.memref_squeeze %dma_start3A_551 : memref<1x8x1x8x128xf32, #tpu.memory_space<hbm>> -> memref<8x8x128xf32, #tpu.memory_space<hbm>>
    %dma_start3A_553 = arith.constant 0 : i32
    %dma_start3A_554 = arith.constant 0 : i32
    %dma_start3A_555 = arith.constant 0 : i32
    %dma_start3A_556 = tpu.memref_slice %arg4[%dma_start3A_543, %dma_start3A_553, %add3A, %dma_start3A_554, %dma_start3A_555] : memref<200x8x32x8x128xf32, #tpu.memory_space<hbm>> -> memref<1x8x1x8x128xf32, #tpu.memory_space<hbm>>
    %dma_start3A_557 = tpu.memref_squeeze %dma_start3A_556 : memref<1x8x1x8x128xf32, #tpu.memory_space<hbm>> -> memref<8x8x128xf32, #tpu.memory_space<hbm>>
    %dma_start3A_558 = arith.constant 8 : i32
    %dma_start3A_559 = arith.constant 0 : i32
    %dma_start3A_560 = arith.constant 0 : i32
    %dma_start3A_561 = tpu.memref_slice %arg10[%dma_start3A_558, %dma_start3A_559, %dma_start3A_560] : memref<16x8x129xf32, #tpu.memory_space<vmem>> -> memref<8x8x128xf32, #tpu.memory_space<vmem>>
    tpu.enqueue_dma source(%dma_start3A_561 : memref<8x8x128xf32, #tpu.memory_space<vmem>>) target(%dma_start3A_557 : memref<8x8x128xf32, #tpu.memory_space<hbm>>) target_semaphore(%arg16 : memref<!tpu.dma_semaphore, #tpu.memory_space<semaphore_mem>>)
    %scan3A = arith.constant 0 : i32
    %scan3A_562 = arith.constant 0 : i32
    %scan3A_563 = arith.constant 48 : i32
    %scan3A_564 = arith.addi %scan3A_562, %scan3A_563 : i32
    %scan3A_565 = arith.constant 1 : i32
    scf.for %scan3A_850 = %scan3A_562 to %scan3A_564 step %scan3A_565  : i32 {
      %mul3A_851 = arith.constant 2 : i32
      %mul3A_852 = arith.muli %mul3A_851, %scan3A_850 : i32
      %add3A_853 = arith.constant 3 : i32
      %add3A_854 = arith.addi %add3A_853, %mul3A_852 : i32
      %dma_wait3A_855 = arith.constant 0 : i32
      %dma_wait3A_856 = arith.constant 0 : i32
      %dma_wait3A_857 = arith.constant 0 : i32
      %dma_wait3A_858 = arith.constant 0 : i32
      %dma_wait3A_859 = tpu.memref_slice %arg6[%dma_wait3A_858] : memref<256xi32, #tpu.memory_space<vmem>> -> memref<128xi32, #tpu.memory_space<vmem>>
      %dma_wait3A_860 = arith.constant 0 : i32
      %dma_wait3A_861 = tpu.memref_slice %arg2[%dma_wait3A_855, %dma_wait3A_856, %dma_wait3A_857, %dma_wait3A_860] : memref<25x32x8x128xi32, #tpu.memory_space<hbm>> -> memref<1x1x1x128xi32, #tpu.memory_space<hbm>>
      %dma_wait3A_862 = tpu.memref_squeeze %dma_wait3A_861 : memref<1x1x1x128xi32, #tpu.memory_space<hbm>> -> memref<128xi32, #tpu.memory_space<hbm>>
      %dma_wait3A_863 = arith.constant 0 : i32
      %dma_wait3A_864 = tpu.memref_slice %arg6[%dma_wait3A_863] : memref<256xi32, #tpu.memory_space<vmem>> -> memref<128xi32, #tpu.memory_space<vmem>>
      %dma_wait3A_865 = arith.constant 0 : i32
      %dma_wait3A_866 = tpu.memref_slice %arg2[%dma_wait3A_855, %dma_wait3A_856, %dma_wait3A_857, %dma_wait3A_865] : memref<25x32x8x128xi32, #tpu.memory_space<hbm>> -> memref<1x1x1x128xi32, #tpu.memory_space<hbm>>
      %dma_wait3A_867 = tpu.memref_squeeze %dma_wait3A_866 : memref<1x1x1x128xi32, #tpu.memory_space<hbm>> -> memref<128xi32, #tpu.memory_space<hbm>>
      tpu.wait_dma2 semaphore(%arg12 : memref<!tpu.dma_semaphore, #tpu.memory_space<semaphore_mem>>) src(%dma_wait3A_867 : memref<128xi32, #tpu.memory_space<hbm>>) dst(%dma_wait3A_864 : memref<128xi32, #tpu.memory_space<vmem>>)
      %dma_wait3A_868 = arith.constant 0 : i32
      %dma_wait3A_869 = arith.constant 0 : i32
      %dma_wait3A_870 = arith.constant 0 : i32
      %dma_wait3A_871 = arith.constant 0 : i32
      %dma_wait3A_872 = tpu.memref_slice %arg6[%dma_wait3A_871] : memref<256xi32, #tpu.memory_space<vmem>> -> memref<128xi32, #tpu.memory_space<vmem>>
      %dma_wait3A_873 = arith.constant 0 : i32
      %dma_wait3A_874 = tpu.memref_slice %arg2[%dma_wait3A_868, %dma_wait3A_869, %dma_wait3A_870, %dma_wait3A_873] : memref<25x32x8x128xi32, #tpu.memory_space<hbm>> -> memref<1x1x1x128xi32, #tpu.memory_space<hbm>>
      %dma_wait3A_875 = tpu.memref_squeeze %dma_wait3A_874 : memref<1x1x1x128xi32, #tpu.memory_space<hbm>> -> memref<128xi32, #tpu.memory_space<hbm>>
      %dma_wait3A_876 = arith.constant 0 : i32
      %dma_wait3A_877 = tpu.memref_slice %arg6[%dma_wait3A_876] : memref<256xi32, #tpu.memory_space<vmem>> -> memref<128xi32, #tpu.memory_space<vmem>>
      %dma_wait3A_878 = arith.constant 0 : i32
      %dma_wait3A_879 = tpu.memref_slice %arg2[%dma_wait3A_868, %dma_wait3A_869, %dma_wait3A_870, %dma_wait3A_878] : memref<25x32x8x128xi32, #tpu.memory_space<hbm>> -> memref<1x1x1x128xi32, #tpu.memory_space<hbm>>
      %dma_wait3A_880 = tpu.memref_squeeze %dma_wait3A_879 : memref<1x1x1x128xi32, #tpu.memory_space<hbm>> -> memref<128xi32, #tpu.memory_space<hbm>>
      tpu.wait_dma2 semaphore(%arg12 : memref<!tpu.dma_semaphore, #tpu.memory_space<semaphore_mem>>) src(%dma_wait3A_880 : memref<128xi32, #tpu.memory_space<hbm>>) dst(%dma_wait3A_877 : memref<128xi32, #tpu.memory_space<vmem>>)
      %dma_start3A_881 = arith.constant 0 : i32
      %dma_start3A_882 = arith.constant 0 : i32
      %dma_start3A_883 = tpu.memref_slice %arg3[%dma_start3A_881, %dma_start3A_882] : memref<100000x64xf32, #tpu.memory_space<hbm>> -> memref<100000x64xf32, #tpu.memory_space<hbm>>
      tpu.enqueue_indirect_dma source(%dma_start3A_883 : memref<100000x64xf32, #tpu.memory_space<hbm>>) target(%arg8 : memref<256x64xf32, #tpu.memory_space<vmem>>) offsets(%arg6 : memref<256xi32, #tpu.memory_space<vmem>>) semaphore(%arg14 : memref<!tpu.dma_semaphore, #tpu.memory_space<semaphore_mem>>)
      %dma_wait3A_884 = arith.constant 0 : i32
      %dma_wait3A_885 = arith.constant 0 : i32
      %dma_wait3A_886 = tpu.memref_slice %arg3[%dma_wait3A_884, %dma_wait3A_885] : memref<100000x64xf32, #tpu.memory_space<hbm>> -> memref<100000x64xf32, #tpu.memory_space<hbm>>
      tpu.wait_indirect_dma semaphore(%arg13 : memref<!tpu.dma_semaphore, #tpu.memory_space<semaphore_mem>>) src(%dma_wait3A_886 : memref<100000x64xf32, #tpu.memory_space<hbm>>) dst(%arg7 : memref<256x64xf32, #tpu.memory_space<vmem>>)
      %dma_wait3A_887 = arith.constant 0 : i32
      %dma_wait3A_888 = arith.constant 0 : i32
      %dma_wait3A_889 = arith.constant 0 : i32
      %dma_wait3A_890 = arith.constant 0 : i32
      %dma_wait3A_891 = arith.constant 0 : i32
      %dma_wait3A_892 = tpu.memref_slice %arg9[%dma_wait3A_889, %dma_wait3A_890, %dma_wait3A_891] : memref<16x8x129xf32, #tpu.memory_space<vmem>> -> memref<8x8x128xf32, #tpu.memory_space<vmem>>
      %dma_wait3A_893 = arith.constant 0 : i32
      %dma_wait3A_894 = arith.constant 0 : i32
      %dma_wait3A_895 = arith.constant 0 : i32
      %dma_wait3A_896 = tpu.memref_slice %arg4[%dma_wait3A_887, %dma_wait3A_893, %dma_wait3A_888, %dma_wait3A_894, %dma_wait3A_895] : memref<200x8x32x8x128xf32, #tpu.memory_space<hbm>> -> memref<1x8x1x8x128xf32, #tpu.memory_space<hbm>>
      %dma_wait3A_897 = tpu.memref_squeeze %dma_wait3A_896 : memref<1x8x1x8x128xf32, #tpu.memory_space<hbm>> -> memref<8x8x128xf32, #tpu.memory_space<hbm>>
      %dma_wait3A_898 = arith.constant 0 : i32
      %dma_wait3A_899 = arith.constant 0 : i32
      %dma_wait3A_900 = arith.constant 0 : i32
      %dma_wait3A_901 = tpu.memref_slice %arg4[%dma_wait3A_887, %dma_wait3A_898, %dma_wait3A_888, %dma_wait3A_899, %dma_wait3A_900] : memref<200x8x32x8x128xf32, #tpu.memory_space<hbm>> -> memref<1x8x1x8x128xf32, #tpu.memory_space<hbm>>
      %dma_wait3A_902 = tpu.memref_squeeze %dma_wait3A_901 : memref<1x8x1x8x128xf32, #tpu.memory_space<hbm>> -> memref<8x8x128xf32, #tpu.memory_space<hbm>>
      %dma_wait3A_903 = arith.constant 0 : i32
      %dma_wait3A_904 = arith.constant 0 : i32
      %dma_wait3A_905 = arith.constant 0 : i32
      %dma_wait3A_906 = tpu.memref_slice %arg9[%dma_wait3A_903, %dma_wait3A_904, %dma_wait3A_905] : memref<16x8x129xf32, #tpu.memory_space<vmem>> -> memref<8x8x128xf32, #tpu.memory_space<vmem>>
      tpu.wait_dma2 semaphore(%arg15 : memref<!tpu.dma_semaphore, #tpu.memory_space<semaphore_mem>>) src(%dma_wait3A_906 : memref<8x8x128xf32, #tpu.memory_space<vmem>>) dst(%dma_wait3A_902 : memref<8x8x128xf32, #tpu.memory_space<hbm>>)
      %dma_wait3A_907 = arith.constant 0 : i32
      %dma_wait3A_908 = arith.constant 0 : i32
      %dma_wait3A_909 = arith.constant 0 : i32
      %dma_wait3A_910 = arith.constant 0 : i32
      %dma_wait3A_911 = arith.constant 0 : i32
      %dma_wait3A_912 = tpu.memref_slice %arg9[%dma_wait3A_909, %dma_wait3A_910, %dma_wait3A_911] : memref<16x8x129xf32, #tpu.memory_space<vmem>> -> memref<8x8x128xf32, #tpu.memory_space<vmem>>
      %dma_wait3A_913 = arith.constant 0 : i32
      %dma_wait3A_914 = arith.constant 0 : i32
      %dma_wait3A_915 = arith.constant 0 : i32
      %dma_wait3A_916 = tpu.memref_slice %arg4[%dma_wait3A_907, %dma_wait3A_913, %dma_wait3A_908, %dma_wait3A_914, %dma_wait3A_915] : memref<200x8x32x8x128xf32, #tpu.memory_space<hbm>> -> memref<1x8x1x8x128xf32, #tpu.memory_space<hbm>>
      %dma_wait3A_917 = tpu.memref_squeeze %dma_wait3A_916 : memref<1x8x1x8x128xf32, #tpu.memory_space<hbm>> -> memref<8x8x128xf32, #tpu.memory_space<hbm>>
      %dma_wait3A_918 = arith.constant 0 : i32
      %dma_wait3A_919 = arith.constant 0 : i32
      %dma_wait3A_920 = arith.constant 0 : i32
      %dma_wait3A_921 = tpu.memref_slice %arg4[%dma_wait3A_907, %dma_wait3A_918, %dma_wait3A_908, %dma_wait3A_919, %dma_wait3A_920] : memref<200x8x32x8x128xf32, #tpu.memory_space<hbm>> -> memref<1x8x1x8x128xf32, #tpu.memory_space<hbm>>
      %dma_wait3A_922 = tpu.memref_squeeze %dma_wait3A_921 : memref<1x8x1x8x128xf32, #tpu.memory_space<hbm>> -> memref<8x8x128xf32, #tpu.memory_space<hbm>>
      %dma_wait3A_923 = arith.constant 0 : i32
      %dma_wait3A_924 = arith.constant 0 : i32
      %dma_wait3A_925 = arith.constant 0 : i32
      %dma_wait3A_926 = tpu.memref_slice %arg9[%dma_wait3A_923, %dma_wait3A_924, %dma_wait3A_925] : memref<16x8x129xf32, #tpu.memory_space<vmem>> -> memref<8x8x128xf32, #tpu.memory_space<vmem>>
      tpu.wait_dma2 semaphore(%arg15 : memref<!tpu.dma_semaphore, #tpu.memory_space<semaphore_mem>>) src(%dma_wait3A_926 : memref<8x8x128xf32, #tpu.memory_space<vmem>>) dst(%dma_wait3A_922 : memref<8x8x128xf32, #tpu.memory_space<hbm>>)
      %parallel_loop3A_927 = arith.constant 0 : i32
      %parallel_loop3A_928 = arith.constant 128 : i32
      %parallel_loop3A_929 = arith.constant 1 : i32
      scf.for %parallel_loop3A_1241 = %parallel_loop3A_927 to %parallel_loop3A_928 step %parallel_loop3A_929  : i32 {
        %parallel_loop3A_1242 = vector.broadcast %parallel_loop3A_1241 : i32 to vector<16xi32>
        %parallel_loop3A_1243 = arith.constant 0 : i32
        %parallel_loop3A_1244 = arith.addi %parallel_loop3A_1243, %parallel_loop3A_1241 : i32
        %parallel_loop3A_1245 = arith.index_cast %parallel_loop3A_1244 : i32 to index
        %parallel_loop3A_1246 = arith.constant 0 : index
        %parallel_loop3A_1247 = tpu.vector_load %arg7[%parallel_loop3A_1245, %parallel_loop3A_1246] {strides = array<i32>} : memref<256x64xf32, #tpu.memory_space<vmem>>, vector<16xf32>,
        tpu.vector_store_idx %arg9[%select_n3A, %add3A_287, %parallel_loop3A_1242], %parallel_loop3A_1247 : memref<16x8x129xf32, #tpu.memory_space<vmem>>[vector<16xi32>, vector<16xi32>, vector<16xi32>], vector<16xf32>,
        %parallel_loop3A_1248 = arith.constant 0 : i32
        %parallel_loop3A_1249 = arith.addi %parallel_loop3A_1248, %parallel_loop3A_1241 : i32
        %parallel_loop3A_1250 = arith.index_cast %parallel_loop3A_1249 : i32 to index
        %parallel_loop3A_1251 = arith.constant 16 : index
        %parallel_loop3A_1252 = tpu.vector_load %arg7[%parallel_loop3A_1250, %parallel_loop3A_1251] {strides = array<i32>} : memref<256x64xf32, #tpu.memory_space<vmem>>, vector<16xf32>,
        tpu.vector_store_idx %arg9[%select_n3A_60, %add3A_287, %parallel_loop3A_1242], %parallel_loop3A_1252 : memref<16x8x129xf32, #tpu.memory_space<vmem>>[vector<16xi32>, vector<16xi32>, vector<16xi32>], vector<16xf32>,
        %parallel_loop3A_1253 = arith.constant 0 : i32
        %parallel_loop3A_1254 = arith.addi %parallel_loop3A_1253, %parallel_loop3A_1241 : i32
        %parallel_loop3A_1255 = arith.index_cast %parallel_loop3A_1254 : i32 to index
        %parallel_loop3A_1256 = arith.constant 32 : index
        %parallel_loop3A_1257 = tpu.vector_load %arg7[%parallel_loop3A_1255, %parallel_loop3A_1256] {strides = array<i32>} : memref<256x64xf32, #tpu.memory_space<vmem>>, vector<16xf32>,
        tpu.vector_store_idx %arg9[%select_n3A_94, %add3A_287, %parallel_loop3A_1242], %parallel_loop3A_1257 : memref<16x8x129xf32, #tpu.memory_space<vmem>>[vector<16xi32>, vector<16xi32>, vector<16xi32>], vector<16xf32>,
        %parallel_loop3A_1258 = arith.constant 0 : i32
        %parallel_loop3A_1259 = arith.addi %parallel_loop3A_1258, %parallel_loop3A_1241 : i32
        %parallel_loop3A_1260 = arith.index_cast %parallel_loop3A_1259 : i32 to index
        %parallel_loop3A_1261 = arith.constant 48 : index
        %parallel_loop3A_1262 = tpu.vector_load %arg7[%parallel_loop3A_1260, %parallel_loop3A_1261] {strides = array<i32>} : memref<256x64xf32, #tpu.memory_space<vmem>>, vector<16xf32>,
        tpu.vector_store_idx %arg9[%select_n3A_128, %add3A_287, %parallel_loop3A_1242], %parallel_loop3A_1262 : memref<16x8x129xf32, #tpu.memory_space<vmem>>[vector<16xi32>, vector<16xi32>, vector<16xi32>], vector<16xf32>,
      } {sc.loop_unroll_factor = 4 : i64, sc.parallel_access}
      %parallel_loop3A_930 = arith.constant 0 : i32
      %parallel_loop3A_931 = arith.constant 128 : i32
      %parallel_loop3A_932 = arith.constant 1 : i32
      scf.for %parallel_loop3A_1241 = %parallel_loop3A_930 to %parallel_loop3A_931 step %parallel_loop3A_932  : i32 {
        %parallel_loop3A_1242 = vector.broadcast %parallel_loop3A_1241 : i32 to vector<16xi32>
        %parallel_loop3A_1243 = arith.constant 128 : i32
        %parallel_loop3A_1244 = arith.addi %parallel_loop3A_1243, %parallel_loop3A_1241 : i32
        %parallel_loop3A_1245 = arith.index_cast %parallel_loop3A_1244 : i32 to index
        %parallel_loop3A_1246 = arith.constant 0 : index
        %parallel_loop3A_1247 = tpu.vector_load %arg7[%parallel_loop3A_1245, %parallel_loop3A_1246] {strides = array<i32>} : memref<256x64xf32, #tpu.memory_space<vmem>>, vector<16xf32>,
        tpu.vector_store_idx %arg9[%select_n3A_162, %add3A_287, %parallel_loop3A_1242], %parallel_loop3A_1247 : memref<16x8x129xf32, #tpu.memory_space<vmem>>[vector<16xi32>, vector<16xi32>, vector<16xi32>], vector<16xf32>,
        %parallel_loop3A_1248 = arith.constant 128 : i32
        %parallel_loop3A_1249 = arith.addi %parallel_loop3A_1248, %parallel_loop3A_1241 : i32
        %parallel_loop3A_1250 = arith.index_cast %parallel_loop3A_1249 : i32 to index
        %parallel_loop3A_1251 = arith.constant 16 : index
        %parallel_loop3A_1252 = tpu.vector_load %arg7[%parallel_loop3A_1250, %parallel_loop3A_1251] {strides = array<i32>} : memref<256x64xf32, #tpu.memory_space<vmem>>, vector<16xf32>,
        tpu.vector_store_idx %arg9[%select_n3A_196, %add3A_287, %parallel_loop3A_1242], %parallel_loop3A_1252 : memref<16x8x129xf32, #tpu.memory_space<vmem>>[vector<16xi32>, vector<16xi32>, vector<16xi32>], vector<16xf32>,
        %parallel_loop3A_1253 = arith.constant 128 : i32
        %parallel_loop3A_1254 = arith.addi %parallel_loop3A_1253, %parallel_loop3A_1241 : i32
        %parallel_loop3A_1255 = arith.index_cast %parallel_loop3A_1254 : i32 to index
        %parallel_loop3A_1256 = arith.constant 32 : index
        %parallel_loop3A_1257 = tpu.vector_load %arg7[%parallel_loop3A_1255, %parallel_loop3A_1256] {strides = array<i32>} : memref<256x64xf32, #tpu.memory_space<vmem>>, vector<16xf32>,
        tpu.vector_store_idx %arg9[%select_n3A_230, %add3A_287, %parallel_loop3A_1242], %parallel_loop3A_1257 : memref<16x8x129xf32, #tpu.memory_space<vmem>>[vector<16xi32>, vector<16xi32>, vector<16xi32>], vector<16xf32>,
        %parallel_loop3A_1258 = arith.constant 128 : i32
        %parallel_loop3A_1259 = arith.addi %parallel_loop3A_1258, %parallel_loop3A_1241 : i32
        %parallel_loop3A_1260 = arith.index_cast %parallel_loop3A_1259 : i32 to index
        %parallel_loop3A_1261 = arith.constant 48 : index
        %parallel_loop3A_1262 = tpu.vector_load %arg7[%parallel_loop3A_1260, %parallel_loop3A_1261] {strides = array<i32>} : memref<256x64xf32, #tpu.memory_space<vmem>>, vector<16xf32>,
        tpu.vector_store_idx %arg9[%select_n3A_264, %add3A_287, %parallel_loop3A_1242], %parallel_loop3A_1262 : memref<16x8x129xf32, #tpu.memory_space<vmem>>[vector<16xi32>, vector<16xi32>, vector<16xi32>], vector<16xf32>,
      } {sc.loop_unroll_factor = 4 : i64, sc.parallel_access}
      %add3A_933 = arith.constant 1 : i32
      %add3A_934 = arith.addi %add3A_854, %add3A_933 : i32
      %jit3A_935 = arith.constant 4 : i32
      %div3A_936 = arith.divsi %add3A_934, %jit3A_935 : i32
      %sign3A_937 = arith.constant 0 : i32
      %sign3A_938 = arith.cmpi sgt, %add3A_934, %sign3A_937 : i32
      %sign3A_939 = arith.extui %sign3A_938 : i1 to i32
      %sign3A_940 = arith.constant 0 : i32
      %sign3A_941 = arith.cmpi slt, %add3A_934, %sign3A_940 : i32
      %sign3A_942 = arith.extui %sign3A_941 : i1 to i32
      %sign3A_943 = arith.subi %sign3A_939, %sign3A_942 : i32
      %sign3A_944 = arith.constant 0 : i32
      %sign3A_945 = arith.cmpi sgt, %jit3A_935, %sign3A_944 : i32
      %sign3A_946 = arith.extui %sign3A_945 : i1 to i32
      %sign3A_947 = arith.constant 0 : i32
      %sign3A_948 = arith.cmpi slt, %jit3A_935, %sign3A_947 : i32
      %sign3A_949 = arith.extui %sign3A_948 : i1 to i32
      %sign3A_950 = arith.subi %sign3A_946, %sign3A_949 : i32
      %ne3A_951 = arith.cmpi ne, %sign3A_943, %sign3A_950 : i32
      %rem3A_952 = arith.remsi %add3A_934, %jit3A_935 : i32
      %ne3A_953 = arith.constant 0 : i32
      %ne3A_954 = arith.cmpi ne, %rem3A_952, %ne3A_953 : i32
      %and3A_955 = arith.andi %ne3A_951, %ne3A_954 : i1
      %sub3A_956 = arith.constant 1 : i32
      %sub3A_957 = arith.subi %div3A_936, %sub3A_956 : i32
      %select_n3A_958 = arith.select %and3A_955, %sub3A_957, %div3A_936 : i32
      %mul3A_959 = arith.constant 2 : i32
      %mul3A_960 = arith.muli %mul3A_959, %add3A_934 : i32
      %jit3A_961 = arith.constant 8 : i32
      %eq3A_962 = arith.constant 0 : i32
      %eq3A_963 = arith.cmpi eq, %jit3A_961, %eq3A_962 : i32
      %jit3A_964 = arith.constant 1 : i32
      %select_n3A_965 = arith.select %eq3A_963, %jit3A_964, %jit3A_961 : i32
      %rem3A_966 = arith.remsi %mul3A_960, %select_n3A_965 : i32
      %ne3A_967 = arith.constant 0 : i32
      %ne3A_968 = arith.cmpi ne, %rem3A_966, %ne3A_967 : i32
      %lt3A_969 = arith.constant 0 : i32
      %lt3A_970 = arith.cmpi slt, %rem3A_966, %lt3A_969 : i32
      %lt3A_971 = arith.constant 0 : i32
      %lt3A_972 = arith.cmpi slt, %select_n3A_965, %lt3A_971 : i32
      %ne3A_973 = arith.xori %lt3A_970, %lt3A_972 : i1
      %and3A_974 = arith.andi %ne3A_973, %ne3A_968 : i1
      %add3A_975 = arith.addi %rem3A_966, %select_n3A_965 : i32
      %select_n3A_976 = arith.select %and3A_974, %add3A_975, %rem3A_966 : i32
      %add3A_977 = arith.constant 0 : i32
      %add3A_978 = arith.addi %select_n3A_976, %add3A_977 : i32
      %dma_start3A_979 = arith.constant 0 : i32
      %dma_start3A_980 = tpu.memref_slice %arg5[%dma_start3A_979] : memref<256xi32, #tpu.memory_space<vmem>> -> memref<128xi32, #tpu.memory_space<vmem>>
      %dma_start3A_981 = arith.constant 0 : i32
      %dma_start3A_982 = tpu.memref_slice %arg2[%select_n3A_958, %add3A, %add3A_978, %dma_start3A_981] : memref<25x32x8x128xi32, #tpu.memory_space<hbm>> -> memref<1x1x1x128xi32, #tpu.memory_space<hbm>>
      %dma_start3A_983 = tpu.memref_squeeze %dma_start3A_982 : memref<1x1x1x128xi32, #tpu.memory_space<hbm>> -> memref<128xi32, #tpu.memory_space<hbm>>
      %dma_start3A_984 = arith.constant 0 : i32
      %dma_start3A_985 = tpu.memref_slice %arg5[%dma_start3A_984] : memref<256xi32, #tpu.memory_space<vmem>> -> memref<128xi32, #tpu.memory_space<vmem>>
      %dma_start3A_986 = arith.constant 0 : i32
      %dma_start3A_987 = tpu.memref_slice %arg2[%select_n3A_958, %add3A, %add3A_978, %dma_start3A_986] : memref<25x32x8x128xi32, #tpu.memory_space<hbm>> -> memref<1x1x1x128xi32, #tpu.memory_space<hbm>>
      %dma_start3A_988 = tpu.memref_squeeze %dma_start3A_987 : memref<1x1x1x128xi32, #tpu.memory_space<hbm>> -> memref<128xi32, #tpu.memory_space<hbm>>
      tpu.enqueue_dma source(%dma_start3A_988 : memref<128xi32, #tpu.memory_space<hbm>>) target(%dma_start3A_985 : memref<128xi32, #tpu.memory_space<vmem>>) target_semaphore(%arg11 : memref<!tpu.dma_semaphore, #tpu.memory_space<semaphore_mem>>)
      %add3A_989 = arith.constant 1 : i32
      %add3A_990 = arith.addi %select_n3A_976, %add3A_989 : i32
      %dma_start3A_991 = arith.constant 128 : i32
      %dma_start3A_992 = tpu.memref_slice %arg5[%dma_start3A_991] : memref<256xi32, #tpu.memory_space<vmem>> -> memref<128xi32, #tpu.memory_space<vmem>>
      %dma_start3A_993 = arith.constant 0 : i32
      %dma_start3A_994 = tpu.memref_slice %arg2[%select_n3A_958, %add3A, %add3A_990, %dma_start3A_993] : memref<25x32x8x128xi32, #tpu.memory_space<hbm>> -> memref<1x1x1x128xi32, #tpu.memory_space<hbm>>
      %dma_start3A_995 = tpu.memref_squeeze %dma_start3A_994 : memref<1x1x1x128xi32, #tpu.memory_space<hbm>> -> memref<128xi32, #tpu.memory_space<hbm>>
      %dma_start3A_996 = arith.constant 128 : i32
      %dma_start3A_997 = tpu.memref_slice %arg5[%dma_start3A_996] : memref<256xi32, #tpu.memory_space<vmem>> -> memref<128xi32, #tpu.memory_space<vmem>>
      %dma_start3A_998 = arith.constant 0 : i32
      %dma_start3A_999 = tpu.memref_slice %arg2[%select_n3A_958, %add3A, %add3A_990, %dma_start3A_998] : memref<25x32x8x128xi32, #tpu.memory_space<hbm>> -> memref<1x1x1x128xi32, #tpu.memory_space<hbm>>
      %dma_start3A_1000 = tpu.memref_squeeze %dma_start3A_999 : memref<1x1x1x128xi32, #tpu.memory_space<hbm>> -> memref<128xi32, #tpu.memory_space<hbm>>
      tpu.enqueue_dma source(%dma_start3A_1000 : memref<128xi32, #tpu.memory_space<hbm>>) target(%dma_start3A_997 : memref<128xi32, #tpu.memory_space<vmem>>) target_semaphore(%arg11 : memref<!tpu.dma_semaphore, #tpu.memory_space<semaphore_mem>>)
      %sub3A_1001 = arith.constant 1 : i32
      %sub3A_1002 = arith.subi %add3A_854, %sub3A_1001 : i32
      %mul3A_1003 = arith.constant 2 : i32
      %mul3A_1004 = arith.muli %mul3A_1003, %sub3A_1002 : i32
      %add3A_1005 = arith.constant 0 : i32
      %add3A_1006 = arith.addi %mul3A_1004, %add3A_1005 : i32
      %dma_start3A_1007 = arith.constant 0 : i32
      %dma_start3A_1008 = arith.constant 0 : i32
      %dma_start3A_1009 = arith.constant 0 : i32
      %dma_start3A_1010 = tpu.memref_slice %arg9[%dma_start3A_1007, %dma_start3A_1008, %dma_start3A_1009] : memref<16x8x129xf32, #tpu.memory_space<vmem>> -> memref<8x8x128xf32, #tpu.memory_space<vmem>>
      %dma_start3A_1011 = arith.constant 0 : i32
      %dma_start3A_1012 = arith.constant 0 : i32
      %dma_start3A_1013 = arith.constant 0 : i32
      %dma_start3A_1014 = tpu.memref_slice %arg4[%add3A_1006, %dma_start3A_1011, %add3A, %dma_start3A_1012, %dma_start3A_1013] : memref<200x8x32x8x128xf32, #tpu.memory_space<hbm>> -> memref<1x8x1x8x128xf32, #tpu.memory_space<hbm>>
      %dma_start3A_1015 = tpu.memref_squeeze %dma_start3A_1014 : memref<1x8x1x8x128xf32, #tpu.memory_space<hbm>> -> memref<8x8x128xf32, #tpu.memory_space<hbm>>
      %dma_start3A_1016 = arith.constant 0 : i32
      %dma_start3A_1017 = arith.constant 0 : i32
      %dma_start3A_1018 = arith.constant 0 : i32
      %dma_start3A_1019 = tpu.memref_slice %arg4[%add3A_1006, %dma_start3A_1016, %add3A, %dma_start3A_1017, %dma_start3A_1018] : memref<200x8x32x8x128xf32, #tpu.memory_space<hbm>> -> memref<1x8x1x8x128xf32, #tpu.memory_space<hbm>>
      %dma_start3A_1020 = tpu.memref_squeeze %dma_start3A_1019 : memref<1x8x1x8x128xf32, #tpu.memory_space<hbm>> -> memref<8x8x128xf32, #tpu.memory_space<hbm>>
      %dma_start3A_1021 = arith.constant 0 : i32
      %dma_start3A_1022 = arith.constant 0 : i32
      %dma_start3A_1023 = arith.constant 0 : i32
      %dma_start3A_1024 = tpu.memref_slice %arg9[%dma_start3A_1021, %dma_start3A_1022, %dma_start3A_1023] : memref<16x8x129xf32, #tpu.memory_space<vmem>> -> memref<8x8x128xf32, #tpu.memory_space<vmem>>
      tpu.enqueue_dma source(%dma_start3A_1024 : memref<8x8x128xf32, #tpu.memory_space<vmem>>) target(%dma_start3A_1020 : memref<8x8x128xf32, #tpu.memory_space<hbm>>) target_semaphore(%arg15 : memref<!tpu.dma_semaphore, #tpu.memory_space<semaphore_mem>>)
      %mul3A_1025 = arith.constant 2 : i32
      %mul3A_1026 = arith.muli %mul3A_1025, %sub3A_1002 : i32
      %add3A_1027 = arith.constant 1 : i32
      %add3A_1028 = arith.addi %mul3A_1026, %add3A_1027 : i32
      %dma_start3A_1029 = arith.constant 8 : i32
      %dma_start3A_1030 = arith.constant 0 : i32
      %dma_start3A_1031 = arith.constant 0 : i32
      %dma_start3A_1032 = tpu.memref_slice %arg9[%dma_start3A_1029, %dma_start3A_1030, %dma_start3A_1031] : memref<16x8x129xf32, #tpu.memory_space<vmem>> -> memref<8x8x128xf32, #tpu.memory_space<vmem>>
      %dma_start3A_1033 = arith.constant 0 : i32
      %dma_start3A_1034 = arith.constant 0 : i32
      %dma_start3A_1035 = arith.constant 0 : i32
      %dma_start3A_1036 = tpu.memref_slice %arg4[%add3A_1028, %dma_start3A_1033, %add3A, %dma_start3A_1034, %dma_start3A_1035] : memref<200x8x32x8x128xf32, #tpu.memory_space<hbm>> -> memref<1x8x1x8x128xf32, #tpu.memory_space<hbm>>
      %dma_start3A_1037 = tpu.memref_squeeze %dma_start3A_1036 : memref<1x8x1x8x128xf32, #tpu.memory_space<hbm>> -> memref<8x8x128xf32, #tpu.memory_space<hbm>>
      %dma_start3A_1038 = arith.constant 0 : i32
      %dma_start3A_1039 = arith.constant 0 : i32
      %dma_start3A_1040 = arith.constant 0 : i32
      %dma_start3A_1041 = tpu.memref_slice %arg4[%add3A_1028, %dma_start3A_1038, %add3A, %dma_start3A_1039, %dma_start3A_1040] : memref<200x8x32x8x128xf32, #tpu.memory_space<hbm>> -> memref<1x8x1x8x128xf32, #tpu.memory_space<hbm>>
      %dma_start3A_1042 = tpu.memref_squeeze %dma_start3A_1041 : memref<1x8x1x8x128xf32, #tpu.memory_space<hbm>> -> memref<8x8x128xf32, #tpu.memory_space<hbm>>
      %dma_start3A_1043 = arith.constant 8 : i32
      %dma_start3A_1044 = arith.constant 0 : i32
      %dma_start3A_1045 = arith.constant 0 : i32
      %dma_start3A_1046 = tpu.memref_slice %arg9[%dma_start3A_1043, %dma_start3A_1044, %dma_start3A_1045] : memref<16x8x129xf32, #tpu.memory_space<vmem>> -> memref<8x8x128xf32, #tpu.memory_space<vmem>>
      tpu.enqueue_dma source(%dma_start3A_1046 : memref<8x8x128xf32, #tpu.memory_space<vmem>>) target(%dma_start3A_1042 : memref<8x8x128xf32, #tpu.memory_space<hbm>>) target_semaphore(%arg15 : memref<!tpu.dma_semaphore, #tpu.memory_space<semaphore_mem>>)
      %add3A_1047 = arith.constant 1 : i32
      %add3A_1048 = arith.addi %add3A_854, %add3A_1047 : i32
      %dma_wait3A_1049 = arith.constant 0 : i32
      %dma_wait3A_1050 = arith.constant 0 : i32
      %dma_wait3A_1051 = arith.constant 0 : i32
      %dma_wait3A_1052 = arith.constant 0 : i32
      %dma_wait3A_1053 = tpu.memref_slice %arg5[%dma_wait3A_1052] : memref<256xi32, #tpu.memory_space<vmem>> -> memref<128xi32, #tpu.memory_space<vmem>>
      %dma_wait3A_1054 = arith.constant 0 : i32
      %dma_wait3A_1055 = tpu.memref_slice %arg2[%dma_wait3A_1049, %dma_wait3A_1050, %dma_wait3A_1051, %dma_wait3A_1054] : memref<25x32x8x128xi32, #tpu.memory_space<hbm>> -> memref<1x1x1x128xi32, #tpu.memory_space<hbm>>
      %dma_wait3A_1056 = tpu.memref_squeeze %dma_wait3A_1055 : memref<1x1x1x128xi32, #tpu.memory_space<hbm>> -> memref<128xi32, #tpu.memory_space<hbm>>
      %dma_wait3A_1057 = arith.constant 0 : i32
      %dma_wait3A_1058 = tpu.memref_slice %arg5[%dma_wait3A_1057] : memref<256xi32, #tpu.memory_space<vmem>> -> memref<128xi32, #tpu.memory_space<vmem>>
      %dma_wait3A_1059 = arith.constant 0 : i32
      %dma_wait3A_1060 = tpu.memref_slice %arg2[%dma_wait3A_1049, %dma_wait3A_1050, %dma_wait3A_1051, %dma_wait3A_1059] : memref<25x32x8x128xi32, #tpu.memory_space<hbm>> -> memref<1x1x1x128xi32, #tpu.memory_space<hbm>>
      %dma_wait3A_1061 = tpu.memref_squeeze %dma_wait3A_1060 : memref<1x1x1x128xi32, #tpu.memory_space<hbm>> -> memref<128xi32, #tpu.memory_space<hbm>>
      tpu.wait_dma2 semaphore(%arg11 : memref<!tpu.dma_semaphore, #tpu.memory_space<semaphore_mem>>) src(%dma_wait3A_1061 : memref<128xi32, #tpu.memory_space<hbm>>) dst(%dma_wait3A_1058 : memref<128xi32, #tpu.memory_space<vmem>>)
      %dma_wait3A_1062 = arith.constant 0 : i32
      %dma_wait3A_1063 = arith.constant 0 : i32
      %dma_wait3A_1064 = arith.constant 0 : i32
      %dma_wait3A_1065 = arith.constant 0 : i32
      %dma_wait3A_1066 = tpu.memref_slice %arg5[%dma_wait3A_1065] : memref<256xi32, #tpu.memory_space<vmem>> -> memref<128xi32, #tpu.memory_space<vmem>>
      %dma_wait3A_1067 = arith.constant 0 : i32
      %dma_wait3A_1068 = tpu.memref_slice %arg2[%dma_wait3A_1062, %dma_wait3A_1063, %dma_wait3A_1064, %dma_wait3A_1067] : memref<25x32x8x128xi32, #tpu.memory_space<hbm>> -> memref<1x1x1x128xi32, #tpu.memory_space<hbm>>
      %dma_wait3A_1069 = tpu.memref_squeeze %dma_wait3A_1068 : memref<1x1x1x128xi32, #tpu.memory_space<hbm>> -> memref<128xi32, #tpu.memory_space<hbm>>
      %dma_wait3A_1070 = arith.constant 0 : i32
      %dma_wait3A_1071 = tpu.memref_slice %arg5[%dma_wait3A_1070] : memref<256xi32, #tpu.memory_space<vmem>> -> memref<128xi32, #tpu.memory_space<vmem>>
      %dma_wait3A_1072 = arith.constant 0 : i32
      %dma_wait3A_1073 = tpu.memref_slice %arg2[%dma_wait3A_1062, %dma_wait3A_1063, %dma_wait3A_1064, %dma_wait3A_1072] : memref<25x32x8x128xi32, #tpu.memory_space<hbm>> -> memref<1x1x1x128xi32, #tpu.memory_space<hbm>>
      %dma_wait3A_1074 = tpu.memref_squeeze %dma_wait3A_1073 : memref<1x1x1x128xi32, #tpu.memory_space<hbm>> -> memref<128xi32, #tpu.memory_space<hbm>>
      tpu.wait_dma2 semaphore(%arg11 : memref<!tpu.dma_semaphore, #tpu.memory_space<semaphore_mem>>) src(%dma_wait3A_1074 : memref<128xi32, #tpu.memory_space<hbm>>) dst(%dma_wait3A_1071 : memref<128xi32, #tpu.memory_space<vmem>>)
      %dma_start3A_1075 = arith.constant 0 : i32
      %dma_start3A_1076 = arith.constant 0 : i32
      %dma_start3A_1077 = tpu.memref_slice %arg3[%dma_start3A_1075, %dma_start3A_1076] : memref<100000x64xf32, #tpu.memory_space<hbm>> -> memref<100000x64xf32, #tpu.memory_space<hbm>>
      tpu.enqueue_indirect_dma source(%dma_start3A_1077 : memref<100000x64xf32, #tpu.memory_space<hbm>>) target(%arg7 : memref<256x64xf32, #tpu.memory_space<vmem>>) offsets(%arg5 : memref<256xi32, #tpu.memory_space<vmem>>) semaphore(%arg13 : memref<!tpu.dma_semaphore, #tpu.memory_space<semaphore_mem>>)
      %dma_wait3A_1078 = arith.constant 0 : i32
      %dma_wait3A_1079 = arith.constant 0 : i32
      %dma_wait3A_1080 = tpu.memref_slice %arg3[%dma_wait3A_1078, %dma_wait3A_1079] : memref<100000x64xf32, #tpu.memory_space<hbm>> -> memref<100000x64xf32, #tpu.memory_space<hbm>>
      tpu.wait_indirect_dma semaphore(%arg14 : memref<!tpu.dma_semaphore, #tpu.memory_space<semaphore_mem>>) src(%dma_wait3A_1080 : memref<100000x64xf32, #tpu.memory_space<hbm>>) dst(%arg8 : memref<256x64xf32, #tpu.memory_space<vmem>>)
      %dma_wait3A_1081 = arith.constant 0 : i32
      %dma_wait3A_1082 = arith.constant 0 : i32
      %dma_wait3A_1083 = arith.constant 0 : i32
      %dma_wait3A_1084 = arith.constant 0 : i32
      %dma_wait3A_1085 = arith.constant 0 : i32
      %dma_wait3A_1086 = tpu.memref_slice %arg10[%dma_wait3A_1083, %dma_wait3A_1084, %dma_wait3A_1085] : memref<16x8x129xf32, #tpu.memory_space<vmem>> -> memref<8x8x128xf32, #tpu.memory_space<vmem>>
      %dma_wait3A_1087 = arith.constant 0 : i32
      %dma_wait3A_1088 = arith.constant 0 : i32
      %dma_wait3A_1089 = arith.constant 0 : i32
      %dma_wait3A_1090 = tpu.memref_slice %arg4[%dma_wait3A_1081, %dma_wait3A_1087, %dma_wait3A_1082, %dma_wait3A_1088, %dma_wait3A_1089] : memref<200x8x32x8x128xf32, #tpu.memory_space<hbm>> -> memref<1x8x1x8x128xf32, #tpu.memory_space<hbm>>
      %dma_wait3A_1091 = tpu.memref_squeeze %dma_wait3A_1090 : memref<1x8x1x8x128xf32, #tpu.memory_space<hbm>> -> memref<8x8x128xf32, #tpu.memory_space<hbm>>
      %dma_wait3A_1092 = arith.constant 0 : i32
      %dma_wait3A_1093 = arith.constant 0 : i32
      %dma_wait3A_1094 = arith.constant 0 : i32
      %dma_wait3A_1095 = tpu.memref_slice %arg4[%dma_wait3A_1081, %dma_wait3A_1092, %dma_wait3A_1082, %dma_wait3A_1093, %dma_wait3A_1094] : memref<200x8x32x8x128xf32, #tpu.memory_space<hbm>> -> memref<1x8x1x8x128xf32, #tpu.memory_space<hbm>>
      %dma_wait3A_1096 = tpu.memref_squeeze %dma_wait3A_1095 : memref<1x8x1x8x128xf32, #tpu.memory_space<hbm>> -> memref<8x8x128xf32, #tpu.memory_space<hbm>>
      %dma_wait3A_1097 = arith.constant 0 : i32
      %dma_wait3A_1098 = arith.constant 0 : i32
      %dma_wait3A_1099 = arith.constant 0 : i32
      %dma_wait3A_1100 = tpu.memref_slice %arg10[%dma_wait3A_1097, %dma_wait3A_1098, %dma_wait3A_1099] : memref<16x8x129xf32, #tpu.memory_space<vmem>> -> memref<8x8x128xf32, #tpu.memory_space<vmem>>
      tpu.wait_dma2 semaphore(%arg16 : memref<!tpu.dma_semaphore, #tpu.memory_space<semaphore_mem>>) src(%dma_wait3A_1100 : memref<8x8x128xf32, #tpu.memory_space<vmem>>) dst(%dma_wait3A_1096 : memref<8x8x128xf32, #tpu.memory_space<hbm>>)
      %dma_wait3A_1101 = arith.constant 0 : i32
      %dma_wait3A_1102 = arith.constant 0 : i32
      %dma_wait3A_1103 = arith.constant 0 : i32
      %dma_wait3A_1104 = arith.constant 0 : i32
      %dma_wait3A_1105 = arith.constant 0 : i32
      %dma_wait3A_1106 = tpu.memref_slice %arg10[%dma_wait3A_1103, %dma_wait3A_1104, %dma_wait3A_1105] : memref<16x8x129xf32, #tpu.memory_space<vmem>> -> memref<8x8x128xf32, #tpu.memory_space<vmem>>
      %dma_wait3A_1107 = arith.constant 0 : i32
      %dma_wait3A_1108 = arith.constant 0 : i32
      %dma_wait3A_1109 = arith.constant 0 : i32
      %dma_wait3A_1110 = tpu.memref_slice %arg4[%dma_wait3A_1101, %dma_wait3A_1107, %dma_wait3A_1102, %dma_wait3A_1108, %dma_wait3A_1109] : memref<200x8x32x8x128xf32, #tpu.memory_space<hbm>> -> memref<1x8x1x8x128xf32, #tpu.memory_space<hbm>>
      %dma_wait3A_1111 = tpu.memref_squeeze %dma_wait3A_1110 : memref<1x8x1x8x128xf32, #tpu.memory_space<hbm>> -> memref<8x8x128xf32, #tpu.memory_space<hbm>>
      %dma_wait3A_1112 = arith.constant 0 : i32
      %dma_wait3A_1113 = arith.constant 0 : i32
      %dma_wait3A_1114 = arith.constant 0 : i32
      %dma_wait3A_1115 = tpu.memref_slice %arg4[%dma_wait3A_1101, %dma_wait3A_1112, %dma_wait3A_1102, %dma_wait3A_1113, %dma_wait3A_1114] : memref<200x8x32x8x128xf32, #tpu.memory_space<hbm>> -> memref<1x8x1x8x128xf32, #tpu.memory_space<hbm>>
      %dma_wait3A_1116 = tpu.memref_squeeze %dma_wait3A_1115 : memref<1x8x1x8x128xf32, #tpu.memory_space<hbm>> -> memref<8x8x128xf32, #tpu.memory_space<hbm>>
      %dma_wait3A_1117 = arith.constant 0 : i32
      %dma_wait3A_1118 = arith.constant 0 : i32
      %dma_wait3A_1119 = arith.constant 0 : i32
      %dma_wait3A_1120 = tpu.memref_slice %arg10[%dma_wait3A_1117, %dma_wait3A_1118, %dma_wait3A_1119] : memref<16x8x129xf32, #tpu.memory_space<vmem>> -> memref<8x8x128xf32, #tpu.memory_space<vmem>>
      tpu.wait_dma2 semaphore(%arg16 : memref<!tpu.dma_semaphore, #tpu.memory_space<semaphore_mem>>) src(%dma_wait3A_1120 : memref<8x8x128xf32, #tpu.memory_space<vmem>>) dst(%dma_wait3A_1116 : memref<8x8x128xf32, #tpu.memory_space<hbm>>)
      %parallel_loop3A_1121 = arith.constant 0 : i32
      %parallel_loop3A_1122 = arith.constant 128 : i32
      %parallel_loop3A_1123 = arith.constant 1 : i32
      scf.for %parallel_loop3A_1241 = %parallel_loop3A_1121 to %parallel_loop3A_1122 step %parallel_loop3A_1123  : i32 {
        %parallel_loop3A_1242 = vector.broadcast %parallel_loop3A_1241 : i32 to vector<16xi32>
        %parallel_loop3A_1243 = arith.constant 0 : i32
        %parallel_loop3A_1244 = arith.addi %parallel_loop3A_1243, %parallel_loop3A_1241 : i32
        %parallel_loop3A_1245 = arith.index_cast %parallel_loop3A_1244 : i32 to index
        %parallel_loop3A_1246 = arith.constant 0 : index
        %parallel_loop3A_1247 = tpu.vector_load %arg8[%parallel_loop3A_1245, %parallel_loop3A_1246] {strides = array<i32>} : memref<256x64xf32, #tpu.memory_space<vmem>>, vector<16xf32>,
        tpu.vector_store_idx %arg10[%select_n3A, %add3A_287, %parallel_loop3A_1242], %parallel_loop3A_1247 : memref<16x8x129xf32, #tpu.memory_space<vmem>>[vector<16xi32>, vector<16xi32>, vector<16xi32>], vector<16xf32>,
        %parallel_loop3A_1248 = arith.constant 0 : i32
        %parallel_loop3A_1249 = arith.addi %parallel_loop3A_1248, %parallel_loop3A_1241 : i32
        %parallel_loop3A_1250 = arith.index_cast %parallel_loop3A_1249 : i32 to index
        %parallel_loop3A_1251 = arith.constant 16 : index
        %parallel_loop3A_1252 = tpu.vector_load %arg8[%parallel_loop3A_1250, %parallel_loop3A_1251] {strides = array<i32>} : memref<256x64xf32, #tpu.memory_space<vmem>>, vector<16xf32>,
        tpu.vector_store_idx %arg10[%select_n3A_60, %add3A_287, %parallel_loop3A_1242], %parallel_loop3A_1252 : memref<16x8x129xf32, #tpu.memory_space<vmem>>[vector<16xi32>, vector<16xi32>, vector<16xi32>], vector<16xf32>,
        %parallel_loop3A_1253 = arith.constant 0 : i32
        %parallel_loop3A_1254 = arith.addi %parallel_loop3A_1253, %parallel_loop3A_1241 : i32
        %parallel_loop3A_1255 = arith.index_cast %parallel_loop3A_1254 : i32 to index
        %parallel_loop3A_1256 = arith.constant 32 : index
        %parallel_loop3A_1257 = tpu.vector_load %arg8[%parallel_loop3A_1255, %parallel_loop3A_1256] {strides = array<i32>} : memref<256x64xf32, #tpu.memory_space<vmem>>, vector<16xf32>,
        tpu.vector_store_idx %arg10[%select_n3A_94, %add3A_287, %parallel_loop3A_1242], %parallel_loop3A_1257 : memref<16x8x129xf32, #tpu.memory_space<vmem>>[vector<16xi32>, vector<16xi32>, vector<16xi32>], vector<16xf32>,
        %parallel_loop3A_1258 = arith.constant 0 : i32
        %parallel_loop3A_1259 = arith.addi %parallel_loop3A_1258, %parallel_loop3A_1241 : i32
        %parallel_loop3A_1260 = arith.index_cast %parallel_loop3A_1259 : i32 to index
        %parallel_loop3A_1261 = arith.constant 48 : index
        %parallel_loop3A_1262 = tpu.vector_load %arg8[%parallel_loop3A_1260, %parallel_loop3A_1261] {strides = array<i32>} : memref<256x64xf32, #tpu.memory_space<vmem>>, vector<16xf32>,
        tpu.vector_store_idx %arg10[%select_n3A_128, %add3A_287, %parallel_loop3A_1242], %parallel_loop3A_1262 : memref<16x8x129xf32, #tpu.memory_space<vmem>>[vector<16xi32>, vector<16xi32>, vector<16xi32>], vector<16xf32>,
      } {sc.loop_unroll_factor = 4 : i64, sc.parallel_access}
      %parallel_loop3A_1124 = arith.constant 0 : i32
      %parallel_loop3A_1125 = arith.constant 128 : i32
      %parallel_loop3A_1126 = arith.constant 1 : i32
      scf.for %parallel_loop3A_1241 = %parallel_loop3A_1124 to %parallel_loop3A_1125 step %parallel_loop3A_1126  : i32 {
        %parallel_loop3A_1242 = vector.broadcast %parallel_loop3A_1241 : i32 to vector<16xi32>
        %parallel_loop3A_1243 = arith.constant 128 : i32
        %parallel_loop3A_1244 = arith.addi %parallel_loop3A_1243, %parallel_loop3A_1241 : i32
        %parallel_loop3A_1245 = arith.index_cast %parallel_loop3A_1244 : i32 to index
        %parallel_loop3A_1246 = arith.constant 0 : index
        %parallel_loop3A_1247 = tpu.vector_load %arg8[%parallel_loop3A_1245, %parallel_loop3A_1246] {strides = array<i32>} : memref<256x64xf32, #tpu.memory_space<vmem>>, vector<16xf32>,
        tpu.vector_store_idx %arg10[%select_n3A_162, %add3A_287, %parallel_loop3A_1242], %parallel_loop3A_1247 : memref<16x8x129xf32, #tpu.memory_space<vmem>>[vector<16xi32>, vector<16xi32>, vector<16xi32>], vector<16xf32>,
        %parallel_loop3A_1248 = arith.constant 128 : i32
        %parallel_loop3A_1249 = arith.addi %parallel_loop3A_1248, %parallel_loop3A_1241 : i32
        %parallel_loop3A_1250 = arith.index_cast %parallel_loop3A_1249 : i32 to index
        %parallel_loop3A_1251 = arith.constant 16 : index
        %parallel_loop3A_1252 = tpu.vector_load %arg8[%parallel_loop3A_1250, %parallel_loop3A_1251] {strides = array<i32>} : memref<256x64xf32, #tpu.memory_space<vmem>>, vector<16xf32>,
        tpu.vector_store_idx %arg10[%select_n3A_196, %add3A_287, %parallel_loop3A_1242], %parallel_loop3A_1252 : memref<16x8x129xf32, #tpu.memory_space<vmem>>[vector<16xi32>, vector<16xi32>, vector<16xi32>], vector<16xf32>,
        %parallel_loop3A_1253 = arith.constant 128 : i32
        %parallel_loop3A_1254 = arith.addi %parallel_loop3A_1253, %parallel_loop3A_1241 : i32
        %parallel_loop3A_1255 = arith.index_cast %parallel_loop3A_1254 : i32 to index
        %parallel_loop3A_1256 = arith.constant 32 : index
        %parallel_loop3A_1257 = tpu.vector_load %arg8[%parallel_loop3A_1255, %parallel_loop3A_1256] {strides = array<i32>} : memref<256x64xf32, #tpu.memory_space<vmem>>, vector<16xf32>,
        tpu.vector_store_idx %arg10[%select_n3A_230, %add3A_287, %parallel_loop3A_1242], %parallel_loop3A_1257 : memref<16x8x129xf32, #tpu.memory_space<vmem>>[vector<16xi32>, vector<16xi32>, vector<16xi32>], vector<16xf32>,
        %parallel_loop3A_1258 = arith.constant 128 : i32
        %parallel_loop3A_1259 = arith.addi %parallel_loop3A_1258, %parallel_loop3A_1241 : i32
        %parallel_loop3A_1260 = arith.index_cast %parallel_loop3A_1259 : i32 to index
        %parallel_loop3A_1261 = arith.constant 48 : index
        %parallel_loop3A_1262 = tpu.vector_load %arg8[%parallel_loop3A_1260, %parallel_loop3A_1261] {strides = array<i32>} : memref<256x64xf32, #tpu.memory_space<vmem>>, vector<16xf32>,
        tpu.vector_store_idx %arg10[%select_n3A_264, %add3A_287, %parallel_loop3A_1242], %parallel_loop3A_1262 : memref<16x8x129xf32, #tpu.memory_space<vmem>>[vector<16xi32>, vector<16xi32>, vector<16xi32>], vector<16xf32>,
      } {sc.loop_unroll_factor = 4 : i64, sc.parallel_access}
      %add3A_1127 = arith.constant 1 : i32
      %add3A_1128 = arith.addi %add3A_1048, %add3A_1127 : i32
      %jit3A_1129 = arith.constant 4 : i32
      %div3A_1130 = arith.divsi %add3A_1128, %jit3A_1129 : i32
      %sign3A_1131 = arith.constant 0 : i32
      %sign3A_1132 = arith.cmpi sgt, %add3A_1128, %sign3A_1131 : i32
      %sign3A_1133 = arith.extui %sign3A_1132 : i1 to i32
      %sign3A_1134 = arith.constant 0 : i32
      %sign3A_1135 = arith.cmpi slt, %add3A_1128, %sign3A_1134 : i32
      %sign3A_1136 = arith.extui %sign3A_1135 : i1 to i32
      %sign3A_1137 = arith.subi %sign3A_1133, %sign3A_1136 : i32
      %sign3A_1138 = arith.constant 0 : i32
      %sign3A_1139 = arith.cmpi sgt, %jit3A_1129, %sign3A_1138 : i32
      %sign3A_1140 = arith.extui %sign3A_1139 : i1 to i32
      %sign3A_1141 = arith.constant 0 : i32
      %sign3A_1142 = arith.cmpi slt, %jit3A_1129, %sign3A_1141 : i32
      %sign3A_1143 = arith.extui %sign3A_1142 : i1 to i32
      %sign3A_1144 = arith.subi %sign3A_1140, %sign3A_1143 : i32
      %ne3A_1145 = arith.cmpi ne, %sign3A_1137, %sign3A_1144 : i32
      %rem3A_1146 = arith.remsi %add3A_1128, %jit3A_1129 : i32
      %ne3A_1147 = arith.constant 0 : i32
      %ne3A_1148 = arith.cmpi ne, %rem3A_1146, %ne3A_1147 : i32
      %and3A_1149 = arith.andi %ne3A_1145, %ne3A_1148 : i1
      %sub3A_1150 = arith.constant 1 : i32
      %sub3A_1151 = arith.subi %div3A_1130, %sub3A_1150 : i32
      %select_n3A_1152 = arith.select %and3A_1149, %sub3A_1151, %div3A_1130 : i32
      %mul3A_1153 = arith.constant 2 : i32
      %mul3A_1154 = arith.muli %mul3A_1153, %add3A_1128 : i32
      %jit3A_1155 = arith.constant 8 : i32
      %eq3A_1156 = arith.constant 0 : i32
      %eq3A_1157 = arith.cmpi eq, %jit3A_1155, %eq3A_1156 : i32
      %jit3A_1158 = arith.constant 1 : i32
      %select_n3A_1159 = arith.select %eq3A_1157, %jit3A_1158, %jit3A_1155 : i32
      %rem3A_1160 = arith.remsi %mul3A_1154, %select_n3A_1159 : i32
      %ne3A_1161 = arith.constant 0 : i32
      %ne3A_1162 = arith.cmpi ne, %rem3A_1160, %ne3A_1161 : i32
      %lt3A_1163 = arith.constant 0 : i32
      %lt3A_1164 = arith.cmpi slt, %rem3A_1160, %lt3A_1163 : i32
      %lt3A_1165 = arith.constant 0 : i32
      %lt3A_1166 = arith.cmpi slt, %select_n3A_1159, %lt3A_1165 : i32
      %ne3A_1167 = arith.xori %lt3A_1164, %lt3A_1166 : i1
      %and3A_1168 = arith.andi %ne3A_1167, %ne3A_1162 : i1
      %add3A_1169 = arith.addi %rem3A_1160, %select_n3A_1159 : i32
      %select_n3A_1170 = arith.select %and3A_1168, %add3A_1169, %rem3A_1160 : i32
      %add3A_1171 = arith.constant 0 : i32
      %add3A_1172 = arith.addi %select_n3A_1170, %add3A_1171 : i32
      %dma_start3A_1173 = arith.constant 0 : i32
      %dma_start3A_1174 = tpu.memref_slice %arg6[%dma_start3A_1173] : memref<256xi32, #tpu.memory_space<vmem>> -> memref<128xi32, #tpu.memory_space<vmem>>
      %dma_start3A_1175 = arith.constant 0 : i32
      %dma_start3A_1176 = tpu.memref_slice %arg2[%select_n3A_1152, %add3A, %add3A_1172, %dma_start3A_1175] : memref<25x32x8x128xi32, #tpu.memory_space<hbm>> -> memref<1x1x1x128xi32, #tpu.memory_space<hbm>>
      %dma_start3A_1177 = tpu.memref_squeeze %dma_start3A_1176 : memref<1x1x1x128xi32, #tpu.memory_space<hbm>> -> memref<128xi32, #tpu.memory_space<hbm>>
      %dma_start3A_1178 = arith.constant 0 : i32
      %dma_start3A_1179 = tpu.memref_slice %arg6[%dma_start3A_1178] : memref<256xi32, #tpu.memory_space<vmem>> -> memref<128xi32, #tpu.memory_space<vmem>>
      %dma_start3A_1180 = arith.constant 0 : i32
      %dma_start3A_1181 = tpu.memref_slice %arg2[%select_n3A_1152, %add3A, %add3A_1172, %dma_start3A_1180] : memref<25x32x8x128xi32, #tpu.memory_space<hbm>> -> memref<1x1x1x128xi32, #tpu.memory_space<hbm>>
      %dma_start3A_1182 = tpu.memref_squeeze %dma_start3A_1181 : memref<1x1x1x128xi32, #tpu.memory_space<hbm>> -> memref<128xi32, #tpu.memory_space<hbm>>
      tpu.enqueue_dma source(%dma_start3A_1182 : memref<128xi32, #tpu.memory_space<hbm>>) target(%dma_start3A_1179 : memref<128xi32, #tpu.memory_space<vmem>>) target_semaphore(%arg12 : memref<!tpu.dma_semaphore, #tpu.memory_space<semaphore_mem>>)
      %add3A_1183 = arith.constant 1 : i32
      %add3A_1184 = arith.addi %select_n3A_1170, %add3A_1183 : i32
      %dma_start3A_1185 = arith.constant 128 : i32
      %dma_start3A_1186 = tpu.memref_slice %arg6[%dma_start3A_1185] : memref<256xi32, #tpu.memory_space<vmem>> -> memref<128xi32, #tpu.memory_space<vmem>>
      %dma_start3A_1187 = arith.constant 0 : i32
      %dma_start3A_1188 = tpu.memref_slice %arg2[%select_n3A_1152, %add3A, %add3A_1184, %dma_start3A_1187] : memref<25x32x8x128xi32, #tpu.memory_space<hbm>> -> memref<1x1x1x128xi32, #tpu.memory_space<hbm>>
      %dma_start3A_1189 = tpu.memref_squeeze %dma_start3A_1188 : memref<1x1x1x128xi32, #tpu.memory_space<hbm>> -> memref<128xi32, #tpu.memory_space<hbm>>
      %dma_start3A_1190 = arith.constant 128 : i32
      %dma_start3A_1191 = tpu.memref_slice %arg6[%dma_start3A_1190] : memref<256xi32, #tpu.memory_space<vmem>> -> memref<128xi32, #tpu.memory_space<vmem>>
      %dma_start3A_1192 = arith.constant 0 : i32
      %dma_start3A_1193 = tpu.memref_slice %arg2[%select_n3A_1152, %add3A, %add3A_1184, %dma_start3A_1192] : memref<25x32x8x128xi32, #tpu.memory_space<hbm>> -> memref<1x1x1x128xi32, #tpu.memory_space<hbm>>
      %dma_start3A_1194 = tpu.memref_squeeze %dma_start3A_1193 : memref<1x1x1x128xi32, #tpu.memory_space<hbm>> -> memref<128xi32, #tpu.memory_space<hbm>>
      tpu.enqueue_dma source(%dma_start3A_1194 : memref<128xi32, #tpu.memory_space<hbm>>) target(%dma_start3A_1191 : memref<128xi32, #tpu.memory_space<vmem>>) target_semaphore(%arg12 : memref<!tpu.dma_semaphore, #tpu.memory_space<semaphore_mem>>)
      %sub3A_1195 = arith.constant 1 : i32
      %sub3A_1196 = arith.subi %add3A_1048, %sub3A_1195 : i32
      %mul3A_1197 = arith.constant 2 : i32
      %mul3A_1198 = arith.muli %mul3A_1197, %sub3A_1196 : i32
      %add3A_1199 = arith.constant 0 : i32
      %add3A_1200 = arith.addi %mul3A_1198, %add3A_1199 : i32
      %dma_start3A_1201 = arith.constant 0 : i32
      %dma_start3A_1202 = arith.constant 0 : i32
      %dma_start3A_1203 = arith.constant 0 : i32
      %dma_start3A_1204 = tpu.memref_slice %arg10[%dma_start3A_1201, %dma_start3A_1202, %dma_start3A_1203] : memref<16x8x129xf32, #tpu.memory_space<vmem>> -> memref<8x8x128xf32, #tpu.memory_space<vmem>>
      %dma_start3A_1205 = arith.constant 0 : i32
      %dma_start3A_1206 = arith.constant 0 : i32
      %dma_start3A_1207 = arith.constant 0 : i32
      %dma_start3A_1208 = tpu.memref_slice %arg4[%add3A_1200, %dma_start3A_1205, %add3A, %dma_start3A_1206, %dma_start3A_1207] : memref<200x8x32x8x128xf32, #tpu.memory_space<hbm>> -> memref<1x8x1x8x128xf32, #tpu.memory_space<hbm>>
      %dma_start3A_1209 = tpu.memref_squeeze %dma_start3A_1208 : memref<1x8x1x8x128xf32, #tpu.memory_space<hbm>> -> memref<8x8x128xf32, #tpu.memory_space<hbm>>
      %dma_start3A_1210 = arith.constant 0 : i32
      %dma_start3A_1211 = arith.constant 0 : i32
      %dma_start3A_1212 = arith.constant 0 : i32
      %dma_start3A_1213 = tpu.memref_slice %arg4[%add3A_1200, %dma_start3A_1210, %add3A, %dma_start3A_1211, %dma_start3A_1212] : memref<200x8x32x8x128xf32, #tpu.memory_space<hbm>> -> memref<1x8x1x8x128xf32, #tpu.memory_space<hbm>>
      %dma_start3A_1214 = tpu.memref_squeeze %dma_start3A_1213 : memref<1x8x1x8x128xf32, #tpu.memory_space<hbm>> -> memref<8x8x128xf32, #tpu.memory_space<hbm>>
      %dma_start3A_1215 = arith.constant 0 : i32
      %dma_start3A_1216 = arith.constant 0 : i32
      %dma_start3A_1217 = arith.constant 0 : i32
      %dma_start3A_1218 = tpu.memref_slice %arg10[%dma_start3A_1215, %dma_start3A_1216, %dma_start3A_1217] : memref<16x8x129xf32, #tpu.memory_space<vmem>> -> memref<8x8x128xf32, #tpu.memory_space<vmem>>
      tpu.enqueue_dma source(%dma_start3A_1218 : memref<8x8x128xf32, #tpu.memory_space<vmem>>) target(%dma_start3A_1214 : memref<8x8x128xf32, #tpu.memory_space<hbm>>) target_semaphore(%arg16 : memref<!tpu.dma_semaphore, #tpu.memory_space<semaphore_mem>>)
      %mul3A_1219 = arith.constant 2 : i32
      %mul3A_1220 = arith.muli %mul3A_1219, %sub3A_1196 : i32
      %add3A_1221 = arith.constant 1 : i32
      %add3A_1222 = arith.addi %mul3A_1220, %add3A_1221 : i32
      %dma_start3A_1223 = arith.constant 8 : i32
      %dma_start3A_1224 = arith.constant 0 : i32
      %dma_start3A_1225 = arith.constant 0 : i32
      %dma_start3A_1226 = tpu.memref_slice %arg10[%dma_start3A_1223, %dma_start3A_1224, %dma_start3A_1225] : memref<16x8x129xf32, #tpu.memory_space<vmem>> -> memref<8x8x128xf32, #tpu.memory_space<vmem>>
      %dma_start3A_1227 = arith.constant 0 : i32
      %dma_start3A_1228 = arith.constant 0 : i32
      %dma_start3A_1229 = arith.constant 0 : i32
      %dma_start3A_1230 = tpu.memref_slice %arg4[%add3A_1222, %dma_start3A_1227, %add3A, %dma_start3A_1228, %dma_start3A_1229] : memref<200x8x32x8x128xf32, #tpu.memory_space<hbm>> -> memref<1x8x1x8x128xf32, #tpu.memory_space<hbm>>
      %dma_start3A_1231 = tpu.memref_squeeze %dma_start3A_1230 : memref<1x8x1x8x128xf32, #tpu.memory_space<hbm>> -> memref<8x8x128xf32, #tpu.memory_space<hbm>>
      %dma_start3A_1232 = arith.constant 0 : i32
      %dma_start3A_1233 = arith.constant 0 : i32
      %dma_start3A_1234 = arith.constant 0 : i32
      %dma_start3A_1235 = tpu.memref_slice %arg4[%add3A_1222, %dma_start3A_1232, %add3A, %dma_start3A_1233, %dma_start3A_1234] : memref<200x8x32x8x128xf32, #tpu.memory_space<hbm>> -> memref<1x8x1x8x128xf32, #tpu.memory_space<hbm>>
      %dma_start3A_1236 = tpu.memref_squeeze %dma_start3A_1235 : memref<1x8x1x8x128xf32, #tpu.memory_space<hbm>> -> memref<8x8x128xf32, #tpu.memory_space<hbm>>
      %dma_start3A_1237 = arith.constant 8 : i32
      %dma_start3A_1238 = arith.constant 0 : i32
      %dma_start3A_1239 = arith.constant 0 : i32
      %dma_start3A_1240 = tpu.memref_slice %arg10[%dma_start3A_1237, %dma_start3A_1238, %dma_start3A_1239] : memref<16x8x129xf32, #tpu.memory_space<vmem>> -> memref<8x8x128xf32, #tpu.memory_space<vmem>>
      tpu.enqueue_dma source(%dma_start3A_1240 : memref<8x8x128xf32, #tpu.memory_space<vmem>>) target(%dma_start3A_1236 : memref<8x8x128xf32, #tpu.memory_space<hbm>>) target_semaphore(%arg16 : memref<!tpu.dma_semaphore, #tpu.memory_space<semaphore_mem>>)
    }
    %scan3A_566 = arith.constant 48 : i32
    %dma_wait3A_567 = arith.constant 0 : i32
    %dma_wait3A_568 = arith.constant 0 : i32
    %dma_wait3A_569 = arith.constant 0 : i32
    %dma_wait3A_570 = arith.constant 0 : i32
    %dma_wait3A_571 = tpu.memref_slice %arg6[%dma_wait3A_570] : memref<256xi32, #tpu.memory_space<vmem>> -> memref<128xi32, #tpu.memory_space<vmem>>
    %dma_wait3A_572 = arith.constant 0 : i32
    %dma_wait3A_573 = tpu.memref_slice %arg2[%dma_wait3A_567, %dma_wait3A_568, %dma_wait3A_569, %dma_wait3A_572] : memref<25x32x8x128xi32, #tpu.memory_space<hbm>> -> memref<1x1x1x128xi32, #tpu.memory_space<hbm>>
    %dma_wait3A_574 = tpu.memref_squeeze %dma_wait3A_573 : memref<1x1x1x128xi32, #tpu.memory_space<hbm>> -> memref<128xi32, #tpu.memory_space<hbm>>
    %dma_wait3A_575 = arith.constant 0 : i32
    %dma_wait3A_576 = tpu.memref_slice %arg6[%dma_wait3A_575] : memref<256xi32, #tpu.memory_space<vmem>> -> memref<128xi32, #tpu.memory_space<vmem>>
    %dma_wait3A_577 = arith.constant 0 : i32
    %dma_wait3A_578 = tpu.memref_slice %arg2[%dma_wait3A_567, %dma_wait3A_568, %dma_wait3A_569, %dma_wait3A_577] : memref<25x32x8x128xi32, #tpu.memory_space<hbm>> -> memref<1x1x1x128xi32, #tpu.memory_space<hbm>>
    %dma_wait3A_579 = tpu.memref_squeeze %dma_wait3A_578 : memref<1x1x1x128xi32, #tpu.memory_space<hbm>> -> memref<128xi32, #tpu.memory_space<hbm>>
    tpu.wait_dma2 semaphore(%arg12 : memref<!tpu.dma_semaphore, #tpu.memory_space<semaphore_mem>>) src(%dma_wait3A_579 : memref<128xi32, #tpu.memory_space<hbm>>) dst(%dma_wait3A_576 : memref<128xi32, #tpu.memory_space<vmem>>)
    %dma_wait3A_580 = arith.constant 0 : i32
    %dma_wait3A_581 = arith.constant 0 : i32
    %dma_wait3A_582 = arith.constant 0 : i32
    %dma_wait3A_583 = arith.constant 0 : i32
    %dma_wait3A_584 = tpu.memref_slice %arg6[%dma_wait3A_583] : memref<256xi32, #tpu.memory_space<vmem>> -> memref<128xi32, #tpu.memory_space<vmem>>
    %dma_wait3A_585 = arith.constant 0 : i32
    %dma_wait3A_586 = tpu.memref_slice %arg2[%dma_wait3A_580, %dma_wait3A_581, %dma_wait3A_582, %dma_wait3A_585] : memref<25x32x8x128xi32, #tpu.memory_space<hbm>> -> memref<1x1x1x128xi32, #tpu.memory_space<hbm>>
    %dma_wait3A_587 = tpu.memref_squeeze %dma_wait3A_586 : memref<1x1x1x128xi32, #tpu.memory_space<hbm>> -> memref<128xi32, #tpu.memory_space<hbm>>
    %dma_wait3A_588 = arith.constant 0 : i32
    %dma_wait3A_589 = tpu.memref_slice %arg6[%dma_wait3A_588] : memref<256xi32, #tpu.memory_space<vmem>> -> memref<128xi32, #tpu.memory_space<vmem>>
    %dma_wait3A_590 = arith.constant 0 : i32
    %dma_wait3A_591 = tpu.memref_slice %arg2[%dma_wait3A_580, %dma_wait3A_581, %dma_wait3A_582, %dma_wait3A_590] : memref<25x32x8x128xi32, #tpu.memory_space<hbm>> -> memref<1x1x1x128xi32, #tpu.memory_space<hbm>>
    %dma_wait3A_592 = tpu.memref_squeeze %dma_wait3A_591 : memref<1x1x1x128xi32, #tpu.memory_space<hbm>> -> memref<128xi32, #tpu.memory_space<hbm>>
    tpu.wait_dma2 semaphore(%arg12 : memref<!tpu.dma_semaphore, #tpu.memory_space<semaphore_mem>>) src(%dma_wait3A_592 : memref<128xi32, #tpu.memory_space<hbm>>) dst(%dma_wait3A_589 : memref<128xi32, #tpu.memory_space<vmem>>)
    %dma_start3A_593 = arith.constant 0 : i32
    %dma_start3A_594 = arith.constant 0 : i32
    %dma_start3A_595 = tpu.memref_slice %arg3[%dma_start3A_593, %dma_start3A_594] : memref<100000x64xf32, #tpu.memory_space<hbm>> -> memref<100000x64xf32, #tpu.memory_space<hbm>>
    tpu.enqueue_indirect_dma source(%dma_start3A_595 : memref<100000x64xf32, #tpu.memory_space<hbm>>) target(%arg8 : memref<256x64xf32, #tpu.memory_space<vmem>>) offsets(%arg6 : memref<256xi32, #tpu.memory_space<vmem>>) semaphore(%arg14 : memref<!tpu.dma_semaphore, #tpu.memory_space<semaphore_mem>>)
    %dma_wait3A_596 = arith.constant 0 : i32
    %dma_wait3A_597 = arith.constant 0 : i32
    %dma_wait3A_598 = tpu.memref_slice %arg3[%dma_wait3A_596, %dma_wait3A_597] : memref<100000x64xf32, #tpu.memory_space<hbm>> -> memref<100000x64xf32, #tpu.memory_space<hbm>>
    tpu.wait_indirect_dma semaphore(%arg13 : memref<!tpu.dma_semaphore, #tpu.memory_space<semaphore_mem>>) src(%dma_wait3A_598 : memref<100000x64xf32, #tpu.memory_space<hbm>>) dst(%arg7 : memref<256x64xf32, #tpu.memory_space<vmem>>)
    %dma_wait3A_599 = arith.constant 0 : i32
    %dma_wait3A_600 = arith.constant 0 : i32
    %dma_wait3A_601 = arith.constant 0 : i32
    %dma_wait3A_602 = arith.constant 0 : i32
    %dma_wait3A_603 = arith.constant 0 : i32
    %dma_wait3A_604 = tpu.memref_slice %arg9[%dma_wait3A_601, %dma_wait3A_602, %dma_wait3A_603] : memref<16x8x129xf32, #tpu.memory_space<vmem>> -> memref<8x8x128xf32, #tpu.memory_space<vmem>>
    %dma_wait3A_605 = arith.constant 0 : i32
    %dma_wait3A_606 = arith.constant 0 : i32
    %dma_wait3A_607 = arith.constant 0 : i32
    %dma_wait3A_608 = tpu.memref_slice %arg4[%dma_wait3A_599, %dma_wait3A_605, %dma_wait3A_600, %dma_wait3A_606, %dma_wait3A_607] : memref<200x8x32x8x128xf32, #tpu.memory_space<hbm>> -> memref<1x8x1x8x128xf32, #tpu.memory_space<hbm>>
    %dma_wait3A_609 = tpu.memref_squeeze %dma_wait3A_608 : memref<1x8x1x8x128xf32, #tpu.memory_space<hbm>> -> memref<8x8x128xf32, #tpu.memory_space<hbm>>
    %dma_wait3A_610 = arith.constant 0 : i32
    %dma_wait3A_611 = arith.constant 0 : i32
    %dma_wait3A_612 = arith.constant 0 : i32
    %dma_wait3A_613 = tpu.memref_slice %arg4[%dma_wait3A_599, %dma_wait3A_610, %dma_wait3A_600, %dma_wait3A_611, %dma_wait3A_612] : memref<200x8x32x8x128xf32, #tpu.memory_space<hbm>> -> memref<1x8x1x8x128xf32, #tpu.memory_space<hbm>>
    %dma_wait3A_614 = tpu.memref_squeeze %dma_wait3A_613 : memref<1x8x1x8x128xf32, #tpu.memory_space<hbm>> -> memref<8x8x128xf32, #tpu.memory_space<hbm>>
    %dma_wait3A_615 = arith.constant 0 : i32
    %dma_wait3A_616 = arith.constant 0 : i32
    %dma_wait3A_617 = arith.constant 0 : i32
    %dma_wait3A_618 = tpu.memref_slice %arg9[%dma_wait3A_615, %dma_wait3A_616, %dma_wait3A_617] : memref<16x8x129xf32, #tpu.memory_space<vmem>> -> memref<8x8x128xf32, #tpu.memory_space<vmem>>
    tpu.wait_dma2 semaphore(%arg15 : memref<!tpu.dma_semaphore, #tpu.memory_space<semaphore_mem>>) src(%dma_wait3A_618 : memref<8x8x128xf32, #tpu.memory_space<vmem>>) dst(%dma_wait3A_614 : memref<8x8x128xf32, #tpu.memory_space<hbm>>)
    %dma_wait3A_619 = arith.constant 0 : i32
    %dma_wait3A_620 = arith.constant 0 : i32
    %dma_wait3A_621 = arith.constant 0 : i32
    %dma_wait3A_622 = arith.constant 0 : i32
    %dma_wait3A_623 = arith.constant 0 : i32
    %dma_wait3A_624 = tpu.memref_slice %arg9[%dma_wait3A_621, %dma_wait3A_622, %dma_wait3A_623] : memref<16x8x129xf32, #tpu.memory_space<vmem>> -> memref<8x8x128xf32, #tpu.memory_space<vmem>>
    %dma_wait3A_625 = arith.constant 0 : i32
    %dma_wait3A_626 = arith.constant 0 : i32
    %dma_wait3A_627 = arith.constant 0 : i32
    %dma_wait3A_628 = tpu.memref_slice %arg4[%dma_wait3A_619, %dma_wait3A_625, %dma_wait3A_620, %dma_wait3A_626, %dma_wait3A_627] : memref<200x8x32x8x128xf32, #tpu.memory_space<hbm>> -> memref<1x8x1x8x128xf32, #tpu.memory_space<hbm>>
    %dma_wait3A_629 = tpu.memref_squeeze %dma_wait3A_628 : memref<1x8x1x8x128xf32, #tpu.memory_space<hbm>> -> memref<8x8x128xf32, #tpu.memory_space<hbm>>
    %dma_wait3A_630 = arith.constant 0 : i32
    %dma_wait3A_631 = arith.constant 0 : i32
    %dma_wait3A_632 = arith.constant 0 : i32
    %dma_wait3A_633 = tpu.memref_slice %arg4[%dma_wait3A_619, %dma_wait3A_630, %dma_wait3A_620, %dma_wait3A_631, %dma_wait3A_632] : memref<200x8x32x8x128xf32, #tpu.memory_space<hbm>> -> memref<1x8x1x8x128xf32, #tpu.memory_space<hbm>>
    %dma_wait3A_634 = tpu.memref_squeeze %dma_wait3A_633 : memref<1x8x1x8x128xf32, #tpu.memory_space<hbm>> -> memref<8x8x128xf32, #tpu.memory_space<hbm>>
    %dma_wait3A_635 = arith.constant 0 : i32
    %dma_wait3A_636 = arith.constant 0 : i32
    %dma_wait3A_637 = arith.constant 0 : i32
    %dma_wait3A_638 = tpu.memref_slice %arg9[%dma_wait3A_635, %dma_wait3A_636, %dma_wait3A_637] : memref<16x8x129xf32, #tpu.memory_space<vmem>> -> memref<8x8x128xf32, #tpu.memory_space<vmem>>
    tpu.wait_dma2 semaphore(%arg15 : memref<!tpu.dma_semaphore, #tpu.memory_space<semaphore_mem>>) src(%dma_wait3A_638 : memref<8x8x128xf32, #tpu.memory_space<vmem>>) dst(%dma_wait3A_634 : memref<8x8x128xf32, #tpu.memory_space<hbm>>)
    %parallel_loop3A_639 = arith.constant 0 : i32
    %parallel_loop3A_640 = arith.constant 128 : i32
    %parallel_loop3A_641 = arith.constant 1 : i32
    scf.for %parallel_loop3A_850 = %parallel_loop3A_639 to %parallel_loop3A_640 step %parallel_loop3A_641  : i32 {
      %parallel_loop3A_851 = vector.broadcast %parallel_loop3A_850 : i32 to vector<16xi32>
      %parallel_loop3A_852 = arith.constant 0 : i32
      %parallel_loop3A_853 = arith.addi %parallel_loop3A_852, %parallel_loop3A_850 : i32
      %parallel_loop3A_854 = arith.index_cast %parallel_loop3A_853 : i32 to index
      %parallel_loop3A_855 = arith.constant 0 : index
      %parallel_loop3A_856 = tpu.vector_load %arg7[%parallel_loop3A_854, %parallel_loop3A_855] {strides = array<i32>} : memref<256x64xf32, #tpu.memory_space<vmem>>, vector<16xf32>,
      tpu.vector_store_idx %arg9[%select_n3A, %add3A_287, %parallel_loop3A_851], %parallel_loop3A_856 : memref<16x8x129xf32, #tpu.memory_space<vmem>>[vector<16xi32>, vector<16xi32>, vector<16xi32>], vector<16xf32>,
      %parallel_loop3A_857 = arith.constant 0 : i32
      %parallel_loop3A_858 = arith.addi %parallel_loop3A_857, %parallel_loop3A_850 : i32
      %parallel_loop3A_859 = arith.index_cast %parallel_loop3A_858 : i32 to index
      %parallel_loop3A_860 = arith.constant 16 : index
      %parallel_loop3A_861 = tpu.vector_load %arg7[%parallel_loop3A_859, %parallel_loop3A_860] {strides = array<i32>} : memref<256x64xf32, #tpu.memory_space<vmem>>, vector<16xf32>,
      tpu.vector_store_idx %arg9[%select_n3A_60, %add3A_287, %parallel_loop3A_851], %parallel_loop3A_861 : memref<16x8x129xf32, #tpu.memory_space<vmem>>[vector<16xi32>, vector<16xi32>, vector<16xi32>], vector<16xf32>,
      %parallel_loop3A_862 = arith.constant 0 : i32
      %parallel_loop3A_863 = arith.addi %parallel_loop3A_862, %parallel_loop3A_850 : i32
      %parallel_loop3A_864 = arith.index_cast %parallel_loop3A_863 : i32 to index
      %parallel_loop3A_865 = arith.constant 32 : index
      %parallel_loop3A_866 = tpu.vector_load %arg7[%parallel_loop3A_864, %parallel_loop3A_865] {strides = array<i32>} : memref<256x64xf32, #tpu.memory_space<vmem>>, vector<16xf32>,
      tpu.vector_store_idx %arg9[%select_n3A_94, %add3A_287, %parallel_loop3A_851], %parallel_loop3A_866 : memref<16x8x129xf32, #tpu.memory_space<vmem>>[vector<16xi32>, vector<16xi32>, vector<16xi32>], vector<16xf32>,
      %parallel_loop3A_867 = arith.constant 0 : i32
      %parallel_loop3A_868 = arith.addi %parallel_loop3A_867, %parallel_loop3A_850 : i32
      %parallel_loop3A_869 = arith.index_cast %parallel_loop3A_868 : i32 to index
      %parallel_loop3A_870 = arith.constant 48 : index
      %parallel_loop3A_871 = tpu.vector_load %arg7[%parallel_loop3A_869, %parallel_loop3A_870] {strides = array<i32>} : memref<256x64xf32, #tpu.memory_space<vmem>>, vector<16xf32>,
      tpu.vector_store_idx %arg9[%select_n3A_128, %add3A_287, %parallel_loop3A_851], %parallel_loop3A_871 : memref<16x8x129xf32, #tpu.memory_space<vmem>>[vector<16xi32>, vector<16xi32>, vector<16xi32>], vector<16xf32>,
    } {sc.loop_unroll_factor = 4 : i64, sc.parallel_access}
    %parallel_loop3A_642 = arith.constant 0 : i32
    %parallel_loop3A_643 = arith.constant 128 : i32
    %parallel_loop3A_644 = arith.constant 1 : i32
    scf.for %parallel_loop3A_850 = %parallel_loop3A_642 to %parallel_loop3A_643 step %parallel_loop3A_644  : i32 {
      %parallel_loop3A_851 = vector.broadcast %parallel_loop3A_850 : i32 to vector<16xi32>
      %parallel_loop3A_852 = arith.constant 128 : i32
      %parallel_loop3A_853 = arith.addi %parallel_loop3A_852, %parallel_loop3A_850 : i32
      %parallel_loop3A_854 = arith.index_cast %parallel_loop3A_853 : i32 to index
      %parallel_loop3A_855 = arith.constant 0 : index
      %parallel_loop3A_856 = tpu.vector_load %arg7[%parallel_loop3A_854, %parallel_loop3A_855] {strides = array<i32>} : memref<256x64xf32, #tpu.memory_space<vmem>>, vector<16xf32>,
      tpu.vector_store_idx %arg9[%select_n3A_162, %add3A_287, %parallel_loop3A_851], %parallel_loop3A_856 : memref<16x8x129xf32, #tpu.memory_space<vmem>>[vector<16xi32>, vector<16xi32>, vector<16xi32>], vector<16xf32>,
      %parallel_loop3A_857 = arith.constant 128 : i32
      %parallel_loop3A_858 = arith.addi %parallel_loop3A_857, %parallel_loop3A_850 : i32
      %parallel_loop3A_859 = arith.index_cast %parallel_loop3A_858 : i32 to index
      %parallel_loop3A_860 = arith.constant 16 : index
      %parallel_loop3A_861 = tpu.vector_load %arg7[%parallel_loop3A_859, %parallel_loop3A_860] {strides = array<i32>} : memref<256x64xf32, #tpu.memory_space<vmem>>, vector<16xf32>,
      tpu.vector_store_idx %arg9[%select_n3A_196, %add3A_287, %parallel_loop3A_851], %parallel_loop3A_861 : memref<16x8x129xf32, #tpu.memory_space<vmem>>[vector<16xi32>, vector<16xi32>, vector<16xi32>], vector<16xf32>,
      %parallel_loop3A_862 = arith.constant 128 : i32
      %parallel_loop3A_863 = arith.addi %parallel_loop3A_862, %parallel_loop3A_850 : i32
      %parallel_loop3A_864 = arith.index_cast %parallel_loop3A_863 : i32 to index
      %parallel_loop3A_865 = arith.constant 32 : index
      %parallel_loop3A_866 = tpu.vector_load %arg7[%parallel_loop3A_864, %parallel_loop3A_865] {strides = array<i32>} : memref<256x64xf32, #tpu.memory_space<vmem>>, vector<16xf32>,
      tpu.vector_store_idx %arg9[%select_n3A_230, %add3A_287, %parallel_loop3A_851], %parallel_loop3A_866 : memref<16x8x129xf32, #tpu.memory_space<vmem>>[vector<16xi32>, vector<16xi32>, vector<16xi32>], vector<16xf32>,
      %parallel_loop3A_867 = arith.constant 128 : i32
      %parallel_loop3A_868 = arith.addi %parallel_loop3A_867, %parallel_loop3A_850 : i32
      %parallel_loop3A_869 = arith.index_cast %parallel_loop3A_868 : i32 to index
      %parallel_loop3A_870 = arith.constant 48 : index
      %parallel_loop3A_871 = tpu.vector_load %arg7[%parallel_loop3A_869, %parallel_loop3A_870] {strides = array<i32>} : memref<256x64xf32, #tpu.memory_space<vmem>>, vector<16xf32>,
      tpu.vector_store_idx %arg9[%select_n3A_264, %add3A_287, %parallel_loop3A_851], %parallel_loop3A_871 : memref<16x8x129xf32, #tpu.memory_space<vmem>>[vector<16xi32>, vector<16xi32>, vector<16xi32>], vector<16xf32>,
    } {sc.loop_unroll_factor = 4 : i64, sc.parallel_access}
    %dma_start3A_645 = arith.constant 196 : i32
    %dma_start3A_646 = arith.constant 0 : i32
    %dma_start3A_647 = arith.constant 0 : i32
    %dma_start3A_648 = arith.constant 0 : i32
    %dma_start3A_649 = tpu.memref_slice %arg9[%dma_start3A_646, %dma_start3A_647, %dma_start3A_648] : memref<16x8x129xf32, #tpu.memory_space<vmem>> -> memref<8x8x128xf32, #tpu.memory_space<vmem>>
    %dma_start3A_650 = arith.constant 0 : i32
    %dma_start3A_651 = arith.constant 0 : i32
    %dma_start3A_652 = arith.constant 0 : i32
    %dma_start3A_653 = tpu.memref_slice %arg4[%dma_start3A_645, %dma_start3A_650, %add3A, %dma_start3A_651, %dma_start3A_652] : memref<200x8x32x8x128xf32, #tpu.memory_space<hbm>> -> memref<1x8x1x8x128xf32, #tpu.memory_space<hbm>>
    %dma_start3A_654 = tpu.memref_squeeze %dma_start3A_653 : memref<1x8x1x8x128xf32, #tpu.memory_space<hbm>> -> memref<8x8x128xf32, #tpu.memory_space<hbm>>
    %dma_start3A_655 = arith.constant 0 : i32
    %dma_start3A_656 = arith.constant 0 : i32
    %dma_start3A_657 = arith.constant 0 : i32
    %dma_start3A_658 = tpu.memref_slice %arg4[%dma_start3A_645, %dma_start3A_655, %add3A, %dma_start3A_656, %dma_start3A_657] : memref<200x8x32x8x128xf32, #tpu.memory_space<hbm>> -> memref<1x8x1x8x128xf32, #tpu.memory_space<hbm>>
    %dma_start3A_659 = tpu.memref_squeeze %dma_start3A_658 : memref<1x8x1x8x128xf32, #tpu.memory_space<hbm>> -> memref<8x8x128xf32, #tpu.memory_space<hbm>>
    %dma_start3A_660 = arith.constant 0 : i32
    %dma_start3A_661 = arith.constant 0 : i32
    %dma_start3A_662 = arith.constant 0 : i32
    %dma_start3A_663 = tpu.memref_slice %arg9[%dma_start3A_660, %dma_start3A_661, %dma_start3A_662] : memref<16x8x129xf32, #tpu.memory_space<vmem>> -> memref<8x8x128xf32, #tpu.memory_space<vmem>>
    tpu.enqueue_dma source(%dma_start3A_663 : memref<8x8x128xf32, #tpu.memory_space<vmem>>) target(%dma_start3A_659 : memref<8x8x128xf32, #tpu.memory_space<hbm>>) target_semaphore(%arg15 : memref<!tpu.dma_semaphore, #tpu.memory_space<semaphore_mem>>)
    %dma_start3A_664 = arith.constant 197 : i32
    %dma_start3A_665 = arith.constant 8 : i32
    %dma_start3A_666 = arith.constant 0 : i32
    %dma_start3A_667 = arith.constant 0 : i32
    %dma_start3A_668 = tpu.memref_slice %arg9[%dma_start3A_665, %dma_start3A_666, %dma_start3A_667] : memref<16x8x129xf32, #tpu.memory_space<vmem>> -> memref<8x8x128xf32, #tpu.memory_space<vmem>>
    %dma_start3A_669 = arith.constant 0 : i32
    %dma_start3A_670 = arith.constant 0 : i32
    %dma_start3A_671 = arith.constant 0 : i32
    %dma_start3A_672 = tpu.memref_slice %arg4[%dma_start3A_664, %dma_start3A_669, %add3A, %dma_start3A_670, %dma_start3A_671] : memref<200x8x32x8x128xf32, #tpu.memory_space<hbm>> -> memref<1x8x1x8x128xf32, #tpu.memory_space<hbm>>
    %dma_start3A_673 = tpu.memref_squeeze %dma_start3A_672 : memref<1x8x1x8x128xf32, #tpu.memory_space<hbm>> -> memref<8x8x128xf32, #tpu.memory_space<hbm>>
    %dma_start3A_674 = arith.constant 0 : i32
    %dma_start3A_675 = arith.constant 0 : i32
    %dma_start3A_676 = arith.constant 0 : i32
    %dma_start3A_677 = tpu.memref_slice %arg4[%dma_start3A_664, %dma_start3A_674, %add3A, %dma_start3A_675, %dma_start3A_676] : memref<200x8x32x8x128xf32, #tpu.memory_space<hbm>> -> memref<1x8x1x8x128xf32, #tpu.memory_space<hbm>>
    %dma_start3A_678 = tpu.memref_squeeze %dma_start3A_677 : memref<1x8x1x8x128xf32, #tpu.memory_space<hbm>> -> memref<8x8x128xf32, #tpu.memory_space<hbm>>
    %dma_start3A_679 = arith.constant 8 : i32
    %dma_start3A_680 = arith.constant 0 : i32
    %dma_start3A_681 = arith.constant 0 : i32
    %dma_start3A_682 = tpu.memref_slice %arg9[%dma_start3A_679, %dma_start3A_680, %dma_start3A_681] : memref<16x8x129xf32, #tpu.memory_space<vmem>> -> memref<8x8x128xf32, #tpu.memory_space<vmem>>
    tpu.enqueue_dma source(%dma_start3A_682 : memref<8x8x128xf32, #tpu.memory_space<vmem>>) target(%dma_start3A_678 : memref<8x8x128xf32, #tpu.memory_space<hbm>>) target_semaphore(%arg15 : memref<!tpu.dma_semaphore, #tpu.memory_space<semaphore_mem>>)
    %dma_wait3A_683 = arith.constant 0 : i32
    %dma_wait3A_684 = arith.constant 0 : i32
    %dma_wait3A_685 = tpu.memref_slice %arg3[%dma_wait3A_683, %dma_wait3A_684] : memref<100000x64xf32, #tpu.memory_space<hbm>> -> memref<100000x64xf32, #tpu.memory_space<hbm>>
    tpu.wait_indirect_dma semaphore(%arg14 : memref<!tpu.dma_semaphore, #tpu.memory_space<semaphore_mem>>) src(%dma_wait3A_685 : memref<100000x64xf32, #tpu.memory_space<hbm>>) dst(%arg8 : memref<256x64xf32, #tpu.memory_space<vmem>>)
    %dma_wait3A_686 = arith.constant 0 : i32
    %dma_wait3A_687 = arith.constant 0 : i32
    %dma_wait3A_688 = arith.constant 0 : i32
    %dma_wait3A_689 = arith.constant 0 : i32
    %dma_wait3A_690 = arith.constant 0 : i32
    %dma_wait3A_691 = tpu.memref_slice %arg10[%dma_wait3A_688, %dma_wait3A_689, %dma_wait3A_690] : memref<16x8x129xf32, #tpu.memory_space<vmem>> -> memref<8x8x128xf32, #tpu.memory_space<vmem>>
    %dma_wait3A_692 = arith.constant 0 : i32
    %dma_wait3A_693 = arith.constant 0 : i32
    %dma_wait3A_694 = arith.constant 0 : i32
    %dma_wait3A_695 = tpu.memref_slice %arg4[%dma_wait3A_686, %dma_wait3A_692, %dma_wait3A_687, %dma_wait3A_693, %dma_wait3A_694] : memref<200x8x32x8x128xf32, #tpu.memory_space<hbm>> -> memref<1x8x1x8x128xf32, #tpu.memory_space<hbm>>
    %dma_wait3A_696 = tpu.memref_squeeze %dma_wait3A_695 : memref<1x8x1x8x128xf32, #tpu.memory_space<hbm>> -> memref<8x8x128xf32, #tpu.memory_space<hbm>>
    %dma_wait3A_697 = arith.constant 0 : i32
    %dma_wait3A_698 = arith.constant 0 : i32
    %dma_wait3A_699 = arith.constant 0 : i32
    %dma_wait3A_700 = tpu.memref_slice %arg4[%dma_wait3A_686, %dma_wait3A_697, %dma_wait3A_687, %dma_wait3A_698, %dma_wait3A_699] : memref<200x8x32x8x128xf32, #tpu.memory_space<hbm>> -> memref<1x8x1x8x128xf32, #tpu.memory_space<hbm>>
    %dma_wait3A_701 = tpu.memref_squeeze %dma_wait3A_700 : memref<1x8x1x8x128xf32, #tpu.memory_space<hbm>> -> memref<8x8x128xf32, #tpu.memory_space<hbm>>
    %dma_wait3A_702 = arith.constant 0 : i32
    %dma_wait3A_703 = arith.constant 0 : i32
    %dma_wait3A_704 = arith.constant 0 : i32
    %dma_wait3A_705 = tpu.memref_slice %arg10[%dma_wait3A_702, %dma_wait3A_703, %dma_wait3A_704] : memref<16x8x129xf32, #tpu.memory_space<vmem>> -> memref<8x8x128xf32, #tpu.memory_space<vmem>>
    tpu.wait_dma2 semaphore(%arg16 : memref<!tpu.dma_semaphore, #tpu.memory_space<semaphore_mem>>) src(%dma_wait3A_705 : memref<8x8x128xf32, #tpu.memory_space<vmem>>) dst(%dma_wait3A_701 : memref<8x8x128xf32, #tpu.memory_space<hbm>>)
    %dma_wait3A_706 = arith.constant 0 : i32
    %dma_wait3A_707 = arith.constant 0 : i32
    %dma_wait3A_708 = arith.constant 0 : i32
    %dma_wait3A_709 = arith.constant 0 : i32
    %dma_wait3A_710 = arith.constant 0 : i32
    %dma_wait3A_711 = tpu.memref_slice %arg10[%dma_wait3A_708, %dma_wait3A_709, %dma_wait3A_710] : memref<16x8x129xf32, #tpu.memory_space<vmem>> -> memref<8x8x128xf32, #tpu.memory_space<vmem>>
    %dma_wait3A_712 = arith.constant 0 : i32
    %dma_wait3A_713 = arith.constant 0 : i32
    %dma_wait3A_714 = arith.constant 0 : i32
    %dma_wait3A_715 = tpu.memref_slice %arg4[%dma_wait3A_706, %dma_wait3A_712, %dma_wait3A_707, %dma_wait3A_713, %dma_wait3A_714] : memref<200x8x32x8x128xf32, #tpu.memory_space<hbm>> -> memref<1x8x1x8x128xf32, #tpu.memory_space<hbm>>
    %dma_wait3A_716 = tpu.memref_squeeze %dma_wait3A_715 : memref<1x8x1x8x128xf32, #tpu.memory_space<hbm>> -> memref<8x8x128xf32, #tpu.memory_space<hbm>>
    %dma_wait3A_717 = arith.constant 0 : i32
    %dma_wait3A_718 = arith.constant 0 : i32
    %dma_wait3A_719 = arith.constant 0 : i32
    %dma_wait3A_720 = tpu.memref_slice %arg4[%dma_wait3A_706, %dma_wait3A_717, %dma_wait3A_707, %dma_wait3A_718, %dma_wait3A_719] : memref<200x8x32x8x128xf32, #tpu.memory_space<hbm>> -> memref<1x8x1x8x128xf32, #tpu.memory_space<hbm>>
    %dma_wait3A_721 = tpu.memref_squeeze %dma_wait3A_720 : memref<1x8x1x8x128xf32, #tpu.memory_space<hbm>> -> memref<8x8x128xf32, #tpu.memory_space<hbm>>
    %dma_wait3A_722 = arith.constant 0 : i32
    %dma_wait3A_723 = arith.constant 0 : i32
    %dma_wait3A_724 = arith.constant 0 : i32
    %dma_wait3A_725 = tpu.memref_slice %arg10[%dma_wait3A_722, %dma_wait3A_723, %dma_wait3A_724] : memref<16x8x129xf32, #tpu.memory_space<vmem>> -> memref<8x8x128xf32, #tpu.memory_space<vmem>>
    tpu.wait_dma2 semaphore(%arg16 : memref<!tpu.dma_semaphore, #tpu.memory_space<semaphore_mem>>) src(%dma_wait3A_725 : memref<8x8x128xf32, #tpu.memory_space<vmem>>) dst(%dma_wait3A_721 : memref<8x8x128xf32, #tpu.memory_space<hbm>>)
    %parallel_loop3A_726 = arith.constant 0 : i32
    %parallel_loop3A_727 = arith.constant 128 : i32
    %parallel_loop3A_728 = arith.constant 1 : i32
    scf.for %parallel_loop3A_850 = %parallel_loop3A_726 to %parallel_loop3A_727 step %parallel_loop3A_728  : i32 {
      %parallel_loop3A_851 = vector.broadcast %parallel_loop3A_850 : i32 to vector<16xi32>
      %parallel_loop3A_852 = arith.constant 0 : i32
      %parallel_loop3A_853 = arith.addi %parallel_loop3A_852, %parallel_loop3A_850 : i32
      %parallel_loop3A_854 = arith.index_cast %parallel_loop3A_853 : i32 to index
      %parallel_loop3A_855 = arith.constant 0 : index
      %parallel_loop3A_856 = tpu.vector_load %arg8[%parallel_loop3A_854, %parallel_loop3A_855] {strides = array<i32>} : memref<256x64xf32, #tpu.memory_space<vmem>>, vector<16xf32>,
      tpu.vector_store_idx %arg10[%select_n3A, %add3A_287, %parallel_loop3A_851], %parallel_loop3A_856 : memref<16x8x129xf32, #tpu.memory_space<vmem>>[vector<16xi32>, vector<16xi32>, vector<16xi32>], vector<16xf32>,
      %parallel_loop3A_857 = arith.constant 0 : i32
      %parallel_loop3A_858 = arith.addi %parallel_loop3A_857, %parallel_loop3A_850 : i32
      %parallel_loop3A_859 = arith.index_cast %parallel_loop3A_858 : i32 to index
      %parallel_loop3A_860 = arith.constant 16 : index
      %parallel_loop3A_861 = tpu.vector_load %arg8[%parallel_loop3A_859, %parallel_loop3A_860] {strides = array<i32>} : memref<256x64xf32, #tpu.memory_space<vmem>>, vector<16xf32>,
      tpu.vector_store_idx %arg10[%select_n3A_60, %add3A_287, %parallel_loop3A_851], %parallel_loop3A_861 : memref<16x8x129xf32, #tpu.memory_space<vmem>>[vector<16xi32>, vector<16xi32>, vector<16xi32>], vector<16xf32>,
      %parallel_loop3A_862 = arith.constant 0 : i32
      %parallel_loop3A_863 = arith.addi %parallel_loop3A_862, %parallel_loop3A_850 : i32
      %parallel_loop3A_864 = arith.index_cast %parallel_loop3A_863 : i32 to index
      %parallel_loop3A_865 = arith.constant 32 : index
      %parallel_loop3A_866 = tpu.vector_load %arg8[%parallel_loop3A_864, %parallel_loop3A_865] {strides = array<i32>} : memref<256x64xf32, #tpu.memory_space<vmem>>, vector<16xf32>,
      tpu.vector_store_idx %arg10[%select_n3A_94, %add3A_287, %parallel_loop3A_851], %parallel_loop3A_866 : memref<16x8x129xf32, #tpu.memory_space<vmem>>[vector<16xi32>, vector<16xi32>, vector<16xi32>], vector<16xf32>,
      %parallel_loop3A_867 = arith.constant 0 : i32
      %parallel_loop3A_868 = arith.addi %parallel_loop3A_867, %parallel_loop3A_850 : i32
      %parallel_loop3A_869 = arith.index_cast %parallel_loop3A_868 : i32 to index
      %parallel_loop3A_870 = arith.constant 48 : index
      %parallel_loop3A_871 = tpu.vector_load %arg8[%parallel_loop3A_869, %parallel_loop3A_870] {strides = array<i32>} : memref<256x64xf32, #tpu.memory_space<vmem>>, vector<16xf32>,
      tpu.vector_store_idx %arg10[%select_n3A_128, %add3A_287, %parallel_loop3A_851], %parallel_loop3A_871 : memref<16x8x129xf32, #tpu.memory_space<vmem>>[vector<16xi32>, vector<16xi32>, vector<16xi32>], vector<16xf32>,
    } {sc.loop_unroll_factor = 4 : i64, sc.parallel_access}
    %parallel_loop3A_729 = arith.constant 0 : i32
    %parallel_loop3A_730 = arith.constant 128 : i32
    %parallel_loop3A_731 = arith.constant 1 : i32
    scf.for %parallel_loop3A_850 = %parallel_loop3A_729 to %parallel_loop3A_730 step %parallel_loop3A_731  : i32 {
      %parallel_loop3A_851 = vector.broadcast %parallel_loop3A_850 : i32 to vector<16xi32>
      %parallel_loop3A_852 = arith.constant 128 : i32
      %parallel_loop3A_853 = arith.addi %parallel_loop3A_852, %parallel_loop3A_850 : i32
      %parallel_loop3A_854 = arith.index_cast %parallel_loop3A_853 : i32 to index
      %parallel_loop3A_855 = arith.constant 0 : index
      %parallel_loop3A_856 = tpu.vector_load %arg8[%parallel_loop3A_854, %parallel_loop3A_855] {strides = array<i32>} : memref<256x64xf32, #tpu.memory_space<vmem>>, vector<16xf32>,
      tpu.vector_store_idx %arg10[%select_n3A_162, %add3A_287, %parallel_loop3A_851], %parallel_loop3A_856 : memref<16x8x129xf32, #tpu.memory_space<vmem>>[vector<16xi32>, vector<16xi32>, vector<16xi32>], vector<16xf32>,
      %parallel_loop3A_857 = arith.constant 128 : i32
      %parallel_loop3A_858 = arith.addi %parallel_loop3A_857, %parallel_loop3A_850 : i32
      %parallel_loop3A_859 = arith.index_cast %parallel_loop3A_858 : i32 to index
      %parallel_loop3A_860 = arith.constant 16 : index
      %parallel_loop3A_861 = tpu.vector_load %arg8[%parallel_loop3A_859, %parallel_loop3A_860] {strides = array<i32>} : memref<256x64xf32, #tpu.memory_space<vmem>>, vector<16xf32>,
      tpu.vector_store_idx %arg10[%select_n3A_196, %add3A_287, %parallel_loop3A_851], %parallel_loop3A_861 : memref<16x8x129xf32, #tpu.memory_space<vmem>>[vector<16xi32>, vector<16xi32>, vector<16xi32>], vector<16xf32>,
      %parallel_loop3A_862 = arith.constant 128 : i32
      %parallel_loop3A_863 = arith.addi %parallel_loop3A_862, %parallel_loop3A_850 : i32
      %parallel_loop3A_864 = arith.index_cast %parallel_loop3A_863 : i32 to index
      %parallel_loop3A_865 = arith.constant 32 : index
      %parallel_loop3A_866 = tpu.vector_load %arg8[%parallel_loop3A_864, %parallel_loop3A_865] {strides = array<i32>} : memref<256x64xf32, #tpu.memory_space<vmem>>, vector<16xf32>,
      tpu.vector_store_idx %arg10[%select_n3A_230, %add3A_287, %parallel_loop3A_851], %parallel_loop3A_866 : memref<16x8x129xf32, #tpu.memory_space<vmem>>[vector<16xi32>, vector<16xi32>, vector<16xi32>], vector<16xf32>,
      %parallel_loop3A_867 = arith.constant 128 : i32
      %parallel_loop3A_868 = arith.addi %parallel_loop3A_867, %parallel_loop3A_850 : i32
      %parallel_loop3A_869 = arith.index_cast %parallel_loop3A_868 : i32 to index
      %parallel_loop3A_870 = arith.constant 48 : index
      %parallel_loop3A_871 = tpu.vector_load %arg8[%parallel_loop3A_869, %parallel_loop3A_870] {strides = array<i32>} : memref<256x64xf32, #tpu.memory_space<vmem>>, vector<16xf32>,
      tpu.vector_store_idx %arg10[%select_n3A_264, %add3A_287, %parallel_loop3A_851], %parallel_loop3A_871 : memref<16x8x129xf32, #tpu.memory_space<vmem>>[vector<16xi32>, vector<16xi32>, vector<16xi32>], vector<16xf32>,
    } {sc.loop_unroll_factor = 4 : i64, sc.parallel_access}
    %dma_start3A_732 = arith.constant 198 : i32
    %dma_start3A_733 = arith.constant 0 : i32
    %dma_start3A_734 = arith.constant 0 : i32
    %dma_start3A_735 = arith.constant 0 : i32
    %dma_start3A_736 = tpu.memref_slice %arg10[%dma_start3A_733, %dma_start3A_734, %dma_start3A_735] : memref<16x8x129xf32, #tpu.memory_space<vmem>> -> memref<8x8x128xf32, #tpu.memory_space<vmem>>
    %dma_start3A_737 = arith.constant 0 : i32
    %dma_start3A_738 = arith.constant 0 : i32
    %dma_start3A_739 = arith.constant 0 : i32
    %dma_start3A_740 = tpu.memref_slice %arg4[%dma_start3A_732, %dma_start3A_737, %add3A, %dma_start3A_738, %dma_start3A_739] : memref<200x8x32x8x128xf32, #tpu.memory_space<hbm>> -> memref<1x8x1x8x128xf32, #tpu.memory_space<hbm>>
    %dma_start3A_741 = tpu.memref_squeeze %dma_start3A_740 : memref<1x8x1x8x128xf32, #tpu.memory_space<hbm>> -> memref<8x8x128xf32, #tpu.memory_space<hbm>>
    %dma_start3A_742 = arith.constant 0 : i32
    %dma_start3A_743 = arith.constant 0 : i32
    %dma_start3A_744 = arith.constant 0 : i32
    %dma_start3A_745 = tpu.memref_slice %arg4[%dma_start3A_732, %dma_start3A_742, %add3A, %dma_start3A_743, %dma_start3A_744] : memref<200x8x32x8x128xf32, #tpu.memory_space<hbm>> -> memref<1x8x1x8x128xf32, #tpu.memory_space<hbm>>
    %dma_start3A_746 = tpu.memref_squeeze %dma_start3A_745 : memref<1x8x1x8x128xf32, #tpu.memory_space<hbm>> -> memref<8x8x128xf32, #tpu.memory_space<hbm>>
    %dma_start3A_747 = arith.constant 0 : i32
    %dma_start3A_748 = arith.constant 0 : i32
    %dma_start3A_749 = arith.constant 0 : i32
    %dma_start3A_750 = tpu.memref_slice %arg10[%dma_start3A_747, %dma_start3A_748, %dma_start3A_749] : memref<16x8x129xf32, #tpu.memory_space<vmem>> -> memref<8x8x128xf32, #tpu.memory_space<vmem>>
    tpu.enqueue_dma source(%dma_start3A_750 : memref<8x8x128xf32, #tpu.memory_space<vmem>>) target(%dma_start3A_746 : memref<8x8x128xf32, #tpu.memory_space<hbm>>) target_semaphore(%arg16 : memref<!tpu.dma_semaphore, #tpu.memory_space<semaphore_mem>>)
    %dma_start3A_751 = arith.constant 199 : i32
    %dma_start3A_752 = arith.constant 8 : i32
    %dma_start3A_753 = arith.constant 0 : i32
    %dma_start3A_754 = arith.constant 0 : i32
    %dma_start3A_755 = tpu.memref_slice %arg10[%dma_start3A_752, %dma_start3A_753, %dma_start3A_754] : memref<16x8x129xf32, #tpu.memory_space<vmem>> -> memref<8x8x128xf32, #tpu.memory_space<vmem>>
    %dma_start3A_756 = arith.constant 0 : i32
    %dma_start3A_757 = arith.constant 0 : i32
    %dma_start3A_758 = arith.constant 0 : i32
    %dma_start3A_759 = tpu.memref_slice %arg4[%dma_start3A_751, %dma_start3A_756, %add3A, %dma_start3A_757, %dma_start3A_758] : memref<200x8x32x8x128xf32, #tpu.memory_space<hbm>> -> memref<1x8x1x8x128xf32, #tpu.memory_space<hbm>>
    %dma_start3A_760 = tpu.memref_squeeze %dma_start3A_759 : memref<1x8x1x8x128xf32, #tpu.memory_space<hbm>> -> memref<8x8x128xf32, #tpu.memory_space<hbm>>
    %dma_start3A_761 = arith.constant 0 : i32
    %dma_start3A_762 = arith.constant 0 : i32
    %dma_start3A_763 = arith.constant 0 : i32
    %dma_start3A_764 = tpu.memref_slice %arg4[%dma_start3A_751, %dma_start3A_761, %add3A, %dma_start3A_762, %dma_start3A_763] : memref<200x8x32x8x128xf32, #tpu.memory_space<hbm>> -> memref<1x8x1x8x128xf32, #tpu.memory_space<hbm>>
    %dma_start3A_765 = tpu.memref_squeeze %dma_start3A_764 : memref<1x8x1x8x128xf32, #tpu.memory_space<hbm>> -> memref<8x8x128xf32, #tpu.memory_space<hbm>>
    %dma_start3A_766 = arith.constant 8 : i32
    %dma_start3A_767 = arith.constant 0 : i32
    %dma_start3A_768 = arith.constant 0 : i32
    %dma_start3A_769 = tpu.memref_slice %arg10[%dma_start3A_766, %dma_start3A_767, %dma_start3A_768] : memref<16x8x129xf32, #tpu.memory_space<vmem>> -> memref<8x8x128xf32, #tpu.memory_space<vmem>>
    tpu.enqueue_dma source(%dma_start3A_769 : memref<8x8x128xf32, #tpu.memory_space<vmem>>) target(%dma_start3A_765 : memref<8x8x128xf32, #tpu.memory_space<hbm>>) target_semaphore(%arg16 : memref<!tpu.dma_semaphore, #tpu.memory_space<semaphore_mem>>)
    %dma_wait3A_770 = arith.constant 0 : i32
    %dma_wait3A_771 = arith.constant 0 : i32
    %dma_wait3A_772 = arith.constant 0 : i32
    %dma_wait3A_773 = arith.constant 0 : i32
    %dma_wait3A_774 = arith.constant 0 : i32
    %dma_wait3A_775 = tpu.memref_slice %arg9[%dma_wait3A_772, %dma_wait3A_773, %dma_wait3A_774] : memref<16x8x129xf32, #tpu.memory_space<vmem>> -> memref<8x8x128xf32, #tpu.memory_space<vmem>>
    %dma_wait3A_776 = arith.constant 0 : i32
    %dma_wait3A_777 = arith.constant 0 : i32
    %dma_wait3A_778 = arith.constant 0 : i32
    %dma_wait3A_779 = tpu.memref_slice %arg4[%dma_wait3A_770, %dma_wait3A_776, %dma_wait3A_771, %dma_wait3A_777, %dma_wait3A_778] : memref<200x8x32x8x128xf32, #tpu.memory_space<hbm>> -> memref<1x8x1x8x128xf32, #tpu.memory_space<hbm>>
    %dma_wait3A_780 = tpu.memref_squeeze %dma_wait3A_779 : memref<1x8x1x8x128xf32, #tpu.memory_space<hbm>> -> memref<8x8x128xf32, #tpu.memory_space<hbm>>
    %dma_wait3A_781 = arith.constant 0 : i32
    %dma_wait3A_782 = arith.constant 0 : i32
    %dma_wait3A_783 = arith.constant 0 : i32
    %dma_wait3A_784 = tpu.memref_slice %arg4[%dma_wait3A_770, %dma_wait3A_781, %dma_wait3A_771, %dma_wait3A_782, %dma_wait3A_783] : memref<200x8x32x8x128xf32, #tpu.memory_space<hbm>> -> memref<1x8x1x8x128xf32, #tpu.memory_space<hbm>>
    %dma_wait3A_785 = tpu.memref_squeeze %dma_wait3A_784 : memref<1x8x1x8x128xf32, #tpu.memory_space<hbm>> -> memref<8x8x128xf32, #tpu.memory_space<hbm>>
    %dma_wait3A_786 = arith.constant 0 : i32
    %dma_wait3A_787 = arith.constant 0 : i32
    %dma_wait3A_788 = arith.constant 0 : i32
    %dma_wait3A_789 = tpu.memref_slice %arg9[%dma_wait3A_786, %dma_wait3A_787, %dma_wait3A_788] : memref<16x8x129xf32, #tpu.memory_space<vmem>> -> memref<8x8x128xf32, #tpu.memory_space<vmem>>
    tpu.wait_dma2 semaphore(%arg15 : memref<!tpu.dma_semaphore, #tpu.memory_space<semaphore_mem>>) src(%dma_wait3A_789 : memref<8x8x128xf32, #tpu.memory_space<vmem>>) dst(%dma_wait3A_785 : memref<8x8x128xf32, #tpu.memory_space<hbm>>)
    %dma_wait3A_790 = arith.constant 0 : i32
    %dma_wait3A_791 = arith.constant 0 : i32
    %dma_wait3A_792 = arith.constant 0 : i32
    %dma_wait3A_793 = arith.constant 0 : i32
    %dma_wait3A_794 = arith.constant 0 : i32
    %dma_wait3A_795 = tpu.memref_slice %arg9[%dma_wait3A_792, %dma_wait3A_793, %dma_wait3A_794] : memref<16x8x129xf32, #tpu.memory_space<vmem>> -> memref<8x8x128xf32, #tpu.memory_space<vmem>>
    %dma_wait3A_796 = arith.constant 0 : i32
    %dma_wait3A_797 = arith.constant 0 : i32
    %dma_wait3A_798 = arith.constant 0 : i32
    %dma_wait3A_799 = tpu.memref_slice %arg4[%dma_wait3A_790, %dma_wait3A_796, %dma_wait3A_791, %dma_wait3A_797, %dma_wait3A_798] : memref<200x8x32x8x128xf32, #tpu.memory_space<hbm>> -> memref<1x8x1x8x128xf32, #tpu.memory_space<hbm>>
    %dma_wait3A_800 = tpu.memref_squeeze %dma_wait3A_799 : memref<1x8x1x8x128xf32, #tpu.memory_space<hbm>> -> memref<8x8x128xf32, #tpu.memory_space<hbm>>
    %dma_wait3A_801 = arith.constant 0 : i32
    %dma_wait3A_802 = arith.constant 0 : i32
    %dma_wait3A_803 = arith.constant 0 : i32
    %dma_wait3A_804 = tpu.memref_slice %arg4[%dma_wait3A_790, %dma_wait3A_801, %dma_wait3A_791, %dma_wait3A_802, %dma_wait3A_803] : memref<200x8x32x8x128xf32, #tpu.memory_space<hbm>> -> memref<1x8x1x8x128xf32, #tpu.memory_space<hbm>>
    %dma_wait3A_805 = tpu.memref_squeeze %dma_wait3A_804 : memref<1x8x1x8x128xf32, #tpu.memory_space<hbm>> -> memref<8x8x128xf32, #tpu.memory_space<hbm>>
    %dma_wait3A_806 = arith.constant 0 : i32
    %dma_wait3A_807 = arith.constant 0 : i32
    %dma_wait3A_808 = arith.constant 0 : i32
    %dma_wait3A_809 = tpu.memref_slice %arg9[%dma_wait3A_806, %dma_wait3A_807, %dma_wait3A_808] : memref<16x8x129xf32, #tpu.memory_space<vmem>> -> memref<8x8x128xf32, #tpu.memory_space<vmem>>
    tpu.wait_dma2 semaphore(%arg15 : memref<!tpu.dma_semaphore, #tpu.memory_space<semaphore_mem>>) src(%dma_wait3A_809 : memref<8x8x128xf32, #tpu.memory_space<vmem>>) dst(%dma_wait3A_805 : memref<8x8x128xf32, #tpu.memory_space<hbm>>)
    %dma_wait3A_810 = arith.constant 0 : i32
    %dma_wait3A_811 = arith.constant 0 : i32
    %dma_wait3A_812 = arith.constant 0 : i32
    %dma_wait3A_813 = arith.constant 0 : i32
    %dma_wait3A_814 = arith.constant 0 : i32
    %dma_wait3A_815 = tpu.memref_slice %arg10[%dma_wait3A_812, %dma_wait3A_813, %dma_wait3A_814] : memref<16x8x129xf32, #tpu.memory_space<vmem>> -> memref<8x8x128xf32, #tpu.memory_space<vmem>>
    %dma_wait3A_816 = arith.constant 0 : i32
    %dma_wait3A_817 = arith.constant 0 : i32
    %dma_wait3A_818 = arith.constant 0 : i32
    %dma_wait3A_819 = tpu.memref_slice %arg4[%dma_wait3A_810, %dma_wait3A_816, %dma_wait3A_811, %dma_wait3A_817, %dma_wait3A_818] : memref<200x8x32x8x128xf32, #tpu.memory_space<hbm>> -> memref<1x8x1x8x128xf32, #tpu.memory_space<hbm>>
    %dma_wait3A_820 = tpu.memref_squeeze %dma_wait3A_819 : memref<1x8x1x8x128xf32, #tpu.memory_space<hbm>> -> memref<8x8x128xf32, #tpu.memory_space<hbm>>
    %dma_wait3A_821 = arith.constant 0 : i32
    %dma_wait3A_822 = arith.constant 0 : i32
    %dma_wait3A_823 = arith.constant 0 : i32
    %dma_wait3A_824 = tpu.memref_slice %arg4[%dma_wait3A_810, %dma_wait3A_821, %dma_wait3A_811, %dma_wait3A_822, %dma_wait3A_823] : memref<200x8x32x8x128xf32, #tpu.memory_space<hbm>> -> memref<1x8x1x8x128xf32, #tpu.memory_space<hbm>>
    %dma_wait3A_825 = tpu.memref_squeeze %dma_wait3A_824 : memref<1x8x1x8x128xf32, #tpu.memory_space<hbm>> -> memref<8x8x128xf32, #tpu.memory_space<hbm>>
    %dma_wait3A_826 = arith.constant 0 : i32
    %dma_wait3A_827 = arith.constant 0 : i32
    %dma_wait3A_828 = arith.constant 0 : i32
    %dma_wait3A_829 = tpu.memref_slice %arg10[%dma_wait3A_826, %dma_wait3A_827, %dma_wait3A_828] : memref<16x8x129xf32, #tpu.memory_space<vmem>> -> memref<8x8x128xf32, #tpu.memory_space<vmem>>
    tpu.wait_dma2 semaphore(%arg16 : memref<!tpu.dma_semaphore, #tpu.memory_space<semaphore_mem>>) src(%dma_wait3A_829 : memref<8x8x128xf32, #tpu.memory_space<vmem>>) dst(%dma_wait3A_825 : memref<8x8x128xf32, #tpu.memory_space<hbm>>)
    %dma_wait3A_830 = arith.constant 0 : i32
    %dma_wait3A_831 = arith.constant 0 : i32
    %dma_wait3A_832 = arith.constant 0 : i32
    %dma_wait3A_833 = arith.constant 0 : i32
    %dma_wait3A_834 = arith.constant 0 : i32
    %dma_wait3A_835 = tpu.memref_slice %arg10[%dma_wait3A_832, %dma_wait3A_833, %dma_wait3A_834] : memref<16x8x129xf32, #tpu.memory_space<vmem>> -> memref<8x8x128xf32, #tpu.memory_space<vmem>>
    %dma_wait3A_836 = arith.constant 0 : i32
    %dma_wait3A_837 = arith.constant 0 : i32
    %dma_wait3A_838 = arith.constant 0 : i32
    %dma_wait3A_839 = tpu.memref_slice %arg4[%dma_wait3A_830, %dma_wait3A_836, %dma_wait3A_831, %dma_wait3A_837, %dma_wait3A_838] : memref<200x8x32x8x128xf32, #tpu.memory_space<hbm>> -> memref<1x8x1x8x128xf32, #tpu.memory_space<hbm>>
    %dma_wait3A_840 = tpu.memref_squeeze %dma_wait3A_839 : memref<1x8x1x8x128xf32, #tpu.memory_space<hbm>> -> memref<8x8x128xf32, #tpu.memory_space<hbm>>
    %dma_wait3A_841 = arith.constant 0 : i32
    %dma_wait3A_842 = arith.constant 0 : i32
    %dma_wait3A_843 = arith.constant 0 : i32
    %dma_wait3A_844 = tpu.memref_slice %arg4[%dma_wait3A_830, %dma_wait3A_841, %dma_wait3A_831, %dma_wait3A_842, %dma_wait3A_843] : memref<200x8x32x8x128xf32, #tpu.memory_space<hbm>> -> memref<1x8x1x8x128xf32, #tpu.memory_space<hbm>>
    %dma_wait3A_845 = tpu.memref_squeeze %dma_wait3A_844 : memref<1x8x1x8x128xf32, #tpu.memory_space<hbm>> -> memref<8x8x128xf32, #tpu.memory_space<hbm>>
    %dma_wait3A_846 = arith.constant 0 : i32
    %dma_wait3A_847 = arith.constant 0 : i32
    %dma_wait3A_848 = arith.constant 0 : i32
    %dma_wait3A_849 = tpu.memref_slice %arg10[%dma_wait3A_846, %dma_wait3A_847, %dma_wait3A_848] : memref<16x8x129xf32, #tpu.memory_space<vmem>> -> memref<8x8x128xf32, #tpu.memory_space<vmem>>
    tpu.wait_dma2 semaphore(%arg16 : memref<!tpu.dma_semaphore, #tpu.memory_space<semaphore_mem>>) src(%dma_wait3A_849 : memref<8x8x128xf32, #tpu.memory_space<vmem>>) dst(%dma_wait3A_845 : memref<8x8x128xf32, #tpu.memory_space<hbm>>)
    return
  }
}

</mosaic_0001>

<sc_bundles>
// kernel: kernel.3.cloned.1.call-start
scs
__scs_entry_jumppad:
0x0: {  	(pc) =	sbr.rel $0x88, $3  }
0x1: {  	(tag) =	ssettag $0x0;
	lr =	simm.s32 $0x1  }
0x2: {  	[smem:$0x3F9F] =	sst lr;
	_ =	strace $0xD0000000  }
0x3: {  	_ = 	snop  }
0x4: {  	_ = 	snop  }
0x5: {  	_ = 	snop  }
0x6: {  	_ = 	snop  }
0x7: {  	_ = 	snop  }
__scs_overlays_trampoline_lowered:
0x8: {  	[smem:$0x3FAE] =	sst s0  }
0x9: {  	[smem:$0x3FAF] =	sst s1  }
0xa: {  	[smem:$0x3FB0] =	sst s2  }
0xb: {  	[smem:$0x3FB1] =	sst s3  }
0xc: {  	[smem:$0x3FB2] =	sst s4  }
0xd: {  	[smem:$0x3FB3] =	sst s5  }
0xe: {  	[smem:$0x3FB4] =	sst s6  }
0xf: {  	[smem:$0x3FB5] =	sst s7  }
0x10: {  	[smem:$0x3FB6] =	sst s8  }
0x11: {  	[smem:$0x3FB7] =	sst s9;
	s0 =	simm.s32 @!p0 $0x0  }
0x12: {  	s1 =	sld [smem:$0x3F9D];
	s0 =	simm.s32 @p0 $0x1  }
0x13: {  	[smem:$0x3FB8] =	sst s0;
	s0 =	simm.s32 @!p1 $0x0  }
0x14: {  	s2 =	sld [smem:$0x3F9C];
	s0 =	simm.s32 @p1 $0x1  }
0x15: {  	[smem:$0x3FB9] =	sst s0;
	s0 =	simm.s32 @!p2 $0x0  }
0x16: {  	s3 =	sld [smem:$0x3FDB];
	s0 =	simm.s32 @p2 $0x1  }
0x17: {  	s4 =	simm.s32 $0x1BF5;
	[smem:$0x3FBB] =	sst s0  }
0x18: {  	s0 =	sld [smem:$0x3F9E];
	_ =	swait.ge [sflag:s4], $0x0  }
0x19: {  	s7 =	sld [smem:$0x3F9F]  }
0x1a: {  	s8 =	sadd.s32 $0xFFFFE003, lr  }
0x1b: {  	s9 =	sadd.s32 $0xFFFFFEF7, lr;
	s5 =	simm.s32 $0xFFFFFFFF;
	p2 =	slt.u32 s8, $0xFFFFF086  }
0x1c: {  	p1 =	slt.u32 s9, $0xF7A;
	s5 =	simm.s32 @!p2 $0x0  }
0x1d: {  	s5 =	simm.s32 @p1 $0x1;
	p0 =	seq.s32 s7, s2  }
0x1e: {  	s7 =	smul.u32 @!p0 $0xF7A, s2;
	p2 =	seq.s32 @!p0 s5, $0x0  }
0x1f: {  	s9 =	smul.u32 $0xF7A, s1;
	s8 =	simm.s32 @!p0 $0x1BF5;
	p2 =	por !p2, p0  }
0x20: {  	[sflag:s8] =	ssyncset.s32 @!p0 $0xFFFFF086;
	s6 =	sadd.s32 @!p0 s3, s7;
	s7 =	simm.s32 @!p0 $0x108  }
0x21: {  	s3 =	sadd.s32 s3, s9;
	s6 =	sadd.s32 @!p0 $0x88, s6;
	s7 =	simm.s32 @p2 $0x1082  }
0x22: {  	[simem:s7], [sflag:s8] =	dma.local @!p0 [hbm:s6], $0xF7A  }
0x23: {  	s9 =	sor.u32 $0xD0000000, s2;
	s6 =	simm.s32 $0x108;
	_ =	swait.ge @!p0 [sflag:s8], $0x0  }
0x24: {  	s3 =	sadd.s32 $0x88, s3;
	s6 =	simm.s32 @!p1 $0x1082;
	[sflag:s4] =	ssyncset.s32 $0xFFFFF086  }
0x25: {  	[simem:s6], [sflag:s4] =	dma.local [hbm:s3], $0xF7A  }
0x26: {  	[smem:$0x3F9F] =	sst s1;
	(tag) =	ssettag s2;
	_ =	strace s9  }
0x27: {  	s1 =	sld [smem:$0x3FAF]  }
0x28: {  	s2 =	sld [smem:$0x3FB0]  }
0x29: {  	s4 =	sld [smem:$0x3FB2]  }
0x2a: {  	p0 =	seq.s32 s5, $0x0;
	s5 =	sld [smem:$0x3FB3]  }
0x2b: {  	s6 =	sld [smem:$0x3FB4]  }
0x2c: {  	s7 =	sld [smem:$0x3FB5]  }
0x2d: {  	s3 =	simm.s32 $0x108;
	s8 =	sld [smem:$0x3FB6]  }
0x2e: {  	s3 =	simm.s32 @!p0 $0x1082;
	s9 =	sld [smem:$0x3FB7]  }
0x2f: {  	lr =	sadd.s32 s0, s3;
	s0 =	sld [smem:$0x3FAE]  }
0x30: {  	s3 =	sld [smem:$0x3FB1]  }
0x31: {  	[smem:$0x3FBA] =	sst s10  }
0x32: {  	s10 =	sld [smem:$0x3FB8];
	_ =	sdelay $0x3  }
0x33: {  	p0 =	seq.s32 s10, $0x1;
	s10 =	sld [smem:$0x3FBA];
	_ =	sdelay $0x3  }
0x34: {  	[smem:$0x3FBA] =	sst s10  }
0x35: {  	s10 =	sld [smem:$0x3FB9];
	_ =	sdelay $0x3  }
0x36: {  	p1 =	seq.s32 s10, $0x1;
	s10 =	sld [smem:$0x3FBA];
	_ =	sdelay $0x3  }
0x37: {  	[smem:$0x3FBA] =	sst s10  }
0x38: {  	s10 =	sld [smem:$0x3FBB]  }
0x39: {  	_ = 	snop;
	(pc) =	sbr.ind lr, $3  }
0x3a: {  	_ = 	snop  }
0x3b: {  	_ = 	snop  }
0x3c: {  	p2 =	seq.s32 s10, $0x1;
	s10 =	sld [smem:$0x3FBA]  }
0x3d: {  	_ =	shalt  }
0x3e: {  	_ =	shalt  }
0x3f: {  	_ =	shalt  }
0x40: {  	_ =	shalt  }
0x41: {  	_ =	shalt  }
0x42: {  	_ =	shalt  }
0x43: {  	_ =	shalt  }
0x44: {  	_ =	shalt  }
0x45: {  	_ =	shalt  }
0x46: {  	_ =	shalt  }
0x47: {  	_ =	shalt  }
0x48: {  	_ =	shalt  }
0x49: {  	_ =	shalt  }
0x4a: {  	_ =	shalt  }
0x4b: {  	_ =	shalt  }
0x4c: {  	_ =	shalt  }
0x4d: {  	_ =	shalt  }
0x4e: {  	_ =	shalt  }
0x4f: {  	_ =	shalt  }
0x50: {  	_ =	shalt  }
0x51: {  	_ =	shalt  }
0x52: {  	_ =	shalt  }
0x53: {  	_ =	shalt  }
0x54: {  	_ =	shalt  }
0x55: {  	_ =	shalt  }
0x56: {  	_ =	shalt  }
0x57: {  	_ =	shalt  }
0x58: {  	_ =	shalt  }
0x59: {  	_ =	shalt  }
0x5a: {  	_ =	shalt  }
0x5b: {  	_ =	shalt  }
0x5c: {  	_ =	shalt  }
0x5d: {  	_ =	shalt  }
0x5e: {  	_ =	shalt  }
0x5f: {  	_ =	shalt  }
0x60: {  	_ =	shalt  }
0x61: {  	_ =	shalt  }
0x62: {  	_ =	shalt  }
0x63: {  	_ =	shalt  }
0x64: {  	_ =	shalt  }
0x65: {  	_ =	shalt  }
0x66: {  	_ =	shalt  }
0x67: {  	_ =	shalt  }
0x68: {  	_ =	shalt  }
0x69: {  	_ =	shalt  }
0x6a: {  	_ =	shalt  }
0x6b: {  	_ =	shalt  }
0x6c: {  	_ =	shalt  }
0x6d: {  	_ =	shalt  }
0x6e: {  	_ =	shalt  }
0x6f: {  	_ =	shalt  }
0x70: {  	_ =	shalt  }
0x71: {  	_ =	shalt  }
0x72: {  	_ =	shalt  }
0x73: {  	_ =	shalt  }
0x74: {  	_ =	shalt  }
0x75: {  	_ =	shalt  }
0x76: {  	_ =	shalt  }
0x77: {  	_ =	shalt  }
0x78: {  	_ =	shalt  }
0x79: {  	_ =	shalt  }
0x7a: {  	_ =	shalt  }
0x7b: {  	_ =	shalt  }
0x7c: {  	_ =	shalt  }
0x7d: {  	_ =	shalt  }
0x7e: {  	_ =	shalt  }
0x7f: {  	_ =	shalt  }
0x80: {  	_ =	shalt  }
0x81: {  	_ =	shalt  }
0x82: {  	_ =	shalt  }
0x83: {  	_ =	shalt  }
0x84: {  	_ =	shalt  }
0x85: {  	_ =	shalt  }
0x86: {  	_ =	shalt  }
0x87: {  	_ =	shalt  }
.Lfunc_end0:
.L_simem_size_0:
called_computation_lowered:
.L_overlay_start_0:
0x88: {  	s2 =	sld [smem:$0x3FD9]  }
0x89: {  	s3 =	sld [smem:$0x3FFE];
	_ =	sdelay $0x1  }
0x8a: {  	s1 =	srdreg.scid  }
0x8b: {  	s0 =	sand.u32 $0x1, s1  }
0x8c: {  	s17 =	sshll.u32 s0, $0xA;
	s2 =	sadd.s32 s3, s2  }
0x8d: {  	s2 =	sadd.s32 s2, s17  }
0x8e: {  	[smem:$0x3FC6] =	sst s2  }
0x8f: {  	_ = 	snop  }
0x90: {  	s2 =	sld [smem:$0x3FC9]  }
0x91: {  	s18 =	sld [smem:$0x3FD0];
	(tm) =	ssettm $0x1  }
0x92: {  	s4 =	sld [smem:$0x3FFB];
	_ =	sdelay $0x3  }
0x93: {  	_ =	strace s4  }
0x94: {  	s4 =	sld [smem:$0x3FFC];
	_ =	sdelay $0x3  }
0x95: {  	_ =	strace s4  }
0x96: {  	s4 =	sld [smem:$0x3FFD];
	_ =	sdelay $0x3  }
0x97: {  	_ =	strace s4  }
0x98: {  	_ =	strace $0x8FFFFFFF  }
0x99: {  	s19 =	sld [smem:$0x3FDB];
	_ =	sdelay $0x1  }
0x9a: {  	s5 =	simm.s32 $_scs_section_size  }
0x9b: {  	s6 =	simm.s32 $_size__tile_overlayer_lowered;
	s7 =	simm.s32 $_tile_overlayer_lowered  }
0x9c: {  	s22 =	simm.s32 $0x1BFF;
	s21 =	sshll.u32 s7, $0x1;
	s4 =	sadd.s32 s5, s19  }
0x9d: {  	s8 =	simm.s32 $0x0;
	s20 =	sshll.u32 s6, $0x1;
	s6 =	sadd.s32 s21, s4  }
0x9e: {  	[timem:s8], [sflag:s22] =	dma.local [hbm:s6], s20  }
0x9f: {  	_ =	swait.ge [sflag:s22], s20  }
0xa0: {  	s5 =	ssub.s32 $0x0, s20;
	[sflag:s22] =	ssyncset.done $0x0  }
0xa1: {  	[sflag:s22] =	ssyncadd.s32 s5;
	_ =	sdelay $0x1  }
0xa2: {  	s23 =	simm.s32 $0x1B8B  }
0xa3: {  	_ =	swait.ge [sflag:s23], $0x1  }
0xa4: {  	[sflag:s23] =	ssyncset.done $0x0  }
0xa5: {  	s25 =	simm.s32 $0x1B8E;
	s24 =	sld [smem:$0x3FFE];
	[sflag:s23] =	ssyncadd.s32 $0xFFFFFFFF  }
0xa6: {  	s26 =	simm.s32 $execute0_lowered;
	[smem:$0x3FD2] =	sst s25  }
0xa7: {  	s6 =	sshll.u32 s26, $0x1;
	_ =	strace $0x80000046;
	[dreg:$0x1] =	wrdreg $0xFFFFFFFF  }
0xa8: {  	s28 =	simm.s32 $_size_execute0_lowered;
	s4 =	sadd.s32 s4, s6;
	[dreg:$0x0] =	wrdreg $0x0  }
0xa9: {  	s6 =	sshll.u32 s28, $0x1;
	[dreg:$0x2] =	wrdreg s4  }
0xaa: {  	[dreg:$0x3] =	wrdreg s6  }
0xab: {  	[dreg:$0x4] =	wrdreg $0xC0  }
0xac: {  	_ =	task [dreg:s8], $0x5FFFF  }
0xad: {  	[dreg:$0x1] =	wrdreg $0xFFFFFFFF  }
0xae: {  	[dreg:$0x0] =	wrdreg $0x60  }
0xaf: {  	[dreg:$0x2] =	wrdreg s2  }
0xb0: {  	[dreg:$0x3] =	wrdreg s24  }
0xb1: {  	[dreg:$0x4] =	wrdreg s18  }
0xb2: {  	[dreg:$0x5] =	wrdreg $0x9  }
0xb3: {  	_ =	task.clear_ibuf [dreg:s8], $0x6FFFF;
	_ =	strace $0x90000046  }
0xb4: {  	s29 =	simm.s32 $0x9;
	_ =	strace $0x80000048  }
0xb5: {  	_ =	swait.ge [sflag:s29], $0x1  }
0xb6: {  	[sflag:s29] =	ssyncadd.s32 $0xFFFFFFFF  }
0xb7: {  	_ =	strace $0x90000048  }
0xb8: {  	_ =	sfence  }
0xb9: {  	s30 =	sld [smem:$0x0];
	_ =	sdelay $0x2  }
0xba: {  	s31 =	sshll.u32 s1, $0xD;
	s1 =	sshrl.u32 s1, $0x2  }
0xbb: {  	s3 =	sand.u32 $0x4000, s31;
	s1 =	sadd.s32 s1, s30  }
0xbc: {  	s0 =	sor.u32 s3, s0;
	s1 =	sshll.u32 s1, $0x11  }
0xbd: {  	s0 =	sor.u32 s1, s0  }
0xbe: {  	s0 =	sadd.s32 $0x8F2B, s0  }
0xbf: {  	[sflag:s0] =	ssyncadd.remote.s32 $0x1  }
0xc0: {  	_ =	sfence.sel $0xFFFF  }
0xc1: {  	[dreg:$0x0] =	wrdreg $0xFFFFFFFF;
	(pc) =	sbr.abs _section_cstart, $3  }
0xc2: {  	[dreg:$0x1] =	wrdreg $0xFFFFFFFF  }
0xc3: {  	_ =	task.clear_ibuf [dreg:s8], $0x2FFFF;
	_ =	strace $0x9FFFFFFF  }
0xc4: {  	(tm) =	ssettm $0x7FFFFFFF  }
0xc5: {  	_ =	shalt  }
tec
execute0_lowered:
.L_overlay_start_1:
0x0: {  	(tag) =	ssettag $0x1  }
0x1: {  	s1 =	rddreg [dreg:$0x0];
	s0 =	srdreg.scid  }
0x2: {  	s2 =	rddreg [dreg:$0x1];
	s4 =	stileid.u32;
	s0 =	sand.u32 $0x1, s0  }
0x3: {  	s3 =	rddreg [dreg:$0x2];
	s5 =	sshll.u32 s4, $0xB;
	s6 =	sshll.u32 s0, $0xA  }
0x4: {  	s29 =	simm.s32 $0x80;
	s0 =	ssub.s32 $0x2, s0;
	s5 =	sor.u32 s6, s5  }
0x5: {  	s4 =	simm.s32 $0x0;
	s8 =	sshrl.u32 s0, $0x1;
	s6 =	sshrl.u32 s5, $0x3  }
0x6: {  	[smem:$0x7FF] =	sst s4;
	s0 =	ssub.s32 s0, s8;
	s9 =	sadd.s32 s1, s6  }
0x7: {  	_ =	strace $0x80000047;
	s0 =	smax.u32 s0, $0x1;
	[dreg:$0x4] =	wrdreg s9  }
0x8: {  	s30 =	simm.s32 $0x100;
	s14 =	sadd.s32 $0x10, s9;
	[dreg:$0x11] =	wrdreg s0  }
0x9: {  	s31 =	simm.s32 $0x180;
	s15 =	sadd.s32 $0x20, s9;
	[dreg:$0x5] =	wrdreg s14  }
0xa: {  	s10 =	simm.s32 $0x3;
	s16 =	sadd.s32 $0x30, s9;
	[dreg:$0x6] =	wrdreg s15  }
0xb: {  	s12 =	simm.s32 $0x8200;
	s17 =	sadd.s32 $0x40, s9;
	[dreg:$0x7] =	wrdreg s16  }
0xc: {  	s11 =	sadd.s32 s3, s6;
	s18 =	sadd.s32 $0x50, s9;
	[dreg:$0x8] =	wrdreg s17  }
0xd: {  	s13 =	simm.s32 $0x4;
	s19 =	sadd.s32 $0x8000, s11;
	[dreg:$0x9] =	wrdreg s18  }
0xe: {  	s7 =	sadd.s32 $0x400, s2;
	s20 =	sadd.s32 $0x60, s9;
	[dreg:$0xa] =	wrdreg s19  }
0xf: {  	s2 =	simm.s32 $0x1;
	s21 =	sadd.s32 $0x70, s9;
	[dreg:$0xb] =	wrdreg s20  }
0x10: {  	s8 =	simm.s32 $0x2;
	s22 =	sadd.s32 $0x10000, s11;
	[dreg:$0xc] =	wrdreg s21  }
0x11: {  	s23 =	sadd.s32 $0x18000, s11;
	s24 =	sadd.s32 $0x620000, s11;
	[dreg:$0xd] =	wrdreg s22  }
0x12: {  	v0 =	vlaneseq.u32;
	s25 =	sadd.s32 $0x628000, s11;
	s26 =	sadd.s32 $0x630000, s11;
	[dreg:$0xe] =	wrdreg s23  }
0x13: {  	v0 =	vmul.u32 $0x88, v0;
	s28 =	sadd.s32 $0x638000, s11;
	s0 =	simm.s32 $0x200;
	[dreg:$0xf] =	wrdreg s24  }
0x14: {  	s9 =	simm.s32 $0x4200;
	s19 =	sor.u32 $0x100000, s5;
	[dreg:$0x10] =	wrdreg s25  }
0x15: {  	v1 =	vadd.s32 $0x880, v0;
	s20 =	sor.u32 $0x140000, s5;
	s21 =	sor.u32 $0x180000, s5;
	[dreg:$0x12] =	wrdreg s26  }
0x16: {  	v2 =	vadd.s32 $0x1100, v0;
	v3 =	vadd.s32 $0x1980, v0;
	v4 =	vadd.s32 $0x2200, v0;
	s22 =	sor.u32 $0x1C0000, s5;
	[dreg:$0x13] =	wrdreg s28;
	s15 =	simm.s32 $0xC600  }
0x17: {  	v5 =	vadd.s32 $0x2A80, v0;
	v6 =	vadd.s32 $0x3300, v0;
	v7 =	vadd.s32 $0x3B80, v0;
	s16 =	simm.s32 $0x5;
	s25 =	simm.s32 $0x6;
	s14 =	simm.s32 $0x0  }
.LBB2_1:
0x18: {  	[dreg:$0x14] =	wrdreg s14  }
0x19: {  	s6 =	rddreg [dreg:$0x4]  }
0x1a: {  	[tilespmem:s4], [sflag:$0x1] =	stream.linear.gather [hbm4b:s6+s4], $0x80, $0x38;
	[tilespmem:$0x10A00] =	vst v63  }
0x1b: {  	s26 =	rddreg [dreg:$0x5]  }
0x1c: {  	[tilespmem:s29], [sflag:$0x1] =	stream.linear.gather [hbm4b:s26+s4], $0x80, $0x38;
	[tilespmem:$0x10A00] =	vst v63  }
0x1d: {  	s28 =	rddreg [dreg:$0x6]  }
0x1e: {  	[tilespmem:s30], [sflag:$0x2] =	stream.linear.gather [hbm4b:s28+s4], $0x80, $0x38;
	[tilespmem:$0x10A00] =	vst v63  }
0x1f: {  	s14 =	rddreg [dreg:$0x7]  }
0x20: {  	[tilespmem:s31], [sflag:$0x2] =	stream.linear.gather [hbm4b:s14+s4], $0x80, $0x38;
	[tilespmem:$0x10A00] =	vst v63  }
0x21: {  	_ =	swait.ge [sflag:s2], $0x80  }
0x22: {  	[sflag:s2] =	ssyncset.done $0x0  }
0x23: {  	[sflag:s2] =	ssyncadd.s32 $0xFFFFFF80  }
0x24: {  	_ =	swait.ge [sflag:s2], $0x80  }
0x25: {  	[sflag:s2] =	ssyncset.done $0x0  }
0x26: {  	[sflag:s2] =	ssyncadd.s32 $0xFFFFFF80  }
0x27: {  	[tilespmem:s0], [sflag:$0x3] =	stream.indirect.gather [hbm4b:s7+s30], $0x40, s4, s30, $0xb8;
	[tilespmem:$0x10A00] =	vst v63  }
0x28: {  	_ =	swait.ge [sflag:s8], $0x80  }
0x29: {  	[sflag:s8] =	ssyncset.done $0x0  }
0x2a: {  	[sflag:s8] =	ssyncadd.s32 $0xFFFFFF80  }
0x2b: {  	_ =	swait.ge [sflag:s8], $0x80  }
0x2c: {  	[sflag:s8] =	ssyncset.done $0x0  }
0x2d: {  	[sflag:s8] =	ssyncadd.s32 $0xFFFFFF80  }
0x2e: {  	[tilespmem:s9], [sflag:$0x4] =	stream.indirect.gather [hbm4b:s7+s30], $0x40, s30, s30, $0xb8;
	[tilespmem:$0x10A00] =	vst v63  }
0x2f: {  	s17 =	simm.s32 $0x3;
	_ =	swait.ge [sflag:s10], $0x4000  }
0x30: {  	v8 =	vmov s17;
	[sflag:s10] =	ssyncset.done $0x0  }
0x31: {  	s18 =	simm.s32 $0x1;
	v9 =	vand.u32 $0x7F, v8;
	v8 =	vmov s4;
	s14 =	simm.s32 $0x280;
	[sflag:s10] =	ssyncadd.s32 $0xFFFFC000  }
0x32: {  	v12 =	vadd.s32 v0, v9;
	v10 =	vand.u32 $0x7C, v8;
	v8 =	vmov s18;
	v11 =	vld [tilespmem:s14+$0x40]  }
0x33: {  	v14 =	vadd.s32 v0, v10;
	v15 =	vand.u32 $0x7D, v8;
	v13 =	vld [tilespmem:s14+$0xFFFFFF80]  }
0x34: {  	s23 =	simm.s32 $0x2;
	v16 =	vadd.s32 v0, v15;
	v8 =	vld [tilespmem:s14+$0xFFFFFFC0]  }
0x35: {  	v17 =	vmov s23  }
0x36: {  	v17 =	vand.u32 $0x7E, v17  }
0x37: {  	v19 =	vadd.s32 v0, v17;
	v18 =	vld [tilespmem:s14+$0x0];
	[tilespmem:v12+s12+$0x0] =	vst.idx.msk $0xffff, v11  }
0x38: {  	v12 =	vadd.s32 v1, v9;
	[tilespmem:v14+s12+$0x0] =	vst.idx.msk $0xffff, v13;
	v11 =	vld [tilespmem:s14+$0x50]  }
0x39: {  	v14 =	vadd.s32 v1, v10;
	[tilespmem:v16+s12+$0x0] =	vst.idx.msk $0xffff, v8;
	v13 =	vld [tilespmem:s14+$0xFFFFFF90]  }
0x3a: {  	v16 =	vadd.s32 v1, v15;
	v8 =	vld [tilespmem:s14+$0xFFFFFFD0];
	_ =	sdelay $0x1  }
0x3b: {  	[tilespmem:v19+s12+$0x0] =	vst.idx.msk $0xffff, v18  }
0x3c: {  	v20 =	vadd.s32 v1, v17;
	v19 =	vld [tilespmem:s14+$0x10];
	[tilespmem:v12+s12+$0x0] =	vst.idx.msk $0xffff, v11  }
0x3d: {  	s24 =	simm.s32 $0x7;
	v18 =	vadd.s32 v2, v9;
	[tilespmem:v14+s12+$0x0] =	vst.idx.msk $0xffff, v13;
	v11 =	vld [tilespmem:s14+$0x60]  }
0x3e: {  	v14 =	vadd.s32 v2, v10;
	v12 =	vmov s24;
	[tilespmem:v16+s12+$0x0] =	vst.idx.msk $0xffff, v8;
	v13 =	vld [tilespmem:s14+$0xFFFFFFA0]  }
0x3f: {  	s6 =	simm.s32 $0x380;
	v21 =	vadd.s32 v2, v15;
	v12 =	vand.u32 $0x7F, v12;
	v16 =	vld [tilespmem:s14+$0xFFFFFFE0]  }
0x40: {  	s17 =	simm.s32 $0x4;
	v22 =	vld [tilespmem:s6+$0x40];
	v23 =	vadd.s32 v0, v12  }
0x41: {  	s26 =	simm.s32 $0x5;
	v8 =	vmov s17;
	[tilespmem:v20+s12+$0x0] =	vst.idx.msk $0xffff, v19  }
0x42: {  	v26 =	vmov s26;
	v8 =	vand.u32 $0x7C, v8;
	[tilespmem:v18+s12+$0x0] =	vst.idx.msk $0xffff, v11  }
0x43: {  	s28 =	simm.s32 $0x6;
	v24 =	vld [tilespmem:s6+$0xFFFFFF80];
	v25 =	vadd.s32 v0, v8;
	v11 =	vand.u32 $0x7D, v26;
	[tilespmem:v14+s12+$0x0] =	vst.idx.msk $0xffff, v13  }
0x44: {  	v18 =	vmov s28;
	v13 =	vld [tilespmem:s6+$0xFFFFFFC0];
	[tilespmem:v21+s12+$0x0] =	vst.idx.msk $0xffff, v16;
	v14 =	vadd.s32 v0, v11  }
0x45: {  	v20 =	vadd.s32 v3, v9;
	v16 =	vld [tilespmem:s14+$0x20];
	v9 =	vand.u32 $0x7E, v18;
	[tilespmem:v23+s12+$0x0] =	vst.idx.msk $0xffff, v22;
	v22 =	vadd.s32 v2, v17  }
0x46: {  	v18 =	vld [tilespmem:s6+$0x0];
	v62 =	vadd.s32 v0, v9  }
0x47: {  	v19 =	vld [tilespmem:s14+$0x70]  }
0x48: {  	v63 =	vadd.s32 v1, v12;
	[tilespmem:v25+s12+$0x0] =	vst.idx.msk $0xffff, v24;
	v23 =	vld [tilespmem:s6+$0x50]  }
0x49: {  	v27 =	vadd.s32 v1, v8;
	v25 =	vld [tilespmem:s6+$0xFFFFFF90];
	[tilespmem:v14+s12+$0x0] =	vst.idx.msk $0xffff, v13  }
0x4a: {  	v29 =	vadd.s32 v3, v15;
	v28 =	vld [tilespmem:s14+$0xFFFFFFF0];
	[tilespmem:v22+s12+$0x0] =	vst.idx.msk $0xffff, v16  }
0x4b: {  	v22 =	vadd.s32 v1, v11;
	v21 =	vld [tilespmem:s6+$0xFFFFFFD0];
	[tilespmem:v62+s12+$0x0] =	vst.idx.msk $0xffff, v18  }
0x4c: {  	[tilespmem:v20+s12+$0x0] =	vst.idx.msk $0xffff, v19;
	v20 =	vadd.s32 v1, v9;
	v19 =	vld [tilespmem:s6+$0x10]  }
0x4d: {  	[tilespmem:v63+s12+$0x0] =	vst.idx.msk $0xffff, v23;
	v15 =	vld [tilespmem:s14+$0x30];
	v18 =	vadd.s32 v3, v17  }
0x4e: {  	v16 =	vadd.s32 v2, v12;
	[tilespmem:v27+s12+$0x0] =	vst.idx.msk $0xffff, v25;
	v13 =	vld [tilespmem:s6+$0x60]  }
0x4f: {  	s23 =	simm.s32 $0xB;
	s18 =	simm.s32 $0xC;
	s17 =	simm.s32 $0x8;
	[tilespmem:v29+s12+$0x0] =	vst.idx.msk $0xffff, v28;
	v17 =	vadd.s32 v2, v8;
	v14 =	vld [tilespmem:s6+$0xFFFFFFA0]  }
.LBB2_2:
0x50: {  	p0 =	slt.u32 s18, $0x7C;
	v23 =	vmov s23;
	[tilespmem:v22+s12+$0x0] =	vst.idx.msk $0xffff, v21;
	v21 =	vld [tilespmem:s14+$0xFFFFFFB0];
	v22 =	vadd.s32 v3, v10;
	v10 =	vmov v8;
	s14 =	smov.u32 s6  }
0x51: {  	v8 =	vmov s17;
	v25 =	vadd.s32 v2, v11;
	s6 =	sadd.s32 $0x100, s6;
	v23 =	vand.u32 $0x7F, v23;
	v24 =	vld [tilespmem:s14+$0xFFFFFFE0];
	[tilespmem:v20+s12+$0x0] =	vst.idx.msk $0xffff, v19  }
0x52: {  	s23 =	sadd.s32 $0x1, s17;
	v8 =	vand.u32 $0x7C, v8;
	v19 =	vld [tilespmem:s6+$0x40];
	v20 =	vadd.s32 v0, v23;
	[tilespmem:v18+s12+$0x0] =	vst.idx.msk $0xffff, v15  }
0x53: {  	v26 =	vmov s23;
	s23 =	sadd.s32 $0x2, s17;
	s17 =	smov.u32 s18;
	v18 =	vadd.s32 v0, v8;
	v15 =	vld [tilespmem:s6+$0xFFFFFF80];
	[tilespmem:v16+s12+$0x0] =	vst.idx.msk $0xffff, v13  }
0x54: {  	v13 =	vand.u32 $0x7D, v26;
	v16 =	vmov s23;
	[tilespmem:v17+s12+$0x0] =	vst.idx.msk $0xffff, v14;
	v14 =	vld [tilespmem:s14+$0x70];
	v17 =	vadd.s32 v3, v12;
	v12 =	vmovc v23  }
0x55: {  	v26 =	vadd.s32 v0, v13;
	v16 =	vand.u32 $0x7E, v16;
	v23 =	vld [tilespmem:s6+$0xFFFFFFC0];
	[tilespmem:v22+s12+$0x0] =	vst.idx.msk $0xffff, v21  }
0x56: {  	v28 =	vadd.s32 v0, v16;
	v27 =	vld [tilespmem:s6+$0x0];
	[tilespmem:v25+s12+$0x0] =	vst.idx.msk $0xffff, v24  }
0x57: {  	v25 =	vadd.s32 v2, v9;
	[tilespmem:v20+s12+$0x0] =	vst.idx.msk $0xffff, v19;
	v24 =	vld [tilespmem:s14+$0x20]  }
0x58: {  	[tilespmem:v18+s12+$0x0] =	vst.idx.msk $0xffff, v15;
	v15 =	vld [tilespmem:s6+$0x50];
	v18 =	vadd.s32 v1, v12  }
0x59: {  	v30 =	vadd.s32 v1, v8;
	v29 =	vld [tilespmem:s6+$0xFFFFFF90];
	[tilespmem:v17+s12+$0x0] =	vst.idx.msk $0xffff, v14  }
0x5a: {  	[tilespmem:v26+s12+$0x0] =	vst.idx.msk $0xffff, v23;
	v23 =	vld [tilespmem:s14+$0xFFFFFFF0];
	v26 =	vadd.s32 v3, v11;
	v11 =	vmov v13  }
.Ltmp0:
0x5b: {  	v21 =	vld [tilespmem:s6+$0xFFFFFFD0];
	v22 =	vadd.s32 v1, v11;
	[tilespmem:v28+s12+$0x0] =	vst.idx.msk $0xffff, v27;
	(pc) =	sbr.rel @p0 .LBB2_2-.Ltmp0, $4  }
0x5c: {  	v20 =	vadd.s32 v1, v16;
	v19 =	vld [tilespmem:s6+$0x10];
	[tilespmem:v25+s12+$0x0] =	vst.idx.msk $0xffff, v24  }
0x5d: {  	[tilespmem:v18+s12+$0x0] =	vst.idx.msk $0xffff, v15;
	v15 =	vld [tilespmem:s14+$0x30];
	v18 =	vadd.s32 v3, v9;
	v9 =	vmov v16  }
0x5e: {  	v16 =	vadd.s32 v2, v12;
	[tilespmem:v30+s12+$0x0] =	vst.idx.msk $0xffff, v29;
	v13 =	vld [tilespmem:s6+$0x60]  }
0x5f: {  	s18 =	sadd.s32 $0x4, s18;
	s23 =	sadd.s32 $0x3, s17;
	v17 =	vadd.s32 v2, v8;
	v14 =	vld [tilespmem:s6+$0xFFFFFFA0];
	[tilespmem:v26+s12+$0x0] =	vst.idx.msk $0xffff, v23  }
0x60: {  	_ =	sdelay $0x2  }
0x61: {  	v23 =	vmov s23  }
0x62: {  	s18 =	sadd.s32 $0x1, s17;
	[tilespmem:v22+s12+$0x0] =	vst.idx.msk $0xffff, v21;
	v28 =	vld [tilespmem:s14+$0xFFFFFFB0];
	v10 =	vadd.s32 v3, v10;
	s26 =	sadd.s32 $0x100, s6;
	v25 =	vmov s17;
	v29 =	vand.u32 $0x7F, v23  }
0x63: {  	s28 =	sadd.s32 $0x2, s17;
	v30 =	vmov s18;
	[tilespmem:v20+s12+$0x0] =	vst.idx.msk $0xffff, v19;
	v31 =	vld [tilespmem:s26+$0x40];
	v25 =	vand.u32 $0x7C, v25;
	v32 =	vadd.s32 v0, v29  }
0x64: {  	v24 =	vmov s28;
	v26 =	vld [tilespmem:s26+$0xFFFFFF80];
	v23 =	vand.u32 $0x7D, v30;
	[tilespmem:v18+s12+$0x0] =	vst.idx.msk $0xffff, v15;
	v37 =	vadd.s32 v0, v25  }
0x65: {  	v33 =	vld [tilespmem:s26+$0xFFFFFFC0];
	v24 =	vand.u32 $0x7E, v24;
	v34 =	vadd.s32 v0, v23;
	[tilespmem:v16+s12+$0x0] =	vst.idx.msk $0xffff, v13  }
0x66: {  	v35 =	vld [tilespmem:s26+$0x0];
	v36 =	vadd.s32 v0, v24;
	[tilespmem:v17+s12+$0x0] =	vst.idx.msk $0xffff, v14  }
0x67: {  	v39 =	vadd.s32 v2, v11;
	v38 =	vld [tilespmem:s6+$0xFFFFFFE0];
	[tilespmem:v10+s12+$0x0] =	vst.idx.msk $0xffff, v28  }
0x68: {  	v47 =	vadd.s32 v2, v9;
	v46 =	vld [tilespmem:s6+$0x20];
	[tilespmem:v32+s12+$0x0] =	vst.idx.msk $0xffff, v31  }
0x69: {  	v41 =	vadd.s32 v1, v29;
	[tilespmem:v37+s12+$0x0] =	vst.idx.msk $0xffff, v26;
	v19 =	vld [tilespmem:s26+$0x50]  }
0x6a: {  	v45 =	vadd.s32 v1, v25;
	[tilespmem:v34+s12+$0x0] =	vst.idx.msk $0xffff, v33;
	v44 =	vld [tilespmem:s26+$0xFFFFFF90]  }
0x6b: {  	v42 =	vadd.s32 v1, v23;
	[tilespmem:v36+s12+$0x0] =	vst.idx.msk $0xffff, v35;
	v15 =	vld [tilespmem:s26+$0xFFFFFFD0]  }
0x6c: {  	v43 =	vadd.s32 v1, v24;
	[tilespmem:v39+s12+$0x0] =	vst.idx.msk $0xffff, v38;
	v13 =	vld [tilespmem:s26+$0x10]  }
0x6d: {  	v12 =	vadd.s32 v3, v12;
	v40 =	vld [tilespmem:s6+$0x70];
	[tilespmem:v47+s12+$0x0] =	vst.idx.msk $0xffff, v46  }
0x6e: {  	v8 =	vadd.s32 v3, v8;
	v57 =	vld [tilespmem:s6+$0xFFFFFFB0];
	[tilespmem:v41+s12+$0x0] =	vst.idx.msk $0xffff, v19  }
0x6f: {  	v50 =	vadd.s32 v2, v29;
	[tilespmem:v45+s12+$0x0] =	vst.idx.msk $0xffff, v44;
	v19 =	vld [tilespmem:s26+$0x60]  }
0x70: {  	v55 =	vadd.s32 v2, v25;
	[tilespmem:v42+s12+$0x0] =	vst.idx.msk $0xffff, v15;
	v54 =	vld [tilespmem:s26+$0xFFFFFFA0]  }
0x71: {  	v51 =	vadd.s32 v2, v23;
	[tilespmem:v43+s12+$0x0] =	vst.idx.msk $0xffff, v13;
	v15 =	vld [tilespmem:s26+$0xFFFFFFE0]  }
0x72: {  	v53 =	vadd.s32 v2, v24;
	[tilespmem:v12+s12+$0x0] =	vst.idx.msk $0xffff, v40;
	v52 =	vld [tilespmem:s26+$0x20]  }
0x73: {  	v49 =	vadd.s32 v3, v11;
	v48 =	vld [tilespmem:s6+$0xFFFFFFF0];
	[tilespmem:v8+s12+$0x0] =	vst.idx.msk $0xffff, v57  }
0x74: {  	v56 =	vadd.s32 v3, v9;
	v17 =	vld [tilespmem:s6+$0x30];
	[tilespmem:v50+s12+$0x0] =	vst.idx.msk $0xffff, v19  }
0x75: {  	v59 =	vadd.s32 v3, v29;
	[tilespmem:v55+s12+$0x0] =	vst.idx.msk $0xffff, v54;
	v58 =	vld [tilespmem:s26+$0x70]  }
0x76: {  	v63 =	vadd.s32 v3, v25;
	[tilespmem:v51+s12+$0x0] =	vst.idx.msk $0xffff, v15;
	v62 =	vld [tilespmem:s26+$0xFFFFFFB0]  }
0x77: {  	v60 =	vadd.s32 v3, v23;
	[tilespmem:v53+s12+$0x0] =	vst.idx.msk $0xffff, v52;
	v15 =	vld [tilespmem:s26+$0xFFFFFFF0]  }
0x78: {  	p2 =	por $0x1, $0x1;
	v61 =	vadd.s32 v3, v24;
	[tilespmem:v49+s12+$0x0] =	vst.idx.msk $0xffff, v48;
	v10 =	vld [tilespmem:s26+$0x30]  }
.Ltmp1:
0x79: {  	[tilespmem:v56+s12+$0x0] =	vst.idx.msk $0xffff, v17;
	(pc) =	sbr.rel @!p2 .LBB2_4-.Ltmp1, $4  }
0x7a: {  	[tilespmem:v59+s12+$0x0] =	vst.idx.msk $0xffff, v58  }
0x7b: {  	[tilespmem:v63+s12+$0x0] =	vst.idx.msk $0xffff, v62  }
0x7c: {  	s14 =	simm.s32 $0x22F0;
	s24 =	simm.s32 $0x4;
	p0 =	por $0x0, $0x0;
	[tilespmem:v60+s12+$0x0] =	vst.idx.msk $0xffff, v15  }
0x7d: {  	p1 =	por $0x0, $0x0;
	s6 =	simm.s32 $0x0;
	s26 =	simm.s32 $0x3;
	[tilespmem:v61+s12+$0x0] =	vst.idx.msk $0xffff, v10  }
0x7e: {  	v8 =	vmov s26  }
0x7f: {  	v9 =	vmov s6;
	v18 =	vand.u32 $0x7F, v8  }
0x80: {  	v8 =	vand.u32 $0x7C, v9;
	v9 =	vld [tilespmem:s14+$0xFFFFFFD0];
	v12 =	vadd.s32 v4, v18  }
0x81: {  	s17 =	simm.s32 $0x1;
	v13 =	vld [tilespmem:s14+$0xFFFFFF10];
	v14 =	vadd.s32 v4, v8  }
0x82: {  	s28 =	simm.s32 $0x2;
	v10 =	vmov s17  }
0x83: {  	v11 =	vand.u32 $0x7D, v10;
	v10 =	vmov s28  }
0x84: {  	v15 =	vld [tilespmem:s14+$0xFFFFFF50];
	v16 =	vadd.s32 v4, v11;
	v10 =	vand.u32 $0x7E, v10  }
0x85: {  	v17 =	vld [tilespmem:s14+$0xFFFFFF90];
	v19 =	vadd.s32 v4, v10;
	[tilespmem:v12+s12+$0x0] =	vst.idx.msk $0xffff, v9  }
0x86: {  	[tilespmem:v14+s12+$0x0] =	vst.idx.msk $0xffff, v13;
	v12 =	vadd.s32 v5, v18;
	v9 =	vld [tilespmem:s14+$0xFFFFFFE0]  }
0x87: {  	v14 =	vadd.s32 v5, v8;
	v13 =	vld [tilespmem:s14+$0xFFFFFF20]  }
0x88: {  	p2 =	por $0x1, $0x1  }
.Ltmp2:
0x89: {  	[tilespmem:v16+s12+$0x0] =	vst.idx.msk $0xffff, v15;
	(pc) =	sbr.rel @!p2 .LBB2_6-.Ltmp2, $4  }
0x8a: {  	v22 =	vld [tilespmem:s14+$0xFFFFFF60];
	[tilespmem:v19+s12+$0x0] =	vst.idx.msk $0xffff, v17  }
0x8b: {  	v15 =	vld [tilespmem:s14+$0xFFFFFFA0];
	[tilespmem:v12+s12+$0x0] =	vst.idx.msk $0xffff, v9  }
0x8c: {  	v20 =	vadd.s32 v6, v8;
	[tilespmem:v14+s12+$0x0] =	vst.idx.msk $0xffff, v13;
	v16 =	vld [tilespmem:s14+$0xFFFFFFF0]  }
0x8d: {  	s26 =	simm.s32 $0x7;
	s18 =	simm.s32 $0x8;
	p0 =	por $0x1, $0x1;
	v23 =	vadd.s32 v5, v11;
	v21 =	vadd.s32 v5, v10;
	v19 =	vadd.s32 v6, v18;
	v17 =	vld [tilespmem:s14+$0xFFFFFF30]  }
0x8e: {  	_ =	sdelay $0x3  }
0x8f: {  	v9 =	vmov s26;
	[tilespmem:v23+s12+$0x0] =	vst.idx.msk $0xffff, v22  }
0x90: {  	v12 =	vmov s24;
	s17 =	simm.s32 $0x23F0;
	s23 =	simm.s32 $0x5;
	v9 =	vand.u32 $0x7F, v9;
	v23 =	vadd.s32 v6, v11;
	v22 =	vld [tilespmem:s14+$0xFFFFFF70]  }
0x91: {  	s28 =	simm.s32 $0x6;
	v14 =	vand.u32 $0x7C, v12;
	v24 =	vld [tilespmem:s17+$0xFFFFFFD0];
	v12 =	vmov s23;
	v25 =	vadd.s32 v4, v9  }
0x92: {  	v26 =	vld [tilespmem:s17+$0xFFFFFF10];
	v13 =	vmov s28;
	v27 =	vadd.s32 v4, v14;
	v12 =	vand.u32 $0x7D, v12;
	[tilespmem:v19+s12+$0x0] =	vst.idx.msk $0xffff, v16  }
0x93: {  	v13 =	vand.u32 $0x7E, v13;
	v16 =	vadd.s32 v7, v18;
	v18 =	vadd.s32 v4, v12;
	[tilespmem:v20+s12+$0x0] =	vst.idx.msk $0xffff, v17;
	v17 =	vld [tilespmem:s17+$0xFFFFFF50]  }
0x94: {  	[tilespmem:v21+s12+$0x0] =	vst.idx.msk $0xffff, v15;
	v19 =	vld [tilespmem:s17+$0xFFFFFF90];
	v20 =	vadd.s32 v4, v13  }
0x95: {  	v21 =	vld [tilespmem:s14+$0xFFFFFFB0];
	[tilespmem:v23+s12+$0x0] =	vst.idx.msk $0xffff, v22;
	v23 =	vadd.s32 v6, v10  }
0x96: {  	v15 =	vld [tilespmem:s14+$0x0];
	[tilespmem:v25+s12+$0x0] =	vst.idx.msk $0xffff, v24  }
0x97: {  	[tilespmem:v27+s12+$0x0] =	vst.idx.msk $0xffff, v26;
	v25 =	vadd.s32 v5, v9;
	v24 =	vld [tilespmem:s17+$0xFFFFFFE0]  }
0x98: {  	v27 =	vadd.s32 v5, v14;
	v26 =	vld [tilespmem:s17+$0xFFFFFF20];
	[tilespmem:v18+s12+$0x0] =	vst.idx.msk $0xffff, v17  }
0x99: {  	p2 =	por $0x1, $0x1;
	v11 =	vadd.s32 v7, v11;
	v18 =	vld [tilespmem:s14+$0xFFFFFF80];
	[tilespmem:v20+s12+$0x0] =	vst.idx.msk $0xffff, v19  }
.Ltmp3:
0x9a: {  	v22 =	vld [tilespmem:s17+$0xFFFFFF60];
	[tilespmem:v23+s12+$0x0] =	vst.idx.msk $0xffff, v21;
	v23 =	vadd.s32 v5, v12;
	(pc) =	sbr.rel @!p2 .LBB2_8-.Ltmp3, $4  }
0x9b: {  	[tilespmem:v16+s12+$0x0] =	vst.idx.msk $0xffff, v15;
	v15 =	vld [tilespmem:s17+$0xFFFFFFA0];
	v21 =	vadd.s32 v5, v13  }
0x9c: {  	[tilespmem:v25+s12+$0x0] =	vst.idx.msk $0xffff, v24;
	v24 =	vld [tilespmem:s14+$0xFFFFFFC0];
	v25 =	vadd.s32 v7, v10  }
0x9d: {  	s26 =	simm.s32 $0xB;
	v19 =	vadd.s32 v6, v9;
	[tilespmem:v27+s12+$0x0] =	vst.idx.msk $0xffff, v26;
	v16 =	vld [tilespmem:s17+$0xFFFFFFF0]  }
0x9e: {  	s24 =	simm.s32 $0xC;
	p1 =	por $0x1, $0x1;
	s23 =	simm.s32 $0x22F0;
	v20 =	vadd.s32 v6, v14;
	v17 =	vld [tilespmem:s17+$0xFFFFFF30];
	[tilespmem:v11+s12+$0x0] =	vst.idx.msk $0xffff, v18  }
.LBB2_9:
0x9f: {  	p2 =	slt.u32 s24, $0x7C;
	v10 =	vmov s26;
	[tilespmem:v23+s12+$0x0] =	vst.idx.msk $0xffff, v22;
	v11 =	vld [tilespmem:s23+$0xFFFFFF40];
	v18 =	vadd.s32 v7, v8;
	v8 =	vmov v14;
	s23 =	smov.u32 s17  }
0xa0: {  	v14 =	vmov s18;
	v23 =	vadd.s32 v6, v12;
	s17 =	sadd.s32 $0x100, s17;
	v10 =	vand.u32 $0x7F, v10;
	v22 =	vld [tilespmem:s23+$0xFFFFFF70];
	[tilespmem:v21+s12+$0x0] =	vst.idx.msk $0xffff, v15  }
0xa1: {  	s26 =	sadd.s32 $0x1, s18;
	v14 =	vand.u32 $0x7C, v14;
	v15 =	vld [tilespmem:s17+$0xFFFFFFD0];
	v21 =	vadd.s32 v4, v10;
	[tilespmem:v25+s12+$0x0] =	vst.idx.msk $0xffff, v24  }
0xa2: {  	v26 =	vmov s26;
	s26 =	sadd.s32 $0x2, s18;
	s18 =	smov.u32 s24;
	v25 =	vadd.s32 v4, v14;
	v24 =	vld [tilespmem:s17+$0xFFFFFF10];
	[tilespmem:v19+s12+$0x0] =	vst.idx.msk $0xffff, v16  }
0xa3: {  	v16 =	vand.u32 $0x7D, v26;
	v19 =	vmov s26;
	[tilespmem:v20+s12+$0x0] =	vst.idx.msk $0xffff, v17;
	v17 =	vld [tilespmem:s23+$0x0];
	v20 =	vadd.s32 v7, v9;
	v9 =	vmovc v10  }
0xa4: {  	v26 =	vadd.s32 v4, v16;
	v19 =	vand.u32 $0x7E, v19;
	v10 =	vld [tilespmem:s17+$0xFFFFFF50];
	[tilespmem:v18+s12+$0x0] =	vst.idx.msk $0xffff, v11  }
0xa5: {  	v18 =	vadd.s32 v4, v19;
	v11 =	vld [tilespmem:s17+$0xFFFFFF90];
	[tilespmem:v23+s12+$0x0] =	vst.idx.msk $0xffff, v22  }
0xa6: {  	v28 =	vadd.s32 v6, v13;
	[tilespmem:v21+s12+$0x0] =	vst.idx.msk $0xffff, v15;
	v27 =	vld [tilespmem:s23+$0xFFFFFFB0]  }
0xa7: {  	[tilespmem:v25+s12+$0x0] =	vst.idx.msk $0xffff, v24;
	v24 =	vld [tilespmem:s17+$0xFFFFFFE0];
	v25 =	vadd.s32 v5, v9  }
0xa8: {  	v30 =	vadd.s32 v5, v14;
	v29 =	vld [tilespmem:s17+$0xFFFFFF20];
	[tilespmem:v20+s12+$0x0] =	vst.idx.msk $0xffff, v17  }
0xa9: {  	[tilespmem:v26+s12+$0x0] =	vst.idx.msk $0xffff, v10;
	v10 =	vld [tilespmem:s23+$0xFFFFFF80];
	v26 =	vadd.s32 v7, v12;
	v12 =	vmov v16  }
.Ltmp4:
0xaa: {  	v22 =	vld [tilespmem:s17+$0xFFFFFF60];
	v23 =	vadd.s32 v5, v12;
	[tilespmem:v18+s12+$0x0] =	vst.idx.msk $0xffff, v11;
	(pc) =	sbr.rel @p2 .LBB2_9-.Ltmp4, $4  }
0xab: {  	v21 =	vadd.s32 v5, v19;
	v15 =	vld [tilespmem:s17+$0xFFFFFFA0];
	[tilespmem:v28+s12+$0x0] =	vst.idx.msk $0xffff, v27  }
0xac: {  	[tilespmem:v25+s12+$0x0] =	vst.idx.msk $0xffff, v24;
	v24 =	vld [tilespmem:s23+$0xFFFFFFC0];
	v25 =	vadd.s32 v7, v13;
	v13 =	vmov v19  }
0xad: {  	v19 =	vadd.s32 v6, v9;
	[tilespmem:v30+s12+$0x0] =	vst.idx.msk $0xffff, v29;
	v16 =	vld [tilespmem:s17+$0xFFFFFFF0]  }
0xae: {  	s24 =	sadd.s32 $0x4, s24;
	s26 =	sadd.s32 $0x3, s18;
	v20 =	vadd.s32 v6, v14;
	v17 =	vld [tilespmem:s17+$0xFFFFFF30];
	[tilespmem:v26+s12+$0x0] =	vst.idx.msk $0xffff, v10  }
0xaf: {  	v26 =	vmovc v8;
	v8 =	vmovc v14;
	s24 =	smov.u32 s18;
	v11 =	vmov v12;
	v18 =	vmov v9;
	v10 =	vmov v13  }
.LBB2_11:
0xb0: {  	_ =	sdelay $0x3  }
0xb1: {  	v9 =	vmov s26;
	[tilespmem:v23+s12+$0x0] =	vst.idx.msk @p0 $0xffff, v22;
	v12 =	vld @p1 [tilespmem:s23+$0xFFFFFF40];
	s18 =	smov.u32 @p0 s17;
	s17 =	sadd.s32 @p0 $0x100, s17  }
0xb2: {  	s28 =	sadd.s32 $0x1, s24;
	v13 =	vadd.s32 @p1 v7, v26;
	v37 =	vmov s24;
	v9 =	vand.u32 $0x7F, v9;
	v14 =	vld @p0 [tilespmem:s18+$0xFFFFFF70];
	s14 =	smov.u32 @p0 s17  }
0xb3: {  	[tilespmem:v21+s12+$0x0] =	vst.idx.msk @p0 $0xffff, v15;
	v33 =	vmov s28;
	s17 =	sadd.s32 $0x2, s24;
	v26 =	vand.u32 $0x7C, v37;
	v34 =	vld [tilespmem:s14+$0xFFFFFFD0];
	v35 =	vadd.s32 v4, v9  }
0xb4: {  	[tilespmem:v25+s12+$0x0] =	vst.idx.msk @p1 $0xffff, v24;
	v22 =	vand.u32 $0x7D, v33;
	v36 =	vmov s17;
	v42 =	vld [tilespmem:s14+$0xFFFFFF10];
	v43 =	vadd.s32 v4, v26  }
0xb5: {  	v38 =	vld [tilespmem:s14+$0xFFFFFF50];
	[tilespmem:v19+s12+$0x0] =	vst.idx.msk @p0 $0xffff, v16;
	v39 =	vadd.s32 v4, v22;
	v23 =	vand.u32 $0x7E, v36  }
0xb6: {  	v40 =	vld [tilespmem:s14+$0xFFFFFF90];
	[tilespmem:v20+s12+$0x0] =	vst.idx.msk @p0 $0xffff, v17;
	v41 =	vadd.s32 v4, v23  }
0xb7: {  	v21 =	vadd.s32 @p0 v6, v10;
	v15 =	vld @p0 [tilespmem:s18+$0xFFFFFFB0];
	[tilespmem:v13+s12+$0x0] =	vst.idx.msk @p1 $0xffff, v12  }
0xb8: {  	v12 =	vadd.s32 @p0 v6, v11;
	v13 =	vld @p0 [tilespmem:s18+$0x0];
	[tilespmem:v35+s12+$0x0] =	vst.idx.msk $0xffff, v34  }
0xb9: {  	v45 =	vadd.s32 v5, v9;
	[tilespmem:v43+s12+$0x0] =	vst.idx.msk $0xffff, v42;
	v44 =	vld [tilespmem:s14+$0xFFFFFFE0]  }
0xba: {  	v51 =	vadd.s32 v5, v26;
	[tilespmem:v39+s12+$0x0] =	vst.idx.msk $0xffff, v38;
	v50 =	vld [tilespmem:s14+$0xFFFFFF20]  }
0xbb: {  	v47 =	vadd.s32 v5, v22;
	[tilespmem:v41+s12+$0x0] =	vst.idx.msk $0xffff, v40;
	v46 =	vld [tilespmem:s14+$0xFFFFFF60]  }
0xbc: {  	v49 =	vadd.s32 v5, v23;
	[tilespmem:v21+s12+$0x0] =	vst.idx.msk @p0 $0xffff, v15;
	v48 =	vld [tilespmem:s14+$0xFFFFFFA0]  }
0xbd: {  	v18 =	vadd.s32 @p0 v7, v18;
	v21 =	vld @p0 [tilespmem:s18+$0xFFFFFFC0];
	[tilespmem:v12+s12+$0x0] =	vst.idx.msk @p0 $0xffff, v14  }
0xbe: {  	v11 =	vadd.s32 @p0 v7, v11;
	v15 =	vld @p0 [tilespmem:s18+$0xFFFFFF80];
	[tilespmem:v45+s12+$0x0] =	vst.idx.msk $0xffff, v44  }
0xbf: {  	v52 =	vadd.s32 v6, v9;
	[tilespmem:v51+s12+$0x0] =	vst.idx.msk $0xffff, v50;
	v24 =	vld [tilespmem:s14+$0xFFFFFFF0]  }
0xc0: {  	v57 =	vadd.s32 v6, v26;
	[tilespmem:v47+s12+$0x0] =	vst.idx.msk $0xffff, v46;
	v56 =	vld [tilespmem:s14+$0xFFFFFF30]  }
0xc1: {  	v53 =	vadd.s32 v6, v22;
	v16 =	vld [tilespmem:s14+$0xFFFFFF70];
	[tilespmem:v49+s12+$0x0] =	vst.idx.msk $0xffff, v48  }
0xc2: {  	v10 =	vadd.s32 @p0 v7, v10;
	v55 =	vadd.s32 v6, v23;
	[tilespmem:v18+s12+$0x0] =	vst.idx.msk @p0 $0xffff, v13;
	v54 =	vld [tilespmem:s14+$0xFFFFFFB0]  }
0xc3: {  	v8 =	vpsel p0, v8, v0;
	v10 =	vpsel p0, v10, v0;
	s17 =	smov.u32 @p0 s18;
	[tilespmem:v11+s12+$0x0] =	vst.idx.msk @p0 $0xffff, v15  }
0xc4: {  	v8 =	vadd.s32 @p0 v7, v8;
	v11 =	vld @p0 [tilespmem:s17+$0xFFFFFF40];
	[tilespmem:v52+s12+$0x0] =	vst.idx.msk $0xffff, v24  }
0xc5: {  	v9 =	vadd.s32 v7, v9;
	[tilespmem:v57+s12+$0x0] =	vst.idx.msk $0xffff, v56;
	v58 =	vld [tilespmem:s14+$0x0]  }
0xc6: {  	v63 =	vadd.s32 v7, v26;
	[tilespmem:v53+s12+$0x0] =	vst.idx.msk $0xffff, v16;
	v62 =	vld [tilespmem:s14+$0xFFFFFF40]  }
0xc7: {  	v59 =	vadd.s32 v7, v22;
	v12 =	vpsel p0, v21, v0;
	v16 =	vld [tilespmem:s14+$0xFFFFFF80];
	[tilespmem:v55+s12+$0x0] =	vst.idx.msk $0xffff, v54  }
0xc8: {  	v61 =	vadd.s32 v7, v23;
	[tilespmem:v10+s12+$0x0] =	vst.idx.msk @p0 $0xffff, v12;
	v60 =	vld [tilespmem:s14+$0xFFFFFFC0]  }
0xc9: {  	[tilespmem:v8+s12+$0x0] =	vst.idx.msk @p0 $0xffff, v11  }
0xca: {  	[tilespmem:v9+s12+$0x0] =	vst.idx.msk $0xffff, v58  }
0xcb: {  	[tilespmem:v63+s12+$0x0] =	vst.idx.msk $0xffff, v62  }
0xcc: {  	[tilespmem:v59+s12+$0x0] =	vst.idx.msk $0xffff, v16  }
0xcd: {  	[tilespmem:v61+s12+$0x0] =	vst.idx.msk $0xffff, v60  }
0xce: {  	s26 =	rddreg [dreg:$0x8]  }
0xcf: {  	[tilespmem:s6], [sflag:$0x1] =	stream.linear.gather [hbm4b:s26+s6], $0x80, $0x38;
	[tilespmem:$0x10A00] =	vst v63  }
0xd0: {  	s28 =	rddreg [dreg:$0x9]  }
0xd1: {  	[tilespmem:s29], [sflag:$0x1] =	stream.linear.gather [hbm4b:s28+s6], $0x80, $0x38;
	[tilespmem:$0x10A00] =	vst v63  }
0xd2: {  	s14 =	simm.s32 $0x8200  }
0xd3: {  	[hbm4b:s11+s4] =	stream.linear.scatter [tilespmem:s14], [sflag:$0x5], $0x80, $0x38;
	[tilespmem:$0x10A00] =	vst v63  }
0xd4: {  	s18 =	sadd.s32 $0x10, s11;
	s17 =	simm.s32 $0x8288  }
0xd5: {  	[hbm4b:s18+s4] =	stream.linear.scatter [tilespmem:s17], [sflag:$0x5], $0x80, $0x38;
	[tilespmem:$0x10A00] =	vst v63  }
0xd6: {  	s23 =	simm.s32 $0x8310;
	s24 =	sadd.s32 $0x20, s11;
	s26 =	simm.s32 $0x8398  }
0xd7: {  	[hbm4b:s24+s4] =	stream.linear.scatter [tilespmem:s23], [sflag:$0x5], $0x80, $0x38;
	[tilespmem:$0x10A00] =	vst v63  }
0xd8: {  	s28 =	sadd.s32 $0x30, s11;
	s6 =	simm.s32 $0x440;
	s14 =	sadd.s32 $0x1000, s11  }
0xd9: {  	[hbm4b:s28+s4] =	stream.linear.scatter [tilespmem:s26], [sflag:$0x5], $0x80, $0x38;
	[tilespmem:$0x10A00] =	vst v63  }
0xda: {  	s17 =	simm.s32 $0x8420;
	s18 =	sadd.s32 $0x40, s11;
	s23 =	simm.s32 $0x84A8  }
0xdb: {  	[hbm4b:s18+s4] =	stream.linear.scatter [tilespmem:s17], [sflag:$0x5], $0x80, $0x38;
	[tilespmem:$0x10A00] =	vst v63  }
0xdc: {  	s24 =	sadd.s32 $0x50, s11;
	s26 =	simm.s32 $0x8530;
	s28 =	sadd.s32 $0x60, s11  }
0xdd: {  	[hbm4b:s24+s4] =	stream.linear.scatter [tilespmem:s23], [sflag:$0x5], $0x80, $0x38;
	[tilespmem:$0x10A00] =	vst v63  }
0xde: {  	s17 =	simm.s32 $0x2200;
	s18 =	simm.s32 $0x85B8;
	s23 =	sadd.s32 $0x70, s11  }
0xdf: {  	[hbm4b:s28+s4] =	stream.linear.scatter [tilespmem:s26], [sflag:$0x5], $0x80, $0x38;
	[tilespmem:$0x10A00] =	vst v63  }
.LBB2_12:
0xe0: {  	[hbm4b:s23+s4] =	stream.linear.scatter [tilespmem:s18], [sflag:$0x5], $0x80, $0x38;
	[tilespmem:$0x10A00] =	vst v63  }
0xe1: {  	s18 =	smov.u32 s6;
	s6 =	smov.u32 s17  }
0xe2: {  	s24 =	sadd.s32 $0x1100, s17;
	s6 =	sshra.s32 s6, $0x2;
	s23 =	sadd.s32 $0x8200, s18  }
0xe3: {  	[hbm4b:s14+s4] =	stream.linear.scatter [tilespmem:s23], [sflag:$0x5], $0x80, $0x38;
	[tilespmem:$0x10A00] =	vst v63  }
0xe4: {  	p0 =	sne.s32 s17, $0x7700;
	s17 =	sadd.s32 $0x8288, s18;
	s23 =	sadd.s32 $0x10, s14  }
0xe5: {  	[hbm4b:s23+s4] =	stream.linear.scatter [tilespmem:s17], [sflag:$0x5], $0x80, $0x38;
	[tilespmem:$0x10A00] =	vst v63  }
0xe6: {  	s17 =	sadd.s32 $0x8310, s18;
	s23 =	sadd.s32 $0x20, s14  }
0xe7: {  	[hbm4b:s23+s4] =	stream.linear.scatter [tilespmem:s17], [sflag:$0x5], $0x80, $0x38;
	[tilespmem:$0x10A00] =	vst v63  }
0xe8: {  	s17 =	sadd.s32 $0x8398, s18;
	s23 =	sadd.s32 $0x30, s14  }
0xe9: {  	[hbm4b:s23+s4] =	stream.linear.scatter [tilespmem:s17], [sflag:$0x5], $0x80, $0x38;
	[tilespmem:$0x10A00] =	vst v63  }
0xea: {  	s17 =	sadd.s32 $0x8420, s18;
	s23 =	sadd.s32 $0x40, s14  }
0xeb: {  	[hbm4b:s23+s4] =	stream.linear.scatter [tilespmem:s17], [sflag:$0x5], $0x80, $0x38;
	[tilespmem:$0x10A00] =	vst v63  }
.Ltmp5:
0xec: {  	s17 =	sadd.s32 $0x84A8, s18;
	s23 =	sadd.s32 $0x50, s14;
	(pc) =	sbr.rel @p0 .LBB2_12-.Ltmp5, $4  }
0xed: {  	[hbm4b:s23+s4] =	stream.linear.scatter [tilespmem:s17], [sflag:$0x5], $0x80, $0x38;
	[tilespmem:$0x10A00] =	vst v63  }
0xee: {  	s17 =	sadd.s32 $0x8530, s18;
	s23 =	sadd.s32 $0x60, s14;
	s18 =	sadd.s32 $0x85B8, s18  }
0xef: {  	[hbm4b:s23+s4] =	stream.linear.scatter [tilespmem:s17], [sflag:$0x5], $0x80, $0x38;
	[tilespmem:$0x10A00] =	vst v63  }
0xf0: {  	s23 =	sadd.s32 $0x70, s14;
	s14 =	sadd.s32 $0x1000, s14;
	s17 =	smov.u32 s24  }
0xf1: {  	[hbm4b:s23+s4] =	stream.linear.scatter [tilespmem:s18], [sflag:$0x5], $0x80, $0x38;
	[tilespmem:$0x10A00] =	vst v63  }
0xf2: {  	s17 =	sadd.s32 $0x8200, s6  }
0xf3: {  	[hbm4b:s14+s4] =	stream.linear.scatter [tilespmem:s17], [sflag:$0x5], $0x80, $0x38;
	[tilespmem:$0x10A00] =	vst v63  }
0xf4: {  	s26 =	sadd.s32 $0x8288, s6;
	s28 =	sadd.s32 $0x10, s14  }
0xf5: {  	[hbm4b:s28+s4] =	stream.linear.scatter [tilespmem:s26], [sflag:$0x5], $0x80, $0x38;
	[tilespmem:$0x10A00] =	vst v63  }
0xf6: {  	s23 =	sadd.s32 $0x8310, s6;
	s24 =	sadd.s32 $0x20, s14  }
0xf7: {  	[hbm4b:s24+s4] =	stream.linear.scatter [tilespmem:s23], [sflag:$0x5], $0x80, $0x38;
	[tilespmem:$0x10A00] =	vst v63  }
0xf8: {  	s26 =	sadd.s32 $0x8398, s6;
	s28 =	sadd.s32 $0x30, s14  }
0xf9: {  	[hbm4b:s28+s4] =	stream.linear.scatter [tilespmem:s26], [sflag:$0x5], $0x80, $0x38;
	[tilespmem:$0x10A00] =	vst v63  }
0xfa: {  	s23 =	sadd.s32 $0x8420, s6;
	s24 =	sadd.s32 $0x40, s14  }
0xfb: {  	[hbm4b:s24+s4] =	stream.linear.scatter [tilespmem:s23], [sflag:$0x5], $0x80, $0x38;
	[tilespmem:$0x10A00] =	vst v63  }
0xfc: {  	s26 =	sadd.s32 $0x84A8, s6;
	s28 =	sadd.s32 $0x50, s14  }
0xfd: {  	[hbm4b:s28+s4] =	stream.linear.scatter [tilespmem:s26], [sflag:$0x5], $0x80, $0x38;
	[tilespmem:$0x10A00] =	vst v63  }
0xfe: {  	s18 =	sadd.s32 $0x8530, s6;
	s23 =	sadd.s32 $0x60, s14  }
0xff: {  	[hbm4b:s23+s4] =	stream.linear.scatter [tilespmem:s18], [sflag:$0x5], $0x80, $0x38;
	[tilespmem:$0x10A00] =	vst v63  }
0x100: {  	s24 =	sadd.s32 $0x85B8, s6;
	s26 =	sadd.s32 $0x70, s14  }
0x101: {  	[hbm4b:s26+s4] =	stream.linear.scatter [tilespmem:s24], [sflag:$0x5], $0x80, $0x38;
	[tilespmem:$0x10A00] =	vst v63  }
0x102: {  	s28 =	simm.s32 $0xA400;
	s24 =	rddreg [dreg:$0xa]  }
0x103: {  	[hbm4b:s24+s4] =	stream.linear.scatter [tilespmem:s28], [sflag:$0x5], $0x80, $0x38;
	[tilespmem:$0x10A00] =	vst v63  }
0x104: {  	s14 =	simm.s32 $0xA488;
	s17 =	sadd.s32 $0x10, s24  }
0x105: {  	[hbm4b:s17+s4] =	stream.linear.scatter [tilespmem:s14], [sflag:$0x5], $0x80, $0x38;
	[tilespmem:$0x10A00] =	vst v63  }
0x106: {  	s6 =	simm.s32 $0x440;
	s18 =	simm.s32 $0xA510;
	s23 =	sadd.s32 $0x20, s24  }
0x107: {  	[hbm4b:s23+s4] =	stream.linear.scatter [tilespmem:s18], [sflag:$0x5], $0x80, $0x38;
	[tilespmem:$0x10A00] =	vst v63  }
0x108: {  	s26 =	simm.s32 $0xA598;
	s28 =	sadd.s32 $0x30, s24;
	s14 =	simm.s32 $0xA620  }
0x109: {  	[hbm4b:s28+s4] =	stream.linear.scatter [tilespmem:s26], [sflag:$0x5], $0x80, $0x38;
	[tilespmem:$0x10A00] =	vst v63  }
0x10a: {  	s17 =	sadd.s32 $0x40, s24;
	s18 =	simm.s32 $0xA6A8;
	s23 =	sadd.s32 $0x50, s24  }
0x10b: {  	[hbm4b:s17+s4] =	stream.linear.scatter [tilespmem:s14], [sflag:$0x5], $0x80, $0x38;
	[tilespmem:$0x10A00] =	vst v63  }
0x10c: {  	s26 =	simm.s32 $0xA730;
	s28 =	sadd.s32 $0x60, s24;
	s17 =	simm.s32 $0x2200  }
0x10d: {  	[hbm4b:s23+s4] =	stream.linear.scatter [tilespmem:s18], [sflag:$0x5], $0x80, $0x38;
	[tilespmem:$0x10A00] =	vst v63  }
0x10e: {  	s14 =	sadd.s32 $0x1000, s24;
	s18 =	simm.s32 $0xA7B8;
	s23 =	sadd.s32 $0x70, s24  }
0x10f: {  	[hbm4b:s28+s4] =	stream.linear.scatter [tilespmem:s26], [sflag:$0x5], $0x80, $0x38;
	[tilespmem:$0x10A00] =	vst v63  }
.LBB2_14:
0x110: {  	[hbm4b:s23+s4] =	stream.linear.scatter [tilespmem:s18], [sflag:$0x5], $0x80, $0x38;
	[tilespmem:$0x10A00] =	vst v63  }
0x111: {  	s18 =	smov.u32 s6;
	s6 =	smov.u32 s17  }
0x112: {  	s24 =	sadd.s32 $0x1100, s17;
	s6 =	sshra.s32 s6, $0x2;
	s23 =	sadd.s32 $0xA400, s18  }
0x113: {  	[hbm4b:s14+s4] =	stream.linear.scatter [tilespmem:s23], [sflag:$0x5], $0x80, $0x38;
	[tilespmem:$0x10A00] =	vst v63  }
0x114: {  	p0 =	sne.s32 s17, $0x7700;
	s17 =	sadd.s32 $0xA488, s18;
	s23 =	sadd.s32 $0x10, s14  }
0x115: {  	[hbm4b:s23+s4] =	stream.linear.scatter [tilespmem:s17], [sflag:$0x5], $0x80, $0x38;
	[tilespmem:$0x10A00] =	vst v63  }
0x116: {  	s17 =	sadd.s32 $0xA510, s18;
	s23 =	sadd.s32 $0x20, s14  }
0x117: {  	[hbm4b:s23+s4] =	stream.linear.scatter [tilespmem:s17], [sflag:$0x5], $0x80, $0x38;
	[tilespmem:$0x10A00] =	vst v63  }
0x118: {  	s17 =	sadd.s32 $0xA598, s18;
	s23 =	sadd.s32 $0x30, s14  }
0x119: {  	[hbm4b:s23+s4] =	stream.linear.scatter [tilespmem:s17], [sflag:$0x5], $0x80, $0x38;
	[tilespmem:$0x10A00] =	vst v63  }
0x11a: {  	s17 =	sadd.s32 $0xA620, s18;
	s23 =	sadd.s32 $0x40, s14  }
0x11b: {  	[hbm4b:s23+s4] =	stream.linear.scatter [tilespmem:s17], [sflag:$0x5], $0x80, $0x38;
	[tilespmem:$0x10A00] =	vst v63  }
.Ltmp6:
0x11c: {  	s17 =	sadd.s32 $0xA6A8, s18;
	s23 =	sadd.s32 $0x50, s14;
	(pc) =	sbr.rel @p0 .LBB2_14-.Ltmp6, $4  }
0x11d: {  	[hbm4b:s23+s4] =	stream.linear.scatter [tilespmem:s17], [sflag:$0x5], $0x80, $0x38;
	[tilespmem:$0x10A00] =	vst v63  }
0x11e: {  	s17 =	sadd.s32 $0xA730, s18;
	s23 =	sadd.s32 $0x60, s14;
	s18 =	sadd.s32 $0xA7B8, s18  }
0x11f: {  	[hbm4b:s23+s4] =	stream.linear.scatter [tilespmem:s17], [sflag:$0x5], $0x80, $0x38;
	[tilespmem:$0x10A00] =	vst v63  }
0x120: {  	s23 =	sadd.s32 $0x70, s14;
	s14 =	sadd.s32 $0x1000, s14;
	s17 =	smov.u32 s24  }
0x121: {  	[hbm4b:s23+s4] =	stream.linear.scatter [tilespmem:s18], [sflag:$0x5], $0x80, $0x38;
	[tilespmem:$0x10A00] =	vst v63  }
0x122: {  	s17 =	sadd.s32 $0xA400, s6  }
0x123: {  	[hbm4b:s14+s4] =	stream.linear.scatter [tilespmem:s17], [sflag:$0x5], $0x80, $0x38;
	[tilespmem:$0x10A00] =	vst v63  }
0x124: {  	s23 =	sadd.s32 $0xA488, s6;
	s24 =	sadd.s32 $0x10, s14  }
0x125: {  	[hbm4b:s24+s4] =	stream.linear.scatter [tilespmem:s23], [sflag:$0x5], $0x80, $0x38;
	[tilespmem:$0x10A00] =	vst v63  }
0x126: {  	s26 =	sadd.s32 $0xA510, s6;
	s28 =	sadd.s32 $0x20, s14  }
0x127: {  	[hbm4b:s28+s4] =	stream.linear.scatter [tilespmem:s26], [sflag:$0x5], $0x80, $0x38;
	[tilespmem:$0x10A00] =	vst v63  }
0x128: {  	s23 =	sadd.s32 $0xA598, s6;
	s24 =	sadd.s32 $0x30, s14  }
0x129: {  	[hbm4b:s24+s4] =	stream.linear.scatter [tilespmem:s23], [sflag:$0x5], $0x80, $0x38;
	[tilespmem:$0x10A00] =	vst v63  }
0x12a: {  	s26 =	sadd.s32 $0xA620, s6;
	s28 =	sadd.s32 $0x40, s14  }
0x12b: {  	[hbm4b:s28+s4] =	stream.linear.scatter [tilespmem:s26], [sflag:$0x5], $0x80, $0x38;
	[tilespmem:$0x10A00] =	vst v63  }
0x12c: {  	s23 =	sadd.s32 $0xA6A8, s6;
	s24 =	sadd.s32 $0x50, s14  }
0x12d: {  	[hbm4b:s24+s4] =	stream.linear.scatter [tilespmem:s23], [sflag:$0x5], $0x80, $0x38;
	[tilespmem:$0x10A00] =	vst v63  }
0x12e: {  	s26 =	sadd.s32 $0xA730, s6;
	s28 =	sadd.s32 $0x60, s14  }
0x12f: {  	[hbm4b:s28+s4] =	stream.linear.scatter [tilespmem:s26], [sflag:$0x5], $0x80, $0x38;
	[tilespmem:$0x10A00] =	vst v63  }
0x130: {  	s23 =	sadd.s32 $0xA7B8, s6;
	s24 =	sadd.s32 $0x70, s14  }
0x131: {  	[hbm4b:s24+s4] =	stream.linear.scatter [tilespmem:s23], [sflag:$0x5], $0x80, $0x38;
	[tilespmem:$0x10A00] =	vst v63  }
0x132: {  	_ =	swait.ge [sflag:s2], $0x80  }
0x133: {  	[sflag:s2] =	ssyncset.done $0x0  }
0x134: {  	[sflag:s2] =	ssyncadd.s32 $0xFFFFFF80  }
0x135: {  	_ =	swait.ge [sflag:s2], $0x80  }
0x136: {  	[sflag:s2] =	ssyncset.done $0x0  }
0x137: {  	s26 =	simm.s32 $0x0;
	[sflag:s2] =	ssyncadd.s32 $0xFFFFFF80  }
0x138: {  	[tilespmem:s0], [sflag:$0x3] =	stream.indirect.gather [hbm4b:s7+s30], $0x40, s26, s30, $0xb8;
	[tilespmem:$0x10A00] =	vst v63  }
0x139: {  	s28 =	simm.s32 $0x3;
	_ =	swait.ge [sflag:s13], $0x4000  }
0x13a: {  	v8 =	vmov s28;
	[sflag:s13] =	ssyncset.done $0x0  }
0x13b: {  	s17 =	simm.s32 $0x4280;
	v14 =	vand.u32 $0x7F, v8;
	[sflag:s13] =	ssyncadd.s32 $0xFFFFC000  }
0x13c: {  	s14 =	simm.s32 $0x1;
	v8 =	vmov s26;
	v11 =	vadd.s32 v0, v14;
	v10 =	vld [tilespmem:s17+$0x40]  }
0x13d: {  	v9 =	vand.u32 $0x7C, v8;
	v8 =	vmov s14  }
0x13e: {  	v16 =	vadd.s32 v0, v9;
	v13 =	vand.u32 $0x7D, v8;
	v15 =	vld [tilespmem:s17+$0xFFFFFF80]  }
0x13f: {  	v17 =	vadd.s32 v0, v13;
	v8 =	vld [tilespmem:s17+$0xFFFFFFC0]  }
0x140: {  	s18 =	simm.s32 $0x2  }
0x141: {  	v12 =	vmov s18;
	[tilespmem:v11+s15+$0x0] =	vst.idx.msk $0xffff, v10  }
0x142: {  	v12 =	vand.u32 $0x7E, v12;
	v11 =	vadd.s32 v1, v14;
	v10 =	vld [tilespmem:s17+$0x50]  }
0x143: {  	v19 =	vadd.s32 v0, v12;
	v18 =	vld [tilespmem:s17+$0x0];
	[tilespmem:v16+s15+$0x0] =	vst.idx.msk $0xffff, v15  }
0x144: {  	v16 =	vadd.s32 v1, v9;
	[tilespmem:v17+s15+$0x0] =	vst.idx.msk $0xffff, v8;
	v15 =	vld [tilespmem:s17+$0xFFFFFF90]  }
0x145: {  	v17 =	vadd.s32 v1, v13;
	v8 =	vld [tilespmem:s17+$0xFFFFFFD0];
	_ =	sdelay $0x1  }
0x146: {  	[tilespmem:v11+s15+$0x0] =	vst.idx.msk $0xffff, v10  }
0x147: {  	[tilespmem:v19+s15+$0x0] =	vst.idx.msk $0xffff, v18;
	v18 =	vadd.s32 v2, v14;
	v10 =	vld [tilespmem:s17+$0x60]  }
0x148: {  	v20 =	vadd.s32 v1, v12;
	s23 =	simm.s32 $0x7;
	v19 =	vld [tilespmem:s17+$0x10];
	[tilespmem:v16+s15+$0x0] =	vst.idx.msk $0xffff, v15  }
0x149: {  	s24 =	simm.s32 $0x4;
	v22 =	vadd.s32 v2, v9;
	v11 =	vmov s23;
	[tilespmem:v17+s15+$0x0] =	vst.idx.msk $0xffff, v8;
	v21 =	vld [tilespmem:s17+$0xFFFFFFA0]  }
0x14a: {  	s14 =	simm.s32 $0x4380;
	v23 =	vadd.s32 v2, v13;
	v15 =	vmov s24;
	v11 =	vand.u32 $0x7F, v11;
	v17 =	vld [tilespmem:s17+$0xFFFFFFE0]  }
0x14b: {  	s26 =	simm.s32 $0x5;
	v24 =	vld [tilespmem:s14+$0x40];
	v16 =	vand.u32 $0x7C, v15;
	v25 =	vadd.s32 v0, v11  }
0x14c: {  	s28 =	simm.s32 $0x6;
	v26 =	vld [tilespmem:s14+$0xFFFFFF80];
	v8 =	vmov s26;
	v27 =	vadd.s32 v0, v16;
	[tilespmem:v18+s15+$0x0] =	vst.idx.msk $0xffff, v10  }
0x14d: {  	[tilespmem:v20+s15+$0x0] =	vst.idx.msk $0xffff, v19;
	v19 =	vadd.s32 v3, v14;
	v10 =	vand.u32 $0x7D, v8;
	v8 =	vmov s28;
	v18 =	vld [tilespmem:s17+$0x70]  }
0x14e: {  	v20 =	vld [tilespmem:s14+$0xFFFFFFC0];
	[tilespmem:v22+s15+$0x0] =	vst.idx.msk $0xffff, v21;
	v21 =	vadd.s32 v0, v10;
	v8 =	vand.u32 $0x7E, v8  }
0x14f: {  	v22 =	vld [tilespmem:s14+$0x0];
	[tilespmem:v23+s15+$0x0] =	vst.idx.msk $0xffff, v17;
	v28 =	vadd.s32 v0, v8  }
0x150: {  	v17 =	vld [tilespmem:s17+$0x20];
	v23 =	vadd.s32 v2, v12;
	[tilespmem:v25+s15+$0x0] =	vst.idx.msk $0xffff, v24  }
0x151: {  	[tilespmem:v27+s15+$0x0] =	vst.idx.msk $0xffff, v26;
	v25 =	vadd.s32 v1, v11;
	v24 =	vld [tilespmem:s14+$0x50]  }
0x152: {  	v32 =	vadd.s32 v1, v16;
	v31 =	vld [tilespmem:s14+$0xFFFFFF90];
	[tilespmem:v19+s15+$0x0] =	vst.idx.msk $0xffff, v18  }
0x153: {  	[tilespmem:v21+s15+$0x0] =	vst.idx.msk $0xffff, v20;
	v18 =	vld [tilespmem:s17+$0xFFFFFFF0];
	v19 =	vadd.s32 v3, v13  }
0x154: {  	v30 =	vadd.s32 v1, v10;
	v29 =	vld [tilespmem:s14+$0xFFFFFFD0];
	[tilespmem:v28+s15+$0x0] =	vst.idx.msk $0xffff, v22  }
0x155: {  	[tilespmem:v23+s15+$0x0] =	vst.idx.msk $0xffff, v17;
	v28 =	vadd.s32 v1, v8;
	v26 =	vld [tilespmem:s14+$0x10]  }
0x156: {  	v27 =	vadd.s32 v3, v12;
	v23 =	vld [tilespmem:s17+$0x30];
	[tilespmem:v25+s15+$0x0] =	vst.idx.msk $0xffff, v24  }
0x157: {  	s18 =	simm.s32 $0x8;
	v17 =	vmov v8;
	[tilespmem:v32+s15+$0x0] =	vst.idx.msk $0xffff, v31;
	v24 =	vadd.s32 v2, v11;
	v21 =	vld [tilespmem:s14+$0x60]  }
0x158: {  	s6 =	simm.s32 $0x8;
	s24 =	simm.s32 $0xB;
	s23 =	simm.s32 $0xC;
	v20 =	vmovc v9;
	v25 =	vadd.s32 v2, v16;
	v22 =	vld [tilespmem:s14+$0xFFFFFFA0];
	[tilespmem:v19+s15+$0x0] =	vst.idx.msk $0xffff, v18;
	v18 =	vmov v10;
	v19 =	vmov v11  }
.LBB2_16:
0x159: {  	p0 =	slt.u32 s23, $0x7C;
	v31 =	vmov s24;
	[tilespmem:v30+s15+$0x0] =	vst.idx.msk $0xffff, v29;
	v29 =	vld [tilespmem:s17+$0xFFFFFFB0];
	v30 =	vadd.s32 v3, v20;
	v20 =	vmov v16;
	s17 =	smov.u32 s14  }
0x15a: {  	v16 =	vmov s18;
	v33 =	vadd.s32 v2, v18;
	s14 =	sadd.s32 $0x100, s14;
	v31 =	vand.u32 $0x7F, v31;
	v32 =	vld [tilespmem:s17+$0xFFFFFFE0];
	[tilespmem:v28+s15+$0x0] =	vst.idx.msk $0xffff, v26  }
0x15b: {  	s24 =	sadd.s32 $0x1, s18;
	v16 =	vand.u32 $0x7C, v16;
	v26 =	vld [tilespmem:s14+$0x40];
	v28 =	vadd.s32 v0, v31;
	[tilespmem:v27+s15+$0x0] =	vst.idx.msk $0xffff, v23  }
0x15c: {  	v34 =	vmov s24;
	s24 =	sadd.s32 $0x2, s18;
	s18 =	smov.u32 s23;
	v27 =	vadd.s32 v0, v16;
	v23 =	vld [tilespmem:s14+$0xFFFFFF80];
	[tilespmem:v24+s15+$0x0] =	vst.idx.msk $0xffff, v21  }
0x15d: {  	v21 =	vand.u32 $0x7D, v34;
	v24 =	vmov s24;
	[tilespmem:v25+s15+$0x0] =	vst.idx.msk $0xffff, v22;
	v22 =	vld [tilespmem:s17+$0x70];
	v25 =	vadd.s32 v3, v19;
	v19 =	vmovc v31  }
0x15e: {  	v34 =	vadd.s32 v0, v21;
	v24 =	vand.u32 $0x7E, v24;
	v31 =	vld [tilespmem:s14+$0xFFFFFFC0];
	[tilespmem:v30+s15+$0x0] =	vst.idx.msk $0xffff, v29  }
0x15f: {  	v36 =	vadd.s32 v0, v24;
	v35 =	vld [tilespmem:s14+$0x0];
	[tilespmem:v33+s15+$0x0] =	vst.idx.msk $0xffff, v32  }
0x160: {  	v33 =	vadd.s32 v2, v17;
	[tilespmem:v28+s15+$0x0] =	vst.idx.msk $0xffff, v26;
	v32 =	vld [tilespmem:s17+$0x20]  }
0x161: {  	[tilespmem:v27+s15+$0x0] =	vst.idx.msk $0xffff, v23;
	v23 =	vld [tilespmem:s14+$0x50];
	v27 =	vadd.s32 v1, v19  }
0x162: {  	v38 =	vadd.s32 v1, v16;
	v37 =	vld [tilespmem:s14+$0xFFFFFF90];
	[tilespmem:v25+s15+$0x0] =	vst.idx.msk $0xffff, v22  }
0x163: {  	[tilespmem:v34+s15+$0x0] =	vst.idx.msk $0xffff, v31;
	v31 =	vld [tilespmem:s17+$0xFFFFFFF0];
	v34 =	vadd.s32 v3, v18;
	v18 =	vmov v21  }
.Ltmp7:
0x164: {  	v29 =	vld [tilespmem:s14+$0xFFFFFFD0];
	v30 =	vadd.s32 v1, v18;
	[tilespmem:v36+s15+$0x0] =	vst.idx.msk $0xffff, v35;
	(pc) =	sbr.rel @p0 .LBB2_16-.Ltmp7, $4  }
0x165: {  	v28 =	vadd.s32 v1, v24;
	v26 =	vld [tilespmem:s14+$0x10];
	[tilespmem:v33+s15+$0x0] =	vst.idx.msk $0xffff, v32  }
0x166: {  	[tilespmem:v27+s15+$0x0] =	vst.idx.msk $0xffff, v23;
	v23 =	vld [tilespmem:s17+$0x30];
	v27 =	vadd.s32 v3, v17;
	v17 =	vmov v24  }
0x167: {  	v24 =	vadd.s32 v2, v19;
	[tilespmem:v38+s15+$0x0] =	vst.idx.msk $0xffff, v37;
	v21 =	vld [tilespmem:s14+$0x60]  }
0x168: {  	s23 =	sadd.s32 $0x4, s23;
	s24 =	sadd.s32 $0x3, s18;
	v25 =	vadd.s32 v2, v16;
	v22 =	vld [tilespmem:s14+$0xFFFFFFA0];
	[tilespmem:v34+s15+$0x0] =	vst.idx.msk $0xffff, v31  }
0x169: {  	_ =	sdelay $0x2  }
0x16a: {  	v31 =	vmov s24;
	s23 =	sadd.s32 $0x1, s18  }
0x16b: {  	[tilespmem:v30+s15+$0x0] =	vst.idx.msk $0xffff, v29;
	v40 =	vld [tilespmem:s17+$0xFFFFFFB0];
	v20 =	vadd.s32 v3, v20;
	s26 =	sadd.s32 $0x100, s14;
	s28 =	sadd.s32 $0x2, s18;
	v41 =	vand.u32 $0x7F, v31;
	v42 =	vmov s23  }
0x16c: {  	[tilespmem:v28+s15+$0x0] =	vst.idx.msk $0xffff, v26;
	v43 =	vld [tilespmem:s26+$0x40];
	v32 =	vmov s28;
	v44 =	vadd.s32 v0, v41;
	v31 =	vand.u32 $0x7D, v42  }
0x16d: {  	v33 =	vmov s18;
	[tilespmem:v27+s15+$0x0] =	vst.idx.msk $0xffff, v23;
	v23 =	vld [tilespmem:s26+$0xFFFFFFC0];
	v32 =	vand.u32 $0x7E, v32;
	v45 =	vadd.s32 v0, v31  }
0x16e: {  	v33 =	vand.u32 $0x7C, v33;
	[tilespmem:v24+s15+$0x0] =	vst.idx.msk $0xffff, v21;
	v21 =	vld [tilespmem:s26+$0x0];
	v46 =	vadd.s32 v0, v32  }
0x16f: {  	v34 =	vld [tilespmem:s26+$0xFFFFFF80];
	[tilespmem:v25+s15+$0x0] =	vst.idx.msk $0xffff, v22;
	v22 =	vadd.s32 v0, v33  }
0x170: {  	v47 =	vld [tilespmem:s14+$0xFFFFFFE0];
	[tilespmem:v20+s15+$0x0] =	vst.idx.msk $0xffff, v40;
	v20 =	vadd.s32 v2, v18  }
0x171: {  	v19 =	vadd.s32 v3, v19;
	v48 =	vld [tilespmem:s14+$0x70];
	[tilespmem:v44+s15+$0x0] =	vst.idx.msk $0xffff, v43  }
0x172: {  	v49 =	vadd.s32 v1, v41;
	v26 =	vld [tilespmem:s26+$0x50];
	[tilespmem:v45+s15+$0x0] =	vst.idx.msk $0xffff, v23  }
0x173: {  	v50 =	vadd.s32 v1, v31;
	[tilespmem:v46+s15+$0x0] =	vst.idx.msk $0xffff, v21;
	v23 =	vld [tilespmem:s26+$0xFFFFFFD0]  }
0x174: {  	[tilespmem:v22+s15+$0x0] =	vst.idx.msk $0xffff, v34;
	v21 =	vld [tilespmem:s26+$0x10];
	v22 =	vadd.s32 v1, v32  }
0x175: {  	v51 =	vadd.s32 v1, v33;
	[tilespmem:v20+s15+$0x0] =	vst.idx.msk $0xffff, v47;
	v20 =	vld [tilespmem:s26+$0xFFFFFF90]  }
0x176: {  	v53 =	vadd.s32 v2, v17;
	v52 =	vld [tilespmem:s14+$0x20];
	[tilespmem:v19+s15+$0x0] =	vst.idx.msk $0xffff, v48  }
0x177: {  	v18 =	vadd.s32 v3, v18;
	v19 =	vld [tilespmem:s14+$0xFFFFFFF0];
	[tilespmem:v49+s15+$0x0] =	vst.idx.msk $0xffff, v26  }
0x178: {  	v54 =	vadd.s32 v2, v41;
	v26 =	vld [tilespmem:s26+$0x60];
	[tilespmem:v50+s15+$0x0] =	vst.idx.msk $0xffff, v23  }
0x179: {  	v55 =	vadd.s32 v2, v31;
	[tilespmem:v22+s15+$0x0] =	vst.idx.msk $0xffff, v21;
	v23 =	vld [tilespmem:s26+$0xFFFFFFE0]  }
0x17a: {  	v21 =	vadd.s32 v2, v32;
	[tilespmem:v51+s15+$0x0] =	vst.idx.msk $0xffff, v20;
	v20 =	vld [tilespmem:s26+$0x20]  }
0x17b: {  	v56 =	vadd.s32 v2, v33;
	[tilespmem:v53+s15+$0x0] =	vst.idx.msk $0xffff, v52;
	v22 =	vld [tilespmem:s26+$0xFFFFFFA0]  }
0x17c: {  	v17 =	vadd.s32 v3, v17;
	v25 =	vld [tilespmem:s14+$0x30];
	[tilespmem:v18+s15+$0x0] =	vst.idx.msk $0xffff, v19  }
0x17d: {  	v16 =	vadd.s32 v3, v16;
	v18 =	vld [tilespmem:s14+$0xFFFFFFB0];
	[tilespmem:v54+s15+$0x0] =	vst.idx.msk $0xffff, v26  }
0x17e: {  	v57 =	vadd.s32 v3, v41;
	v19 =	vld [tilespmem:s26+$0x70];
	[tilespmem:v55+s15+$0x0] =	vst.idx.msk $0xffff, v23  }
0x17f: {  	v58 =	vadd.s32 v3, v31;
	[tilespmem:v21+s15+$0x0] =	vst.idx.msk $0xffff, v20;
	v23 =	vld [tilespmem:s26+$0xFFFFFFF0]  }
0x180: {  	v21 =	vadd.s32 v3, v32;
	[tilespmem:v56+s15+$0x0] =	vst.idx.msk $0xffff, v22;
	v20 =	vld [tilespmem:s26+$0x30]  }
0x181: {  	[tilespmem:v17+s15+$0x0] =	vst.idx.msk $0xffff, v25;
	v22 =	vadd.s32 v3, v33;
	v17 =	vld [tilespmem:s26+$0xFFFFFFB0]  }
0x182: {  	[tilespmem:v16+s15+$0x0] =	vst.idx.msk $0xffff, v18  }
0x183: {  	[tilespmem:v57+s15+$0x0] =	vst.idx.msk $0xffff, v19  }
0x184: {  	[tilespmem:v58+s15+$0x0] =	vst.idx.msk $0xffff, v23  }
0x185: {  	[tilespmem:v21+s15+$0x0] =	vst.idx.msk $0xffff, v20  }
0x186: {  	s17 =	simm.s32 $0x62F0;
	[tilespmem:v22+s15+$0x0] =	vst.idx.msk $0xffff, v17  }
0x187: {  	v17 =	vadd.s32 v4, v14;
	v16 =	vld [tilespmem:s17+$0xFFFFFFD0]  }
0x188: {  	v19 =	vadd.s32 v4, v9;
	v18 =	vld [tilespmem:s17+$0xFFFFFF10];
	_ =	sdelay $0x1  }
0x189: {  	v21 =	vadd.s32 v4, v13;
	v20 =	vld [tilespmem:s17+$0xFFFFFF50];
	_ =	sdelay $0x1  }
0x18a: {  	[tilespmem:v17+s15+$0x0] =	vst.idx.msk $0xffff, v16  }
0x18b: {  	v17 =	vadd.s32 v5, v14;
	[tilespmem:v19+s15+$0x0] =	vst.idx.msk $0xffff, v18;
	v16 =	vld [tilespmem:s17+$0xFFFFFFE0]  }
0x18c: {  	v19 =	vadd.s32 v5, v9;
	v18 =	vld [tilespmem:s17+$0xFFFFFF20]  }
0x18d: {  	v23 =	vadd.s32 v4, v12;
	v22 =	vld [tilespmem:s17+$0xFFFFFF90];
	[tilespmem:v21+s15+$0x0] =	vst.idx.msk $0xffff, v20  }
0x18e: {  	v21 =	vadd.s32 v5, v13;
	v20 =	vld [tilespmem:s17+$0xFFFFFF60]  }
0x18f: {  	s14 =	simm.s32 $0x63F0  }
0x190: {  	v59 =	vadd.s32 v4, v11;
	v24 =	vld [tilespmem:s14+$0xFFFFFFD0];
	[tilespmem:v17+s15+$0x0] =	vst.idx.msk $0xffff, v16  }
0x191: {  	v17 =	vadd.s32 v6, v14;
	[tilespmem:v19+s15+$0x0] =	vst.idx.msk $0xffff, v18;
	v16 =	vld [tilespmem:s17+$0xFFFFFFF0]  }
0x192: {  	[tilespmem:v23+s15+$0x0] =	vst.idx.msk $0xffff, v22;
	v19 =	vadd.s32 v6, v9;
	v18 =	vld [tilespmem:s17+$0xFFFFFF30]  }
0x193: {  	v23 =	vadd.s32 v5, v12;
	v22 =	vld [tilespmem:s17+$0xFFFFFFA0];
	[tilespmem:v21+s15+$0x0] =	vst.idx.msk $0xffff, v20  }
0x194: {  	v15 =	vand.u32 $0x7C, v15;
	v21 =	vadd.s32 v6, v13;
	v20 =	vld [tilespmem:s17+$0xFFFFFF70]  }
0x195: {  	v60 =	vadd.s32 v4, v15;
	v26 =	vld [tilespmem:s14+$0xFFFFFF10];
	[tilespmem:v59+s15+$0x0] =	vst.idx.msk $0xffff, v24  }
0x196: {  	v61 =	vadd.s32 v5, v11;
	v24 =	vld [tilespmem:s14+$0xFFFFFFE0];
	[tilespmem:v17+s15+$0x0] =	vst.idx.msk $0xffff, v16  }
0x197: {  	[tilespmem:v19+s15+$0x0] =	vst.idx.msk $0xffff, v18;
	v17 =	vld [tilespmem:s14+$0xFFFFFF50];
	v18 =	vadd.s32 v4, v10  }
0x198: {  	[tilespmem:v23+s15+$0x0] =	vst.idx.msk $0xffff, v22;
	v22 =	vadd.s32 v4, v8;
	v19 =	vld [tilespmem:s14+$0xFFFFFF90]  }
0x199: {  	v23 =	vadd.s32 v6, v12;
	[tilespmem:v21+s15+$0x0] =	vst.idx.msk $0xffff, v20;
	v20 =	vld [tilespmem:s17+$0xFFFFFFB0]  }
0x19a: {  	[tilespmem:v60+s15+$0x0] =	vst.idx.msk $0xffff, v26;
	v14 =	vadd.s32 v7, v14;
	v16 =	vld [tilespmem:s17+$0x0]  }
0x19b: {  	v62 =	vadd.s32 v5, v15;
	v26 =	vld [tilespmem:s14+$0xFFFFFF20];
	[tilespmem:v61+s15+$0x0] =	vst.idx.msk $0xffff, v24  }
0x19c: {  	v63 =	vadd.s32 v7, v13;
	v28 =	vld [tilespmem:s17+$0xFFFFFF80];
	[tilespmem:v18+s15+$0x0] =	vst.idx.msk $0xffff, v17  }
0x19d: {  	[tilespmem:v22+s15+$0x0] =	vst.idx.msk $0xffff, v19;
	v22 =	vadd.s32 v5, v10;
	v21 =	vld [tilespmem:s14+$0xFFFFFF60]  }
0x19e: {  	[tilespmem:v23+s15+$0x0] =	vst.idx.msk $0xffff, v20;
	v20 =	vadd.s32 v5, v8;
	v19 =	vld [tilespmem:s14+$0xFFFFFFA0]  }
0x19f: {  	v18 =	vadd.s32 v7, v12;
	[tilespmem:v14+s15+$0x0] =	vst.idx.msk $0xffff, v16;
	v14 =	vld [tilespmem:s17+$0xFFFFFFC0]  }
0x1a0: {  	[tilespmem:v62+s15+$0x0] =	vst.idx.msk $0xffff, v26;
	v12 =	vld [tilespmem:s14+$0xFFFFFFF0];
	v16 =	vadd.s32 v6, v11  }
0x1a1: {  	s18 =	simm.s32 $0xC;
	s23 =	simm.s32 $0xB;
	v13 =	vld [tilespmem:s14+$0xFFFFFF30];
	v17 =	vadd.s32 v6, v15;
	[tilespmem:v63+s15+$0x0] =	vst.idx.msk $0xffff, v28  }
.LBB2_18:
0x1a2: {  	p0 =	slt.u32 s18, $0x7C;
	v23 =	vmov s23;
	[tilespmem:v22+s15+$0x0] =	vst.idx.msk $0xffff, v21;
	v21 =	vld [tilespmem:s17+$0xFFFFFF40];
	v22 =	vadd.s32 v7, v9;
	v9 =	vmov v15;
	s17 =	smov.u32 s14  }
0x1a3: {  	v15 =	vmov s6;
	v25 =	vadd.s32 v6, v10;
	s14 =	sadd.s32 $0x100, s14;
	v23 =	vand.u32 $0x7F, v23;
	v24 =	vld [tilespmem:s17+$0xFFFFFF70];
	[tilespmem:v20+s15+$0x0] =	vst.idx.msk $0xffff, v19  }
0x1a4: {  	s23 =	sadd.s32 $0x1, s6;
	v15 =	vand.u32 $0x7C, v15;
	v19 =	vld [tilespmem:s14+$0xFFFFFFD0];
	v20 =	vadd.s32 v4, v23;
	[tilespmem:v18+s15+$0x0] =	vst.idx.msk $0xffff, v14  }
0x1a5: {  	v26 =	vmov s23;
	s23 =	sadd.s32 $0x2, s6;
	s6 =	smov.u32 s18;
	v18 =	vadd.s32 v4, v15;
	v14 =	vld [tilespmem:s14+$0xFFFFFF10];
	[tilespmem:v16+s15+$0x0] =	vst.idx.msk $0xffff, v12  }
0x1a6: {  	v12 =	vand.u32 $0x7D, v26;
	v16 =	vmov s23;
	[tilespmem:v17+s15+$0x0] =	vst.idx.msk $0xffff, v13;
	v13 =	vld [tilespmem:s17+$0x0];
	v17 =	vadd.s32 v7, v11;
	v11 =	vmovc v23  }
0x1a7: {  	v26 =	vadd.s32 v4, v12;
	v16 =	vand.u32 $0x7E, v16;
	v23 =	vld [tilespmem:s14+$0xFFFFFF50];
	[tilespmem:v22+s15+$0x0] =	vst.idx.msk $0xffff, v21  }
0x1a8: {  	v28 =	vadd.s32 v4, v16;
	v27 =	vld [tilespmem:s14+$0xFFFFFF90];
	[tilespmem:v25+s15+$0x0] =	vst.idx.msk $0xffff, v24  }
0x1a9: {  	v25 =	vadd.s32 v6, v8;
	[tilespmem:v20+s15+$0x0] =	vst.idx.msk $0xffff, v19;
	v24 =	vld [tilespmem:s17+$0xFFFFFFB0]  }
0x1aa: {  	[tilespmem:v18+s15+$0x0] =	vst.idx.msk $0xffff, v14;
	v14 =	vld [tilespmem:s14+$0xFFFFFFE0];
	v18 =	vadd.s32 v5, v11  }
0x1ab: {  	v30 =	vadd.s32 v5, v15;
	v29 =	vld [tilespmem:s14+$0xFFFFFF20];
	[tilespmem:v17+s15+$0x0] =	vst.idx.msk $0xffff, v13  }
0x1ac: {  	[tilespmem:v26+s15+$0x0] =	vst.idx.msk $0xffff, v23;
	v23 =	vld [tilespmem:s17+$0xFFFFFF80];
	v26 =	vadd.s32 v7, v10;
	v10 =	vmov v12  }
.Ltmp8:
0x1ad: {  	v21 =	vld [tilespmem:s14+$0xFFFFFF60];
	v22 =	vadd.s32 v5, v10;
	[tilespmem:v28+s15+$0x0] =	vst.idx.msk $0xffff, v27;
	(pc) =	sbr.rel @p0 .LBB2_18-.Ltmp8, $4  }
0x1ae: {  	v20 =	vadd.s32 v5, v16;
	v19 =	vld [tilespmem:s14+$0xFFFFFFA0];
	[tilespmem:v25+s15+$0x0] =	vst.idx.msk $0xffff, v24  }
0x1af: {  	[tilespmem:v18+s15+$0x0] =	vst.idx.msk $0xffff, v14;
	v14 =	vld [tilespmem:s17+$0xFFFFFFC0];
	v18 =	vadd.s32 v7, v8;
	v8 =	vmov v16  }
0x1b0: {  	v16 =	vadd.s32 v6, v11;
	[tilespmem:v30+s15+$0x0] =	vst.idx.msk $0xffff, v29;
	v12 =	vld [tilespmem:s14+$0xFFFFFFF0]  }
0x1b1: {  	s18 =	sadd.s32 $0x4, s18;
	s23 =	sadd.s32 $0x3, s6;
	v17 =	vadd.s32 v6, v15;
	v13 =	vld [tilespmem:s14+$0xFFFFFF30];
	[tilespmem:v26+s15+$0x0] =	vst.idx.msk $0xffff, v23  }
0x1b2: {  	_ =	sdelay $0x2  }
0x1b3: {  	v23 =	vmov s23  }
0x1b4: {  	s18 =	sadd.s32 $0x1, s6;
	[tilespmem:v22+s15+$0x0] =	vst.idx.msk $0xffff, v21;
	v29 =	vld [tilespmem:s17+$0xFFFFFF40];
	v9 =	vadd.s32 v7, v9;
	s26 =	sadd.s32 $0x100, s14;
	v25 =	vmov s6;
	v30 =	vand.u32 $0x7F, v23  }
0x1b5: {  	s28 =	sadd.s32 $0x2, s6;
	v31 =	vmov s18;
	[tilespmem:v20+s15+$0x0] =	vst.idx.msk $0xffff, v19;
	v32 =	vld [tilespmem:s26+$0xFFFFFFD0];
	v25 =	vand.u32 $0x7C, v25;
	v33 =	vadd.s32 v4, v30  }
0x1b6: {  	v24 =	vmov s28;
	v26 =	vld [tilespmem:s26+$0xFFFFFF10];
	v23 =	vand.u32 $0x7D, v31;
	[tilespmem:v18+s15+$0x0] =	vst.idx.msk $0xffff, v14;
	v38 =	vadd.s32 v4, v25  }
0x1b7: {  	v34 =	vld [tilespmem:s26+$0xFFFFFF50];
	v24 =	vand.u32 $0x7E, v24;
	v35 =	vadd.s32 v4, v23;
	[tilespmem:v16+s15+$0x0] =	vst.idx.msk $0xffff, v12  }
0x1b8: {  	v36 =	vld [tilespmem:s26+$0xFFFFFF90];
	v37 =	vadd.s32 v4, v24;
	[tilespmem:v17+s15+$0x0] =	vst.idx.msk $0xffff, v13  }
0x1b9: {  	v40 =	vadd.s32 v6, v10;
	v39 =	vld [tilespmem:s14+$0xFFFFFF70];
	[tilespmem:v9+s15+$0x0] =	vst.idx.msk $0xffff, v29  }
0x1ba: {  	v48 =	vadd.s32 v6, v8;
	v47 =	vld [tilespmem:s14+$0xFFFFFFB0];
	[tilespmem:v33+s15+$0x0] =	vst.idx.msk $0xffff, v32  }
0x1bb: {  	v42 =	vadd.s32 v5, v30;
	[tilespmem:v38+s15+$0x0] =	vst.idx.msk $0xffff, v26;
	v19 =	vld [tilespmem:s26+$0xFFFFFFE0]  }
0x1bc: {  	v46 =	vadd.s32 v5, v25;
	[tilespmem:v35+s15+$0x0] =	vst.idx.msk $0xffff, v34;
	v45 =	vld [tilespmem:s26+$0xFFFFFF20]  }
0x1bd: {  	v43 =	vadd.s32 v5, v23;
	[tilespmem:v37+s15+$0x0] =	vst.idx.msk $0xffff, v36;
	v14 =	vld [tilespmem:s26+$0xFFFFFF60]  }
0x1be: {  	v44 =	vadd.s32 v5, v24;
	[tilespmem:v40+s15+$0x0] =	vst.idx.msk $0xffff, v39;
	v12 =	vld [tilespmem:s26+$0xFFFFFFA0]  }
0x1bf: {  	v11 =	vadd.s32 v7, v11;
	v41 =	vld [tilespmem:s14+$0x0];
	[tilespmem:v48+s15+$0x0] =	vst.idx.msk $0xffff, v47  }
0x1c0: {  	v8 =	vadd.s32 v7, v8;
	v17 =	vld [tilespmem:s14+$0xFFFFFFC0];
	[tilespmem:v42+s15+$0x0] =	vst.idx.msk $0xffff, v19  }
0x1c1: {  	v51 =	vadd.s32 v6, v30;
	[tilespmem:v46+s15+$0x0] =	vst.idx.msk $0xffff, v45;
	v19 =	vld [tilespmem:s26+$0xFFFFFFF0]  }
0x1c2: {  	v56 =	vadd.s32 v6, v25;
	[tilespmem:v43+s15+$0x0] =	vst.idx.msk $0xffff, v14;
	v55 =	vld [tilespmem:s26+$0xFFFFFF30]  }
0x1c3: {  	v52 =	vadd.s32 v6, v23;
	[tilespmem:v44+s15+$0x0] =	vst.idx.msk $0xffff, v12;
	v14 =	vld [tilespmem:s26+$0xFFFFFF70]  }
0x1c4: {  	v54 =	vadd.s32 v6, v24;
	[tilespmem:v11+s15+$0x0] =	vst.idx.msk $0xffff, v41;
	v53 =	vld [tilespmem:s26+$0xFFFFFFB0]  }
0x1c5: {  	v58 =	vadd.s32 v7, v15;
	v57 =	vld [tilespmem:s14+$0xFFFFFF40];
	[tilespmem:v8+s15+$0x0] =	vst.idx.msk $0xffff, v17  }
0x1c6: {  	v50 =	vadd.s32 v7, v10;
	v49 =	vld [tilespmem:s14+$0xFFFFFF80];
	[tilespmem:v51+s15+$0x0] =	vst.idx.msk $0xffff, v19  }
0x1c7: {  	v60 =	vadd.s32 v7, v30;
	[tilespmem:v56+s15+$0x0] =	vst.idx.msk $0xffff, v55;
	v59 =	vld [tilespmem:s26+$0x0]  }
0x1c8: {  	v63 =	vadd.s32 v7, v25;
	[tilespmem:v52+s15+$0x0] =	vst.idx.msk $0xffff, v14;
	v8 =	vld [tilespmem:s26+$0xFFFFFF40]  }
0x1c9: {  	v61 =	vadd.s32 v7, v23;
	[tilespmem:v54+s15+$0x0] =	vst.idx.msk $0xffff, v53;
	v14 =	vld [tilespmem:s26+$0xFFFFFF80]  }
0x1ca: {  	v62 =	vadd.s32 v7, v24;
	[tilespmem:v58+s15+$0x0] =	vst.idx.msk $0xffff, v57;
	v9 =	vld [tilespmem:s26+$0xFFFFFFC0]  }
0x1cb: {  	[tilespmem:v50+s15+$0x0] =	vst.idx.msk $0xffff, v49  }
0x1cc: {  	[tilespmem:v60+s15+$0x0] =	vst.idx.msk $0xffff, v59  }
0x1cd: {  	[tilespmem:v63+s15+$0x0] =	vst.idx.msk $0xffff, v8  }
0x1ce: {  	[tilespmem:v61+s15+$0x0] =	vst.idx.msk $0xffff, v14  }
0x1cf: {  	[tilespmem:v62+s15+$0x0] =	vst.idx.msk $0xffff, v9  }
0x1d0: {  	s23 =	simm.s32 $0x0;
	s24 =	rddreg [dreg:$0xb]  }
0x1d1: {  	[tilespmem:s30], [sflag:$0x2] =	stream.linear.gather [hbm4b:s24+s23], $0x80, $0x38;
	[tilespmem:$0x10A00] =	vst v63  }
0x1d2: {  	s26 =	rddreg [dreg:$0xc]  }
0x1d3: {  	[tilespmem:s31], [sflag:$0x2] =	stream.linear.gather [hbm4b:s26+s23], $0x80, $0x38;
	[tilespmem:$0x10A00] =	vst v63  }
0x1d4: {  	s28 =	simm.s32 $0xC600;
	s24 =	rddreg [dreg:$0xd]  }
0x1d5: {  	[hbm4b:s24+s4] =	stream.linear.scatter [tilespmem:s28], [sflag:$0x6], $0x80, $0x38;
	[tilespmem:$0x10A00] =	vst v63  }
0x1d6: {  	s14 =	simm.s32 $0xC688;
	s17 =	sadd.s32 $0x10, s24  }
0x1d7: {  	[hbm4b:s17+s4] =	stream.linear.scatter [tilespmem:s14], [sflag:$0x6], $0x80, $0x38;
	[tilespmem:$0x10A00] =	vst v63  }
0x1d8: {  	s6 =	simm.s32 $0x440;
	s18 =	simm.s32 $0xC710;
	s23 =	sadd.s32 $0x20, s24  }
0x1d9: {  	[hbm4b:s23+s4] =	stream.linear.scatter [tilespmem:s18], [sflag:$0x6], $0x80, $0x38;
	[tilespmem:$0x10A00] =	vst v63  }
0x1da: {  	s26 =	simm.s32 $0xC798;
	s28 =	sadd.s32 $0x30, s24;
	s14 =	simm.s32 $0xC820  }
0x1db: {  	[hbm4b:s28+s4] =	stream.linear.scatter [tilespmem:s26], [sflag:$0x6], $0x80, $0x38;
	[tilespmem:$0x10A00] =	vst v63  }
0x1dc: {  	s17 =	sadd.s32 $0x40, s24;
	s18 =	simm.s32 $0xC8A8;
	s23 =	sadd.s32 $0x50, s24  }
0x1dd: {  	[hbm4b:s17+s4] =	stream.linear.scatter [tilespmem:s14], [sflag:$0x6], $0x80, $0x38;
	[tilespmem:$0x10A00] =	vst v63  }
0x1de: {  	s26 =	simm.s32 $0xC930;
	s28 =	sadd.s32 $0x60, s24;
	s17 =	simm.s32 $0x2200  }
0x1df: {  	[hbm4b:s23+s4] =	stream.linear.scatter [tilespmem:s18], [sflag:$0x6], $0x80, $0x38;
	[tilespmem:$0x10A00] =	vst v63  }
0x1e0: {  	s14 =	sadd.s32 $0x1000, s24;
	s18 =	simm.s32 $0xC9B8;
	s23 =	sadd.s32 $0x70, s24  }
0x1e1: {  	[hbm4b:s28+s4] =	stream.linear.scatter [tilespmem:s26], [sflag:$0x6], $0x80, $0x38;
	[tilespmem:$0x10A00] =	vst v63  }
.LBB2_20:
0x1e2: {  	[hbm4b:s23+s4] =	stream.linear.scatter [tilespmem:s18], [sflag:$0x6], $0x80, $0x38;
	[tilespmem:$0x10A00] =	vst v63  }
0x1e3: {  	s18 =	smov.u32 s6;
	s6 =	smov.u32 s17  }
0x1e4: {  	s24 =	sadd.s32 $0x1100, s17;
	s6 =	sshra.s32 s6, $0x2;
	s23 =	sadd.s32 $0xC600, s18  }
0x1e5: {  	[hbm4b:s14+s4] =	stream.linear.scatter [tilespmem:s23], [sflag:$0x6], $0x80, $0x38;
	[tilespmem:$0x10A00] =	vst v63  }
0x1e6: {  	p0 =	sne.s32 s17, $0x7700;
	s17 =	sadd.s32 $0xC688, s18;
	s23 =	sadd.s32 $0x10, s14  }
0x1e7: {  	[hbm4b:s23+s4] =	stream.linear.scatter [tilespmem:s17], [sflag:$0x6], $0x80, $0x38;
	[tilespmem:$0x10A00] =	vst v63  }
0x1e8: {  	s17 =	sadd.s32 $0xC710, s18;
	s23 =	sadd.s32 $0x20, s14  }
0x1e9: {  	[hbm4b:s23+s4] =	stream.linear.scatter [tilespmem:s17], [sflag:$0x6], $0x80, $0x38;
	[tilespmem:$0x10A00] =	vst v63  }
0x1ea: {  	s17 =	sadd.s32 $0xC798, s18;
	s23 =	sadd.s32 $0x30, s14  }
0x1eb: {  	[hbm4b:s23+s4] =	stream.linear.scatter [tilespmem:s17], [sflag:$0x6], $0x80, $0x38;
	[tilespmem:$0x10A00] =	vst v63  }
0x1ec: {  	s17 =	sadd.s32 $0xC820, s18;
	s23 =	sadd.s32 $0x40, s14  }
0x1ed: {  	[hbm4b:s23+s4] =	stream.linear.scatter [tilespmem:s17], [sflag:$0x6], $0x80, $0x38;
	[tilespmem:$0x10A00] =	vst v63  }
.Ltmp9:
0x1ee: {  	s17 =	sadd.s32 $0xC8A8, s18;
	s23 =	sadd.s32 $0x50, s14;
	(pc) =	sbr.rel @p0 .LBB2_20-.Ltmp9, $4  }
0x1ef: {  	[hbm4b:s23+s4] =	stream.linear.scatter [tilespmem:s17], [sflag:$0x6], $0x80, $0x38;
	[tilespmem:$0x10A00] =	vst v63  }
0x1f0: {  	s17 =	sadd.s32 $0xC930, s18;
	s23 =	sadd.s32 $0x60, s14;
	s18 =	sadd.s32 $0xC9B8, s18  }
0x1f1: {  	[hbm4b:s23+s4] =	stream.linear.scatter [tilespmem:s17], [sflag:$0x6], $0x80, $0x38;
	[tilespmem:$0x10A00] =	vst v63  }
0x1f2: {  	s23 =	sadd.s32 $0x70, s14;
	s14 =	sadd.s32 $0x1000, s14;
	s17 =	smov.u32 s24  }
0x1f3: {  	[hbm4b:s23+s4] =	stream.linear.scatter [tilespmem:s18], [sflag:$0x6], $0x80, $0x38;
	[tilespmem:$0x10A00] =	vst v63  }
0x1f4: {  	s17 =	sadd.s32 $0xC600, s6  }
0x1f5: {  	[hbm4b:s14+s4] =	stream.linear.scatter [tilespmem:s17], [sflag:$0x6], $0x80, $0x38;
	[tilespmem:$0x10A00] =	vst v63  }
0x1f6: {  	s26 =	sadd.s32 $0xC688, s6;
	s28 =	sadd.s32 $0x10, s14  }
0x1f7: {  	[hbm4b:s28+s4] =	stream.linear.scatter [tilespmem:s26], [sflag:$0x6], $0x80, $0x38;
	[tilespmem:$0x10A00] =	vst v63  }
0x1f8: {  	s23 =	sadd.s32 $0xC710, s6;
	s24 =	sadd.s32 $0x20, s14  }
0x1f9: {  	[hbm4b:s24+s4] =	stream.linear.scatter [tilespmem:s23], [sflag:$0x6], $0x80, $0x38;
	[tilespmem:$0x10A00] =	vst v63  }
0x1fa: {  	s26 =	sadd.s32 $0xC798, s6;
	s28 =	sadd.s32 $0x30, s14  }
0x1fb: {  	[hbm4b:s28+s4] =	stream.linear.scatter [tilespmem:s26], [sflag:$0x6], $0x80, $0x38;
	[tilespmem:$0x10A00] =	vst v63  }
0x1fc: {  	s23 =	sadd.s32 $0xC820, s6;
	s24 =	sadd.s32 $0x40, s14  }
0x1fd: {  	[hbm4b:s24+s4] =	stream.linear.scatter [tilespmem:s23], [sflag:$0x6], $0x80, $0x38;
	[tilespmem:$0x10A00] =	vst v63  }
0x1fe: {  	s26 =	sadd.s32 $0xC8A8, s6;
	s28 =	sadd.s32 $0x50, s14  }
0x1ff: {  	[hbm4b:s28+s4] =	stream.linear.scatter [tilespmem:s26], [sflag:$0x6], $0x80, $0x38;
	[tilespmem:$0x10A00] =	vst v63  }
0x200: {  	s23 =	sadd.s32 $0xC930, s6;
	s24 =	sadd.s32 $0x60, s14  }
0x201: {  	[hbm4b:s24+s4] =	stream.linear.scatter [tilespmem:s23], [sflag:$0x6], $0x80, $0x38;
	[tilespmem:$0x10A00] =	vst v63  }
0x202: {  	s26 =	sadd.s32 $0xC9B8, s6;
	s28 =	sadd.s32 $0x70, s14  }
0x203: {  	[hbm4b:s28+s4] =	stream.linear.scatter [tilespmem:s26], [sflag:$0x6], $0x80, $0x38;
	[tilespmem:$0x10A00] =	vst v63  }
0x204: {  	s17 =	simm.s32 $0xE800;
	s6 =	simm.s32 $0x0;
	s26 =	rddreg [dreg:$0xe]  }
0x205: {  	[hbm4b:s26+s6] =	stream.linear.scatter [tilespmem:s17], [sflag:$0x6], $0x80, $0x38;
	[tilespmem:$0x10A00] =	vst v63  }
0x206: {  	s18 =	simm.s32 $0xE888;
	s23 =	sadd.s32 $0x10, s26  }
0x207: {  	[hbm4b:s23+s6] =	stream.linear.scatter [tilespmem:s18], [sflag:$0x6], $0x80, $0x38;
	[tilespmem:$0x10A00] =	vst v63  }
0x208: {  	s24 =	simm.s32 $0xE910;
	s28 =	sadd.s32 $0x20, s26  }
0x209: {  	[hbm4b:s28+s6] =	stream.linear.scatter [tilespmem:s24], [sflag:$0x6], $0x80, $0x38;
	[tilespmem:$0x10A00] =	vst v63  }
0x20a: {  	s18 =	simm.s32 $0xE998;
	s23 =	sadd.s32 $0x30, s26  }
0x20b: {  	[hbm4b:s23+s6] =	stream.linear.scatter [tilespmem:s18], [sflag:$0x6], $0x80, $0x38;
	[tilespmem:$0x10A00] =	vst v63  }
0x20c: {  	s24 =	simm.s32 $0xEA20;
	s28 =	sadd.s32 $0x40, s26  }
0x20d: {  	[hbm4b:s28+s6] =	stream.linear.scatter [tilespmem:s24], [sflag:$0x6], $0x80, $0x38;
	[tilespmem:$0x10A00] =	vst v63  }
0x20e: {  	s14 =	simm.s32 $0x440;
	s18 =	simm.s32 $0xEAA8;
	s23 =	sadd.s32 $0x50, s26  }
0x20f: {  	[hbm4b:s23+s6] =	stream.linear.scatter [tilespmem:s18], [sflag:$0x6], $0x80, $0x38;
	[tilespmem:$0x10A00] =	vst v63  }
0x210: {  	s17 =	sadd.s32 $0x1000, s26;
	s24 =	simm.s32 $0xEB30;
	s28 =	sadd.s32 $0x60, s26  }
0x211: {  	[hbm4b:s28+s6] =	stream.linear.scatter [tilespmem:s24], [sflag:$0x6], $0x80, $0x38;
	[tilespmem:$0x10A00] =	vst v63  }
0x212: {  	s18 =	simm.s32 $0x2200;
	s23 =	simm.s32 $0xEBB8;
	s24 =	sadd.s32 $0x70, s26  }
.LBB2_22:
0x213: {  	[hbm4b:s24+s6] =	stream.linear.scatter [tilespmem:s23], [sflag:$0x6], $0x80, $0x38;
	[tilespmem:$0x10A00] =	vst v63  }
0x214: {  	s23 =	smov.u32 s14;
	s14 =	smov.u32 s18  }
0x215: {  	s26 =	sadd.s32 $0x1100, s18;
	s14 =	sshra.s32 s14, $0x2;
	s24 =	sadd.s32 $0xE800, s23  }
0x216: {  	[hbm4b:s17+s6] =	stream.linear.scatter [tilespmem:s24], [sflag:$0x6], $0x80, $0x38;
	[tilespmem:$0x10A00] =	vst v63  }
0x217: {  	p0 =	sne.s32 s18, $0x7700;
	s18 =	sadd.s32 $0xE888, s23;
	s24 =	sadd.s32 $0x10, s17  }
0x218: {  	[hbm4b:s24+s6] =	stream.linear.scatter [tilespmem:s18], [sflag:$0x6], $0x80, $0x38;
	[tilespmem:$0x10A00] =	vst v63  }
0x219: {  	s18 =	sadd.s32 $0xE910, s23;
	s24 =	sadd.s32 $0x20, s17  }
0x21a: {  	[hbm4b:s24+s6] =	stream.linear.scatter [tilespmem:s18], [sflag:$0x6], $0x80, $0x38;
	[tilespmem:$0x10A00] =	vst v63  }
0x21b: {  	s18 =	sadd.s32 $0xE998, s23;
	s24 =	sadd.s32 $0x30, s17  }
0x21c: {  	[hbm4b:s24+s6] =	stream.linear.scatter [tilespmem:s18], [sflag:$0x6], $0x80, $0x38;
	[tilespmem:$0x10A00] =	vst v63  }
0x21d: {  	s18 =	sadd.s32 $0xEA20, s23;
	s24 =	sadd.s32 $0x40, s17  }
0x21e: {  	[hbm4b:s24+s6] =	stream.linear.scatter [tilespmem:s18], [sflag:$0x6], $0x80, $0x38;
	[tilespmem:$0x10A00] =	vst v63  }
.Ltmp10:
0x21f: {  	s18 =	sadd.s32 $0xEAA8, s23;
	s24 =	sadd.s32 $0x50, s17;
	(pc) =	sbr.rel @p0 .LBB2_22-.Ltmp10, $4  }
0x220: {  	[hbm4b:s24+s6] =	stream.linear.scatter [tilespmem:s18], [sflag:$0x6], $0x80, $0x38;
	[tilespmem:$0x10A00] =	vst v63  }
0x221: {  	s18 =	sadd.s32 $0xEB30, s23;
	s24 =	sadd.s32 $0x60, s17;
	s23 =	sadd.s32 $0xEBB8, s23  }
0x222: {  	[hbm4b:s24+s6] =	stream.linear.scatter [tilespmem:s18], [sflag:$0x6], $0x80, $0x38;
	[tilespmem:$0x10A00] =	vst v63  }
0x223: {  	s24 =	sadd.s32 $0x70, s17;
	s17 =	sadd.s32 $0x1000, s17;
	s18 =	smov.u32 s26  }
0x224: {  	[hbm4b:s24+s6] =	stream.linear.scatter [tilespmem:s23], [sflag:$0x6], $0x80, $0x38;
	[tilespmem:$0x10A00] =	vst v63  }
0x225: {  	s18 =	sadd.s32 $0xE800, s14  }
0x226: {  	[hbm4b:s17+s6] =	stream.linear.scatter [tilespmem:s18], [sflag:$0x6], $0x80, $0x38;
	[tilespmem:$0x10A00] =	vst v63  }
0x227: {  	s26 =	sadd.s32 $0xE888, s14;
	s28 =	sadd.s32 $0x10, s17  }
0x228: {  	[hbm4b:s28+s6] =	stream.linear.scatter [tilespmem:s26], [sflag:$0x6], $0x80, $0x38;
	[tilespmem:$0x10A00] =	vst v63  }
0x229: {  	s23 =	sadd.s32 $0xE910, s14;
	s24 =	sadd.s32 $0x20, s17  }
0x22a: {  	[hbm4b:s24+s6] =	stream.linear.scatter [tilespmem:s23], [sflag:$0x6], $0x80, $0x38;
	[tilespmem:$0x10A00] =	vst v63  }
0x22b: {  	s26 =	sadd.s32 $0xE998, s14;
	s28 =	sadd.s32 $0x30, s17  }
0x22c: {  	[hbm4b:s28+s6] =	stream.linear.scatter [tilespmem:s26], [sflag:$0x6], $0x80, $0x38;
	[tilespmem:$0x10A00] =	vst v63  }
0x22d: {  	s23 =	sadd.s32 $0xEA20, s14;
	s24 =	sadd.s32 $0x40, s17  }
0x22e: {  	[hbm4b:s24+s6] =	stream.linear.scatter [tilespmem:s23], [sflag:$0x6], $0x80, $0x38;
	[tilespmem:$0x10A00] =	vst v63  }
0x22f: {  	s26 =	sadd.s32 $0xEAA8, s14;
	s28 =	sadd.s32 $0x50, s17  }
0x230: {  	[hbm4b:s28+s6] =	stream.linear.scatter [tilespmem:s26], [sflag:$0x6], $0x80, $0x38;
	[tilespmem:$0x10A00] =	vst v63  }
0x231: {  	s23 =	sadd.s32 $0xEB30, s14;
	s24 =	sadd.s32 $0x60, s17  }
0x232: {  	[hbm4b:s24+s6] =	stream.linear.scatter [tilespmem:s23], [sflag:$0x6], $0x80, $0x38;
	[tilespmem:$0x10A00] =	vst v63  }
0x233: {  	s26 =	sadd.s32 $0xEBB8, s14;
	s28 =	sadd.s32 $0x70, s17  }
0x234: {  	[hbm4b:s28+s6] =	stream.linear.scatter [tilespmem:s26], [sflag:$0x6], $0x80, $0x38;
	[tilespmem:$0x10A00] =	vst v63  }
.LBB2_24:
0x235: {  	_ =	swait.ge [sflag:s8], $0x80  }
0x236: {  	[sflag:s8] =	ssyncset.done $0x0  }
0x237: {  	[sflag:s8] =	ssyncadd.s32 $0xFFFFFF80  }
0x238: {  	_ =	swait.ge [sflag:s8], $0x80  }
0x239: {  	[sflag:s8] =	ssyncset.done $0x0  }
0x23a: {  	[sflag:s8] =	ssyncadd.s32 $0xFFFFFF80  }
0x23b: {  	[tilespmem:s9], [sflag:$0x4] =	stream.indirect.gather [hbm4b:s7+s30], $0x40, s30, s30, $0xb8;
	[tilespmem:$0x10A00] =	vst v63  }
0x23c: {  	_ =	swait.ge [sflag:s10], $0x4000  }
0x23d: {  	[sflag:s10] =	ssyncset.done $0x0  }
0x23e: {  	[sflag:s10] =	ssyncadd.s32 $0xFFFFC000  }
0x23f: {  	_ =	swait.ge [sflag:s16], $0x2000  }
0x240: {  	[sflag:s16] =	ssyncset.done $0x0  }
0x241: {  	[sflag:s16] =	ssyncadd.s32 $0xFFFFE000  }
0x242: {  	s14 =	simm.s32 $0x3;
	_ =	swait.ge [sflag:s16], $0x2000  }
0x243: {  	v8 =	vmov s14;
	[sflag:s16] =	ssyncset.done $0x0  }
0x244: {  	s28 =	simm.s32 $0x0;
	s18 =	simm.s32 $0x280;
	v14 =	vand.u32 $0x7F, v8;
	[sflag:s16] =	ssyncadd.s32 $0xFFFFE000  }
0x245: {  	s17 =	simm.s32 $0x1;
	v8 =	vmov s28;
	v11 =	vadd.s32 v0, v14;
	v10 =	vld [tilespmem:s18+$0x40]  }
0x246: {  	v9 =	vand.u32 $0x7C, v8;
	v8 =	vmov s17  }
0x247: {  	v16 =	vadd.s32 v0, v9;
	v13 =	vand.u32 $0x7D, v8;
	v15 =	vld [tilespmem:s18+$0xFFFFFF80]  }
0x248: {  	v17 =	vadd.s32 v0, v13;
	v8 =	vld [tilespmem:s18+$0xFFFFFFC0]  }
0x249: {  	s23 =	simm.s32 $0x2  }
0x24a: {  	v12 =	vmov s23;
	[tilespmem:v11+s12+$0x0] =	vst.idx.msk $0xffff, v10  }
0x24b: {  	v12 =	vand.u32 $0x7E, v12;
	v11 =	vadd.s32 v1, v14;
	v10 =	vld [tilespmem:s18+$0x50]  }
0x24c: {  	v19 =	vadd.s32 v0, v12;
	v18 =	vld [tilespmem:s18+$0x0];
	[tilespmem:v16+s12+$0x0] =	vst.idx.msk $0xffff, v15  }
0x24d: {  	v16 =	vadd.s32 v1, v9;
	[tilespmem:v17+s12+$0x0] =	vst.idx.msk $0xffff, v8;
	v15 =	vld [tilespmem:s18+$0xFFFFFF90]  }
0x24e: {  	v17 =	vadd.s32 v1, v13;
	v8 =	vld [tilespmem:s18+$0xFFFFFFD0];
	_ =	sdelay $0x1  }
0x24f: {  	[tilespmem:v11+s12+$0x0] =	vst.idx.msk $0xffff, v10  }
0x250: {  	[tilespmem:v19+s12+$0x0] =	vst.idx.msk $0xffff, v18;
	v18 =	vadd.s32 v2, v14;
	v10 =	vld [tilespmem:s18+$0x60]  }
0x251: {  	s24 =	simm.s32 $0x7;
	v20 =	vadd.s32 v1, v12;
	v19 =	vld [tilespmem:s18+$0x10];
	[tilespmem:v16+s12+$0x0] =	vst.idx.msk $0xffff, v15  }
0x252: {  	s17 =	simm.s32 $0x4;
	v22 =	vadd.s32 v2, v9;
	v11 =	vmov s24;
	[tilespmem:v17+s12+$0x0] =	vst.idx.msk $0xffff, v8;
	v21 =	vld [tilespmem:s18+$0xFFFFFFA0]  }
0x253: {  	v23 =	vadd.s32 v2, v13;
	v15 =	vmov s17;
	s17 =	simm.s32 $0x380;
	v11 =	vand.u32 $0x7F, v11;
	v17 =	vld [tilespmem:s18+$0xFFFFFFE0]  }
0x254: {  	s26 =	simm.s32 $0x5;
	v16 =	vand.u32 $0x7C, v15;
	v24 =	vld [tilespmem:s17+$0x40];
	v25 =	vadd.s32 v0, v11  }
0x255: {  	s28 =	simm.s32 $0x6;
	v8 =	vmov s26;
	v26 =	vld [tilespmem:s17+$0xFFFFFF80];
	v27 =	vadd.s32 v0, v16;
	[tilespmem:v18+s12+$0x0] =	vst.idx.msk $0xffff, v10  }
0x256: {  	[tilespmem:v20+s12+$0x0] =	vst.idx.msk $0xffff, v19;
	v19 =	vadd.s32 v3, v14;
	v10 =	vand.u32 $0x7D, v8;
	v8 =	vmov s28;
	v18 =	vld [tilespmem:s18+$0x70]  }
0x257: {  	v20 =	vld [tilespmem:s17+$0xFFFFFFC0];
	[tilespmem:v22+s12+$0x0] =	vst.idx.msk $0xffff, v21;
	v21 =	vadd.s32 v0, v10;
	v8 =	vand.u32 $0x7E, v8  }
0x258: {  	v22 =	vld [tilespmem:s17+$0x0];
	[tilespmem:v23+s12+$0x0] =	vst.idx.msk $0xffff, v17;
	v28 =	vadd.s32 v0, v8  }
0x259: {  	v17 =	vld [tilespmem:s18+$0x20];
	v23 =	vadd.s32 v2, v12;
	[tilespmem:v25+s12+$0x0] =	vst.idx.msk $0xffff, v24  }
0x25a: {  	[tilespmem:v27+s12+$0x0] =	vst.idx.msk $0xffff, v26;
	v25 =	vadd.s32 v1, v11;
	v24 =	vld [tilespmem:s17+$0x50]  }
0x25b: {  	v32 =	vadd.s32 v1, v16;
	v31 =	vld [tilespmem:s17+$0xFFFFFF90];
	[tilespmem:v19+s12+$0x0] =	vst.idx.msk $0xffff, v18  }
0x25c: {  	[tilespmem:v21+s12+$0x0] =	vst.idx.msk $0xffff, v20;
	v18 =	vld [tilespmem:s18+$0xFFFFFFF0];
	v19 =	vadd.s32 v3, v13  }
0x25d: {  	v30 =	vadd.s32 v1, v10;
	v29 =	vld [tilespmem:s17+$0xFFFFFFD0];
	[tilespmem:v28+s12+$0x0] =	vst.idx.msk $0xffff, v22  }
0x25e: {  	[tilespmem:v23+s12+$0x0] =	vst.idx.msk $0xffff, v17;
	v28 =	vadd.s32 v1, v8;
	v26 =	vld [tilespmem:s17+$0x10]  }
0x25f: {  	v27 =	vadd.s32 v3, v12;
	v23 =	vld [tilespmem:s18+$0x30];
	[tilespmem:v25+s12+$0x0] =	vst.idx.msk $0xffff, v24  }
0x260: {  	s14 =	simm.s32 $0x8;
	v17 =	vmov v8;
	[tilespmem:v32+s12+$0x0] =	vst.idx.msk $0xffff, v31;
	v24 =	vadd.s32 v2, v11;
	v21 =	vld [tilespmem:s17+$0x60]  }
0x261: {  	s23 =	simm.s32 $0x8;
	s26 =	simm.s32 $0xB;
	s24 =	simm.s32 $0xC;
	v20 =	vmovc v9;
	v25 =	vadd.s32 v2, v16;
	v22 =	vld [tilespmem:s17+$0xFFFFFFA0];
	[tilespmem:v19+s12+$0x0] =	vst.idx.msk $0xffff, v18;
	v18 =	vmov v10;
	v19 =	vmov v11  }
.LBB2_25:
0x262: {  	p0 =	slt.u32 s24, $0x7C;
	v31 =	vmov s26;
	[tilespmem:v30+s12+$0x0] =	vst.idx.msk $0xffff, v29;
	v29 =	vld [tilespmem:s18+$0xFFFFFFB0];
	v30 =	vadd.s32 v3, v20;
	v20 =	vmov v16;
	s18 =	smov.u32 s17  }
0x263: {  	v16 =	vmov s23;
	v33 =	vadd.s32 v2, v18;
	s17 =	sadd.s32 $0x100, s17;
	v31 =	vand.u32 $0x7F, v31;
	v32 =	vld [tilespmem:s18+$0xFFFFFFE0];
	[tilespmem:v28+s12+$0x0] =	vst.idx.msk $0xffff, v26  }
0x264: {  	s26 =	sadd.s32 $0x1, s23;
	v16 =	vand.u32 $0x7C, v16;
	v26 =	vld [tilespmem:s17+$0x40];
	v28 =	vadd.s32 v0, v31;
	[tilespmem:v27+s12+$0x0] =	vst.idx.msk $0xffff, v23  }
0x265: {  	v34 =	vmov s26;
	s26 =	sadd.s32 $0x2, s23;
	s23 =	smov.u32 s24;
	v27 =	vadd.s32 v0, v16;
	v23 =	vld [tilespmem:s17+$0xFFFFFF80];
	[tilespmem:v24+s12+$0x0] =	vst.idx.msk $0xffff, v21  }
0x266: {  	v21 =	vand.u32 $0x7D, v34;
	v24 =	vmov s26;
	[tilespmem:v25+s12+$0x0] =	vst.idx.msk $0xffff, v22;
	v22 =	vld [tilespmem:s18+$0x70];
	v25 =	vadd.s32 v3, v19;
	v19 =	vmovc v31  }
0x267: {  	v34 =	vadd.s32 v0, v21;
	v24 =	vand.u32 $0x7E, v24;
	v31 =	vld [tilespmem:s17+$0xFFFFFFC0];
	[tilespmem:v30+s12+$0x0] =	vst.idx.msk $0xffff, v29  }
0x268: {  	v36 =	vadd.s32 v0, v24;
	v35 =	vld [tilespmem:s17+$0x0];
	[tilespmem:v33+s12+$0x0] =	vst.idx.msk $0xffff, v32  }
0x269: {  	v33 =	vadd.s32 v2, v17;
	[tilespmem:v28+s12+$0x0] =	vst.idx.msk $0xffff, v26;
	v32 =	vld [tilespmem:s18+$0x20]  }
0x26a: {  	[tilespmem:v27+s12+$0x0] =	vst.idx.msk $0xffff, v23;
	v23 =	vld [tilespmem:s17+$0x50];
	v27 =	vadd.s32 v1, v19  }
0x26b: {  	v38 =	vadd.s32 v1, v16;
	v37 =	vld [tilespmem:s17+$0xFFFFFF90];
	[tilespmem:v25+s12+$0x0] =	vst.idx.msk $0xffff, v22  }
0x26c: {  	[tilespmem:v34+s12+$0x0] =	vst.idx.msk $0xffff, v31;
	v31 =	vld [tilespmem:s18+$0xFFFFFFF0];
	v34 =	vadd.s32 v3, v18;
	v18 =	vmov v21  }
.Ltmp11:
0x26d: {  	v29 =	vld [tilespmem:s17+$0xFFFFFFD0];
	v30 =	vadd.s32 v1, v18;
	[tilespmem:v36+s12+$0x0] =	vst.idx.msk $0xffff, v35;
	(pc) =	sbr.rel @p0 .LBB2_25-.Ltmp11, $4  }
0x26e: {  	v28 =	vadd.s32 v1, v24;
	v26 =	vld [tilespmem:s17+$0x10];
	[tilespmem:v33+s12+$0x0] =	vst.idx.msk $0xffff, v32  }
0x26f: {  	[tilespmem:v27+s12+$0x0] =	vst.idx.msk $0xffff, v23;
	v23 =	vld [tilespmem:s18+$0x30];
	v27 =	vadd.s32 v3, v17;
	v17 =	vmov v24  }
0x270: {  	v24 =	vadd.s32 v2, v19;
	[tilespmem:v38+s12+$0x0] =	vst.idx.msk $0xffff, v37;
	v21 =	vld [tilespmem:s17+$0x60]  }
0x271: {  	s24 =	sadd.s32 $0x4, s24;
	s26 =	sadd.s32 $0x3, s23;
	v25 =	vadd.s32 v2, v16;
	v22 =	vld [tilespmem:s17+$0xFFFFFFA0];
	[tilespmem:v34+s12+$0x0] =	vst.idx.msk $0xffff, v31  }
0x272: {  	_ =	sdelay $0x2  }
0x273: {  	v31 =	vmov s26;
	s24 =	sadd.s32 $0x1, s23  }
0x274: {  	[tilespmem:v30+s12+$0x0] =	vst.idx.msk $0xffff, v29;
	v40 =	vld [tilespmem:s18+$0xFFFFFFB0];
	v20 =	vadd.s32 v3, v20;
	s26 =	sadd.s32 $0x100, s17;
	s28 =	sadd.s32 $0x2, s23;
	v41 =	vand.u32 $0x7F, v31;
	v42 =	vmov s24  }
0x275: {  	[tilespmem:v28+s12+$0x0] =	vst.idx.msk $0xffff, v26;
	v43 =	vld [tilespmem:s26+$0x40];
	v32 =	vmov s28;
	v44 =	vadd.s32 v0, v41;
	v31 =	vand.u32 $0x7D, v42  }
0x276: {  	v33 =	vmov s23;
	[tilespmem:v27+s12+$0x0] =	vst.idx.msk $0xffff, v23;
	v23 =	vld [tilespmem:s26+$0xFFFFFFC0];
	v32 =	vand.u32 $0x7E, v32;
	v45 =	vadd.s32 v0, v31  }
0x277: {  	v33 =	vand.u32 $0x7C, v33;
	[tilespmem:v24+s12+$0x0] =	vst.idx.msk $0xffff, v21;
	v21 =	vld [tilespmem:s26+$0x0];
	v46 =	vadd.s32 v0, v32  }
0x278: {  	v34 =	vld [tilespmem:s26+$0xFFFFFF80];
	[tilespmem:v25+s12+$0x0] =	vst.idx.msk $0xffff, v22;
	v22 =	vadd.s32 v0, v33  }
0x279: {  	v47 =	vld [tilespmem:s17+$0xFFFFFFE0];
	[tilespmem:v20+s12+$0x0] =	vst.idx.msk $0xffff, v40;
	v20 =	vadd.s32 v2, v18  }
0x27a: {  	v19 =	vadd.s32 v3, v19;
	v48 =	vld [tilespmem:s17+$0x70];
	[tilespmem:v44+s12+$0x0] =	vst.idx.msk $0xffff, v43  }
0x27b: {  	v49 =	vadd.s32 v1, v41;
	v26 =	vld [tilespmem:s26+$0x50];
	[tilespmem:v45+s12+$0x0] =	vst.idx.msk $0xffff, v23  }
0x27c: {  	v50 =	vadd.s32 v1, v31;
	[tilespmem:v46+s12+$0x0] =	vst.idx.msk $0xffff, v21;
	v23 =	vld [tilespmem:s26+$0xFFFFFFD0]  }
0x27d: {  	[tilespmem:v22+s12+$0x0] =	vst.idx.msk $0xffff, v34;
	v21 =	vld [tilespmem:s26+$0x10];
	v22 =	vadd.s32 v1, v32  }
0x27e: {  	v51 =	vadd.s32 v1, v33;
	[tilespmem:v20+s12+$0x0] =	vst.idx.msk $0xffff, v47;
	v20 =	vld [tilespmem:s26+$0xFFFFFF90]  }
0x27f: {  	v53 =	vadd.s32 v2, v17;
	v52 =	vld [tilespmem:s17+$0x20];
	[tilespmem:v19+s12+$0x0] =	vst.idx.msk $0xffff, v48  }
0x280: {  	v18 =	vadd.s32 v3, v18;
	v19 =	vld [tilespmem:s17+$0xFFFFFFF0];
	[tilespmem:v49+s12+$0x0] =	vst.idx.msk $0xffff, v26  }
0x281: {  	v54 =	vadd.s32 v2, v41;
	v26 =	vld [tilespmem:s26+$0x60];
	[tilespmem:v50+s12+$0x0] =	vst.idx.msk $0xffff, v23  }
0x282: {  	v55 =	vadd.s32 v2, v31;
	[tilespmem:v22+s12+$0x0] =	vst.idx.msk $0xffff, v21;
	v23 =	vld [tilespmem:s26+$0xFFFFFFE0]  }
0x283: {  	v21 =	vadd.s32 v2, v32;
	[tilespmem:v51+s12+$0x0] =	vst.idx.msk $0xffff, v20;
	v20 =	vld [tilespmem:s26+$0x20]  }
0x284: {  	v56 =	vadd.s32 v2, v33;
	[tilespmem:v53+s12+$0x0] =	vst.idx.msk $0xffff, v52;
	v22 =	vld [tilespmem:s26+$0xFFFFFFA0]  }
0x285: {  	v17 =	vadd.s32 v3, v17;
	v25 =	vld [tilespmem:s17+$0x30];
	[tilespmem:v18+s12+$0x0] =	vst.idx.msk $0xffff, v19  }
0x286: {  	v16 =	vadd.s32 v3, v16;
	v18 =	vld [tilespmem:s17+$0xFFFFFFB0];
	[tilespmem:v54+s12+$0x0] =	vst.idx.msk $0xffff, v26  }
0x287: {  	v57 =	vadd.s32 v3, v41;
	v19 =	vld [tilespmem:s26+$0x70];
	[tilespmem:v55+s12+$0x0] =	vst.idx.msk $0xffff, v23  }
0x288: {  	v58 =	vadd.s32 v3, v31;
	[tilespmem:v21+s12+$0x0] =	vst.idx.msk $0xffff, v20;
	v23 =	vld [tilespmem:s26+$0xFFFFFFF0]  }
0x289: {  	v21 =	vadd.s32 v3, v32;
	[tilespmem:v56+s12+$0x0] =	vst.idx.msk $0xffff, v22;
	v20 =	vld [tilespmem:s26+$0x30]  }
0x28a: {  	[tilespmem:v17+s12+$0x0] =	vst.idx.msk $0xffff, v25;
	v22 =	vadd.s32 v3, v33;
	v17 =	vld [tilespmem:s26+$0xFFFFFFB0]  }
0x28b: {  	[tilespmem:v16+s12+$0x0] =	vst.idx.msk $0xffff, v18  }
0x28c: {  	[tilespmem:v57+s12+$0x0] =	vst.idx.msk $0xffff, v19  }
0x28d: {  	[tilespmem:v58+s12+$0x0] =	vst.idx.msk $0xffff, v23  }
0x28e: {  	[tilespmem:v21+s12+$0x0] =	vst.idx.msk $0xffff, v20  }
0x28f: {  	s18 =	simm.s32 $0x22F0;
	[tilespmem:v22+s12+$0x0] =	vst.idx.msk $0xffff, v17  }
0x290: {  	v17 =	vadd.s32 v4, v14;
	v16 =	vld [tilespmem:s18+$0xFFFFFFD0]  }
0x291: {  	v19 =	vadd.s32 v4, v9;
	v18 =	vld [tilespmem:s18+$0xFFFFFF10];
	_ =	sdelay $0x1  }
0x292: {  	v21 =	vadd.s32 v4, v13;
	v20 =	vld [tilespmem:s18+$0xFFFFFF50];
	_ =	sdelay $0x1  }
0x293: {  	[tilespmem:v17+s12+$0x0] =	vst.idx.msk $0xffff, v16  }
0x294: {  	v17 =	vadd.s32 v5, v14;
	[tilespmem:v19+s12+$0x0] =	vst.idx.msk $0xffff, v18;
	v16 =	vld [tilespmem:s18+$0xFFFFFFE0]  }
0x295: {  	v19 =	vadd.s32 v5, v9;
	v18 =	vld [tilespmem:s18+$0xFFFFFF20]  }
0x296: {  	v23 =	vadd.s32 v4, v12;
	v22 =	vld [tilespmem:s18+$0xFFFFFF90];
	[tilespmem:v21+s12+$0x0] =	vst.idx.msk $0xffff, v20  }
0x297: {  	v21 =	vadd.s32 v5, v13;
	v20 =	vld [tilespmem:s18+$0xFFFFFF60]  }
0x298: {  	s17 =	simm.s32 $0x23F0  }
0x299: {  	v59 =	vadd.s32 v4, v11;
	v24 =	vld [tilespmem:s17+$0xFFFFFFD0];
	[tilespmem:v17+s12+$0x0] =	vst.idx.msk $0xffff, v16  }
0x29a: {  	v17 =	vadd.s32 v6, v14;
	[tilespmem:v19+s12+$0x0] =	vst.idx.msk $0xffff, v18;
	v16 =	vld [tilespmem:s18+$0xFFFFFFF0]  }
0x29b: {  	[tilespmem:v23+s12+$0x0] =	vst.idx.msk $0xffff, v22;
	v19 =	vadd.s32 v6, v9;
	v18 =	vld [tilespmem:s18+$0xFFFFFF30]  }
0x29c: {  	v23 =	vadd.s32 v5, v12;
	v22 =	vld [tilespmem:s18+$0xFFFFFFA0];
	[tilespmem:v21+s12+$0x0] =	vst.idx.msk $0xffff, v20  }
0x29d: {  	v15 =	vand.u32 $0x7C, v15;
	v21 =	vadd.s32 v6, v13;
	v20 =	vld [tilespmem:s18+$0xFFFFFF70]  }
0x29e: {  	v60 =	vadd.s32 v4, v15;
	v26 =	vld [tilespmem:s17+$0xFFFFFF10];
	[tilespmem:v59+s12+$0x0] =	vst.idx.msk $0xffff, v24  }
0x29f: {  	v61 =	vadd.s32 v5, v11;
	v24 =	vld [tilespmem:s17+$0xFFFFFFE0];
	[tilespmem:v17+s12+$0x0] =	vst.idx.msk $0xffff, v16  }
0x2a0: {  	[tilespmem:v19+s12+$0x0] =	vst.idx.msk $0xffff, v18;
	v17 =	vld [tilespmem:s17+$0xFFFFFF50];
	v18 =	vadd.s32 v4, v10  }
0x2a1: {  	[tilespmem:v23+s12+$0x0] =	vst.idx.msk $0xffff, v22;
	v22 =	vadd.s32 v4, v8;
	v19 =	vld [tilespmem:s17+$0xFFFFFF90]  }
0x2a2: {  	v23 =	vadd.s32 v6, v12;
	[tilespmem:v21+s12+$0x0] =	vst.idx.msk $0xffff, v20;
	v20 =	vld [tilespmem:s18+$0xFFFFFFB0]  }
0x2a3: {  	[tilespmem:v60+s12+$0x0] =	vst.idx.msk $0xffff, v26;
	v14 =	vadd.s32 v7, v14;
	v16 =	vld [tilespmem:s18+$0x0]  }
0x2a4: {  	v62 =	vadd.s32 v5, v15;
	v26 =	vld [tilespmem:s17+$0xFFFFFF20];
	[tilespmem:v61+s12+$0x0] =	vst.idx.msk $0xffff, v24  }
0x2a5: {  	v63 =	vadd.s32 v7, v13;
	v28 =	vld [tilespmem:s18+$0xFFFFFF80];
	[tilespmem:v18+s12+$0x0] =	vst.idx.msk $0xffff, v17  }
0x2a6: {  	[tilespmem:v22+s12+$0x0] =	vst.idx.msk $0xffff, v19;
	v22 =	vadd.s32 v5, v10;
	v21 =	vld [tilespmem:s17+$0xFFFFFF60]  }
0x2a7: {  	[tilespmem:v23+s12+$0x0] =	vst.idx.msk $0xffff, v20;
	v20 =	vadd.s32 v5, v8;
	v19 =	vld [tilespmem:s17+$0xFFFFFFA0]  }
0x2a8: {  	v18 =	vadd.s32 v7, v12;
	[tilespmem:v14+s12+$0x0] =	vst.idx.msk $0xffff, v16;
	v14 =	vld [tilespmem:s18+$0xFFFFFFC0]  }
0x2a9: {  	[tilespmem:v62+s12+$0x0] =	vst.idx.msk $0xffff, v26;
	v12 =	vld [tilespmem:s17+$0xFFFFFFF0];
	v16 =	vadd.s32 v6, v11  }
0x2aa: {  	s23 =	simm.s32 $0xC;
	s24 =	simm.s32 $0xB;
	v13 =	vld [tilespmem:s17+$0xFFFFFF30];
	v17 =	vadd.s32 v6, v15;
	[tilespmem:v63+s12+$0x0] =	vst.idx.msk $0xffff, v28  }
.LBB2_27:
0x2ab: {  	p0 =	slt.u32 s23, $0x7C;
	v23 =	vmov s24;
	[tilespmem:v22+s12+$0x0] =	vst.idx.msk $0xffff, v21;
	v21 =	vld [tilespmem:s18+$0xFFFFFF40];
	v22 =	vadd.s32 v7, v9;
	v9 =	vmov v15;
	s18 =	smov.u32 s17  }
0x2ac: {  	v15 =	vmov s14;
	v25 =	vadd.s32 v6, v10;
	s17 =	sadd.s32 $0x100, s17;
	v23 =	vand.u32 $0x7F, v23;
	v24 =	vld [tilespmem:s18+$0xFFFFFF70];
	[tilespmem:v20+s12+$0x0] =	vst.idx.msk $0xffff, v19  }
0x2ad: {  	s24 =	sadd.s32 $0x1, s14;
	v15 =	vand.u32 $0x7C, v15;
	v19 =	vld [tilespmem:s17+$0xFFFFFFD0];
	v20 =	vadd.s32 v4, v23;
	[tilespmem:v18+s12+$0x0] =	vst.idx.msk $0xffff, v14  }
0x2ae: {  	v26 =	vmov s24;
	s24 =	sadd.s32 $0x2, s14;
	s14 =	smov.u32 s23;
	v18 =	vadd.s32 v4, v15;
	v14 =	vld [tilespmem:s17+$0xFFFFFF10];
	[tilespmem:v16+s12+$0x0] =	vst.idx.msk $0xffff, v12  }
0x2af: {  	v12 =	vand.u32 $0x7D, v26;
	v16 =	vmov s24;
	[tilespmem:v17+s12+$0x0] =	vst.idx.msk $0xffff, v13;
	v13 =	vld [tilespmem:s18+$0x0];
	v17 =	vadd.s32 v7, v11;
	v11 =	vmovc v23  }
0x2b0: {  	v26 =	vadd.s32 v4, v12;
	v16 =	vand.u32 $0x7E, v16;
	v23 =	vld [tilespmem:s17+$0xFFFFFF50];
	[tilespmem:v22+s12+$0x0] =	vst.idx.msk $0xffff, v21  }
0x2b1: {  	v28 =	vadd.s32 v4, v16;
	v27 =	vld [tilespmem:s17+$0xFFFFFF90];
	[tilespmem:v25+s12+$0x0] =	vst.idx.msk $0xffff, v24  }
0x2b2: {  	v25 =	vadd.s32 v6, v8;
	[tilespmem:v20+s12+$0x0] =	vst.idx.msk $0xffff, v19;
	v24 =	vld [tilespmem:s18+$0xFFFFFFB0]  }
0x2b3: {  	[tilespmem:v18+s12+$0x0] =	vst.idx.msk $0xffff, v14;
	v14 =	vld [tilespmem:s17+$0xFFFFFFE0];
	v18 =	vadd.s32 v5, v11  }
0x2b4: {  	v30 =	vadd.s32 v5, v15;
	v29 =	vld [tilespmem:s17+$0xFFFFFF20];
	[tilespmem:v17+s12+$0x0] =	vst.idx.msk $0xffff, v13  }
0x2b5: {  	[tilespmem:v26+s12+$0x0] =	vst.idx.msk $0xffff, v23;
	v23 =	vld [tilespmem:s18+$0xFFFFFF80];
	v26 =	vadd.s32 v7, v10;
	v10 =	vmov v12  }
.Ltmp12:
0x2b6: {  	v21 =	vld [tilespmem:s17+$0xFFFFFF60];
	v22 =	vadd.s32 v5, v10;
	[tilespmem:v28+s12+$0x0] =	vst.idx.msk $0xffff, v27;
	(pc) =	sbr.rel @p0 .LBB2_27-.Ltmp12, $4  }
0x2b7: {  	v20 =	vadd.s32 v5, v16;
	v19 =	vld [tilespmem:s17+$0xFFFFFFA0];
	[tilespmem:v25+s12+$0x0] =	vst.idx.msk $0xffff, v24  }
0x2b8: {  	[tilespmem:v18+s12+$0x0] =	vst.idx.msk $0xffff, v14;
	v14 =	vld [tilespmem:s18+$0xFFFFFFC0];
	v18 =	vadd.s32 v7, v8;
	v8 =	vmov v16  }
0x2b9: {  	v16 =	vadd.s32 v6, v11;
	[tilespmem:v30+s12+$0x0] =	vst.idx.msk $0xffff, v29;
	v12 =	vld [tilespmem:s17+$0xFFFFFFF0]  }
0x2ba: {  	s23 =	sadd.s32 $0x4, s23;
	s24 =	sadd.s32 $0x3, s14;
	v17 =	vadd.s32 v6, v15;
	v13 =	vld [tilespmem:s17+$0xFFFFFF30];
	[tilespmem:v26+s12+$0x0] =	vst.idx.msk $0xffff, v23  }
0x2bb: {  	_ =	sdelay $0x2  }
0x2bc: {  	v23 =	vmov s24  }
0x2bd: {  	s23 =	sadd.s32 $0x1, s14;
	[tilespmem:v22+s12+$0x0] =	vst.idx.msk $0xffff, v21;
	v29 =	vld [tilespmem:s18+$0xFFFFFF40];
	v9 =	vadd.s32 v7, v9;
	s26 =	sadd.s32 $0x100, s17;
	v25 =	vmov s14;
	v30 =	vand.u32 $0x7F, v23  }
0x2be: {  	s28 =	sadd.s32 $0x2, s14;
	v31 =	vmov s23;
	[tilespmem:v20+s12+$0x0] =	vst.idx.msk $0xffff, v19;
	v32 =	vld [tilespmem:s26+$0xFFFFFFD0];
	v25 =	vand.u32 $0x7C, v25;
	v33 =	vadd.s32 v4, v30  }
0x2bf: {  	v24 =	vmov s28;
	v26 =	vld [tilespmem:s26+$0xFFFFFF10];
	v23 =	vand.u32 $0x7D, v31;
	[tilespmem:v18+s12+$0x0] =	vst.idx.msk $0xffff, v14;
	v38 =	vadd.s32 v4, v25  }
0x2c0: {  	v34 =	vld [tilespmem:s26+$0xFFFFFF50];
	v24 =	vand.u32 $0x7E, v24;
	v35 =	vadd.s32 v4, v23;
	[tilespmem:v16+s12+$0x0] =	vst.idx.msk $0xffff, v12  }
0x2c1: {  	v36 =	vld [tilespmem:s26+$0xFFFFFF90];
	v37 =	vadd.s32 v4, v24;
	[tilespmem:v17+s12+$0x0] =	vst.idx.msk $0xffff, v13  }
0x2c2: {  	v40 =	vadd.s32 v6, v10;
	v39 =	vld [tilespmem:s17+$0xFFFFFF70];
	[tilespmem:v9+s12+$0x0] =	vst.idx.msk $0xffff, v29  }
0x2c3: {  	v48 =	vadd.s32 v6, v8;
	v47 =	vld [tilespmem:s17+$0xFFFFFFB0];
	[tilespmem:v33+s12+$0x0] =	vst.idx.msk $0xffff, v32  }
0x2c4: {  	v42 =	vadd.s32 v5, v30;
	[tilespmem:v38+s12+$0x0] =	vst.idx.msk $0xffff, v26;
	v19 =	vld [tilespmem:s26+$0xFFFFFFE0]  }
0x2c5: {  	v46 =	vadd.s32 v5, v25;
	[tilespmem:v35+s12+$0x0] =	vst.idx.msk $0xffff, v34;
	v45 =	vld [tilespmem:s26+$0xFFFFFF20]  }
0x2c6: {  	v43 =	vadd.s32 v5, v23;
	[tilespmem:v37+s12+$0x0] =	vst.idx.msk $0xffff, v36;
	v14 =	vld [tilespmem:s26+$0xFFFFFF60]  }
0x2c7: {  	v44 =	vadd.s32 v5, v24;
	[tilespmem:v40+s12+$0x0] =	vst.idx.msk $0xffff, v39;
	v12 =	vld [tilespmem:s26+$0xFFFFFFA0]  }
0x2c8: {  	v11 =	vadd.s32 v7, v11;
	v41 =	vld [tilespmem:s17+$0x0];
	[tilespmem:v48+s12+$0x0] =	vst.idx.msk $0xffff, v47  }
0x2c9: {  	v8 =	vadd.s32 v7, v8;
	v17 =	vld [tilespmem:s17+$0xFFFFFFC0];
	[tilespmem:v42+s12+$0x0] =	vst.idx.msk $0xffff, v19  }
0x2ca: {  	v51 =	vadd.s32 v6, v30;
	[tilespmem:v46+s12+$0x0] =	vst.idx.msk $0xffff, v45;
	v19 =	vld [tilespmem:s26+$0xFFFFFFF0]  }
0x2cb: {  	v56 =	vadd.s32 v6, v25;
	[tilespmem:v43+s12+$0x0] =	vst.idx.msk $0xffff, v14;
	v55 =	vld [tilespmem:s26+$0xFFFFFF30]  }
0x2cc: {  	v52 =	vadd.s32 v6, v23;
	[tilespmem:v44+s12+$0x0] =	vst.idx.msk $0xffff, v12;
	v14 =	vld [tilespmem:s26+$0xFFFFFF70]  }
0x2cd: {  	v54 =	vadd.s32 v6, v24;
	[tilespmem:v11+s12+$0x0] =	vst.idx.msk $0xffff, v41;
	v53 =	vld [tilespmem:s26+$0xFFFFFFB0]  }
0x2ce: {  	v58 =	vadd.s32 v7, v15;
	v57 =	vld [tilespmem:s17+$0xFFFFFF40];
	[tilespmem:v8+s12+$0x0] =	vst.idx.msk $0xffff, v17  }
0x2cf: {  	v50 =	vadd.s32 v7, v10;
	v49 =	vld [tilespmem:s17+$0xFFFFFF80];
	[tilespmem:v51+s12+$0x0] =	vst.idx.msk $0xffff, v19  }
0x2d0: {  	v60 =	vadd.s32 v7, v30;
	[tilespmem:v56+s12+$0x0] =	vst.idx.msk $0xffff, v55;
	v59 =	vld [tilespmem:s26+$0x0]  }
0x2d1: {  	v63 =	vadd.s32 v7, v25;
	[tilespmem:v52+s12+$0x0] =	vst.idx.msk $0xffff, v14;
	v8 =	vld [tilespmem:s26+$0xFFFFFF40]  }
0x2d2: {  	v61 =	vadd.s32 v7, v23;
	s17 =	sshll.u32 s6, $0xE;
	[tilespmem:v54+s12+$0x0] =	vst.idx.msk $0xffff, v53;
	v14 =	vld [tilespmem:s26+$0xFFFFFF80]  }
0x2d3: {  	s23 =	sshll.u32 s6, $0x9;
	v62 =	vadd.s32 v7, v24;
	s14 =	sadd.s32 $0x8000, s17;
	[tilespmem:v58+s12+$0x0] =	vst.idx.msk $0xffff, v57;
	v9 =	vld [tilespmem:s26+$0xFFFFFFC0]  }
0x2d4: {  	s17 =	sand.u32 $0x200, s23;
	s14 =	sand.u32 $0x1F8000, s14;
	[tilespmem:v50+s12+$0x0] =	vst.idx.msk $0xffff, v49  }
0x2d5: {  	s14 =	sor.u32 s17, s14;
	[tilespmem:v60+s12+$0x0] =	vst.idx.msk $0xffff, v59  }
0x2d6: {  	s14 =	sor.u32 s5, s14;
	[tilespmem:v63+s12+$0x0] =	vst.idx.msk $0xffff, v8  }
0x2d7: {  	s14 =	sshrl.u32 s14, $0x3;
	[tilespmem:v61+s12+$0x0] =	vst.idx.msk $0xffff, v14  }
0x2d8: {  	s24 =	simm.s32 $0x0;
	s14 =	sadd.s32 s1, s14;
	[tilespmem:v62+s12+$0x0] =	vst.idx.msk $0xffff, v9  }
0x2d9: {  	[tilespmem:s24], [sflag:$0x1] =	stream.linear.gather [hbm4b:s14+s24], $0x80, $0x38;
	[tilespmem:$0x10A00] =	vst v63  }
0x2da: {  	s14 =	sadd.s32 $0x10, s14  }
0x2db: {  	[tilespmem:s29], [sflag:$0x1] =	stream.linear.gather [hbm4b:s14+s24], $0x80, $0x38;
	[tilespmem:$0x10A00] =	vst v63  }
0x2dc: {  	s14 =	sshll.u32 s6, $0x14  }
0x2dd: {  	s26 =	sadd.s32 s19, s14  }
0x2de: {  	s17 =	sshrl.u32 s26, $0x3  }
0x2df: {  	s28 =	simm.s32 $0x8200;
	s18 =	sadd.s32 s3, s17  }
0x2e0: {  	[hbm4b:s18+s4] =	stream.linear.scatter [tilespmem:s28], [sflag:$0x5], $0x80, $0x38;
	[tilespmem:$0x10A00] =	vst v63  }
0x2e1: {  	s23 =	simm.s32 $0x8288;
	s24 =	sadd.s32 $0x10, s18  }
0x2e2: {  	[hbm4b:s24+s4] =	stream.linear.scatter [tilespmem:s23], [sflag:$0x5], $0x80, $0x38;
	[tilespmem:$0x10A00] =	vst v63  }
0x2e3: {  	s26 =	simm.s32 $0x8310;
	s28 =	sadd.s32 $0x20, s18  }
0x2e4: {  	[hbm4b:s28+s4] =	stream.linear.scatter [tilespmem:s26], [sflag:$0x5], $0x80, $0x38;
	[tilespmem:$0x10A00] =	vst v63  }
0x2e5: {  	s23 =	simm.s32 $0x8398;
	s24 =	sadd.s32 $0x30, s18  }
0x2e6: {  	[hbm4b:s24+s4] =	stream.linear.scatter [tilespmem:s23], [sflag:$0x5], $0x80, $0x38;
	[tilespmem:$0x10A00] =	vst v63  }
0x2e7: {  	s26 =	simm.s32 $0x8420;
	s28 =	sadd.s32 $0x40, s18  }
0x2e8: {  	[hbm4b:s28+s4] =	stream.linear.scatter [tilespmem:s26], [sflag:$0x5], $0x80, $0x38;
	[tilespmem:$0x10A00] =	vst v63  }
0x2e9: {  	s17 =	simm.s32 $0x440;
	s23 =	simm.s32 $0x84A8;
	s24 =	sadd.s32 $0x50, s18  }
0x2ea: {  	[hbm4b:s24+s4] =	stream.linear.scatter [tilespmem:s23], [sflag:$0x5], $0x80, $0x38;
	[tilespmem:$0x10A00] =	vst v63  }
0x2eb: {  	s26 =	simm.s32 $0x8530;
	s28 =	sadd.s32 $0x60, s18;
	s23 =	simm.s32 $0x2200  }
0x2ec: {  	[hbm4b:s28+s4] =	stream.linear.scatter [tilespmem:s26], [sflag:$0x5], $0x80, $0x38;
	[tilespmem:$0x10A00] =	vst v63  }
0x2ed: {  	s24 =	simm.s32 $0x85B8;
	s26 =	sadd.s32 $0x70, s18;
	s18 =	sadd.s32 $0x1000, s18  }
.LBB2_29:
0x2ee: {  	[hbm4b:s26+s4] =	stream.linear.scatter [tilespmem:s24], [sflag:$0x5], $0x80, $0x38;
	[tilespmem:$0x10A00] =	vst v63  }
0x2ef: {  	s24 =	smov.u32 s17;
	s17 =	smov.u32 s23  }
0x2f0: {  	s28 =	sadd.s32 $0x1100, s23;
	s17 =	sshra.s32 s17, $0x2;
	s26 =	sadd.s32 $0x8200, s24  }
0x2f1: {  	[hbm4b:s18+s4] =	stream.linear.scatter [tilespmem:s26], [sflag:$0x5], $0x80, $0x38;
	[tilespmem:$0x10A00] =	vst v63  }
0x2f2: {  	p0 =	sne.s32 s23, $0x7700;
	s23 =	sadd.s32 $0x8288, s24;
	s26 =	sadd.s32 $0x10, s18  }
0x2f3: {  	[hbm4b:s26+s4] =	stream.linear.scatter [tilespmem:s23], [sflag:$0x5], $0x80, $0x38;
	[tilespmem:$0x10A00] =	vst v63  }
0x2f4: {  	s23 =	sadd.s32 $0x8310, s24;
	s26 =	sadd.s32 $0x20, s18  }
0x2f5: {  	[hbm4b:s26+s4] =	stream.linear.scatter [tilespmem:s23], [sflag:$0x5], $0x80, $0x38;
	[tilespmem:$0x10A00] =	vst v63  }
0x2f6: {  	s23 =	sadd.s32 $0x8398, s24;
	s26 =	sadd.s32 $0x30, s18  }
0x2f7: {  	[hbm4b:s26+s4] =	stream.linear.scatter [tilespmem:s23], [sflag:$0x5], $0x80, $0x38;
	[tilespmem:$0x10A00] =	vst v63  }
0x2f8: {  	s23 =	sadd.s32 $0x8420, s24;
	s26 =	sadd.s32 $0x40, s18  }
0x2f9: {  	[hbm4b:s26+s4] =	stream.linear.scatter [tilespmem:s23], [sflag:$0x5], $0x80, $0x38;
	[tilespmem:$0x10A00] =	vst v63  }
.Ltmp13:
0x2fa: {  	s23 =	sadd.s32 $0x84A8, s24;
	s26 =	sadd.s32 $0x50, s18;
	(pc) =	sbr.rel @p0 .LBB2_29-.Ltmp13, $4  }
0x2fb: {  	[hbm4b:s26+s4] =	stream.linear.scatter [tilespmem:s23], [sflag:$0x5], $0x80, $0x38;
	[tilespmem:$0x10A00] =	vst v63  }
0x2fc: {  	s23 =	sadd.s32 $0x8530, s24;
	s26 =	sadd.s32 $0x60, s18;
	s24 =	sadd.s32 $0x85B8, s24  }
0x2fd: {  	[hbm4b:s26+s4] =	stream.linear.scatter [tilespmem:s23], [sflag:$0x5], $0x80, $0x38;
	[tilespmem:$0x10A00] =	vst v63  }
0x2fe: {  	s26 =	sadd.s32 $0x70, s18;
	s18 =	sadd.s32 $0x1000, s18;
	s23 =	smov.u32 s28  }
0x2ff: {  	[hbm4b:s26+s4] =	stream.linear.scatter [tilespmem:s24], [sflag:$0x5], $0x80, $0x38;
	[tilespmem:$0x10A00] =	vst v63  }
0x300: {  	s23 =	sadd.s32 $0x8200, s17  }
0x301: {  	[hbm4b:s18+s4] =	stream.linear.scatter [tilespmem:s23], [sflag:$0x5], $0x80, $0x38;
	[tilespmem:$0x10A00] =	vst v63  }
0x302: {  	s26 =	sadd.s32 $0x8288, s17;
	s28 =	sadd.s32 $0x10, s18  }
0x303: {  	[hbm4b:s28+s4] =	stream.linear.scatter [tilespmem:s26], [sflag:$0x5], $0x80, $0x38;
	[tilespmem:$0x10A00] =	vst v63  }
0x304: {  	s26 =	sadd.s32 $0x8310, s17;
	s28 =	sadd.s32 $0x20, s18  }
0x305: {  	[hbm4b:s28+s4] =	stream.linear.scatter [tilespmem:s26], [sflag:$0x5], $0x80, $0x38;
	[tilespmem:$0x10A00] =	vst v63  }
0x306: {  	s26 =	sadd.s32 $0x8398, s17;
	s28 =	sadd.s32 $0x30, s18  }
0x307: {  	[hbm4b:s28+s4] =	stream.linear.scatter [tilespmem:s26], [sflag:$0x5], $0x80, $0x38;
	[tilespmem:$0x10A00] =	vst v63  }
0x308: {  	s26 =	sadd.s32 $0x8420, s17;
	s28 =	sadd.s32 $0x40, s18  }
0x309: {  	[hbm4b:s28+s4] =	stream.linear.scatter [tilespmem:s26], [sflag:$0x5], $0x80, $0x38;
	[tilespmem:$0x10A00] =	vst v63  }
0x30a: {  	s26 =	sadd.s32 $0x84A8, s17;
	s28 =	sadd.s32 $0x50, s18  }
0x30b: {  	[hbm4b:s28+s4] =	stream.linear.scatter [tilespmem:s26], [sflag:$0x5], $0x80, $0x38;
	[tilespmem:$0x10A00] =	vst v63  }
0x30c: {  	s26 =	sadd.s32 $0x8530, s17;
	s28 =	sadd.s32 $0x60, s18  }
0x30d: {  	[hbm4b:s28+s4] =	stream.linear.scatter [tilespmem:s26], [sflag:$0x5], $0x80, $0x38;
	[tilespmem:$0x10A00] =	vst v63  }
0x30e: {  	s26 =	sadd.s32 s20, s14  }
0x30f: {  	s24 =	sadd.s32 $0x70, s18;
	s23 =	sadd.s32 $0x85B8, s17;
	s17 =	sshrl.u32 s26, $0x3  }
0x310: {  	[hbm4b:s24+s4] =	stream.linear.scatter [tilespmem:s23], [sflag:$0x5], $0x80, $0x38;
	[tilespmem:$0x10A00] =	vst v63  }
0x311: {  	s28 =	simm.s32 $0xA400;
	s18 =	sadd.s32 s3, s17  }
0x312: {  	[hbm4b:s18+s4] =	stream.linear.scatter [tilespmem:s28], [sflag:$0x5], $0x80, $0x38;
	[tilespmem:$0x10A00] =	vst v63  }
0x313: {  	s23 =	simm.s32 $0xA488;
	s24 =	sadd.s32 $0x10, s18  }
0x314: {  	[hbm4b:s24+s4] =	stream.linear.scatter [tilespmem:s23], [sflag:$0x5], $0x80, $0x38;
	[tilespmem:$0x10A00] =	vst v63  }
0x315: {  	s26 =	simm.s32 $0xA510;
	s28 =	sadd.s32 $0x20, s18  }
0x316: {  	[hbm4b:s28+s4] =	stream.linear.scatter [tilespmem:s26], [sflag:$0x5], $0x80, $0x38;
	[tilespmem:$0x10A00] =	vst v63  }
0x317: {  	s23 =	simm.s32 $0xA598;
	s24 =	sadd.s32 $0x30, s18  }
0x318: {  	[hbm4b:s24+s4] =	stream.linear.scatter [tilespmem:s23], [sflag:$0x5], $0x80, $0x38;
	[tilespmem:$0x10A00] =	vst v63  }
0x319: {  	s26 =	simm.s32 $0xA620;
	s28 =	sadd.s32 $0x40, s18  }
0x31a: {  	[hbm4b:s28+s4] =	stream.linear.scatter [tilespmem:s26], [sflag:$0x5], $0x80, $0x38;
	[tilespmem:$0x10A00] =	vst v63  }
0x31b: {  	s17 =	simm.s32 $0x440;
	s23 =	simm.s32 $0xA6A8;
	s24 =	sadd.s32 $0x50, s18  }
0x31c: {  	[hbm4b:s24+s4] =	stream.linear.scatter [tilespmem:s23], [sflag:$0x5], $0x80, $0x38;
	[tilespmem:$0x10A00] =	vst v63  }
0x31d: {  	s26 =	simm.s32 $0xA730;
	s28 =	sadd.s32 $0x60, s18;
	s23 =	simm.s32 $0x2200  }
0x31e: {  	[hbm4b:s28+s4] =	stream.linear.scatter [tilespmem:s26], [sflag:$0x5], $0x80, $0x38;
	[tilespmem:$0x10A00] =	vst v63  }
0x31f: {  	s24 =	simm.s32 $0xA7B8;
	s26 =	sadd.s32 $0x70, s18;
	s18 =	sadd.s32 $0x1000, s18  }
.LBB2_31:
0x320: {  	[hbm4b:s26+s4] =	stream.linear.scatter [tilespmem:s24], [sflag:$0x5], $0x80, $0x38;
	[tilespmem:$0x10A00] =	vst v63  }
0x321: {  	s24 =	smov.u32 s17;
	s17 =	smov.u32 s23  }
0x322: {  	s28 =	sadd.s32 $0x1100, s23;
	s17 =	sshra.s32 s17, $0x2;
	s26 =	sadd.s32 $0xA400, s24  }
0x323: {  	[hbm4b:s18+s4] =	stream.linear.scatter [tilespmem:s26], [sflag:$0x5], $0x80, $0x38;
	[tilespmem:$0x10A00] =	vst v63  }
0x324: {  	p0 =	sne.s32 s23, $0x7700;
	s23 =	sadd.s32 $0xA488, s24;
	s26 =	sadd.s32 $0x10, s18  }
0x325: {  	[hbm4b:s26+s4] =	stream.linear.scatter [tilespmem:s23], [sflag:$0x5], $0x80, $0x38;
	[tilespmem:$0x10A00] =	vst v63  }
0x326: {  	s23 =	sadd.s32 $0xA510, s24;
	s26 =	sadd.s32 $0x20, s18  }
0x327: {  	[hbm4b:s26+s4] =	stream.linear.scatter [tilespmem:s23], [sflag:$0x5], $0x80, $0x38;
	[tilespmem:$0x10A00] =	vst v63  }
0x328: {  	s23 =	sadd.s32 $0xA598, s24;
	s26 =	sadd.s32 $0x30, s18  }
0x329: {  	[hbm4b:s26+s4] =	stream.linear.scatter [tilespmem:s23], [sflag:$0x5], $0x80, $0x38;
	[tilespmem:$0x10A00] =	vst v63  }
0x32a: {  	s23 =	sadd.s32 $0xA620, s24;
	s26 =	sadd.s32 $0x40, s18  }
0x32b: {  	[hbm4b:s26+s4] =	stream.linear.scatter [tilespmem:s23], [sflag:$0x5], $0x80, $0x38;
	[tilespmem:$0x10A00] =	vst v63  }
.Ltmp14:
0x32c: {  	s23 =	sadd.s32 $0xA6A8, s24;
	s26 =	sadd.s32 $0x50, s18;
	(pc) =	sbr.rel @p0 .LBB2_31-.Ltmp14, $4  }
0x32d: {  	[hbm4b:s26+s4] =	stream.linear.scatter [tilespmem:s23], [sflag:$0x5], $0x80, $0x38;
	[tilespmem:$0x10A00] =	vst v63  }
0x32e: {  	s23 =	sadd.s32 $0xA730, s24;
	s26 =	sadd.s32 $0x60, s18;
	s24 =	sadd.s32 $0xA7B8, s24  }
0x32f: {  	[hbm4b:s26+s4] =	stream.linear.scatter [tilespmem:s23], [sflag:$0x5], $0x80, $0x38;
	[tilespmem:$0x10A00] =	vst v63  }
0x330: {  	s26 =	sadd.s32 $0x70, s18;
	s18 =	sadd.s32 $0x1000, s18;
	s23 =	smov.u32 s28  }
0x331: {  	[hbm4b:s26+s4] =	stream.linear.scatter [tilespmem:s24], [sflag:$0x5], $0x80, $0x38;
	[tilespmem:$0x10A00] =	vst v63  }
0x332: {  	s23 =	sadd.s32 $0xA400, s17  }
0x333: {  	[hbm4b:s18+s4] =	stream.linear.scatter [tilespmem:s23], [sflag:$0x5], $0x80, $0x38;
	[tilespmem:$0x10A00] =	vst v63  }
0x334: {  	s24 =	sadd.s32 $0xA488, s17;
	s26 =	sadd.s32 $0x10, s18  }
0x335: {  	[hbm4b:s26+s4] =	stream.linear.scatter [tilespmem:s24], [sflag:$0x5], $0x80, $0x38;
	[tilespmem:$0x10A00] =	vst v63  }
0x336: {  	s24 =	sadd.s32 $0xA510, s17;
	s26 =	sadd.s32 $0x20, s18  }
0x337: {  	[hbm4b:s26+s4] =	stream.linear.scatter [tilespmem:s24], [sflag:$0x5], $0x80, $0x38;
	[tilespmem:$0x10A00] =	vst v63  }
0x338: {  	s24 =	sadd.s32 $0xA598, s17;
	s26 =	sadd.s32 $0x30, s18  }
0x339: {  	[hbm4b:s26+s4] =	stream.linear.scatter [tilespmem:s24], [sflag:$0x5], $0x80, $0x38;
	[tilespmem:$0x10A00] =	vst v63  }
0x33a: {  	s24 =	sadd.s32 $0xA620, s17;
	s26 =	sadd.s32 $0x40, s18  }
0x33b: {  	[hbm4b:s26+s4] =	stream.linear.scatter [tilespmem:s24], [sflag:$0x5], $0x80, $0x38;
	[tilespmem:$0x10A00] =	vst v63  }
0x33c: {  	s24 =	sadd.s32 $0xA6A8, s17;
	s26 =	sadd.s32 $0x50, s18  }
0x33d: {  	[hbm4b:s26+s4] =	stream.linear.scatter [tilespmem:s24], [sflag:$0x5], $0x80, $0x38;
	[tilespmem:$0x10A00] =	vst v63  }
0x33e: {  	s24 =	sadd.s32 $0xA730, s17;
	s26 =	sadd.s32 $0x60, s18  }
0x33f: {  	[hbm4b:s26+s4] =	stream.linear.scatter [tilespmem:s24], [sflag:$0x5], $0x80, $0x38;
	[tilespmem:$0x10A00] =	vst v63  }
0x340: {  	s23 =	sadd.s32 $0xA7B8, s17;
	s24 =	sadd.s32 $0x70, s18  }
0x341: {  	[hbm4b:s24+s4] =	stream.linear.scatter [tilespmem:s23], [sflag:$0x5], $0x80, $0x38;
	[tilespmem:$0x10A00] =	vst v63  }
0x342: {  	_ =	swait.ge [sflag:s2], $0x80  }
0x343: {  	[sflag:s2] =	ssyncset.done $0x0  }
0x344: {  	[sflag:s2] =	ssyncadd.s32 $0xFFFFFF80  }
0x345: {  	_ =	swait.ge [sflag:s2], $0x80  }
0x346: {  	[sflag:s2] =	ssyncset.done $0x0  }
0x347: {  	s26 =	simm.s32 $0x0;
	[sflag:s2] =	ssyncadd.s32 $0xFFFFFF80  }
0x348: {  	[tilespmem:s0], [sflag:$0x3] =	stream.indirect.gather [hbm4b:s7+s30], $0x40, s26, s30, $0xb8;
	[tilespmem:$0x10A00] =	vst v63  }
0x349: {  	_ =	swait.ge [sflag:s13], $0x4000  }
0x34a: {  	[sflag:s13] =	ssyncset.done $0x0  }
0x34b: {  	[sflag:s13] =	ssyncadd.s32 $0xFFFFC000  }
0x34c: {  	_ =	swait.ge [sflag:s25], $0x2000  }
0x34d: {  	[sflag:s25] =	ssyncset.done $0x0  }
0x34e: {  	[sflag:s25] =	ssyncadd.s32 $0xFFFFE000  }
0x34f: {  	s24 =	simm.s32 $0x3;
	_ =	swait.ge [sflag:s25], $0x2000  }
0x350: {  	v8 =	vmov s24;
	[sflag:s25] =	ssyncset.done $0x0  }
0x351: {  	s23 =	simm.s32 $0x4280;
	v14 =	vand.u32 $0x7F, v8;
	[sflag:s25] =	ssyncadd.s32 $0xFFFFE000  }
0x352: {  	v8 =	vmov s26;
	v11 =	vadd.s32 v0, v14;
	s26 =	simm.s32 $0x1;
	v10 =	vld [tilespmem:s23+$0x40]  }
0x353: {  	v9 =	vand.u32 $0x7C, v8;
	v8 =	vmov s26  }
0x354: {  	v16 =	vadd.s32 v0, v9;
	v13 =	vand.u32 $0x7D, v8;
	v15 =	vld [tilespmem:s23+$0xFFFFFF80]  }
0x355: {  	v17 =	vadd.s32 v0, v13;
	v8 =	vld [tilespmem:s23+$0xFFFFFFC0]  }
0x356: {  	s18 =	simm.s32 $0x2  }
0x357: {  	v12 =	vmov s18;
	[tilespmem:v11+s15+$0x0] =	vst.idx.msk $0xffff, v10  }
0x358: {  	v12 =	vand.u32 $0x7E, v12;
	v11 =	vadd.s32 v1, v14;
	v10 =	vld [tilespmem:s23+$0x50]  }
0x359: {  	v19 =	vadd.s32 v0, v12;
	v18 =	vld [tilespmem:s23+$0x0];
	[tilespmem:v16+s15+$0x0] =	vst.idx.msk $0xffff, v15  }
0x35a: {  	v16 =	vadd.s32 v1, v9;
	[tilespmem:v17+s15+$0x0] =	vst.idx.msk $0xffff, v8;
	v15 =	vld [tilespmem:s23+$0xFFFFFF90]  }
0x35b: {  	v17 =	vadd.s32 v1, v13;
	v8 =	vld [tilespmem:s23+$0xFFFFFFD0];
	_ =	sdelay $0x1  }
0x35c: {  	[tilespmem:v11+s15+$0x0] =	vst.idx.msk $0xffff, v10  }
0x35d: {  	[tilespmem:v19+s15+$0x0] =	vst.idx.msk $0xffff, v18;
	v18 =	vadd.s32 v2, v14;
	v10 =	vld [tilespmem:s23+$0x60]  }
0x35e: {  	v20 =	vadd.s32 v1, v12;
	s24 =	simm.s32 $0x7;
	v19 =	vld [tilespmem:s23+$0x10];
	[tilespmem:v16+s15+$0x0] =	vst.idx.msk $0xffff, v15  }
0x35f: {  	v22 =	vadd.s32 v2, v9;
	s26 =	simm.s32 $0x4;
	v11 =	vmov s24;
	[tilespmem:v17+s15+$0x0] =	vst.idx.msk $0xffff, v8;
	v21 =	vld [tilespmem:s23+$0xFFFFFFA0]  }
0x360: {  	s18 =	simm.s32 $0x4380;
	v23 =	vadd.s32 v2, v13;
	v15 =	vmov s26;
	v11 =	vand.u32 $0x7F, v11;
	v17 =	vld [tilespmem:s23+$0xFFFFFFE0]  }
0x361: {  	v24 =	vld [tilespmem:s18+$0x40];
	s24 =	simm.s32 $0x5;
	v16 =	vand.u32 $0x7C, v15;
	v25 =	vadd.s32 v0, v11  }
0x362: {  	v26 =	vld [tilespmem:s18+$0xFFFFFF80];
	s26 =	simm.s32 $0x6;
	v8 =	vmov s24;
	v27 =	vadd.s32 v0, v16;
	[tilespmem:v18+s15+$0x0] =	vst.idx.msk $0xffff, v10  }
0x363: {  	[tilespmem:v20+s15+$0x0] =	vst.idx.msk $0xffff, v19;
	v19 =	vadd.s32 v3, v14;
	v10 =	vand.u32 $0x7D, v8;
	v8 =	vmov s26;
	v18 =	vld [tilespmem:s23+$0x70]  }
0x364: {  	v20 =	vld [tilespmem:s18+$0xFFFFFFC0];
	[tilespmem:v22+s15+$0x0] =	vst.idx.msk $0xffff, v21;
	v21 =	vadd.s32 v0, v10;
	v8 =	vand.u32 $0x7E, v8  }
0x365: {  	v22 =	vld [tilespmem:s18+$0x0];
	[tilespmem:v23+s15+$0x0] =	vst.idx.msk $0xffff, v17;
	v28 =	vadd.s32 v0, v8  }
0x366: {  	v17 =	vld [tilespmem:s23+$0x20];
	v23 =	vadd.s32 v2, v12;
	[tilespmem:v25+s15+$0x0] =	vst.idx.msk $0xffff, v24  }
0x367: {  	[tilespmem:v27+s15+$0x0] =	vst.idx.msk $0xffff, v26;
	v25 =	vadd.s32 v1, v11;
	v24 =	vld [tilespmem:s18+$0x50]  }
0x368: {  	v32 =	vadd.s32 v1, v16;
	v31 =	vld [tilespmem:s18+$0xFFFFFF90];
	[tilespmem:v19+s15+$0x0] =	vst.idx.msk $0xffff, v18  }
0x369: {  	[tilespmem:v21+s15+$0x0] =	vst.idx.msk $0xffff, v20;
	v18 =	vld [tilespmem:s23+$0xFFFFFFF0];
	v19 =	vadd.s32 v3, v13  }
0x36a: {  	v30 =	vadd.s32 v1, v10;
	v29 =	vld [tilespmem:s18+$0xFFFFFFD0];
	[tilespmem:v28+s15+$0x0] =	vst.idx.msk $0xffff, v22  }
0x36b: {  	[tilespmem:v23+s15+$0x0] =	vst.idx.msk $0xffff, v17;
	v28 =	vadd.s32 v1, v8;
	v26 =	vld [tilespmem:s18+$0x10]  }
0x36c: {  	v27 =	vadd.s32 v3, v12;
	v23 =	vld [tilespmem:s23+$0x30];
	[tilespmem:v25+s15+$0x0] =	vst.idx.msk $0xffff, v24  }
0x36d: {  	s28 =	simm.s32 $0xB;
	v17 =	vmov v8;
	[tilespmem:v32+s15+$0x0] =	vst.idx.msk $0xffff, v31;
	v24 =	vadd.s32 v2, v11;
	v21 =	vld [tilespmem:s18+$0x60]  }
0x36e: {  	s17 =	simm.s32 $0x8;
	s24 =	simm.s32 $0x8;
	s26 =	simm.s32 $0xC;
	v20 =	vmovc v9;
	v25 =	vadd.s32 v2, v16;
	v22 =	vld [tilespmem:s18+$0xFFFFFFA0];
	[tilespmem:v19+s15+$0x0] =	vst.idx.msk $0xffff, v18;
	v18 =	vmov v10;
	v19 =	vmov v11  }
.LBB2_33:
0x36f: {  	p0 =	slt.u32 s26, $0x7C;
	v31 =	vmov s28;
	[tilespmem:v30+s15+$0x0] =	vst.idx.msk $0xffff, v29;
	v29 =	vld [tilespmem:s23+$0xFFFFFFB0];
	v30 =	vadd.s32 v3, v20;
	v20 =	vmov v16;
	s23 =	smov.u32 s18  }
0x370: {  	v16 =	vmov s24;
	v33 =	vadd.s32 v2, v18;
	s18 =	sadd.s32 $0x100, s18;
	v31 =	vand.u32 $0x7F, v31;
	v32 =	vld [tilespmem:s23+$0xFFFFFFE0];
	[tilespmem:v28+s15+$0x0] =	vst.idx.msk $0xffff, v26  }
0x371: {  	s28 =	sadd.s32 $0x1, s24;
	v16 =	vand.u32 $0x7C, v16;
	v26 =	vld [tilespmem:s18+$0x40];
	v28 =	vadd.s32 v0, v31;
	[tilespmem:v27+s15+$0x0] =	vst.idx.msk $0xffff, v23  }
0x372: {  	v34 =	vmov s28;
	s28 =	sadd.s32 $0x2, s24;
	s24 =	smov.u32 s26;
	v27 =	vadd.s32 v0, v16;
	v23 =	vld [tilespmem:s18+$0xFFFFFF80];
	[tilespmem:v24+s15+$0x0] =	vst.idx.msk $0xffff, v21  }
0x373: {  	v21 =	vand.u32 $0x7D, v34;
	v24 =	vmov s28;
	[tilespmem:v25+s15+$0x0] =	vst.idx.msk $0xffff, v22;
	v22 =	vld [tilespmem:s23+$0x70];
	v25 =	vadd.s32 v3, v19;
	v19 =	vmovc v31  }
0x374: {  	v34 =	vadd.s32 v0, v21;
	v24 =	vand.u32 $0x7E, v24;
	v31 =	vld [tilespmem:s18+$0xFFFFFFC0];
	[tilespmem:v30+s15+$0x0] =	vst.idx.msk $0xffff, v29  }
0x375: {  	v36 =	vadd.s32 v0, v24;
	v35 =	vld [tilespmem:s18+$0x0];
	[tilespmem:v33+s15+$0x0] =	vst.idx.msk $0xffff, v32  }
0x376: {  	v33 =	vadd.s32 v2, v17;
	[tilespmem:v28+s15+$0x0] =	vst.idx.msk $0xffff, v26;
	v32 =	vld [tilespmem:s23+$0x20]  }
0x377: {  	[tilespmem:v27+s15+$0x0] =	vst.idx.msk $0xffff, v23;
	v23 =	vld [tilespmem:s18+$0x50];
	v27 =	vadd.s32 v1, v19  }
0x378: {  	v38 =	vadd.s32 v1, v16;
	v37 =	vld [tilespmem:s18+$0xFFFFFF90];
	[tilespmem:v25+s15+$0x0] =	vst.idx.msk $0xffff, v22  }
0x379: {  	[tilespmem:v34+s15+$0x0] =	vst.idx.msk $0xffff, v31;
	v31 =	vld [tilespmem:s23+$0xFFFFFFF0];
	v34 =	vadd.s32 v3, v18;
	v18 =	vmov v21  }
.Ltmp15:
0x37a: {  	v29 =	vld [tilespmem:s18+$0xFFFFFFD0];
	v30 =	vadd.s32 v1, v18;
	[tilespmem:v36+s15+$0x0] =	vst.idx.msk $0xffff, v35;
	(pc) =	sbr.rel @p0 .LBB2_33-.Ltmp15, $4  }
0x37b: {  	v28 =	vadd.s32 v1, v24;
	v26 =	vld [tilespmem:s18+$0x10];
	[tilespmem:v33+s15+$0x0] =	vst.idx.msk $0xffff, v32  }
0x37c: {  	[tilespmem:v27+s15+$0x0] =	vst.idx.msk $0xffff, v23;
	v23 =	vld [tilespmem:s23+$0x30];
	v27 =	vadd.s32 v3, v17;
	v17 =	vmov v24  }
0x37d: {  	v24 =	vadd.s32 v2, v19;
	[tilespmem:v38+s15+$0x0] =	vst.idx.msk $0xffff, v37;
	v21 =	vld [tilespmem:s18+$0x60]  }
0x37e: {  	s26 =	sadd.s32 $0x4, s26;
	s28 =	sadd.s32 $0x3, s24;
	v25 =	vadd.s32 v2, v16;
	v22 =	vld [tilespmem:s18+$0xFFFFFFA0];
	[tilespmem:v34+s15+$0x0] =	vst.idx.msk $0xffff, v31  }
0x37f: {  	_ =	sdelay $0x2  }
0x380: {  	v31 =	vmov s28;
	s26 =	sadd.s32 $0x1, s24  }
0x381: {  	[tilespmem:v30+s15+$0x0] =	vst.idx.msk $0xffff, v29;
	v40 =	vld [tilespmem:s23+$0xFFFFFFB0];
	v20 =	vadd.s32 v3, v20;
	s23 =	sadd.s32 $0x100, s18;
	s28 =	sadd.s32 $0x2, s24;
	v41 =	vand.u32 $0x7F, v31;
	v42 =	vmov s26  }
0x382: {  	[tilespmem:v28+s15+$0x0] =	vst.idx.msk $0xffff, v26;
	v43 =	vld [tilespmem:s23+$0x40];
	v32 =	vmov s28;
	v44 =	vadd.s32 v0, v41;
	v31 =	vand.u32 $0x7D, v42  }
0x383: {  	v33 =	vmov s24;
	[tilespmem:v27+s15+$0x0] =	vst.idx.msk $0xffff, v23;
	v23 =	vld [tilespmem:s23+$0xFFFFFFC0];
	v32 =	vand.u32 $0x7E, v32;
	v45 =	vadd.s32 v0, v31  }
0x384: {  	v33 =	vand.u32 $0x7C, v33;
	[tilespmem:v24+s15+$0x0] =	vst.idx.msk $0xffff, v21;
	v21 =	vld [tilespmem:s23+$0x0];
	v46 =	vadd.s32 v0, v32  }
0x385: {  	v34 =	vld [tilespmem:s23+$0xFFFFFF80];
	[tilespmem:v25+s15+$0x0] =	vst.idx.msk $0xffff, v22;
	v22 =	vadd.s32 v0, v33  }
0x386: {  	v47 =	vld [tilespmem:s18+$0xFFFFFFE0];
	[tilespmem:v20+s15+$0x0] =	vst.idx.msk $0xffff, v40;
	v20 =	vadd.s32 v2, v18  }
0x387: {  	v19 =	vadd.s32 v3, v19;
	v48 =	vld [tilespmem:s18+$0x70];
	[tilespmem:v44+s15+$0x0] =	vst.idx.msk $0xffff, v43  }
0x388: {  	v49 =	vadd.s32 v1, v41;
	v26 =	vld [tilespmem:s23+$0x50];
	[tilespmem:v45+s15+$0x0] =	vst.idx.msk $0xffff, v23  }
0x389: {  	v50 =	vadd.s32 v1, v31;
	[tilespmem:v46+s15+$0x0] =	vst.idx.msk $0xffff, v21;
	v23 =	vld [tilespmem:s23+$0xFFFFFFD0]  }
0x38a: {  	[tilespmem:v22+s15+$0x0] =	vst.idx.msk $0xffff, v34;
	v21 =	vld [tilespmem:s23+$0x10];
	v22 =	vadd.s32 v1, v32  }
0x38b: {  	v51 =	vadd.s32 v1, v33;
	[tilespmem:v20+s15+$0x0] =	vst.idx.msk $0xffff, v47;
	v20 =	vld [tilespmem:s23+$0xFFFFFF90]  }
0x38c: {  	v53 =	vadd.s32 v2, v17;
	v52 =	vld [tilespmem:s18+$0x20];
	[tilespmem:v19+s15+$0x0] =	vst.idx.msk $0xffff, v48  }
0x38d: {  	v18 =	vadd.s32 v3, v18;
	v19 =	vld [tilespmem:s18+$0xFFFFFFF0];
	[tilespmem:v49+s15+$0x0] =	vst.idx.msk $0xffff, v26  }
0x38e: {  	v54 =	vadd.s32 v2, v41;
	v26 =	vld [tilespmem:s23+$0x60];
	[tilespmem:v50+s15+$0x0] =	vst.idx.msk $0xffff, v23  }
0x38f: {  	v55 =	vadd.s32 v2, v31;
	[tilespmem:v22+s15+$0x0] =	vst.idx.msk $0xffff, v21;
	v23 =	vld [tilespmem:s23+$0xFFFFFFE0]  }
0x390: {  	v21 =	vadd.s32 v2, v32;
	[tilespmem:v51+s15+$0x0] =	vst.idx.msk $0xffff, v20;
	v20 =	vld [tilespmem:s23+$0x20]  }
0x391: {  	v56 =	vadd.s32 v2, v33;
	[tilespmem:v53+s15+$0x0] =	vst.idx.msk $0xffff, v52;
	v22 =	vld [tilespmem:s23+$0xFFFFFFA0]  }
0x392: {  	v17 =	vadd.s32 v3, v17;
	v25 =	vld [tilespmem:s18+$0x30];
	[tilespmem:v18+s15+$0x0] =	vst.idx.msk $0xffff, v19  }
0x393: {  	v16 =	vadd.s32 v3, v16;
	v18 =	vld [tilespmem:s18+$0xFFFFFFB0];
	[tilespmem:v54+s15+$0x0] =	vst.idx.msk $0xffff, v26  }
0x394: {  	v57 =	vadd.s32 v3, v41;
	v19 =	vld [tilespmem:s23+$0x70];
	[tilespmem:v55+s15+$0x0] =	vst.idx.msk $0xffff, v23  }
0x395: {  	v58 =	vadd.s32 v3, v31;
	[tilespmem:v21+s15+$0x0] =	vst.idx.msk $0xffff, v20;
	v23 =	vld [tilespmem:s23+$0xFFFFFFF0]  }
0x396: {  	v21 =	vadd.s32 v3, v32;
	[tilespmem:v56+s15+$0x0] =	vst.idx.msk $0xffff, v22;
	v20 =	vld [tilespmem:s23+$0x30]  }
0x397: {  	[tilespmem:v17+s15+$0x0] =	vst.idx.msk $0xffff, v25;
	v22 =	vadd.s32 v3, v33;
	v17 =	vld [tilespmem:s23+$0xFFFFFFB0]  }
0x398: {  	[tilespmem:v16+s15+$0x0] =	vst.idx.msk $0xffff, v18  }
0x399: {  	[tilespmem:v57+s15+$0x0] =	vst.idx.msk $0xffff, v19  }
0x39a: {  	[tilespmem:v58+s15+$0x0] =	vst.idx.msk $0xffff, v23  }
0x39b: {  	[tilespmem:v21+s15+$0x0] =	vst.idx.msk $0xffff, v20  }
0x39c: {  	s23 =	simm.s32 $0x62F0;
	[tilespmem:v22+s15+$0x0] =	vst.idx.msk $0xffff, v17  }
0x39d: {  	v17 =	vadd.s32 v4, v14;
	v16 =	vld [tilespmem:s23+$0xFFFFFFD0]  }
0x39e: {  	v19 =	vadd.s32 v4, v9;
	v18 =	vld [tilespmem:s23+$0xFFFFFF10];
	_ =	sdelay $0x1  }
0x39f: {  	v21 =	vadd.s32 v4, v13;
	v20 =	vld [tilespmem:s23+$0xFFFFFF50];
	_ =	sdelay $0x1  }
0x3a0: {  	[tilespmem:v17+s15+$0x0] =	vst.idx.msk $0xffff, v16  }
0x3a1: {  	v17 =	vadd.s32 v5, v14;
	[tilespmem:v19+s15+$0x0] =	vst.idx.msk $0xffff, v18;
	v16 =	vld [tilespmem:s23+$0xFFFFFFE0]  }
0x3a2: {  	v19 =	vadd.s32 v5, v9;
	v18 =	vld [tilespmem:s23+$0xFFFFFF20]  }
0x3a3: {  	v23 =	vadd.s32 v4, v12;
	v22 =	vld [tilespmem:s23+$0xFFFFFF90];
	[tilespmem:v21+s15+$0x0] =	vst.idx.msk $0xffff, v20  }
0x3a4: {  	v21 =	vadd.s32 v5, v13;
	v20 =	vld [tilespmem:s23+$0xFFFFFF60]  }
0x3a5: {  	s18 =	simm.s32 $0x63F0  }
0x3a6: {  	v59 =	vadd.s32 v4, v11;
	v24 =	vld [tilespmem:s18+$0xFFFFFFD0];
	[tilespmem:v17+s15+$0x0] =	vst.idx.msk $0xffff, v16  }
0x3a7: {  	v17 =	vadd.s32 v6, v14;
	[tilespmem:v19+s15+$0x0] =	vst.idx.msk $0xffff, v18;
	v16 =	vld [tilespmem:s23+$0xFFFFFFF0]  }
0x3a8: {  	[tilespmem:v23+s15+$0x0] =	vst.idx.msk $0xffff, v22;
	v19 =	vadd.s32 v6, v9;
	v18 =	vld [tilespmem:s23+$0xFFFFFF30]  }
0x3a9: {  	v23 =	vadd.s32 v5, v12;
	v22 =	vld [tilespmem:s23+$0xFFFFFFA0];
	[tilespmem:v21+s15+$0x0] =	vst.idx.msk $0xffff, v20  }
0x3aa: {  	v15 =	vand.u32 $0x7C, v15;
	v21 =	vadd.s32 v6, v13;
	v20 =	vld [tilespmem:s23+$0xFFFFFF70]  }
0x3ab: {  	v60 =	vadd.s32 v4, v15;
	v26 =	vld [tilespmem:s18+$0xFFFFFF10];
	[tilespmem:v59+s15+$0x0] =	vst.idx.msk $0xffff, v24  }
0x3ac: {  	v61 =	vadd.s32 v5, v11;
	v24 =	vld [tilespmem:s18+$0xFFFFFFE0];
	[tilespmem:v17+s15+$0x0] =	vst.idx.msk $0xffff, v16  }
0x3ad: {  	[tilespmem:v19+s15+$0x0] =	vst.idx.msk $0xffff, v18;
	v17 =	vld [tilespmem:s18+$0xFFFFFF50];
	v18 =	vadd.s32 v4, v10  }
0x3ae: {  	[tilespmem:v23+s15+$0x0] =	vst.idx.msk $0xffff, v22;
	v22 =	vadd.s32 v4, v8;
	v19 =	vld [tilespmem:s18+$0xFFFFFF90]  }
0x3af: {  	v23 =	vadd.s32 v6, v12;
	[tilespmem:v21+s15+$0x0] =	vst.idx.msk $0xffff, v20;
	v20 =	vld [tilespmem:s23+$0xFFFFFFB0]  }
0x3b0: {  	[tilespmem:v60+s15+$0x0] =	vst.idx.msk $0xffff, v26;
	v14 =	vadd.s32 v7, v14;
	v16 =	vld [tilespmem:s23+$0x0]  }
0x3b1: {  	v62 =	vadd.s32 v5, v15;
	v26 =	vld [tilespmem:s18+$0xFFFFFF20];
	[tilespmem:v61+s15+$0x0] =	vst.idx.msk $0xffff, v24  }
0x3b2: {  	v63 =	vadd.s32 v7, v13;
	v28 =	vld [tilespmem:s23+$0xFFFFFF80];
	[tilespmem:v18+s15+$0x0] =	vst.idx.msk $0xffff, v17  }
0x3b3: {  	[tilespmem:v22+s15+$0x0] =	vst.idx.msk $0xffff, v19;
	v22 =	vadd.s32 v5, v10;
	v21 =	vld [tilespmem:s18+$0xFFFFFF60]  }
0x3b4: {  	[tilespmem:v23+s15+$0x0] =	vst.idx.msk $0xffff, v20;
	v20 =	vadd.s32 v5, v8;
	v19 =	vld [tilespmem:s18+$0xFFFFFFA0]  }
0x3b5: {  	v18 =	vadd.s32 v7, v12;
	[tilespmem:v14+s15+$0x0] =	vst.idx.msk $0xffff, v16;
	v14 =	vld [tilespmem:s23+$0xFFFFFFC0]  }
0x3b6: {  	[tilespmem:v62+s15+$0x0] =	vst.idx.msk $0xffff, v26;
	v12 =	vld [tilespmem:s18+$0xFFFFFFF0];
	v16 =	vadd.s32 v6, v11  }
0x3b7: {  	s24 =	simm.s32 $0xC;
	s26 =	simm.s32 $0xB;
	v13 =	vld [tilespmem:s18+$0xFFFFFF30];
	v17 =	vadd.s32 v6, v15;
	[tilespmem:v63+s15+$0x0] =	vst.idx.msk $0xffff, v28  }
.LBB2_35:
0x3b8: {  	p0 =	slt.u32 s24, $0x7C;
	v23 =	vmov s26;
	[tilespmem:v22+s15+$0x0] =	vst.idx.msk $0xffff, v21;
	v21 =	vld [tilespmem:s23+$0xFFFFFF40];
	v22 =	vadd.s32 v7, v9;
	v9 =	vmov v15;
	s23 =	smov.u32 s18  }
0x3b9: {  	v15 =	vmov s17;
	v25 =	vadd.s32 v6, v10;
	s18 =	sadd.s32 $0x100, s18;
	v23 =	vand.u32 $0x7F, v23;
	v24 =	vld [tilespmem:s23+$0xFFFFFF70];
	[tilespmem:v20+s15+$0x0] =	vst.idx.msk $0xffff, v19  }
0x3ba: {  	s26 =	sadd.s32 $0x1, s17;
	v15 =	vand.u32 $0x7C, v15;
	v19 =	vld [tilespmem:s18+$0xFFFFFFD0];
	v20 =	vadd.s32 v4, v23;
	[tilespmem:v18+s15+$0x0] =	vst.idx.msk $0xffff, v14  }
0x3bb: {  	v26 =	vmov s26;
	s26 =	sadd.s32 $0x2, s17;
	s17 =	smov.u32 s24;
	v18 =	vadd.s32 v4, v15;
	v14 =	vld [tilespmem:s18+$0xFFFFFF10];
	[tilespmem:v16+s15+$0x0] =	vst.idx.msk $0xffff, v12  }
0x3bc: {  	v12 =	vand.u32 $0x7D, v26;
	v16 =	vmov s26;
	[tilespmem:v17+s15+$0x0] =	vst.idx.msk $0xffff, v13;
	v13 =	vld [tilespmem:s23+$0x0];
	v17 =	vadd.s32 v7, v11;
	v11 =	vmovc v23  }
0x3bd: {  	v26 =	vadd.s32 v4, v12;
	v16 =	vand.u32 $0x7E, v16;
	v23 =	vld [tilespmem:s18+$0xFFFFFF50];
	[tilespmem:v22+s15+$0x0] =	vst.idx.msk $0xffff, v21  }
0x3be: {  	v28 =	vadd.s32 v4, v16;
	v27 =	vld [tilespmem:s18+$0xFFFFFF90];
	[tilespmem:v25+s15+$0x0] =	vst.idx.msk $0xffff, v24  }
0x3bf: {  	v25 =	vadd.s32 v6, v8;
	[tilespmem:v20+s15+$0x0] =	vst.idx.msk $0xffff, v19;
	v24 =	vld [tilespmem:s23+$0xFFFFFFB0]  }
0x3c0: {  	[tilespmem:v18+s15+$0x0] =	vst.idx.msk $0xffff, v14;
	v14 =	vld [tilespmem:s18+$0xFFFFFFE0];
	v18 =	vadd.s32 v5, v11  }
0x3c1: {  	v30 =	vadd.s32 v5, v15;
	v29 =	vld [tilespmem:s18+$0xFFFFFF20];
	[tilespmem:v17+s15+$0x0] =	vst.idx.msk $0xffff, v13  }
0x3c2: {  	[tilespmem:v26+s15+$0x0] =	vst.idx.msk $0xffff, v23;
	v23 =	vld [tilespmem:s23+$0xFFFFFF80];
	v26 =	vadd.s32 v7, v10;
	v10 =	vmov v12  }
.Ltmp16:
0x3c3: {  	v21 =	vld [tilespmem:s18+$0xFFFFFF60];
	v22 =	vadd.s32 v5, v10;
	[tilespmem:v28+s15+$0x0] =	vst.idx.msk $0xffff, v27;
	(pc) =	sbr.rel @p0 .LBB2_35-.Ltmp16, $4  }
0x3c4: {  	v20 =	vadd.s32 v5, v16;
	v19 =	vld [tilespmem:s18+$0xFFFFFFA0];
	[tilespmem:v25+s15+$0x0] =	vst.idx.msk $0xffff, v24  }
0x3c5: {  	[tilespmem:v18+s15+$0x0] =	vst.idx.msk $0xffff, v14;
	v14 =	vld [tilespmem:s23+$0xFFFFFFC0];
	v18 =	vadd.s32 v7, v8;
	v8 =	vmov v16  }
0x3c6: {  	v16 =	vadd.s32 v6, v11;
	[tilespmem:v30+s15+$0x0] =	vst.idx.msk $0xffff, v29;
	v12 =	vld [tilespmem:s18+$0xFFFFFFF0]  }
0x3c7: {  	s24 =	sadd.s32 $0x4, s24;
	s26 =	sadd.s32 $0x3, s17;
	v17 =	vadd.s32 v6, v15;
	v13 =	vld [tilespmem:s18+$0xFFFFFF30];
	[tilespmem:v26+s15+$0x0] =	vst.idx.msk $0xffff, v23  }
0x3c8: {  	_ =	sdelay $0x2  }
0x3c9: {  	v23 =	vmov s26  }
0x3ca: {  	s24 =	sadd.s32 $0x1, s17;
	[tilespmem:v22+s15+$0x0] =	vst.idx.msk $0xffff, v21;
	v29 =	vld [tilespmem:s23+$0xFFFFFF40];
	v9 =	vadd.s32 v7, v9;
	s26 =	sadd.s32 $0x100, s18;
	v25 =	vmov s17;
	v30 =	vand.u32 $0x7F, v23  }
0x3cb: {  	s28 =	sadd.s32 $0x2, s17;
	v31 =	vmov s24;
	[tilespmem:v20+s15+$0x0] =	vst.idx.msk $0xffff, v19;
	v32 =	vld [tilespmem:s26+$0xFFFFFFD0];
	v25 =	vand.u32 $0x7C, v25;
	v33 =	vadd.s32 v4, v30  }
0x3cc: {  	v24 =	vmov s28;
	v26 =	vld [tilespmem:s26+$0xFFFFFF10];
	v23 =	vand.u32 $0x7D, v31;
	[tilespmem:v18+s15+$0x0] =	vst.idx.msk $0xffff, v14;
	v38 =	vadd.s32 v4, v25  }
0x3cd: {  	v34 =	vld [tilespmem:s26+$0xFFFFFF50];
	v24 =	vand.u32 $0x7E, v24;
	v35 =	vadd.s32 v4, v23;
	[tilespmem:v16+s15+$0x0] =	vst.idx.msk $0xffff, v12  }
0x3ce: {  	v36 =	vld [tilespmem:s26+$0xFFFFFF90];
	v37 =	vadd.s32 v4, v24;
	[tilespmem:v17+s15+$0x0] =	vst.idx.msk $0xffff, v13  }
0x3cf: {  	v40 =	vadd.s32 v6, v10;
	v39 =	vld [tilespmem:s18+$0xFFFFFF70];
	[tilespmem:v9+s15+$0x0] =	vst.idx.msk $0xffff, v29  }
0x3d0: {  	v48 =	vadd.s32 v6, v8;
	v47 =	vld [tilespmem:s18+$0xFFFFFFB0];
	[tilespmem:v33+s15+$0x0] =	vst.idx.msk $0xffff, v32  }
0x3d1: {  	v42 =	vadd.s32 v5, v30;
	[tilespmem:v38+s15+$0x0] =	vst.idx.msk $0xffff, v26;
	v19 =	vld [tilespmem:s26+$0xFFFFFFE0]  }
0x3d2: {  	v46 =	vadd.s32 v5, v25;
	[tilespmem:v35+s15+$0x0] =	vst.idx.msk $0xffff, v34;
	v45 =	vld [tilespmem:s26+$0xFFFFFF20]  }
0x3d3: {  	v43 =	vadd.s32 v5, v23;
	[tilespmem:v37+s15+$0x0] =	vst.idx.msk $0xffff, v36;
	v14 =	vld [tilespmem:s26+$0xFFFFFF60]  }
0x3d4: {  	v44 =	vadd.s32 v5, v24;
	[tilespmem:v40+s15+$0x0] =	vst.idx.msk $0xffff, v39;
	v12 =	vld [tilespmem:s26+$0xFFFFFFA0]  }
0x3d5: {  	v11 =	vadd.s32 v7, v11;
	v41 =	vld [tilespmem:s18+$0x0];
	[tilespmem:v48+s15+$0x0] =	vst.idx.msk $0xffff, v47  }
0x3d6: {  	v8 =	vadd.s32 v7, v8;
	v17 =	vld [tilespmem:s18+$0xFFFFFFC0];
	[tilespmem:v42+s15+$0x0] =	vst.idx.msk $0xffff, v19  }
0x3d7: {  	v51 =	vadd.s32 v6, v30;
	[tilespmem:v46+s15+$0x0] =	vst.idx.msk $0xffff, v45;
	v19 =	vld [tilespmem:s26+$0xFFFFFFF0]  }
0x3d8: {  	v56 =	vadd.s32 v6, v25;
	[tilespmem:v43+s15+$0x0] =	vst.idx.msk $0xffff, v14;
	v55 =	vld [tilespmem:s26+$0xFFFFFF30]  }
0x3d9: {  	v52 =	vadd.s32 v6, v23;
	[tilespmem:v44+s15+$0x0] =	vst.idx.msk $0xffff, v12;
	v14 =	vld [tilespmem:s26+$0xFFFFFF70]  }
0x3da: {  	v54 =	vadd.s32 v6, v24;
	[tilespmem:v11+s15+$0x0] =	vst.idx.msk $0xffff, v41;
	v53 =	vld [tilespmem:s26+$0xFFFFFFB0]  }
0x3db: {  	v58 =	vadd.s32 v7, v15;
	v57 =	vld [tilespmem:s18+$0xFFFFFF40];
	[tilespmem:v8+s15+$0x0] =	vst.idx.msk $0xffff, v17  }
0x3dc: {  	v50 =	vadd.s32 v7, v10;
	v49 =	vld [tilespmem:s18+$0xFFFFFF80];
	[tilespmem:v51+s15+$0x0] =	vst.idx.msk $0xffff, v19  }
0x3dd: {  	v60 =	vadd.s32 v7, v30;
	[tilespmem:v56+s15+$0x0] =	vst.idx.msk $0xffff, v55;
	v59 =	vld [tilespmem:s26+$0x0]  }
0x3de: {  	v63 =	vadd.s32 v7, v25;
	s18 =	sshll.u32 s6, $0x1;
	[tilespmem:v52+s15+$0x0] =	vst.idx.msk $0xffff, v14;
	v8 =	vld [tilespmem:s26+$0xFFFFFF40]  }
0x3df: {  	v61 =	vadd.s32 v7, v23;
	s17 =	sadd.s32 $0x5, s18;
	[tilespmem:v54+s15+$0x0] =	vst.idx.msk $0xffff, v53;
	v14 =	vld [tilespmem:s26+$0xFFFFFF80]  }
0x3e0: {  	v62 =	vadd.s32 v7, v24;
	s23 =	sshll.u32 s17, $0xD;
	s17 =	sshll.u32 s17, $0x8;
	[tilespmem:v58+s15+$0x0] =	vst.idx.msk $0xffff, v57;
	v9 =	vld [tilespmem:s26+$0xFFFFFFC0]  }
0x3e1: {  	s18 =	sand.u32 $0x1F8000, s23;
	s17 =	sand.u32 $0x300, s17;
	[tilespmem:v50+s15+$0x0] =	vst.idx.msk $0xffff, v49  }
0x3e2: {  	s17 =	sor.u32 s17, s18;
	[tilespmem:v60+s15+$0x0] =	vst.idx.msk $0xffff, v59  }
0x3e3: {  	s17 =	sor.u32 s5, s17;
	[tilespmem:v63+s15+$0x0] =	vst.idx.msk $0xffff, v8  }
0x3e4: {  	s17 =	sshrl.u32 s17, $0x3;
	[tilespmem:v61+s15+$0x0] =	vst.idx.msk $0xffff, v14  }
0x3e5: {  	s24 =	simm.s32 $0x0;
	s17 =	sadd.s32 s1, s17;
	[tilespmem:v62+s15+$0x0] =	vst.idx.msk $0xffff, v9  }
0x3e6: {  	[tilespmem:s30], [sflag:$0x2] =	stream.linear.gather [hbm4b:s17+s24], $0x80, $0x38;
	[tilespmem:$0x10A00] =	vst v63  }
0x3e7: {  	s26 =	sadd.s32 s21, s14;
	s17 =	sadd.s32 $0x10, s17  }
0x3e8: {  	[tilespmem:s31], [sflag:$0x2] =	stream.linear.gather [hbm4b:s17+s24], $0x80, $0x38;
	[tilespmem:$0x10A00] =	vst v63  }
0x3e9: {  	s17 =	sshrl.u32 s26, $0x3  }
0x3ea: {  	s28 =	simm.s32 $0xC600;
	s18 =	sadd.s32 s3, s17  }
0x3eb: {  	[hbm4b:s18+s4] =	stream.linear.scatter [tilespmem:s28], [sflag:$0x6], $0x80, $0x38;
	[tilespmem:$0x10A00] =	vst v63  }
0x3ec: {  	s23 =	simm.s32 $0xC688;
	s24 =	sadd.s32 $0x10, s18  }
0x3ed: {  	[hbm4b:s24+s4] =	stream.linear.scatter [tilespmem:s23], [sflag:$0x6], $0x80, $0x38;
	[tilespmem:$0x10A00] =	vst v63  }
0x3ee: {  	s26 =	simm.s32 $0xC710;
	s28 =	sadd.s32 $0x20, s18  }
0x3ef: {  	[hbm4b:s28+s4] =	stream.linear.scatter [tilespmem:s26], [sflag:$0x6], $0x80, $0x38;
	[tilespmem:$0x10A00] =	vst v63  }
0x3f0: {  	s23 =	simm.s32 $0xC798;
	s24 =	sadd.s32 $0x30, s18  }
0x3f1: {  	[hbm4b:s24+s4] =	stream.linear.scatter [tilespmem:s23], [sflag:$0x6], $0x80, $0x38;
	[tilespmem:$0x10A00] =	vst v63  }
0x3f2: {  	s26 =	simm.s32 $0xC820;
	s28 =	sadd.s32 $0x40, s18  }
0x3f3: {  	[hbm4b:s28+s4] =	stream.linear.scatter [tilespmem:s26], [sflag:$0x6], $0x80, $0x38;
	[tilespmem:$0x10A00] =	vst v63  }
0x3f4: {  	s17 =	simm.s32 $0x440;
	s23 =	simm.s32 $0xC8A8;
	s24 =	sadd.s32 $0x50, s18  }
0x3f5: {  	[hbm4b:s24+s4] =	stream.linear.scatter [tilespmem:s23], [sflag:$0x6], $0x80, $0x38;
	[tilespmem:$0x10A00] =	vst v63  }
0x3f6: {  	s26 =	simm.s32 $0xC930;
	s28 =	sadd.s32 $0x60, s18;
	s23 =	simm.s32 $0x2200  }
0x3f7: {  	[hbm4b:s28+s4] =	stream.linear.scatter [tilespmem:s26], [sflag:$0x6], $0x80, $0x38;
	[tilespmem:$0x10A00] =	vst v63  }
0x3f8: {  	s24 =	simm.s32 $0xC9B8;
	s26 =	sadd.s32 $0x70, s18;
	s18 =	sadd.s32 $0x1000, s18  }
.LBB2_37:
0x3f9: {  	[hbm4b:s26+s4] =	stream.linear.scatter [tilespmem:s24], [sflag:$0x6], $0x80, $0x38;
	[tilespmem:$0x10A00] =	vst v63  }
0x3fa: {  	s24 =	smov.u32 s17;
	s17 =	smov.u32 s23  }
0x3fb: {  	s28 =	sadd.s32 $0x1100, s23;
	s17 =	sshra.s32 s17, $0x2;
	s26 =	sadd.s32 $0xC600, s24  }
0x3fc: {  	[hbm4b:s18+s4] =	stream.linear.scatter [tilespmem:s26], [sflag:$0x6], $0x80, $0x38;
	[tilespmem:$0x10A00] =	vst v63  }
0x3fd: {  	p0 =	sne.s32 s23, $0x7700;
	s23 =	sadd.s32 $0xC688, s24;
	s26 =	sadd.s32 $0x10, s18  }
0x3fe: {  	[hbm4b:s26+s4] =	stream.linear.scatter [tilespmem:s23], [sflag:$0x6], $0x80, $0x38;
	[tilespmem:$0x10A00] =	vst v63  }
0x3ff: {  	s23 =	sadd.s32 $0xC710, s24;
	s26 =	sadd.s32 $0x20, s18  }
0x400: {  	[hbm4b:s26+s4] =	stream.linear.scatter [tilespmem:s23], [sflag:$0x6], $0x80, $0x38;
	[tilespmem:$0x10A00] =	vst v63  }
0x401: {  	s23 =	sadd.s32 $0xC798, s24;
	s26 =	sadd.s32 $0x30, s18  }
0x402: {  	[hbm4b:s26+s4] =	stream.linear.scatter [tilespmem:s23], [sflag:$0x6], $0x80, $0x38;
	[tilespmem:$0x10A00] =	vst v63  }
0x403: {  	s23 =	sadd.s32 $0xC820, s24;
	s26 =	sadd.s32 $0x40, s18  }
0x404: {  	[hbm4b:s26+s4] =	stream.linear.scatter [tilespmem:s23], [sflag:$0x6], $0x80, $0x38;
	[tilespmem:$0x10A00] =	vst v63  }
.Ltmp17:
0x405: {  	s23 =	sadd.s32 $0xC8A8, s24;
	s26 =	sadd.s32 $0x50, s18;
	(pc) =	sbr.rel @p0 .LBB2_37-.Ltmp17, $4  }
0x406: {  	[hbm4b:s26+s4] =	stream.linear.scatter [tilespmem:s23], [sflag:$0x6], $0x80, $0x38;
	[tilespmem:$0x10A00] =	vst v63  }
0x407: {  	s23 =	sadd.s32 $0xC930, s24;
	s26 =	sadd.s32 $0x60, s18;
	s24 =	sadd.s32 $0xC9B8, s24  }
0x408: {  	[hbm4b:s26+s4] =	stream.linear.scatter [tilespmem:s23], [sflag:$0x6], $0x80, $0x38;
	[tilespmem:$0x10A00] =	vst v63  }
0x409: {  	s26 =	sadd.s32 $0x70, s18;
	s18 =	sadd.s32 $0x1000, s18;
	s23 =	smov.u32 s28  }
0x40a: {  	[hbm4b:s26+s4] =	stream.linear.scatter [tilespmem:s24], [sflag:$0x6], $0x80, $0x38;
	[tilespmem:$0x10A00] =	vst v63  }
0x40b: {  	s23 =	sadd.s32 $0xC600, s17  }
0x40c: {  	[hbm4b:s18+s4] =	stream.linear.scatter [tilespmem:s23], [sflag:$0x6], $0x80, $0x38;
	[tilespmem:$0x10A00] =	vst v63  }
0x40d: {  	s26 =	sadd.s32 $0xC688, s17;
	s28 =	sadd.s32 $0x10, s18  }
0x40e: {  	[hbm4b:s28+s4] =	stream.linear.scatter [tilespmem:s26], [sflag:$0x6], $0x80, $0x38;
	[tilespmem:$0x10A00] =	vst v63  }
0x40f: {  	s26 =	sadd.s32 $0xC710, s17;
	s28 =	sadd.s32 $0x20, s18  }
0x410: {  	[hbm4b:s28+s4] =	stream.linear.scatter [tilespmem:s26], [sflag:$0x6], $0x80, $0x38;
	[tilespmem:$0x10A00] =	vst v63  }
0x411: {  	s26 =	sadd.s32 $0xC798, s17;
	s28 =	sadd.s32 $0x30, s18  }
0x412: {  	[hbm4b:s28+s4] =	stream.linear.scatter [tilespmem:s26], [sflag:$0x6], $0x80, $0x38;
	[tilespmem:$0x10A00] =	vst v63  }
0x413: {  	s26 =	sadd.s32 $0xC820, s17;
	s28 =	sadd.s32 $0x40, s18  }
0x414: {  	[hbm4b:s28+s4] =	stream.linear.scatter [tilespmem:s26], [sflag:$0x6], $0x80, $0x38;
	[tilespmem:$0x10A00] =	vst v63  }
0x415: {  	s26 =	sadd.s32 $0xC8A8, s17;
	s28 =	sadd.s32 $0x50, s18  }
0x416: {  	[hbm4b:s28+s4] =	stream.linear.scatter [tilespmem:s26], [sflag:$0x6], $0x80, $0x38;
	[tilespmem:$0x10A00] =	vst v63  }
0x417: {  	s14 =	sadd.s32 s22, s14;
	s26 =	sadd.s32 $0xC930, s17;
	s28 =	sadd.s32 $0x60, s18  }
0x418: {  	[hbm4b:s28+s4] =	stream.linear.scatter [tilespmem:s26], [sflag:$0x6], $0x80, $0x38;
	[tilespmem:$0x10A00] =	vst v63  }
0x419: {  	s14 =	sshrl.u32 s14, $0x3;
	s26 =	sadd.s32 $0xC9B8, s17;
	s28 =	sadd.s32 $0x70, s18  }
0x41a: {  	[hbm4b:s28+s4] =	stream.linear.scatter [tilespmem:s26], [sflag:$0x6], $0x80, $0x38;
	[tilespmem:$0x10A00] =	vst v63  }
0x41b: {  	s17 =	sadd.s32 s3, s14;
	s18 =	simm.s32 $0xE800  }
0x41c: {  	[hbm4b:s17+s4] =	stream.linear.scatter [tilespmem:s18], [sflag:$0x6], $0x80, $0x38;
	[tilespmem:$0x10A00] =	vst v63  }
0x41d: {  	s23 =	simm.s32 $0xE888;
	s24 =	sadd.s32 $0x10, s17  }
0x41e: {  	[hbm4b:s24+s4] =	stream.linear.scatter [tilespmem:s23], [sflag:$0x6], $0x80, $0x38;
	[tilespmem:$0x10A00] =	vst v63  }
0x41f: {  	s14 =	simm.s32 $0x440;
	s26 =	simm.s32 $0xE910;
	s28 =	sadd.s32 $0x20, s17  }
0x420: {  	[hbm4b:s28+s4] =	stream.linear.scatter [tilespmem:s26], [sflag:$0x6], $0x80, $0x38;
	[tilespmem:$0x10A00] =	vst v63  }
0x421: {  	s18 =	simm.s32 $0x2200;
	s23 =	simm.s32 $0xE998;
	s24 =	sadd.s32 $0x30, s17  }
0x422: {  	[hbm4b:s24+s4] =	stream.linear.scatter [tilespmem:s23], [sflag:$0x6], $0x80, $0x38;
	[tilespmem:$0x10A00] =	vst v63  }
0x423: {  	s26 =	simm.s32 $0xEA20;
	s28 =	sadd.s32 $0x40, s17;
	s23 =	simm.s32 $0xEAA8  }
0x424: {  	[hbm4b:s28+s4] =	stream.linear.scatter [tilespmem:s26], [sflag:$0x6], $0x80, $0x38;
	[tilespmem:$0x10A00] =	vst v63  }
0x425: {  	s24 =	sadd.s32 $0x50, s17;
	s26 =	simm.s32 $0xEB30;
	s28 =	sadd.s32 $0x60, s17  }
0x426: {  	[hbm4b:s24+s4] =	stream.linear.scatter [tilespmem:s23], [sflag:$0x6], $0x80, $0x38;
	[tilespmem:$0x10A00] =	vst v63  }
0x427: {  	s23 =	simm.s32 $0xEBB8;
	s24 =	sadd.s32 $0x70, s17;
	s17 =	sadd.s32 $0x1000, s17  }
0x428: {  	[hbm4b:s28+s4] =	stream.linear.scatter [tilespmem:s26], [sflag:$0x6], $0x80, $0x38;
	[tilespmem:$0x10A00] =	vst v63  }
.LBB2_39:
0x429: {  	[hbm4b:s24+s4] =	stream.linear.scatter [tilespmem:s23], [sflag:$0x6], $0x80, $0x38;
	[tilespmem:$0x10A00] =	vst v63  }
0x42a: {  	s23 =	smov.u32 s14;
	s14 =	smov.u32 s18  }
0x42b: {  	s26 =	sadd.s32 $0x1100, s18;
	s14 =	sshra.s32 s14, $0x2;
	s24 =	sadd.s32 $0xE800, s23  }
0x42c: {  	[hbm4b:s17+s4] =	stream.linear.scatter [tilespmem:s24], [sflag:$0x6], $0x80, $0x38;
	[tilespmem:$0x10A00] =	vst v63  }
0x42d: {  	p0 =	sne.s32 s18, $0x7700;
	s18 =	sadd.s32 $0xE888, s23;
	s24 =	sadd.s32 $0x10, s17  }
0x42e: {  	[hbm4b:s24+s4] =	stream.linear.scatter [tilespmem:s18], [sflag:$0x6], $0x80, $0x38;
	[tilespmem:$0x10A00] =	vst v63  }
0x42f: {  	s18 =	sadd.s32 $0xE910, s23;
	s24 =	sadd.s32 $0x20, s17  }
0x430: {  	[hbm4b:s24+s4] =	stream.linear.scatter [tilespmem:s18], [sflag:$0x6], $0x80, $0x38;
	[tilespmem:$0x10A00] =	vst v63  }
0x431: {  	s18 =	sadd.s32 $0xE998, s23;
	s24 =	sadd.s32 $0x30, s17  }
0x432: {  	[hbm4b:s24+s4] =	stream.linear.scatter [tilespmem:s18], [sflag:$0x6], $0x80, $0x38;
	[tilespmem:$0x10A00] =	vst v63  }
0x433: {  	s18 =	sadd.s32 $0xEA20, s23;
	s24 =	sadd.s32 $0x40, s17  }
0x434: {  	[hbm4b:s24+s4] =	stream.linear.scatter [tilespmem:s18], [sflag:$0x6], $0x80, $0x38;
	[tilespmem:$0x10A00] =	vst v63  }
.Ltmp18:
0x435: {  	s18 =	sadd.s32 $0xEAA8, s23;
	s24 =	sadd.s32 $0x50, s17;
	(pc) =	sbr.rel @p0 .LBB2_39-.Ltmp18, $4  }
0x436: {  	[hbm4b:s24+s4] =	stream.linear.scatter [tilespmem:s18], [sflag:$0x6], $0x80, $0x38;
	[tilespmem:$0x10A00] =	vst v63  }
0x437: {  	s18 =	sadd.s32 $0xEB30, s23;
	s24 =	sadd.s32 $0x60, s17;
	s23 =	sadd.s32 $0xEBB8, s23  }
0x438: {  	[hbm4b:s24+s4] =	stream.linear.scatter [tilespmem:s18], [sflag:$0x6], $0x80, $0x38;
	[tilespmem:$0x10A00] =	vst v63  }
0x439: {  	s24 =	sadd.s32 $0x70, s17;
	s17 =	sadd.s32 $0x1000, s17;
	s18 =	smov.u32 s26  }
0x43a: {  	[hbm4b:s24+s4] =	stream.linear.scatter [tilespmem:s23], [sflag:$0x6], $0x80, $0x38;
	[tilespmem:$0x10A00] =	vst v63  }
0x43b: {  	s18 =	sadd.s32 $0xE800, s14  }
0x43c: {  	[hbm4b:s17+s4] =	stream.linear.scatter [tilespmem:s18], [sflag:$0x6], $0x80, $0x38;
	[tilespmem:$0x10A00] =	vst v63  }
0x43d: {  	s26 =	sadd.s32 $0xE888, s14;
	s28 =	sadd.s32 $0x10, s17  }
0x43e: {  	[hbm4b:s28+s4] =	stream.linear.scatter [tilespmem:s26], [sflag:$0x6], $0x80, $0x38;
	[tilespmem:$0x10A00] =	vst v63  }
0x43f: {  	s23 =	sadd.s32 $0xE910, s14;
	s24 =	sadd.s32 $0x20, s17  }
0x440: {  	[hbm4b:s24+s4] =	stream.linear.scatter [tilespmem:s23], [sflag:$0x6], $0x80, $0x38;
	[tilespmem:$0x10A00] =	vst v63  }
0x441: {  	s26 =	sadd.s32 $0xE998, s14;
	s28 =	sadd.s32 $0x30, s17  }
0x442: {  	[hbm4b:s28+s4] =	stream.linear.scatter [tilespmem:s26], [sflag:$0x6], $0x80, $0x38;
	[tilespmem:$0x10A00] =	vst v63  }
0x443: {  	s6 =	sadd.s32 $0x1, s6;
	s23 =	sadd.s32 $0xEA20, s14;
	s24 =	sadd.s32 $0x40, s17  }
0x444: {  	[hbm4b:s24+s4] =	stream.linear.scatter [tilespmem:s23], [sflag:$0x6], $0x80, $0x38;
	[tilespmem:$0x10A00] =	vst v63  }
0x445: {  	p0 =	sne.s32 s6, $0x30;
	s26 =	sadd.s32 $0xEAA8, s14;
	s28 =	sadd.s32 $0x50, s17  }
0x446: {  	[hbm4b:s28+s4] =	stream.linear.scatter [tilespmem:s26], [sflag:$0x6], $0x80, $0x38;
	[tilespmem:$0x10A00] =	vst v63  }
.Ltmp19:
0x447: {  	_ = 	snop;
	(pc) =	sbr.rel @p0 .LBB2_24-.Ltmp19, $4  }
0x448: {  	s23 =	sadd.s32 $0xEB30, s14;
	s24 =	sadd.s32 $0x60, s17  }
0x449: {  	[hbm4b:s24+s4] =	stream.linear.scatter [tilespmem:s23], [sflag:$0x6], $0x80, $0x38;
	[tilespmem:$0x10A00] =	vst v63  }
0x44a: {  	s26 =	sadd.s32 $0xEBB8, s14;
	s28 =	sadd.s32 $0x70, s17  }
0x44b: {  	[hbm4b:s28+s4] =	stream.linear.scatter [tilespmem:s26], [sflag:$0x6], $0x80, $0x38;
	[tilespmem:$0x10A00] =	vst v63  }
0x44c: {  	_ =	swait.ge [sflag:s8], $0x80  }
0x44d: {  	[sflag:s8] =	ssyncset.done $0x0  }
0x44e: {  	[sflag:s8] =	ssyncadd.s32 $0xFFFFFF80  }
0x44f: {  	_ =	swait.ge [sflag:s8], $0x80  }
0x450: {  	[sflag:s8] =	ssyncset.done $0x0  }
0x451: {  	[sflag:s8] =	ssyncadd.s32 $0xFFFFFF80  }
0x452: {  	[tilespmem:s9], [sflag:$0x4] =	stream.indirect.gather [hbm4b:s7+s30], $0x40, s30, s30, $0xb8;
	[tilespmem:$0x10A00] =	vst v63  }
0x453: {  	_ =	swait.ge [sflag:s10], $0x4000  }
0x454: {  	[sflag:s10] =	ssyncset.done $0x0  }
0x455: {  	[sflag:s10] =	ssyncadd.s32 $0xFFFFC000  }
0x456: {  	_ =	swait.ge [sflag:s16], $0x2000  }
0x457: {  	[sflag:s16] =	ssyncset.done $0x0  }
0x458: {  	[sflag:s16] =	ssyncadd.s32 $0xFFFFE000  }
0x459: {  	s6 =	simm.s32 $0x3;
	_ =	swait.ge [sflag:s16], $0x2000  }
0x45a: {  	v8 =	vmov s6;
	[sflag:s16] =	ssyncset.done $0x0  }
0x45b: {  	s14 =	simm.s32 $0x0;
	s17 =	simm.s32 $0x280;
	v14 =	vand.u32 $0x7F, v8;
	[sflag:s16] =	ssyncadd.s32 $0xFFFFE000  }
0x45c: {  	s18 =	simm.s32 $0x1;
	v8 =	vmov s14;
	v11 =	vadd.s32 v0, v14;
	v10 =	vld [tilespmem:s17+$0x40]  }
0x45d: {  	v9 =	vand.u32 $0x7C, v8;
	v8 =	vmov s18  }
0x45e: {  	v16 =	vadd.s32 v0, v9;
	v13 =	vand.u32 $0x7D, v8;
	v15 =	vld [tilespmem:s17+$0xFFFFFF80]  }
0x45f: {  	v17 =	vadd.s32 v0, v13;
	v8 =	vld [tilespmem:s17+$0xFFFFFFC0]  }
0x460: {  	s23 =	simm.s32 $0x2  }
0x461: {  	v12 =	vmov s23;
	[tilespmem:v11+s12+$0x0] =	vst.idx.msk $0xffff, v10  }
0x462: {  	v12 =	vand.u32 $0x7E, v12;
	v11 =	vadd.s32 v1, v14;
	v10 =	vld [tilespmem:s17+$0x50]  }
0x463: {  	v19 =	vadd.s32 v0, v12;
	v18 =	vld [tilespmem:s17+$0x0];
	[tilespmem:v16+s12+$0x0] =	vst.idx.msk $0xffff, v15  }
0x464: {  	v16 =	vadd.s32 v1, v9;
	[tilespmem:v17+s12+$0x0] =	vst.idx.msk $0xffff, v8;
	v15 =	vld [tilespmem:s17+$0xFFFFFF90]  }
0x465: {  	v17 =	vadd.s32 v1, v13;
	v8 =	vld [tilespmem:s17+$0xFFFFFFD0];
	_ =	sdelay $0x1  }
0x466: {  	[tilespmem:v11+s12+$0x0] =	vst.idx.msk $0xffff, v10  }
0x467: {  	[tilespmem:v19+s12+$0x0] =	vst.idx.msk $0xffff, v18;
	v18 =	vadd.s32 v2, v14;
	v10 =	vld [tilespmem:s17+$0x60]  }
0x468: {  	s24 =	simm.s32 $0x7;
	v20 =	vadd.s32 v1, v12;
	v19 =	vld [tilespmem:s17+$0x10];
	[tilespmem:v16+s12+$0x0] =	vst.idx.msk $0xffff, v15  }
0x469: {  	s14 =	simm.s32 $0x4;
	v22 =	vadd.s32 v2, v9;
	v11 =	vmov s24;
	[tilespmem:v17+s12+$0x0] =	vst.idx.msk $0xffff, v8;
	v21 =	vld [tilespmem:s17+$0xFFFFFFA0]  }
0x46a: {  	v23 =	vadd.s32 v2, v13;
	v15 =	vmov s14;
	s14 =	simm.s32 $0x380;
	v11 =	vand.u32 $0x7F, v11;
	v17 =	vld [tilespmem:s17+$0xFFFFFFE0]  }
0x46b: {  	s26 =	simm.s32 $0x5;
	v16 =	vand.u32 $0x7C, v15;
	v24 =	vld [tilespmem:s14+$0x40];
	v25 =	vadd.s32 v0, v11  }
0x46c: {  	s28 =	simm.s32 $0x6;
	v8 =	vmov s26;
	v26 =	vld [tilespmem:s14+$0xFFFFFF80];
	v27 =	vadd.s32 v0, v16;
	[tilespmem:v18+s12+$0x0] =	vst.idx.msk $0xffff, v10  }
0x46d: {  	[tilespmem:v20+s12+$0x0] =	vst.idx.msk $0xffff, v19;
	v19 =	vadd.s32 v3, v14;
	v10 =	vand.u32 $0x7D, v8;
	v8 =	vmov s28;
	v18 =	vld [tilespmem:s17+$0x70]  }
0x46e: {  	v20 =	vld [tilespmem:s14+$0xFFFFFFC0];
	[tilespmem:v22+s12+$0x0] =	vst.idx.msk $0xffff, v21;
	v21 =	vadd.s32 v0, v10;
	v8 =	vand.u32 $0x7E, v8  }
0x46f: {  	v22 =	vld [tilespmem:s14+$0x0];
	[tilespmem:v23+s12+$0x0] =	vst.idx.msk $0xffff, v17;
	v28 =	vadd.s32 v0, v8  }
0x470: {  	v17 =	vld [tilespmem:s17+$0x20];
	v23 =	vadd.s32 v2, v12;
	[tilespmem:v25+s12+$0x0] =	vst.idx.msk $0xffff, v24  }
0x471: {  	[tilespmem:v27+s12+$0x0] =	vst.idx.msk $0xffff, v26;
	v25 =	vadd.s32 v1, v11;
	v24 =	vld [tilespmem:s14+$0x50]  }
0x472: {  	v32 =	vadd.s32 v1, v16;
	v31 =	vld [tilespmem:s14+$0xFFFFFF90];
	[tilespmem:v19+s12+$0x0] =	vst.idx.msk $0xffff, v18  }
0x473: {  	[tilespmem:v21+s12+$0x0] =	vst.idx.msk $0xffff, v20;
	v18 =	vld [tilespmem:s17+$0xFFFFFFF0];
	v19 =	vadd.s32 v3, v13  }
0x474: {  	v30 =	vadd.s32 v1, v10;
	v29 =	vld [tilespmem:s14+$0xFFFFFFD0];
	[tilespmem:v28+s12+$0x0] =	vst.idx.msk $0xffff, v22  }
0x475: {  	[tilespmem:v23+s12+$0x0] =	vst.idx.msk $0xffff, v17;
	v28 =	vadd.s32 v1, v8;
	v26 =	vld [tilespmem:s14+$0x10]  }
0x476: {  	v27 =	vadd.s32 v3, v12;
	v23 =	vld [tilespmem:s17+$0x30];
	[tilespmem:v25+s12+$0x0] =	vst.idx.msk $0xffff, v24  }
0x477: {  	s6 =	simm.s32 $0x8;
	v17 =	vmov v8;
	[tilespmem:v32+s12+$0x0] =	vst.idx.msk $0xffff, v31;
	v24 =	vadd.s32 v2, v11;
	v21 =	vld [tilespmem:s14+$0x60]  }
0x478: {  	s23 =	simm.s32 $0xC;
	s18 =	simm.s32 $0x8;
	s24 =	simm.s32 $0xB;
	v20 =	vmovc v9;
	v25 =	vadd.s32 v2, v16;
	v22 =	vld [tilespmem:s14+$0xFFFFFFA0];
	[tilespmem:v19+s12+$0x0] =	vst.idx.msk $0xffff, v18;
	v18 =	vmov v10;
	v19 =	vmov v11  }
.LBB2_42:
0x479: {  	p0 =	slt.u32 s23, $0x7C;
	v31 =	vmov s24;
	[tilespmem:v30+s12+$0x0] =	vst.idx.msk $0xffff, v29;
	v29 =	vld [tilespmem:s17+$0xFFFFFFB0];
	v30 =	vadd.s32 v3, v20;
	v20 =	vmov v16;
	s17 =	smov.u32 s14  }
0x47a: {  	v16 =	vmov s18;
	v33 =	vadd.s32 v2, v18;
	s14 =	sadd.s32 $0x100, s14;
	v31 =	vand.u32 $0x7F, v31;
	v32 =	vld [tilespmem:s17+$0xFFFFFFE0];
	[tilespmem:v28+s12+$0x0] =	vst.idx.msk $0xffff, v26  }
0x47b: {  	s24 =	sadd.s32 $0x1, s18;
	v16 =	vand.u32 $0x7C, v16;
	v26 =	vld [tilespmem:s14+$0x40];
	v28 =	vadd.s32 v0, v31;
	[tilespmem:v27+s12+$0x0] =	vst.idx.msk $0xffff, v23  }
0x47c: {  	v34 =	vmov s24;
	s24 =	sadd.s32 $0x2, s18;
	s18 =	smov.u32 s23;
	v27 =	vadd.s32 v0, v16;
	v23 =	vld [tilespmem:s14+$0xFFFFFF80];
	[tilespmem:v24+s12+$0x0] =	vst.idx.msk $0xffff, v21  }
0x47d: {  	v21 =	vand.u32 $0x7D, v34;
	v24 =	vmov s24;
	[tilespmem:v25+s12+$0x0] =	vst.idx.msk $0xffff, v22;
	v22 =	vld [tilespmem:s17+$0x70];
	v25 =	vadd.s32 v3, v19;
	v19 =	vmovc v31  }
0x47e: {  	v34 =	vadd.s32 v0, v21;
	v24 =	vand.u32 $0x7E, v24;
	v31 =	vld [tilespmem:s14+$0xFFFFFFC0];
	[tilespmem:v30+s12+$0x0] =	vst.idx.msk $0xffff, v29  }
0x47f: {  	v36 =	vadd.s32 v0, v24;
	v35 =	vld [tilespmem:s14+$0x0];
	[tilespmem:v33+s12+$0x0] =	vst.idx.msk $0xffff, v32  }
0x480: {  	v33 =	vadd.s32 v2, v17;
	[tilespmem:v28+s12+$0x0] =	vst.idx.msk $0xffff, v26;
	v32 =	vld [tilespmem:s17+$0x20]  }
0x481: {  	[tilespmem:v27+s12+$0x0] =	vst.idx.msk $0xffff, v23;
	v23 =	vld [tilespmem:s14+$0x50];
	v27 =	vadd.s32 v1, v19  }
0x482: {  	v38 =	vadd.s32 v1, v16;
	v37 =	vld [tilespmem:s14+$0xFFFFFF90];
	[tilespmem:v25+s12+$0x0] =	vst.idx.msk $0xffff, v22  }
0x483: {  	[tilespmem:v34+s12+$0x0] =	vst.idx.msk $0xffff, v31;
	v31 =	vld [tilespmem:s17+$0xFFFFFFF0];
	v34 =	vadd.s32 v3, v18;
	v18 =	vmov v21  }
.Ltmp20:
0x484: {  	v29 =	vld [tilespmem:s14+$0xFFFFFFD0];
	v30 =	vadd.s32 v1, v18;
	[tilespmem:v36+s12+$0x0] =	vst.idx.msk $0xffff, v35;
	(pc) =	sbr.rel @p0 .LBB2_42-.Ltmp20, $4  }
0x485: {  	v28 =	vadd.s32 v1, v24;
	v26 =	vld [tilespmem:s14+$0x10];
	[tilespmem:v33+s12+$0x0] =	vst.idx.msk $0xffff, v32  }
0x486: {  	[tilespmem:v27+s12+$0x0] =	vst.idx.msk $0xffff, v23;
	v23 =	vld [tilespmem:s17+$0x30];
	v27 =	vadd.s32 v3, v17;
	v17 =	vmov v24  }
0x487: {  	v24 =	vadd.s32 v2, v19;
	[tilespmem:v38+s12+$0x0] =	vst.idx.msk $0xffff, v37;
	v21 =	vld [tilespmem:s14+$0x60]  }
0x488: {  	s23 =	sadd.s32 $0x4, s23;
	s24 =	sadd.s32 $0x3, s18;
	v25 =	vadd.s32 v2, v16;
	v22 =	vld [tilespmem:s14+$0xFFFFFFA0];
	[tilespmem:v34+s12+$0x0] =	vst.idx.msk $0xffff, v31  }
0x489: {  	_ =	sdelay $0x2  }
0x48a: {  	v31 =	vmov s24;
	s23 =	sadd.s32 $0x1, s18  }
0x48b: {  	[tilespmem:v30+s12+$0x0] =	vst.idx.msk $0xffff, v29;
	v40 =	vld [tilespmem:s17+$0xFFFFFFB0];
	v20 =	vadd.s32 v3, v20;
	s26 =	sadd.s32 $0x100, s14;
	s28 =	sadd.s32 $0x2, s18;
	v41 =	vand.u32 $0x7F, v31;
	v42 =	vmov s23  }
0x48c: {  	[tilespmem:v28+s12+$0x0] =	vst.idx.msk $0xffff, v26;
	v43 =	vld [tilespmem:s26+$0x40];
	v32 =	vmov s28;
	v44 =	vadd.s32 v0, v41;
	v31 =	vand.u32 $0x7D, v42  }
0x48d: {  	v33 =	vmov s18;
	[tilespmem:v27+s12+$0x0] =	vst.idx.msk $0xffff, v23;
	v23 =	vld [tilespmem:s26+$0xFFFFFFC0];
	v32 =	vand.u32 $0x7E, v32;
	v45 =	vadd.s32 v0, v31  }
0x48e: {  	v33 =	vand.u32 $0x7C, v33;
	[tilespmem:v24+s12+$0x0] =	vst.idx.msk $0xffff, v21;
	v21 =	vld [tilespmem:s26+$0x0];
	v46 =	vadd.s32 v0, v32  }
0x48f: {  	v34 =	vld [tilespmem:s26+$0xFFFFFF80];
	[tilespmem:v25+s12+$0x0] =	vst.idx.msk $0xffff, v22;
	v22 =	vadd.s32 v0, v33  }
0x490: {  	v47 =	vld [tilespmem:s14+$0xFFFFFFE0];
	[tilespmem:v20+s12+$0x0] =	vst.idx.msk $0xffff, v40;
	v20 =	vadd.s32 v2, v18  }
0x491: {  	v19 =	vadd.s32 v3, v19;
	v48 =	vld [tilespmem:s14+$0x70];
	[tilespmem:v44+s12+$0x0] =	vst.idx.msk $0xffff, v43  }
0x492: {  	v49 =	vadd.s32 v1, v41;
	v26 =	vld [tilespmem:s26+$0x50];
	[tilespmem:v45+s12+$0x0] =	vst.idx.msk $0xffff, v23  }
0x493: {  	v50 =	vadd.s32 v1, v31;
	[tilespmem:v46+s12+$0x0] =	vst.idx.msk $0xffff, v21;
	v23 =	vld [tilespmem:s26+$0xFFFFFFD0]  }
0x494: {  	[tilespmem:v22+s12+$0x0] =	vst.idx.msk $0xffff, v34;
	v21 =	vld [tilespmem:s26+$0x10];
	v22 =	vadd.s32 v1, v32  }
0x495: {  	v51 =	vadd.s32 v1, v33;
	[tilespmem:v20+s12+$0x0] =	vst.idx.msk $0xffff, v47;
	v20 =	vld [tilespmem:s26+$0xFFFFFF90]  }
0x496: {  	v53 =	vadd.s32 v2, v17;
	v52 =	vld [tilespmem:s14+$0x20];
	[tilespmem:v19+s12+$0x0] =	vst.idx.msk $0xffff, v48  }
0x497: {  	v18 =	vadd.s32 v3, v18;
	v19 =	vld [tilespmem:s14+$0xFFFFFFF0];
	[tilespmem:v49+s12+$0x0] =	vst.idx.msk $0xffff, v26  }
0x498: {  	v54 =	vadd.s32 v2, v41;
	v26 =	vld [tilespmem:s26+$0x60];
	[tilespmem:v50+s12+$0x0] =	vst.idx.msk $0xffff, v23  }
0x499: {  	v55 =	vadd.s32 v2, v31;
	[tilespmem:v22+s12+$0x0] =	vst.idx.msk $0xffff, v21;
	v23 =	vld [tilespmem:s26+$0xFFFFFFE0]  }
0x49a: {  	v21 =	vadd.s32 v2, v32;
	[tilespmem:v51+s12+$0x0] =	vst.idx.msk $0xffff, v20;
	v20 =	vld [tilespmem:s26+$0x20]  }
0x49b: {  	v56 =	vadd.s32 v2, v33;
	[tilespmem:v53+s12+$0x0] =	vst.idx.msk $0xffff, v52;
	v22 =	vld [tilespmem:s26+$0xFFFFFFA0]  }
0x49c: {  	v17 =	vadd.s32 v3, v17;
	v25 =	vld [tilespmem:s14+$0x30];
	[tilespmem:v18+s12+$0x0] =	vst.idx.msk $0xffff, v19  }
0x49d: {  	v16 =	vadd.s32 v3, v16;
	v18 =	vld [tilespmem:s14+$0xFFFFFFB0];
	[tilespmem:v54+s12+$0x0] =	vst.idx.msk $0xffff, v26  }
0x49e: {  	v57 =	vadd.s32 v3, v41;
	v19 =	vld [tilespmem:s26+$0x70];
	[tilespmem:v55+s12+$0x0] =	vst.idx.msk $0xffff, v23  }
0x49f: {  	v58 =	vadd.s32 v3, v31;
	[tilespmem:v21+s12+$0x0] =	vst.idx.msk $0xffff, v20;
	v23 =	vld [tilespmem:s26+$0xFFFFFFF0]  }
0x4a0: {  	v21 =	vadd.s32 v3, v32;
	[tilespmem:v56+s12+$0x0] =	vst.idx.msk $0xffff, v22;
	v20 =	vld [tilespmem:s26+$0x30]  }
0x4a1: {  	[tilespmem:v17+s12+$0x0] =	vst.idx.msk $0xffff, v25;
	v22 =	vadd.s32 v3, v33;
	v17 =	vld [tilespmem:s26+$0xFFFFFFB0]  }
0x4a2: {  	[tilespmem:v16+s12+$0x0] =	vst.idx.msk $0xffff, v18  }
0x4a3: {  	[tilespmem:v57+s12+$0x0] =	vst.idx.msk $0xffff, v19  }
0x4a4: {  	[tilespmem:v58+s12+$0x0] =	vst.idx.msk $0xffff, v23  }
0x4a5: {  	[tilespmem:v21+s12+$0x0] =	vst.idx.msk $0xffff, v20  }
0x4a6: {  	s17 =	simm.s32 $0x22F0;
	[tilespmem:v22+s12+$0x0] =	vst.idx.msk $0xffff, v17  }
0x4a7: {  	v17 =	vadd.s32 v4, v14;
	v16 =	vld [tilespmem:s17+$0xFFFFFFD0]  }
0x4a8: {  	v19 =	vadd.s32 v4, v9;
	v18 =	vld [tilespmem:s17+$0xFFFFFF10];
	_ =	sdelay $0x1  }
0x4a9: {  	v21 =	vadd.s32 v4, v13;
	v20 =	vld [tilespmem:s17+$0xFFFFFF50];
	_ =	sdelay $0x1  }
0x4aa: {  	[tilespmem:v17+s12+$0x0] =	vst.idx.msk $0xffff, v16  }
0x4ab: {  	v17 =	vadd.s32 v5, v14;
	[tilespmem:v19+s12+$0x0] =	vst.idx.msk $0xffff, v18;
	v16 =	vld [tilespmem:s17+$0xFFFFFFE0]  }
0x4ac: {  	v19 =	vadd.s32 v5, v9;
	v18 =	vld [tilespmem:s17+$0xFFFFFF20]  }
0x4ad: {  	v23 =	vadd.s32 v4, v12;
	v22 =	vld [tilespmem:s17+$0xFFFFFF90];
	[tilespmem:v21+s12+$0x0] =	vst.idx.msk $0xffff, v20  }
0x4ae: {  	v21 =	vadd.s32 v5, v13;
	v20 =	vld [tilespmem:s17+$0xFFFFFF60]  }
0x4af: {  	s14 =	simm.s32 $0x23F0  }
0x4b0: {  	v59 =	vadd.s32 v4, v11;
	v24 =	vld [tilespmem:s14+$0xFFFFFFD0];
	[tilespmem:v17+s12+$0x0] =	vst.idx.msk $0xffff, v16  }
0x4b1: {  	v17 =	vadd.s32 v6, v14;
	[tilespmem:v19+s12+$0x0] =	vst.idx.msk $0xffff, v18;
	v16 =	vld [tilespmem:s17+$0xFFFFFFF0]  }
0x4b2: {  	[tilespmem:v23+s12+$0x0] =	vst.idx.msk $0xffff, v22;
	v19 =	vadd.s32 v6, v9;
	v18 =	vld [tilespmem:s17+$0xFFFFFF30]  }
0x4b3: {  	v23 =	vadd.s32 v5, v12;
	v22 =	vld [tilespmem:s17+$0xFFFFFFA0];
	[tilespmem:v21+s12+$0x0] =	vst.idx.msk $0xffff, v20  }
0x4b4: {  	v15 =	vand.u32 $0x7C, v15;
	v21 =	vadd.s32 v6, v13;
	v20 =	vld [tilespmem:s17+$0xFFFFFF70]  }
0x4b5: {  	v60 =	vadd.s32 v4, v15;
	v26 =	vld [tilespmem:s14+$0xFFFFFF10];
	[tilespmem:v59+s12+$0x0] =	vst.idx.msk $0xffff, v24  }
0x4b6: {  	v61 =	vadd.s32 v5, v11;
	v24 =	vld [tilespmem:s14+$0xFFFFFFE0];
	[tilespmem:v17+s12+$0x0] =	vst.idx.msk $0xffff, v16  }
0x4b7: {  	[tilespmem:v19+s12+$0x0] =	vst.idx.msk $0xffff, v18;
	v17 =	vld [tilespmem:s14+$0xFFFFFF50];
	v18 =	vadd.s32 v4, v10  }
0x4b8: {  	[tilespmem:v23+s12+$0x0] =	vst.idx.msk $0xffff, v22;
	v22 =	vadd.s32 v4, v8;
	v19 =	vld [tilespmem:s14+$0xFFFFFF90]  }
0x4b9: {  	v23 =	vadd.s32 v6, v12;
	[tilespmem:v21+s12+$0x0] =	vst.idx.msk $0xffff, v20;
	v20 =	vld [tilespmem:s17+$0xFFFFFFB0]  }
0x4ba: {  	[tilespmem:v60+s12+$0x0] =	vst.idx.msk $0xffff, v26;
	v14 =	vadd.s32 v7, v14;
	v16 =	vld [tilespmem:s17+$0x0]  }
0x4bb: {  	v62 =	vadd.s32 v5, v15;
	v26 =	vld [tilespmem:s14+$0xFFFFFF20];
	[tilespmem:v61+s12+$0x0] =	vst.idx.msk $0xffff, v24  }
0x4bc: {  	v63 =	vadd.s32 v7, v13;
	v28 =	vld [tilespmem:s17+$0xFFFFFF80];
	[tilespmem:v18+s12+$0x0] =	vst.idx.msk $0xffff, v17  }
0x4bd: {  	[tilespmem:v22+s12+$0x0] =	vst.idx.msk $0xffff, v19;
	v22 =	vadd.s32 v5, v10;
	v21 =	vld [tilespmem:s14+$0xFFFFFF60]  }
0x4be: {  	[tilespmem:v23+s12+$0x0] =	vst.idx.msk $0xffff, v20;
	v20 =	vadd.s32 v5, v8;
	v19 =	vld [tilespmem:s14+$0xFFFFFFA0]  }
0x4bf: {  	v18 =	vadd.s32 v7, v12;
	[tilespmem:v14+s12+$0x0] =	vst.idx.msk $0xffff, v16;
	v14 =	vld [tilespmem:s17+$0xFFFFFFC0]  }
0x4c0: {  	[tilespmem:v62+s12+$0x0] =	vst.idx.msk $0xffff, v26;
	v12 =	vld [tilespmem:s14+$0xFFFFFFF0];
	v16 =	vadd.s32 v6, v11  }
0x4c1: {  	s18 =	simm.s32 $0xC;
	s23 =	simm.s32 $0xB;
	v13 =	vld [tilespmem:s14+$0xFFFFFF30];
	v17 =	vadd.s32 v6, v15;
	[tilespmem:v63+s12+$0x0] =	vst.idx.msk $0xffff, v28  }
.LBB2_44:
0x4c2: {  	p0 =	slt.u32 s18, $0x7C;
	v23 =	vmov s23;
	[tilespmem:v22+s12+$0x0] =	vst.idx.msk $0xffff, v21;
	v21 =	vld [tilespmem:s17+$0xFFFFFF40];
	v22 =	vadd.s32 v7, v9;
	v9 =	vmov v15;
	s17 =	smov.u32 s14  }
0x4c3: {  	v15 =	vmov s6;
	v25 =	vadd.s32 v6, v10;
	s14 =	sadd.s32 $0x100, s14;
	v23 =	vand.u32 $0x7F, v23;
	v24 =	vld [tilespmem:s17+$0xFFFFFF70];
	[tilespmem:v20+s12+$0x0] =	vst.idx.msk $0xffff, v19  }
0x4c4: {  	s23 =	sadd.s32 $0x1, s6;
	v15 =	vand.u32 $0x7C, v15;
	v19 =	vld [tilespmem:s14+$0xFFFFFFD0];
	v20 =	vadd.s32 v4, v23;
	[tilespmem:v18+s12+$0x0] =	vst.idx.msk $0xffff, v14  }
0x4c5: {  	v26 =	vmov s23;
	s23 =	sadd.s32 $0x2, s6;
	s6 =	smov.u32 s18;
	v18 =	vadd.s32 v4, v15;
	v14 =	vld [tilespmem:s14+$0xFFFFFF10];
	[tilespmem:v16+s12+$0x0] =	vst.idx.msk $0xffff, v12  }
0x4c6: {  	v12 =	vand.u32 $0x7D, v26;
	v16 =	vmov s23;
	[tilespmem:v17+s12+$0x0] =	vst.idx.msk $0xffff, v13;
	v13 =	vld [tilespmem:s17+$0x0];
	v17 =	vadd.s32 v7, v11;
	v11 =	vmovc v23  }
0x4c7: {  	v26 =	vadd.s32 v4, v12;
	v16 =	vand.u32 $0x7E, v16;
	v23 =	vld [tilespmem:s14+$0xFFFFFF50];
	[tilespmem:v22+s12+$0x0] =	vst.idx.msk $0xffff, v21  }
0x4c8: {  	v28 =	vadd.s32 v4, v16;
	v27 =	vld [tilespmem:s14+$0xFFFFFF90];
	[tilespmem:v25+s12+$0x0] =	vst.idx.msk $0xffff, v24  }
0x4c9: {  	v25 =	vadd.s32 v6, v8;
	[tilespmem:v20+s12+$0x0] =	vst.idx.msk $0xffff, v19;
	v24 =	vld [tilespmem:s17+$0xFFFFFFB0]  }
0x4ca: {  	[tilespmem:v18+s12+$0x0] =	vst.idx.msk $0xffff, v14;
	v14 =	vld [tilespmem:s14+$0xFFFFFFE0];
	v18 =	vadd.s32 v5, v11  }
0x4cb: {  	v30 =	vadd.s32 v5, v15;
	v29 =	vld [tilespmem:s14+$0xFFFFFF20];
	[tilespmem:v17+s12+$0x0] =	vst.idx.msk $0xffff, v13  }
0x4cc: {  	[tilespmem:v26+s12+$0x0] =	vst.idx.msk $0xffff, v23;
	v23 =	vld [tilespmem:s17+$0xFFFFFF80];
	v26 =	vadd.s32 v7, v10;
	v10 =	vmov v12  }
.Ltmp21:
0x4cd: {  	v21 =	vld [tilespmem:s14+$0xFFFFFF60];
	v22 =	vadd.s32 v5, v10;
	[tilespmem:v28+s12+$0x0] =	vst.idx.msk $0xffff, v27;
	(pc) =	sbr.rel @p0 .LBB2_44-.Ltmp21, $4  }
0x4ce: {  	v20 =	vadd.s32 v5, v16;
	v19 =	vld [tilespmem:s14+$0xFFFFFFA0];
	[tilespmem:v25+s12+$0x0] =	vst.idx.msk $0xffff, v24  }
0x4cf: {  	[tilespmem:v18+s12+$0x0] =	vst.idx.msk $0xffff, v14;
	v14 =	vld [tilespmem:s17+$0xFFFFFFC0];
	v18 =	vadd.s32 v7, v8;
	v8 =	vmov v16  }
0x4d0: {  	v16 =	vadd.s32 v6, v11;
	[tilespmem:v30+s12+$0x0] =	vst.idx.msk $0xffff, v29;
	v12 =	vld [tilespmem:s14+$0xFFFFFFF0]  }
0x4d1: {  	s18 =	sadd.s32 $0x4, s18;
	s23 =	sadd.s32 $0x3, s6;
	v17 =	vadd.s32 v6, v15;
	v13 =	vld [tilespmem:s14+$0xFFFFFF30];
	[tilespmem:v26+s12+$0x0] =	vst.idx.msk $0xffff, v23  }
0x4d2: {  	_ =	sdelay $0x2  }
0x4d3: {  	v23 =	vmov s23  }
0x4d4: {  	s18 =	sadd.s32 $0x1, s6;
	[tilespmem:v22+s12+$0x0] =	vst.idx.msk $0xffff, v21;
	v29 =	vld [tilespmem:s17+$0xFFFFFF40];
	v9 =	vadd.s32 v7, v9;
	s24 =	sadd.s32 $0x100, s14;
	v25 =	vmov s6;
	v30 =	vand.u32 $0x7F, v23  }
0x4d5: {  	s26 =	sadd.s32 $0x2, s6;
	v31 =	vmov s18;
	[tilespmem:v20+s12+$0x0] =	vst.idx.msk $0xffff, v19;
	v32 =	vld [tilespmem:s24+$0xFFFFFFD0];
	v25 =	vand.u32 $0x7C, v25;
	v33 =	vadd.s32 v4, v30  }
0x4d6: {  	v24 =	vmov s26;
	v26 =	vld [tilespmem:s24+$0xFFFFFF10];
	v23 =	vand.u32 $0x7D, v31;
	[tilespmem:v18+s12+$0x0] =	vst.idx.msk $0xffff, v14;
	v38 =	vadd.s32 v4, v25  }
0x4d7: {  	v34 =	vld [tilespmem:s24+$0xFFFFFF50];
	v24 =	vand.u32 $0x7E, v24;
	v35 =	vadd.s32 v4, v23;
	[tilespmem:v16+s12+$0x0] =	vst.idx.msk $0xffff, v12  }
0x4d8: {  	v36 =	vld [tilespmem:s24+$0xFFFFFF90];
	v37 =	vadd.s32 v4, v24;
	[tilespmem:v17+s12+$0x0] =	vst.idx.msk $0xffff, v13  }
0x4d9: {  	v40 =	vadd.s32 v6, v10;
	v39 =	vld [tilespmem:s14+$0xFFFFFF70];
	[tilespmem:v9+s12+$0x0] =	vst.idx.msk $0xffff, v29  }
0x4da: {  	v48 =	vadd.s32 v6, v8;
	v47 =	vld [tilespmem:s14+$0xFFFFFFB0];
	[tilespmem:v33+s12+$0x0] =	vst.idx.msk $0xffff, v32  }
0x4db: {  	v42 =	vadd.s32 v5, v30;
	[tilespmem:v38+s12+$0x0] =	vst.idx.msk $0xffff, v26;
	v19 =	vld [tilespmem:s24+$0xFFFFFFE0]  }
0x4dc: {  	v46 =	vadd.s32 v5, v25;
	[tilespmem:v35+s12+$0x0] =	vst.idx.msk $0xffff, v34;
	v45 =	vld [tilespmem:s24+$0xFFFFFF20]  }
0x4dd: {  	v43 =	vadd.s32 v5, v23;
	[tilespmem:v37+s12+$0x0] =	vst.idx.msk $0xffff, v36;
	v14 =	vld [tilespmem:s24+$0xFFFFFF60]  }
0x4de: {  	v44 =	vadd.s32 v5, v24;
	[tilespmem:v40+s12+$0x0] =	vst.idx.msk $0xffff, v39;
	v12 =	vld [tilespmem:s24+$0xFFFFFFA0]  }
0x4df: {  	v11 =	vadd.s32 v7, v11;
	v41 =	vld [tilespmem:s14+$0x0];
	[tilespmem:v48+s12+$0x0] =	vst.idx.msk $0xffff, v47  }
0x4e0: {  	v8 =	vadd.s32 v7, v8;
	v17 =	vld [tilespmem:s14+$0xFFFFFFC0];
	[tilespmem:v42+s12+$0x0] =	vst.idx.msk $0xffff, v19  }
0x4e1: {  	v51 =	vadd.s32 v6, v30;
	[tilespmem:v46+s12+$0x0] =	vst.idx.msk $0xffff, v45;
	v19 =	vld [tilespmem:s24+$0xFFFFFFF0]  }
0x4e2: {  	v56 =	vadd.s32 v6, v25;
	[tilespmem:v43+s12+$0x0] =	vst.idx.msk $0xffff, v14;
	v55 =	vld [tilespmem:s24+$0xFFFFFF30]  }
0x4e3: {  	v52 =	vadd.s32 v6, v23;
	[tilespmem:v44+s12+$0x0] =	vst.idx.msk $0xffff, v12;
	v14 =	vld [tilespmem:s24+$0xFFFFFF70]  }
0x4e4: {  	v54 =	vadd.s32 v6, v24;
	[tilespmem:v11+s12+$0x0] =	vst.idx.msk $0xffff, v41;
	v53 =	vld [tilespmem:s24+$0xFFFFFFB0]  }
0x4e5: {  	v58 =	vadd.s32 v7, v15;
	v57 =	vld [tilespmem:s14+$0xFFFFFF40];
	[tilespmem:v8+s12+$0x0] =	vst.idx.msk $0xffff, v17  }
0x4e6: {  	v50 =	vadd.s32 v7, v10;
	v49 =	vld [tilespmem:s14+$0xFFFFFF80];
	[tilespmem:v51+s12+$0x0] =	vst.idx.msk $0xffff, v19  }
0x4e7: {  	v60 =	vadd.s32 v7, v30;
	[tilespmem:v56+s12+$0x0] =	vst.idx.msk $0xffff, v55;
	v59 =	vld [tilespmem:s24+$0x0]  }
0x4e8: {  	v63 =	vadd.s32 v7, v25;
	[tilespmem:v52+s12+$0x0] =	vst.idx.msk $0xffff, v14;
	v8 =	vld [tilespmem:s24+$0xFFFFFF40]  }
0x4e9: {  	v61 =	vadd.s32 v7, v23;
	[tilespmem:v54+s12+$0x0] =	vst.idx.msk $0xffff, v53;
	v14 =	vld [tilespmem:s24+$0xFFFFFF80]  }
0x4ea: {  	v62 =	vadd.s32 v7, v24;
	[tilespmem:v58+s12+$0x0] =	vst.idx.msk $0xffff, v57;
	v9 =	vld [tilespmem:s24+$0xFFFFFFC0]  }
0x4eb: {  	[tilespmem:v50+s12+$0x0] =	vst.idx.msk $0xffff, v49  }
0x4ec: {  	[tilespmem:v60+s12+$0x0] =	vst.idx.msk $0xffff, v59  }
0x4ed: {  	[tilespmem:v63+s12+$0x0] =	vst.idx.msk $0xffff, v8  }
0x4ee: {  	[tilespmem:v61+s12+$0x0] =	vst.idx.msk $0xffff, v14  }
0x4ef: {  	[tilespmem:v62+s12+$0x0] =	vst.idx.msk $0xffff, v9  }
0x4f0: {  	s28 =	simm.s32 $0x8200;
	s24 =	rddreg [dreg:$0xf]  }
0x4f1: {  	[hbm4b:s24+s4] =	stream.linear.scatter [tilespmem:s28], [sflag:$0x5], $0x80, $0x38;
	[tilespmem:$0x10A00] =	vst v63  }
0x4f2: {  	s14 =	simm.s32 $0x8288;
	s17 =	sadd.s32 $0x10, s24  }
0x4f3: {  	[hbm4b:s17+s4] =	stream.linear.scatter [tilespmem:s14], [sflag:$0x5], $0x80, $0x38;
	[tilespmem:$0x10A00] =	vst v63  }
0x4f4: {  	s6 =	simm.s32 $0x440;
	s18 =	simm.s32 $0x8310;
	s23 =	sadd.s32 $0x20, s24  }
0x4f5: {  	[hbm4b:s23+s4] =	stream.linear.scatter [tilespmem:s18], [sflag:$0x5], $0x80, $0x38;
	[tilespmem:$0x10A00] =	vst v63  }
0x4f6: {  	s26 =	simm.s32 $0x8398;
	s28 =	sadd.s32 $0x30, s24;
	s14 =	simm.s32 $0x8420  }
0x4f7: {  	[hbm4b:s28+s4] =	stream.linear.scatter [tilespmem:s26], [sflag:$0x5], $0x80, $0x38;
	[tilespmem:$0x10A00] =	vst v63  }
0x4f8: {  	s17 =	sadd.s32 $0x40, s24;
	s18 =	simm.s32 $0x84A8;
	s23 =	sadd.s32 $0x50, s24  }
0x4f9: {  	[hbm4b:s17+s4] =	stream.linear.scatter [tilespmem:s14], [sflag:$0x5], $0x80, $0x38;
	[tilespmem:$0x10A00] =	vst v63  }
0x4fa: {  	s26 =	simm.s32 $0x8530;
	s28 =	sadd.s32 $0x60, s24;
	s17 =	simm.s32 $0x2200  }
0x4fb: {  	[hbm4b:s23+s4] =	stream.linear.scatter [tilespmem:s18], [sflag:$0x5], $0x80, $0x38;
	[tilespmem:$0x10A00] =	vst v63  }
0x4fc: {  	s14 =	sadd.s32 $0x1000, s24;
	s18 =	simm.s32 $0x85B8;
	s23 =	sadd.s32 $0x70, s24  }
0x4fd: {  	[hbm4b:s28+s4] =	stream.linear.scatter [tilespmem:s26], [sflag:$0x5], $0x80, $0x38;
	[tilespmem:$0x10A00] =	vst v63  }
.LBB2_46:
0x4fe: {  	[hbm4b:s23+s4] =	stream.linear.scatter [tilespmem:s18], [sflag:$0x5], $0x80, $0x38;
	[tilespmem:$0x10A00] =	vst v63  }
0x4ff: {  	s18 =	smov.u32 s6;
	s6 =	smov.u32 s17  }
0x500: {  	s24 =	sadd.s32 $0x1100, s17;
	s6 =	sshra.s32 s6, $0x2;
	s23 =	sadd.s32 $0x8200, s18  }
0x501: {  	[hbm4b:s14+s4] =	stream.linear.scatter [tilespmem:s23], [sflag:$0x5], $0x80, $0x38;
	[tilespmem:$0x10A00] =	vst v63  }
0x502: {  	p0 =	sne.s32 s17, $0x7700;
	s17 =	sadd.s32 $0x8288, s18;
	s23 =	sadd.s32 $0x10, s14  }
0x503: {  	[hbm4b:s23+s4] =	stream.linear.scatter [tilespmem:s17], [sflag:$0x5], $0x80, $0x38;
	[tilespmem:$0x10A00] =	vst v63  }
0x504: {  	s17 =	sadd.s32 $0x8310, s18;
	s23 =	sadd.s32 $0x20, s14  }
0x505: {  	[hbm4b:s23+s4] =	stream.linear.scatter [tilespmem:s17], [sflag:$0x5], $0x80, $0x38;
	[tilespmem:$0x10A00] =	vst v63  }
0x506: {  	s17 =	sadd.s32 $0x8398, s18;
	s23 =	sadd.s32 $0x30, s14  }
0x507: {  	[hbm4b:s23+s4] =	stream.linear.scatter [tilespmem:s17], [sflag:$0x5], $0x80, $0x38;
	[tilespmem:$0x10A00] =	vst v63  }
0x508: {  	s17 =	sadd.s32 $0x8420, s18;
	s23 =	sadd.s32 $0x40, s14  }
0x509: {  	[hbm4b:s23+s4] =	stream.linear.scatter [tilespmem:s17], [sflag:$0x5], $0x80, $0x38;
	[tilespmem:$0x10A00] =	vst v63  }
.Ltmp22:
0x50a: {  	s17 =	sadd.s32 $0x84A8, s18;
	s23 =	sadd.s32 $0x50, s14;
	(pc) =	sbr.rel @p0 .LBB2_46-.Ltmp22, $4  }
0x50b: {  	[hbm4b:s23+s4] =	stream.linear.scatter [tilespmem:s17], [sflag:$0x5], $0x80, $0x38;
	[tilespmem:$0x10A00] =	vst v63  }
0x50c: {  	s17 =	sadd.s32 $0x8530, s18;
	s23 =	sadd.s32 $0x60, s14;
	s18 =	sadd.s32 $0x85B8, s18  }
0x50d: {  	[hbm4b:s23+s4] =	stream.linear.scatter [tilespmem:s17], [sflag:$0x5], $0x80, $0x38;
	[tilespmem:$0x10A00] =	vst v63  }
0x50e: {  	s23 =	sadd.s32 $0x70, s14;
	s14 =	sadd.s32 $0x1000, s14;
	s17 =	smov.u32 s24  }
0x50f: {  	[hbm4b:s23+s4] =	stream.linear.scatter [tilespmem:s18], [sflag:$0x5], $0x80, $0x38;
	[tilespmem:$0x10A00] =	vst v63  }
0x510: {  	s17 =	sadd.s32 $0x8200, s6  }
0x511: {  	[hbm4b:s14+s4] =	stream.linear.scatter [tilespmem:s17], [sflag:$0x5], $0x80, $0x38;
	[tilespmem:$0x10A00] =	vst v63  }
0x512: {  	s26 =	sadd.s32 $0x8288, s6;
	s28 =	sadd.s32 $0x10, s14  }
0x513: {  	[hbm4b:s28+s4] =	stream.linear.scatter [tilespmem:s26], [sflag:$0x5], $0x80, $0x38;
	[tilespmem:$0x10A00] =	vst v63  }
0x514: {  	s23 =	sadd.s32 $0x8310, s6;
	s24 =	sadd.s32 $0x20, s14  }
0x515: {  	[hbm4b:s24+s4] =	stream.linear.scatter [tilespmem:s23], [sflag:$0x5], $0x80, $0x38;
	[tilespmem:$0x10A00] =	vst v63  }
0x516: {  	s26 =	sadd.s32 $0x8398, s6;
	s28 =	sadd.s32 $0x30, s14  }
0x517: {  	[hbm4b:s28+s4] =	stream.linear.scatter [tilespmem:s26], [sflag:$0x5], $0x80, $0x38;
	[tilespmem:$0x10A00] =	vst v63  }
0x518: {  	s23 =	sadd.s32 $0x8420, s6;
	s24 =	sadd.s32 $0x40, s14  }
0x519: {  	[hbm4b:s24+s4] =	stream.linear.scatter [tilespmem:s23], [sflag:$0x5], $0x80, $0x38;
	[tilespmem:$0x10A00] =	vst v63  }
0x51a: {  	s26 =	sadd.s32 $0x84A8, s6;
	s28 =	sadd.s32 $0x50, s14  }
0x51b: {  	[hbm4b:s28+s4] =	stream.linear.scatter [tilespmem:s26], [sflag:$0x5], $0x80, $0x38;
	[tilespmem:$0x10A00] =	vst v63  }
0x51c: {  	s18 =	sadd.s32 $0x8530, s6;
	s23 =	sadd.s32 $0x60, s14  }
0x51d: {  	[hbm4b:s23+s4] =	stream.linear.scatter [tilespmem:s18], [sflag:$0x5], $0x80, $0x38;
	[tilespmem:$0x10A00] =	vst v63  }
0x51e: {  	s24 =	sadd.s32 $0x85B8, s6;
	s26 =	sadd.s32 $0x70, s14  }
0x51f: {  	[hbm4b:s26+s4] =	stream.linear.scatter [tilespmem:s24], [sflag:$0x5], $0x80, $0x38;
	[tilespmem:$0x10A00] =	vst v63  }
0x520: {  	s28 =	simm.s32 $0xA400;
	s24 =	rddreg [dreg:$0x10]  }
0x521: {  	[hbm4b:s24+s4] =	stream.linear.scatter [tilespmem:s28], [sflag:$0x5], $0x80, $0x38;
	[tilespmem:$0x10A00] =	vst v63  }
0x522: {  	s14 =	simm.s32 $0xA488;
	s17 =	sadd.s32 $0x10, s24  }
0x523: {  	[hbm4b:s17+s4] =	stream.linear.scatter [tilespmem:s14], [sflag:$0x5], $0x80, $0x38;
	[tilespmem:$0x10A00] =	vst v63  }
0x524: {  	s6 =	simm.s32 $0x440;
	s18 =	simm.s32 $0xA510;
	s23 =	sadd.s32 $0x20, s24  }
0x525: {  	[hbm4b:s23+s4] =	stream.linear.scatter [tilespmem:s18], [sflag:$0x5], $0x80, $0x38;
	[tilespmem:$0x10A00] =	vst v63  }
0x526: {  	s26 =	simm.s32 $0xA598;
	s28 =	sadd.s32 $0x30, s24;
	s14 =	simm.s32 $0xA620  }
0x527: {  	[hbm4b:s28+s4] =	stream.linear.scatter [tilespmem:s26], [sflag:$0x5], $0x80, $0x38;
	[tilespmem:$0x10A00] =	vst v63  }
0x528: {  	s17 =	sadd.s32 $0x40, s24;
	s18 =	simm.s32 $0xA6A8;
	s23 =	sadd.s32 $0x50, s24  }
0x529: {  	[hbm4b:s17+s4] =	stream.linear.scatter [tilespmem:s14], [sflag:$0x5], $0x80, $0x38;
	[tilespmem:$0x10A00] =	vst v63  }
0x52a: {  	s26 =	simm.s32 $0xA730;
	s28 =	sadd.s32 $0x60, s24;
	s17 =	simm.s32 $0x2200  }
0x52b: {  	[hbm4b:s23+s4] =	stream.linear.scatter [tilespmem:s18], [sflag:$0x5], $0x80, $0x38;
	[tilespmem:$0x10A00] =	vst v63  }
0x52c: {  	s14 =	sadd.s32 $0x1000, s24;
	s18 =	simm.s32 $0xA7B8;
	s23 =	sadd.s32 $0x70, s24  }
0x52d: {  	[hbm4b:s28+s4] =	stream.linear.scatter [tilespmem:s26], [sflag:$0x5], $0x80, $0x38;
	[tilespmem:$0x10A00] =	vst v63  }
.LBB2_48:
0x52e: {  	[hbm4b:s23+s4] =	stream.linear.scatter [tilespmem:s18], [sflag:$0x5], $0x80, $0x38;
	[tilespmem:$0x10A00] =	vst v63  }
0x52f: {  	s18 =	smov.u32 s6;
	s6 =	smov.u32 s17  }
0x530: {  	s24 =	sadd.s32 $0x1100, s17;
	s6 =	sshra.s32 s6, $0x2;
	s23 =	sadd.s32 $0xA400, s18  }
0x531: {  	[hbm4b:s14+s4] =	stream.linear.scatter [tilespmem:s23], [sflag:$0x5], $0x80, $0x38;
	[tilespmem:$0x10A00] =	vst v63  }
0x532: {  	p0 =	sne.s32 s17, $0x7700;
	s17 =	sadd.s32 $0xA488, s18;
	s23 =	sadd.s32 $0x10, s14  }
0x533: {  	[hbm4b:s23+s4] =	stream.linear.scatter [tilespmem:s17], [sflag:$0x5], $0x80, $0x38;
	[tilespmem:$0x10A00] =	vst v63  }
0x534: {  	s17 =	sadd.s32 $0xA510, s18;
	s23 =	sadd.s32 $0x20, s14  }
0x535: {  	[hbm4b:s23+s4] =	stream.linear.scatter [tilespmem:s17], [sflag:$0x5], $0x80, $0x38;
	[tilespmem:$0x10A00] =	vst v63  }
0x536: {  	s17 =	sadd.s32 $0xA598, s18;
	s23 =	sadd.s32 $0x30, s14  }
0x537: {  	[hbm4b:s23+s4] =	stream.linear.scatter [tilespmem:s17], [sflag:$0x5], $0x80, $0x38;
	[tilespmem:$0x10A00] =	vst v63  }
0x538: {  	s17 =	sadd.s32 $0xA620, s18;
	s23 =	sadd.s32 $0x40, s14  }
0x539: {  	[hbm4b:s23+s4] =	stream.linear.scatter [tilespmem:s17], [sflag:$0x5], $0x80, $0x38;
	[tilespmem:$0x10A00] =	vst v63  }
.Ltmp23:
0x53a: {  	s17 =	sadd.s32 $0xA6A8, s18;
	s23 =	sadd.s32 $0x50, s14;
	(pc) =	sbr.rel @p0 .LBB2_48-.Ltmp23, $4  }
0x53b: {  	[hbm4b:s23+s4] =	stream.linear.scatter [tilespmem:s17], [sflag:$0x5], $0x80, $0x38;
	[tilespmem:$0x10A00] =	vst v63  }
0x53c: {  	s17 =	sadd.s32 $0xA730, s18;
	s23 =	sadd.s32 $0x60, s14;
	s18 =	sadd.s32 $0xA7B8, s18  }
0x53d: {  	[hbm4b:s23+s4] =	stream.linear.scatter [tilespmem:s17], [sflag:$0x5], $0x80, $0x38;
	[tilespmem:$0x10A00] =	vst v63  }
0x53e: {  	s23 =	sadd.s32 $0x70, s14;
	s14 =	sadd.s32 $0x1000, s14;
	s17 =	smov.u32 s24  }
0x53f: {  	[hbm4b:s23+s4] =	stream.linear.scatter [tilespmem:s18], [sflag:$0x5], $0x80, $0x38;
	[tilespmem:$0x10A00] =	vst v63  }
0x540: {  	s17 =	sadd.s32 $0xA400, s6  }
0x541: {  	[hbm4b:s14+s4] =	stream.linear.scatter [tilespmem:s17], [sflag:$0x5], $0x80, $0x38;
	[tilespmem:$0x10A00] =	vst v63  }
0x542: {  	s23 =	sadd.s32 $0xA488, s6;
	s24 =	sadd.s32 $0x10, s14  }
0x543: {  	[hbm4b:s24+s4] =	stream.linear.scatter [tilespmem:s23], [sflag:$0x5], $0x80, $0x38;
	[tilespmem:$0x10A00] =	vst v63  }
0x544: {  	s26 =	sadd.s32 $0xA510, s6;
	s28 =	sadd.s32 $0x20, s14  }
0x545: {  	[hbm4b:s28+s4] =	stream.linear.scatter [tilespmem:s26], [sflag:$0x5], $0x80, $0x38;
	[tilespmem:$0x10A00] =	vst v63  }
0x546: {  	s23 =	sadd.s32 $0xA598, s6;
	s24 =	sadd.s32 $0x30, s14  }
0x547: {  	[hbm4b:s24+s4] =	stream.linear.scatter [tilespmem:s23], [sflag:$0x5], $0x80, $0x38;
	[tilespmem:$0x10A00] =	vst v63  }
0x548: {  	s26 =	sadd.s32 $0xA620, s6;
	s28 =	sadd.s32 $0x40, s14  }
0x549: {  	[hbm4b:s28+s4] =	stream.linear.scatter [tilespmem:s26], [sflag:$0x5], $0x80, $0x38;
	[tilespmem:$0x10A00] =	vst v63  }
0x54a: {  	s23 =	sadd.s32 $0xA6A8, s6;
	s24 =	sadd.s32 $0x50, s14  }
0x54b: {  	[hbm4b:s24+s4] =	stream.linear.scatter [tilespmem:s23], [sflag:$0x5], $0x80, $0x38;
	[tilespmem:$0x10A00] =	vst v63  }
0x54c: {  	s26 =	sadd.s32 $0xA730, s6;
	s28 =	sadd.s32 $0x60, s14  }
0x54d: {  	[hbm4b:s28+s4] =	stream.linear.scatter [tilespmem:s26], [sflag:$0x5], $0x80, $0x38;
	[tilespmem:$0x10A00] =	vst v63  }
0x54e: {  	s23 =	sadd.s32 $0xA7B8, s6;
	s24 =	sadd.s32 $0x70, s14  }
0x54f: {  	[hbm4b:s24+s4] =	stream.linear.scatter [tilespmem:s23], [sflag:$0x5], $0x80, $0x38;
	[tilespmem:$0x10A00] =	vst v63  }
0x550: {  	_ =	swait.ge [sflag:s13], $0x4000  }
0x551: {  	[sflag:s13] =	ssyncset.done $0x0  }
0x552: {  	[sflag:s13] =	ssyncadd.s32 $0xFFFFC000  }
0x553: {  	_ =	swait.ge [sflag:s25], $0x2000  }
0x554: {  	[sflag:s25] =	ssyncset.done $0x0  }
0x555: {  	[sflag:s25] =	ssyncadd.s32 $0xFFFFE000  }
0x556: {  	s26 =	simm.s32 $0x3;
	_ =	swait.ge [sflag:s25], $0x2000  }
0x557: {  	v8 =	vmov s26;
	[sflag:s25] =	ssyncset.done $0x0  }
0x558: {  	s17 =	simm.s32 $0x4280;
	s28 =	simm.s32 $0x0;
	v14 =	vand.u32 $0x7F, v8;
	[sflag:s25] =	ssyncadd.s32 $0xFFFFE000  }
0x559: {  	s14 =	simm.s32 $0x1;
	v8 =	vmov s28;
	v11 =	vadd.s32 v0, v14;
	v10 =	vld [tilespmem:s17+$0x40]  }
0x55a: {  	v9 =	vand.u32 $0x7C, v8;
	v8 =	vmov s14  }
0x55b: {  	v16 =	vadd.s32 v0, v9;
	v13 =	vand.u32 $0x7D, v8;
	v15 =	vld [tilespmem:s17+$0xFFFFFF80]  }
0x55c: {  	v17 =	vadd.s32 v0, v13;
	v8 =	vld [tilespmem:s17+$0xFFFFFFC0]  }
0x55d: {  	s18 =	simm.s32 $0x2  }
0x55e: {  	v12 =	vmov s18;
	[tilespmem:v11+s15+$0x0] =	vst.idx.msk $0xffff, v10  }
0x55f: {  	v12 =	vand.u32 $0x7E, v12;
	v11 =	vadd.s32 v1, v14;
	v10 =	vld [tilespmem:s17+$0x50]  }
0x560: {  	v19 =	vadd.s32 v0, v12;
	v18 =	vld [tilespmem:s17+$0x0];
	[tilespmem:v16+s15+$0x0] =	vst.idx.msk $0xffff, v15  }
0x561: {  	v16 =	vadd.s32 v1, v9;
	[tilespmem:v17+s15+$0x0] =	vst.idx.msk $0xffff, v8;
	v15 =	vld [tilespmem:s17+$0xFFFFFF90]  }
0x562: {  	v17 =	vadd.s32 v1, v13;
	v8 =	vld [tilespmem:s17+$0xFFFFFFD0];
	_ =	sdelay $0x1  }
0x563: {  	[tilespmem:v11+s15+$0x0] =	vst.idx.msk $0xffff, v10  }
0x564: {  	[tilespmem:v19+s15+$0x0] =	vst.idx.msk $0xffff, v18;
	v18 =	vadd.s32 v2, v14;
	v10 =	vld [tilespmem:s17+$0x60]  }
0x565: {  	v20 =	vadd.s32 v1, v12;
	s23 =	simm.s32 $0x7;
	v19 =	vld [tilespmem:s17+$0x10];
	[tilespmem:v16+s15+$0x0] =	vst.idx.msk $0xffff, v15  }
0x566: {  	s24 =	simm.s32 $0x4;
	v22 =	vadd.s32 v2, v9;
	v11 =	vmov s23;
	[tilespmem:v17+s15+$0x0] =	vst.idx.msk $0xffff, v8;
	v21 =	vld [tilespmem:s17+$0xFFFFFFA0]  }
0x567: {  	s14 =	simm.s32 $0x4380;
	v23 =	vadd.s32 v2, v13;
	v15 =	vmov s24;
	v11 =	vand.u32 $0x7F, v11;
	v17 =	vld [tilespmem:s17+$0xFFFFFFE0]  }
0x568: {  	s26 =	simm.s32 $0x5;
	v24 =	vld [tilespmem:s14+$0x40];
	v16 =	vand.u32 $0x7C, v15;
	v25 =	vadd.s32 v0, v11  }
0x569: {  	s28 =	simm.s32 $0x6;
	v26 =	vld [tilespmem:s14+$0xFFFFFF80];
	v8 =	vmov s26;
	v27 =	vadd.s32 v0, v16;
	[tilespmem:v18+s15+$0x0] =	vst.idx.msk $0xffff, v10  }
0x56a: {  	[tilespmem:v20+s15+$0x0] =	vst.idx.msk $0xffff, v19;
	v19 =	vadd.s32 v3, v14;
	v10 =	vand.u32 $0x7D, v8;
	v8 =	vmov s28;
	v18 =	vld [tilespmem:s17+$0x70]  }
0x56b: {  	v20 =	vld [tilespmem:s14+$0xFFFFFFC0];
	[tilespmem:v22+s15+$0x0] =	vst.idx.msk $0xffff, v21;
	v21 =	vadd.s32 v0, v10;
	v8 =	vand.u32 $0x7E, v8  }
0x56c: {  	v22 =	vld [tilespmem:s14+$0x0];
	[tilespmem:v23+s15+$0x0] =	vst.idx.msk $0xffff, v17;
	v28 =	vadd.s32 v0, v8  }
0x56d: {  	v17 =	vld [tilespmem:s17+$0x20];
	v23 =	vadd.s32 v2, v12;
	[tilespmem:v25+s15+$0x0] =	vst.idx.msk $0xffff, v24  }
0x56e: {  	[tilespmem:v27+s15+$0x0] =	vst.idx.msk $0xffff, v26;
	v25 =	vadd.s32 v1, v11;
	v24 =	vld [tilespmem:s14+$0x50]  }
0x56f: {  	v32 =	vadd.s32 v1, v16;
	v31 =	vld [tilespmem:s14+$0xFFFFFF90];
	[tilespmem:v19+s15+$0x0] =	vst.idx.msk $0xffff, v18  }
0x570: {  	[tilespmem:v21+s15+$0x0] =	vst.idx.msk $0xffff, v20;
	v18 =	vld [tilespmem:s17+$0xFFFFFFF0];
	v19 =	vadd.s32 v3, v13  }
0x571: {  	v30 =	vadd.s32 v1, v10;
	v29 =	vld [tilespmem:s14+$0xFFFFFFD0];
	[tilespmem:v28+s15+$0x0] =	vst.idx.msk $0xffff, v22  }
0x572: {  	[tilespmem:v23+s15+$0x0] =	vst.idx.msk $0xffff, v17;
	v28 =	vadd.s32 v1, v8;
	v26 =	vld [tilespmem:s14+$0x10]  }
0x573: {  	v27 =	vadd.s32 v3, v12;
	v23 =	vld [tilespmem:s17+$0x30];
	[tilespmem:v25+s15+$0x0] =	vst.idx.msk $0xffff, v24  }
0x574: {  	s18 =	simm.s32 $0x8;
	v17 =	vmov v8;
	[tilespmem:v32+s15+$0x0] =	vst.idx.msk $0xffff, v31;
	v24 =	vadd.s32 v2, v11;
	v21 =	vld [tilespmem:s14+$0x60]  }
0x575: {  	s6 =	simm.s32 $0x8;
	s24 =	simm.s32 $0xB;
	s23 =	simm.s32 $0xC;
	v20 =	vmovc v9;
	v25 =	vadd.s32 v2, v16;
	v22 =	vld [tilespmem:s14+$0xFFFFFFA0];
	[tilespmem:v19+s15+$0x0] =	vst.idx.msk $0xffff, v18;
	v18 =	vmov v10;
	v19 =	vmov v11  }
.LBB2_50:
0x576: {  	p0 =	slt.u32 s23, $0x7C;
	v31 =	vmov s24;
	[tilespmem:v30+s15+$0x0] =	vst.idx.msk $0xffff, v29;
	v29 =	vld [tilespmem:s17+$0xFFFFFFB0];
	v30 =	vadd.s32 v3, v20;
	v20 =	vmov v16;
	s17 =	smov.u32 s14  }
0x577: {  	v16 =	vmov s18;
	v33 =	vadd.s32 v2, v18;
	s14 =	sadd.s32 $0x100, s14;
	v31 =	vand.u32 $0x7F, v31;
	v32 =	vld [tilespmem:s17+$0xFFFFFFE0];
	[tilespmem:v28+s15+$0x0] =	vst.idx.msk $0xffff, v26  }
0x578: {  	s24 =	sadd.s32 $0x1, s18;
	v16 =	vand.u32 $0x7C, v16;
	v26 =	vld [tilespmem:s14+$0x40];
	v28 =	vadd.s32 v0, v31;
	[tilespmem:v27+s15+$0x0] =	vst.idx.msk $0xffff, v23  }
0x579: {  	v34 =	vmov s24;
	s24 =	sadd.s32 $0x2, s18;
	s18 =	smov.u32 s23;
	v27 =	vadd.s32 v0, v16;
	v23 =	vld [tilespmem:s14+$0xFFFFFF80];
	[tilespmem:v24+s15+$0x0] =	vst.idx.msk $0xffff, v21  }
0x57a: {  	v21 =	vand.u32 $0x7D, v34;
	v24 =	vmov s24;
	[tilespmem:v25+s15+$0x0] =	vst.idx.msk $0xffff, v22;
	v22 =	vld [tilespmem:s17+$0x70];
	v25 =	vadd.s32 v3, v19;
	v19 =	vmovc v31  }
0x57b: {  	v34 =	vadd.s32 v0, v21;
	v24 =	vand.u32 $0x7E, v24;
	v31 =	vld [tilespmem:s14+$0xFFFFFFC0];
	[tilespmem:v30+s15+$0x0] =	vst.idx.msk $0xffff, v29  }
0x57c: {  	v36 =	vadd.s32 v0, v24;
	v35 =	vld [tilespmem:s14+$0x0];
	[tilespmem:v33+s15+$0x0] =	vst.idx.msk $0xffff, v32  }
0x57d: {  	v33 =	vadd.s32 v2, v17;
	[tilespmem:v28+s15+$0x0] =	vst.idx.msk $0xffff, v26;
	v32 =	vld [tilespmem:s17+$0x20]  }
0x57e: {  	[tilespmem:v27+s15+$0x0] =	vst.idx.msk $0xffff, v23;
	v23 =	vld [tilespmem:s14+$0x50];
	v27 =	vadd.s32 v1, v19  }
0x57f: {  	v38 =	vadd.s32 v1, v16;
	v37 =	vld [tilespmem:s14+$0xFFFFFF90];
	[tilespmem:v25+s15+$0x0] =	vst.idx.msk $0xffff, v22  }
0x580: {  	[tilespmem:v34+s15+$0x0] =	vst.idx.msk $0xffff, v31;
	v31 =	vld [tilespmem:s17+$0xFFFFFFF0];
	v34 =	vadd.s32 v3, v18;
	v18 =	vmov v21  }
.Ltmp24:
0x581: {  	v29 =	vld [tilespmem:s14+$0xFFFFFFD0];
	v30 =	vadd.s32 v1, v18;
	[tilespmem:v36+s15+$0x0] =	vst.idx.msk $0xffff, v35;
	(pc) =	sbr.rel @p0 .LBB2_50-.Ltmp24, $4  }
0x582: {  	v28 =	vadd.s32 v1, v24;
	v26 =	vld [tilespmem:s14+$0x10];
	[tilespmem:v33+s15+$0x0] =	vst.idx.msk $0xffff, v32  }
0x583: {  	[tilespmem:v27+s15+$0x0] =	vst.idx.msk $0xffff, v23;
	v23 =	vld [tilespmem:s17+$0x30];
	v27 =	vadd.s32 v3, v17;
	v17 =	vmov v24  }
0x584: {  	v24 =	vadd.s32 v2, v19;
	[tilespmem:v38+s15+$0x0] =	vst.idx.msk $0xffff, v37;
	v21 =	vld [tilespmem:s14+$0x60]  }
0x585: {  	s23 =	sadd.s32 $0x4, s23;
	s24 =	sadd.s32 $0x3, s18;
	v25 =	vadd.s32 v2, v16;
	v22 =	vld [tilespmem:s14+$0xFFFFFFA0];
	[tilespmem:v34+s15+$0x0] =	vst.idx.msk $0xffff, v31  }
0x586: {  	_ =	sdelay $0x2  }
0x587: {  	v31 =	vmov s24;
	s23 =	sadd.s32 $0x1, s18  }
0x588: {  	[tilespmem:v30+s15+$0x0] =	vst.idx.msk $0xffff, v29;
	v40 =	vld [tilespmem:s17+$0xFFFFFFB0];
	v20 =	vadd.s32 v3, v20;
	s26 =	sadd.s32 $0x100, s14;
	s28 =	sadd.s32 $0x2, s18;
	v41 =	vand.u32 $0x7F, v31;
	v42 =	vmov s23  }
0x589: {  	[tilespmem:v28+s15+$0x0] =	vst.idx.msk $0xffff, v26;
	v43 =	vld [tilespmem:s26+$0x40];
	v32 =	vmov s28;
	v44 =	vadd.s32 v0, v41;
	v31 =	vand.u32 $0x7D, v42  }
0x58a: {  	v33 =	vmov s18;
	[tilespmem:v27+s15+$0x0] =	vst.idx.msk $0xffff, v23;
	v23 =	vld [tilespmem:s26+$0xFFFFFFC0];
	v32 =	vand.u32 $0x7E, v32;
	v45 =	vadd.s32 v0, v31  }
0x58b: {  	v33 =	vand.u32 $0x7C, v33;
	[tilespmem:v24+s15+$0x0] =	vst.idx.msk $0xffff, v21;
	v21 =	vld [tilespmem:s26+$0x0];
	v46 =	vadd.s32 v0, v32  }
0x58c: {  	v34 =	vld [tilespmem:s26+$0xFFFFFF80];
	[tilespmem:v25+s15+$0x0] =	vst.idx.msk $0xffff, v22;
	v22 =	vadd.s32 v0, v33  }
0x58d: {  	v47 =	vld [tilespmem:s14+$0xFFFFFFE0];
	[tilespmem:v20+s15+$0x0] =	vst.idx.msk $0xffff, v40;
	v20 =	vadd.s32 v2, v18  }
0x58e: {  	v19 =	vadd.s32 v3, v19;
	v48 =	vld [tilespmem:s14+$0x70];
	[tilespmem:v44+s15+$0x0] =	vst.idx.msk $0xffff, v43  }
0x58f: {  	v49 =	vadd.s32 v1, v41;
	v26 =	vld [tilespmem:s26+$0x50];
	[tilespmem:v45+s15+$0x0] =	vst.idx.msk $0xffff, v23  }
0x590: {  	v50 =	vadd.s32 v1, v31;
	[tilespmem:v46+s15+$0x0] =	vst.idx.msk $0xffff, v21;
	v23 =	vld [tilespmem:s26+$0xFFFFFFD0]  }
0x591: {  	[tilespmem:v22+s15+$0x0] =	vst.idx.msk $0xffff, v34;
	v21 =	vld [tilespmem:s26+$0x10];
	v22 =	vadd.s32 v1, v32  }
0x592: {  	v51 =	vadd.s32 v1, v33;
	[tilespmem:v20+s15+$0x0] =	vst.idx.msk $0xffff, v47;
	v20 =	vld [tilespmem:s26+$0xFFFFFF90]  }
0x593: {  	v53 =	vadd.s32 v2, v17;
	v52 =	vld [tilespmem:s14+$0x20];
	[tilespmem:v19+s15+$0x0] =	vst.idx.msk $0xffff, v48  }
0x594: {  	v18 =	vadd.s32 v3, v18;
	v19 =	vld [tilespmem:s14+$0xFFFFFFF0];
	[tilespmem:v49+s15+$0x0] =	vst.idx.msk $0xffff, v26  }
0x595: {  	v54 =	vadd.s32 v2, v41;
	v26 =	vld [tilespmem:s26+$0x60];
	[tilespmem:v50+s15+$0x0] =	vst.idx.msk $0xffff, v23  }
0x596: {  	v55 =	vadd.s32 v2, v31;
	[tilespmem:v22+s15+$0x0] =	vst.idx.msk $0xffff, v21;
	v23 =	vld [tilespmem:s26+$0xFFFFFFE0]  }
0x597: {  	v21 =	vadd.s32 v2, v32;
	[tilespmem:v51+s15+$0x0] =	vst.idx.msk $0xffff, v20;
	v20 =	vld [tilespmem:s26+$0x20]  }
0x598: {  	v56 =	vadd.s32 v2, v33;
	[tilespmem:v53+s15+$0x0] =	vst.idx.msk $0xffff, v52;
	v22 =	vld [tilespmem:s26+$0xFFFFFFA0]  }
0x599: {  	v17 =	vadd.s32 v3, v17;
	v25 =	vld [tilespmem:s14+$0x30];
	[tilespmem:v18+s15+$0x0] =	vst.idx.msk $0xffff, v19  }
0x59a: {  	v16 =	vadd.s32 v3, v16;
	v18 =	vld [tilespmem:s14+$0xFFFFFFB0];
	[tilespmem:v54+s15+$0x0] =	vst.idx.msk $0xffff, v26  }
0x59b: {  	v57 =	vadd.s32 v3, v41;
	v19 =	vld [tilespmem:s26+$0x70];
	[tilespmem:v55+s15+$0x0] =	vst.idx.msk $0xffff, v23  }
0x59c: {  	v58 =	vadd.s32 v3, v31;
	[tilespmem:v21+s15+$0x0] =	vst.idx.msk $0xffff, v20;
	v23 =	vld [tilespmem:s26+$0xFFFFFFF0]  }
0x59d: {  	v21 =	vadd.s32 v3, v32;
	[tilespmem:v56+s15+$0x0] =	vst.idx.msk $0xffff, v22;
	v20 =	vld [tilespmem:s26+$0x30]  }
0x59e: {  	[tilespmem:v17+s15+$0x0] =	vst.idx.msk $0xffff, v25;
	v22 =	vadd.s32 v3, v33;
	v17 =	vld [tilespmem:s26+$0xFFFFFFB0]  }
0x59f: {  	[tilespmem:v16+s15+$0x0] =	vst.idx.msk $0xffff, v18  }
0x5a0: {  	[tilespmem:v57+s15+$0x0] =	vst.idx.msk $0xffff, v19  }
0x5a1: {  	[tilespmem:v58+s15+$0x0] =	vst.idx.msk $0xffff, v23  }
0x5a2: {  	[tilespmem:v21+s15+$0x0] =	vst.idx.msk $0xffff, v20  }
0x5a3: {  	s17 =	simm.s32 $0x62F0;
	[tilespmem:v22+s15+$0x0] =	vst.idx.msk $0xffff, v17  }
0x5a4: {  	v17 =	vadd.s32 v4, v14;
	v16 =	vld [tilespmem:s17+$0xFFFFFFD0]  }
0x5a5: {  	v19 =	vadd.s32 v4, v9;
	v18 =	vld [tilespmem:s17+$0xFFFFFF10];
	_ =	sdelay $0x1  }
0x5a6: {  	v21 =	vadd.s32 v4, v13;
	v20 =	vld [tilespmem:s17+$0xFFFFFF50];
	_ =	sdelay $0x1  }
0x5a7: {  	[tilespmem:v17+s15+$0x0] =	vst.idx.msk $0xffff, v16  }
0x5a8: {  	v17 =	vadd.s32 v5, v14;
	[tilespmem:v19+s15+$0x0] =	vst.idx.msk $0xffff, v18;
	v16 =	vld [tilespmem:s17+$0xFFFFFFE0]  }
0x5a9: {  	v19 =	vadd.s32 v5, v9;
	v18 =	vld [tilespmem:s17+$0xFFFFFF20]  }
0x5aa: {  	v23 =	vadd.s32 v4, v12;
	v22 =	vld [tilespmem:s17+$0xFFFFFF90];
	[tilespmem:v21+s15+$0x0] =	vst.idx.msk $0xffff, v20  }
0x5ab: {  	v21 =	vadd.s32 v5, v13;
	v20 =	vld [tilespmem:s17+$0xFFFFFF60]  }
0x5ac: {  	s14 =	simm.s32 $0x63F0  }
0x5ad: {  	v59 =	vadd.s32 v4, v11;
	v24 =	vld [tilespmem:s14+$0xFFFFFFD0];
	[tilespmem:v17+s15+$0x0] =	vst.idx.msk $0xffff, v16  }
0x5ae: {  	v17 =	vadd.s32 v6, v14;
	[tilespmem:v19+s15+$0x0] =	vst.idx.msk $0xffff, v18;
	v16 =	vld [tilespmem:s17+$0xFFFFFFF0]  }
0x5af: {  	[tilespmem:v23+s15+$0x0] =	vst.idx.msk $0xffff, v22;
	v19 =	vadd.s32 v6, v9;
	v18 =	vld [tilespmem:s17+$0xFFFFFF30]  }
0x5b0: {  	v23 =	vadd.s32 v5, v12;
	v22 =	vld [tilespmem:s17+$0xFFFFFFA0];
	[tilespmem:v21+s15+$0x0] =	vst.idx.msk $0xffff, v20  }
0x5b1: {  	v15 =	vand.u32 $0x7C, v15;
	v21 =	vadd.s32 v6, v13;
	v20 =	vld [tilespmem:s17+$0xFFFFFF70]  }
0x5b2: {  	v60 =	vadd.s32 v4, v15;
	v26 =	vld [tilespmem:s14+$0xFFFFFF10];
	[tilespmem:v59+s15+$0x0] =	vst.idx.msk $0xffff, v24  }
0x5b3: {  	v61 =	vadd.s32 v5, v11;
	v24 =	vld [tilespmem:s14+$0xFFFFFFE0];
	[tilespmem:v17+s15+$0x0] =	vst.idx.msk $0xffff, v16  }
0x5b4: {  	[tilespmem:v19+s15+$0x0] =	vst.idx.msk $0xffff, v18;
	v17 =	vld [tilespmem:s14+$0xFFFFFF50];
	v18 =	vadd.s32 v4, v10  }
0x5b5: {  	[tilespmem:v23+s15+$0x0] =	vst.idx.msk $0xffff, v22;
	v22 =	vadd.s32 v4, v8;
	v19 =	vld [tilespmem:s14+$0xFFFFFF90]  }
0x5b6: {  	v23 =	vadd.s32 v6, v12;
	[tilespmem:v21+s15+$0x0] =	vst.idx.msk $0xffff, v20;
	v20 =	vld [tilespmem:s17+$0xFFFFFFB0]  }
0x5b7: {  	[tilespmem:v60+s15+$0x0] =	vst.idx.msk $0xffff, v26;
	v14 =	vadd.s32 v7, v14;
	v16 =	vld [tilespmem:s17+$0x0]  }
0x5b8: {  	v62 =	vadd.s32 v5, v15;
	v26 =	vld [tilespmem:s14+$0xFFFFFF20];
	[tilespmem:v61+s15+$0x0] =	vst.idx.msk $0xffff, v24  }
0x5b9: {  	v63 =	vadd.s32 v7, v13;
	v28 =	vld [tilespmem:s17+$0xFFFFFF80];
	[tilespmem:v18+s15+$0x0] =	vst.idx.msk $0xffff, v17  }
0x5ba: {  	[tilespmem:v22+s15+$0x0] =	vst.idx.msk $0xffff, v19;
	v22 =	vadd.s32 v5, v10;
	v21 =	vld [tilespmem:s14+$0xFFFFFF60]  }
0x5bb: {  	[tilespmem:v23+s15+$0x0] =	vst.idx.msk $0xffff, v20;
	v20 =	vadd.s32 v5, v8;
	v19 =	vld [tilespmem:s14+$0xFFFFFFA0]  }
0x5bc: {  	v18 =	vadd.s32 v7, v12;
	[tilespmem:v14+s15+$0x0] =	vst.idx.msk $0xffff, v16;
	v14 =	vld [tilespmem:s17+$0xFFFFFFC0]  }
0x5bd: {  	[tilespmem:v62+s15+$0x0] =	vst.idx.msk $0xffff, v26;
	v12 =	vld [tilespmem:s14+$0xFFFFFFF0];
	v16 =	vadd.s32 v6, v11  }
0x5be: {  	s18 =	simm.s32 $0xC;
	s23 =	simm.s32 $0xB;
	v13 =	vld [tilespmem:s14+$0xFFFFFF30];
	v17 =	vadd.s32 v6, v15;
	[tilespmem:v63+s15+$0x0] =	vst.idx.msk $0xffff, v28  }
.LBB2_52:
0x5bf: {  	p0 =	slt.u32 s18, $0x7C;
	v23 =	vmov s23;
	[tilespmem:v22+s15+$0x0] =	vst.idx.msk $0xffff, v21;
	v21 =	vld [tilespmem:s17+$0xFFFFFF40];
	v22 =	vadd.s32 v7, v9;
	v9 =	vmov v15;
	s17 =	smov.u32 s14  }
0x5c0: {  	v15 =	vmov s6;
	v25 =	vadd.s32 v6, v10;
	s14 =	sadd.s32 $0x100, s14;
	v23 =	vand.u32 $0x7F, v23;
	v24 =	vld [tilespmem:s17+$0xFFFFFF70];
	[tilespmem:v20+s15+$0x0] =	vst.idx.msk $0xffff, v19  }
0x5c1: {  	s23 =	sadd.s32 $0x1, s6;
	v15 =	vand.u32 $0x7C, v15;
	v19 =	vld [tilespmem:s14+$0xFFFFFFD0];
	v20 =	vadd.s32 v4, v23;
	[tilespmem:v18+s15+$0x0] =	vst.idx.msk $0xffff, v14  }
0x5c2: {  	v26 =	vmov s23;
	s23 =	sadd.s32 $0x2, s6;
	s6 =	smov.u32 s18;
	v18 =	vadd.s32 v4, v15;
	v14 =	vld [tilespmem:s14+$0xFFFFFF10];
	[tilespmem:v16+s15+$0x0] =	vst.idx.msk $0xffff, v12  }
0x5c3: {  	v12 =	vand.u32 $0x7D, v26;
	v16 =	vmov s23;
	[tilespmem:v17+s15+$0x0] =	vst.idx.msk $0xffff, v13;
	v13 =	vld [tilespmem:s17+$0x0];
	v17 =	vadd.s32 v7, v11;
	v11 =	vmovc v23  }
0x5c4: {  	v26 =	vadd.s32 v4, v12;
	v16 =	vand.u32 $0x7E, v16;
	v23 =	vld [tilespmem:s14+$0xFFFFFF50];
	[tilespmem:v22+s15+$0x0] =	vst.idx.msk $0xffff, v21  }
0x5c5: {  	v28 =	vadd.s32 v4, v16;
	v27 =	vld [tilespmem:s14+$0xFFFFFF90];
	[tilespmem:v25+s15+$0x0] =	vst.idx.msk $0xffff, v24  }
0x5c6: {  	v25 =	vadd.s32 v6, v8;
	[tilespmem:v20+s15+$0x0] =	vst.idx.msk $0xffff, v19;
	v24 =	vld [tilespmem:s17+$0xFFFFFFB0]  }
0x5c7: {  	[tilespmem:v18+s15+$0x0] =	vst.idx.msk $0xffff, v14;
	v14 =	vld [tilespmem:s14+$0xFFFFFFE0];
	v18 =	vadd.s32 v5, v11  }
0x5c8: {  	v30 =	vadd.s32 v5, v15;
	v29 =	vld [tilespmem:s14+$0xFFFFFF20];
	[tilespmem:v17+s15+$0x0] =	vst.idx.msk $0xffff, v13  }
0x5c9: {  	[tilespmem:v26+s15+$0x0] =	vst.idx.msk $0xffff, v23;
	v23 =	vld [tilespmem:s17+$0xFFFFFF80];
	v26 =	vadd.s32 v7, v10;
	v10 =	vmov v12  }
.Ltmp25:
0x5ca: {  	v21 =	vld [tilespmem:s14+$0xFFFFFF60];
	v22 =	vadd.s32 v5, v10;
	[tilespmem:v28+s15+$0x0] =	vst.idx.msk $0xffff, v27;
	(pc) =	sbr.rel @p0 .LBB2_52-.Ltmp25, $4  }
0x5cb: {  	v20 =	vadd.s32 v5, v16;
	v19 =	vld [tilespmem:s14+$0xFFFFFFA0];
	[tilespmem:v25+s15+$0x0] =	vst.idx.msk $0xffff, v24  }
0x5cc: {  	[tilespmem:v18+s15+$0x0] =	vst.idx.msk $0xffff, v14;
	v14 =	vld [tilespmem:s17+$0xFFFFFFC0];
	v18 =	vadd.s32 v7, v8;
	v8 =	vmov v16  }
0x5cd: {  	v16 =	vadd.s32 v6, v11;
	[tilespmem:v30+s15+$0x0] =	vst.idx.msk $0xffff, v29;
	v12 =	vld [tilespmem:s14+$0xFFFFFFF0]  }
0x5ce: {  	s18 =	sadd.s32 $0x4, s18;
	s23 =	sadd.s32 $0x3, s6;
	v17 =	vadd.s32 v6, v15;
	v13 =	vld [tilespmem:s14+$0xFFFFFF30];
	[tilespmem:v26+s15+$0x0] =	vst.idx.msk $0xffff, v23  }
0x5cf: {  	_ =	sdelay $0x2  }
0x5d0: {  	v23 =	vmov s23  }
0x5d1: {  	s18 =	sadd.s32 $0x1, s6;
	[tilespmem:v22+s15+$0x0] =	vst.idx.msk $0xffff, v21;
	v29 =	vld [tilespmem:s17+$0xFFFFFF40];
	v9 =	vadd.s32 v7, v9;
	s24 =	sadd.s32 $0x100, s14;
	v25 =	vmov s6;
	v30 =	vand.u32 $0x7F, v23  }
0x5d2: {  	s26 =	sadd.s32 $0x2, s6;
	v31 =	vmov s18;
	[tilespmem:v20+s15+$0x0] =	vst.idx.msk $0xffff, v19;
	v32 =	vld [tilespmem:s24+$0xFFFFFFD0];
	v25 =	vand.u32 $0x7C, v25;
	v33 =	vadd.s32 v4, v30  }
0x5d3: {  	v24 =	vmov s26;
	v26 =	vld [tilespmem:s24+$0xFFFFFF10];
	v23 =	vand.u32 $0x7D, v31;
	[tilespmem:v18+s15+$0x0] =	vst.idx.msk $0xffff, v14;
	v38 =	vadd.s32 v4, v25  }
0x5d4: {  	v34 =	vld [tilespmem:s24+$0xFFFFFF50];
	v24 =	vand.u32 $0x7E, v24;
	v35 =	vadd.s32 v4, v23;
	[tilespmem:v16+s15+$0x0] =	vst.idx.msk $0xffff, v12  }
0x5d5: {  	v36 =	vld [tilespmem:s24+$0xFFFFFF90];
	v37 =	vadd.s32 v4, v24;
	[tilespmem:v17+s15+$0x0] =	vst.idx.msk $0xffff, v13  }
0x5d6: {  	v40 =	vadd.s32 v6, v10;
	v39 =	vld [tilespmem:s14+$0xFFFFFF70];
	[tilespmem:v9+s15+$0x0] =	vst.idx.msk $0xffff, v29  }
0x5d7: {  	v48 =	vadd.s32 v6, v8;
	v47 =	vld [tilespmem:s14+$0xFFFFFFB0];
	[tilespmem:v33+s15+$0x0] =	vst.idx.msk $0xffff, v32  }
0x5d8: {  	v42 =	vadd.s32 v5, v30;
	[tilespmem:v38+s15+$0x0] =	vst.idx.msk $0xffff, v26;
	v19 =	vld [tilespmem:s24+$0xFFFFFFE0]  }
0x5d9: {  	v46 =	vadd.s32 v5, v25;
	[tilespmem:v35+s15+$0x0] =	vst.idx.msk $0xffff, v34;
	v45 =	vld [tilespmem:s24+$0xFFFFFF20]  }
0x5da: {  	v43 =	vadd.s32 v5, v23;
	[tilespmem:v37+s15+$0x0] =	vst.idx.msk $0xffff, v36;
	v14 =	vld [tilespmem:s24+$0xFFFFFF60]  }
0x5db: {  	v44 =	vadd.s32 v5, v24;
	[tilespmem:v40+s15+$0x0] =	vst.idx.msk $0xffff, v39;
	v12 =	vld [tilespmem:s24+$0xFFFFFFA0]  }
0x5dc: {  	v11 =	vadd.s32 v7, v11;
	v41 =	vld [tilespmem:s14+$0x0];
	[tilespmem:v48+s15+$0x0] =	vst.idx.msk $0xffff, v47  }
0x5dd: {  	v8 =	vadd.s32 v7, v8;
	v17 =	vld [tilespmem:s14+$0xFFFFFFC0];
	[tilespmem:v42+s15+$0x0] =	vst.idx.msk $0xffff, v19  }
0x5de: {  	v51 =	vadd.s32 v6, v30;
	[tilespmem:v46+s15+$0x0] =	vst.idx.msk $0xffff, v45;
	v19 =	vld [tilespmem:s24+$0xFFFFFFF0]  }
0x5df: {  	v56 =	vadd.s32 v6, v25;
	[tilespmem:v43+s15+$0x0] =	vst.idx.msk $0xffff, v14;
	v55 =	vld [tilespmem:s24+$0xFFFFFF30]  }
0x5e0: {  	v52 =	vadd.s32 v6, v23;
	[tilespmem:v44+s15+$0x0] =	vst.idx.msk $0xffff, v12;
	v14 =	vld [tilespmem:s24+$0xFFFFFF70]  }
0x5e1: {  	v54 =	vadd.s32 v6, v24;
	[tilespmem:v11+s15+$0x0] =	vst.idx.msk $0xffff, v41;
	v53 =	vld [tilespmem:s24+$0xFFFFFFB0]  }
0x5e2: {  	v58 =	vadd.s32 v7, v15;
	v57 =	vld [tilespmem:s14+$0xFFFFFF40];
	[tilespmem:v8+s15+$0x0] =	vst.idx.msk $0xffff, v17  }
0x5e3: {  	v50 =	vadd.s32 v7, v10;
	v49 =	vld [tilespmem:s14+$0xFFFFFF80];
	[tilespmem:v51+s15+$0x0] =	vst.idx.msk $0xffff, v19  }
0x5e4: {  	v60 =	vadd.s32 v7, v30;
	[tilespmem:v56+s15+$0x0] =	vst.idx.msk $0xffff, v55;
	v59 =	vld [tilespmem:s24+$0x0]  }
0x5e5: {  	v63 =	vadd.s32 v7, v25;
	[tilespmem:v52+s15+$0x0] =	vst.idx.msk $0xffff, v14;
	v8 =	vld [tilespmem:s24+$0xFFFFFF40]  }
0x5e6: {  	v61 =	vadd.s32 v7, v23;
	[tilespmem:v54+s15+$0x0] =	vst.idx.msk $0xffff, v53;
	v14 =	vld [tilespmem:s24+$0xFFFFFF80]  }
0x5e7: {  	v62 =	vadd.s32 v7, v24;
	[tilespmem:v58+s15+$0x0] =	vst.idx.msk $0xffff, v57;
	v9 =	vld [tilespmem:s24+$0xFFFFFFC0]  }
0x5e8: {  	[tilespmem:v50+s15+$0x0] =	vst.idx.msk $0xffff, v49  }
0x5e9: {  	[tilespmem:v60+s15+$0x0] =	vst.idx.msk $0xffff, v59  }
0x5ea: {  	[tilespmem:v63+s15+$0x0] =	vst.idx.msk $0xffff, v8  }
0x5eb: {  	[tilespmem:v61+s15+$0x0] =	vst.idx.msk $0xffff, v14  }
0x5ec: {  	[tilespmem:v62+s15+$0x0] =	vst.idx.msk $0xffff, v9  }
0x5ed: {  	s28 =	simm.s32 $0xC600;
	s24 =	rddreg [dreg:$0x12]  }
0x5ee: {  	[hbm4b:s24+s4] =	stream.linear.scatter [tilespmem:s28], [sflag:$0x6], $0x80, $0x38;
	[tilespmem:$0x10A00] =	vst v63  }
0x5ef: {  	s14 =	simm.s32 $0xC688;
	s17 =	sadd.s32 $0x10, s24  }
0x5f0: {  	[hbm4b:s17+s4] =	stream.linear.scatter [tilespmem:s14], [sflag:$0x6], $0x80, $0x38;
	[tilespmem:$0x10A00] =	vst v63  }
0x5f1: {  	s6 =	simm.s32 $0x440;
	s18 =	simm.s32 $0xC710;
	s23 =	sadd.s32 $0x20, s24  }
0x5f2: {  	[hbm4b:s23+s4] =	stream.linear.scatter [tilespmem:s18], [sflag:$0x6], $0x80, $0x38;
	[tilespmem:$0x10A00] =	vst v63  }
0x5f3: {  	s26 =	simm.s32 $0xC798;
	s28 =	sadd.s32 $0x30, s24;
	s14 =	simm.s32 $0xC820  }
0x5f4: {  	[hbm4b:s28+s4] =	stream.linear.scatter [tilespmem:s26], [sflag:$0x6], $0x80, $0x38;
	[tilespmem:$0x10A00] =	vst v63  }
0x5f5: {  	s17 =	sadd.s32 $0x40, s24;
	s18 =	simm.s32 $0xC8A8;
	s23 =	sadd.s32 $0x50, s24  }
0x5f6: {  	[hbm4b:s17+s4] =	stream.linear.scatter [tilespmem:s14], [sflag:$0x6], $0x80, $0x38;
	[tilespmem:$0x10A00] =	vst v63  }
0x5f7: {  	s26 =	simm.s32 $0xC930;
	s28 =	sadd.s32 $0x60, s24;
	s17 =	simm.s32 $0x2200  }
0x5f8: {  	[hbm4b:s23+s4] =	stream.linear.scatter [tilespmem:s18], [sflag:$0x6], $0x80, $0x38;
	[tilespmem:$0x10A00] =	vst v63  }
0x5f9: {  	s14 =	sadd.s32 $0x1000, s24;
	s18 =	simm.s32 $0xC9B8;
	s23 =	sadd.s32 $0x70, s24  }
0x5fa: {  	[hbm4b:s28+s4] =	stream.linear.scatter [tilespmem:s26], [sflag:$0x6], $0x80, $0x38;
	[tilespmem:$0x10A00] =	vst v63  }
.LBB2_54:
0x5fb: {  	[hbm4b:s23+s4] =	stream.linear.scatter [tilespmem:s18], [sflag:$0x6], $0x80, $0x38;
	[tilespmem:$0x10A00] =	vst v63  }
0x5fc: {  	s18 =	smov.u32 s6;
	s6 =	smov.u32 s17  }
0x5fd: {  	s24 =	sadd.s32 $0x1100, s17;
	s6 =	sshra.s32 s6, $0x2;
	s23 =	sadd.s32 $0xC600, s18  }
0x5fe: {  	[hbm4b:s14+s4] =	stream.linear.scatter [tilespmem:s23], [sflag:$0x6], $0x80, $0x38;
	[tilespmem:$0x10A00] =	vst v63  }
0x5ff: {  	p0 =	sne.s32 s17, $0x7700;
	s17 =	sadd.s32 $0xC688, s18;
	s23 =	sadd.s32 $0x10, s14  }
0x600: {  	[hbm4b:s23+s4] =	stream.linear.scatter [tilespmem:s17], [sflag:$0x6], $0x80, $0x38;
	[tilespmem:$0x10A00] =	vst v63  }
0x601: {  	s17 =	sadd.s32 $0xC710, s18;
	s23 =	sadd.s32 $0x20, s14  }
0x602: {  	[hbm4b:s23+s4] =	stream.linear.scatter [tilespmem:s17], [sflag:$0x6], $0x80, $0x38;
	[tilespmem:$0x10A00] =	vst v63  }
0x603: {  	s17 =	sadd.s32 $0xC798, s18;
	s23 =	sadd.s32 $0x30, s14  }
0x604: {  	[hbm4b:s23+s4] =	stream.linear.scatter [tilespmem:s17], [sflag:$0x6], $0x80, $0x38;
	[tilespmem:$0x10A00] =	vst v63  }
0x605: {  	s17 =	sadd.s32 $0xC820, s18;
	s23 =	sadd.s32 $0x40, s14  }
0x606: {  	[hbm4b:s23+s4] =	stream.linear.scatter [tilespmem:s17], [sflag:$0x6], $0x80, $0x38;
	[tilespmem:$0x10A00] =	vst v63  }
.Ltmp26:
0x607: {  	s17 =	sadd.s32 $0xC8A8, s18;
	s23 =	sadd.s32 $0x50, s14;
	(pc) =	sbr.rel @p0 .LBB2_54-.Ltmp26, $4  }
0x608: {  	[hbm4b:s23+s4] =	stream.linear.scatter [tilespmem:s17], [sflag:$0x6], $0x80, $0x38;
	[tilespmem:$0x10A00] =	vst v63  }
0x609: {  	s17 =	sadd.s32 $0xC930, s18;
	s23 =	sadd.s32 $0x60, s14;
	s18 =	sadd.s32 $0xC9B8, s18  }
0x60a: {  	[hbm4b:s23+s4] =	stream.linear.scatter [tilespmem:s17], [sflag:$0x6], $0x80, $0x38;
	[tilespmem:$0x10A00] =	vst v63  }
0x60b: {  	s23 =	sadd.s32 $0x70, s14;
	s14 =	sadd.s32 $0x1000, s14;
	s17 =	smov.u32 s24  }
0x60c: {  	[hbm4b:s23+s4] =	stream.linear.scatter [tilespmem:s18], [sflag:$0x6], $0x80, $0x38;
	[tilespmem:$0x10A00] =	vst v63  }
0x60d: {  	s17 =	sadd.s32 $0xC600, s6  }
0x60e: {  	[hbm4b:s14+s4] =	stream.linear.scatter [tilespmem:s17], [sflag:$0x6], $0x80, $0x38;
	[tilespmem:$0x10A00] =	vst v63  }
0x60f: {  	s26 =	sadd.s32 $0xC688, s6;
	s28 =	sadd.s32 $0x10, s14  }
0x610: {  	[hbm4b:s28+s4] =	stream.linear.scatter [tilespmem:s26], [sflag:$0x6], $0x80, $0x38;
	[tilespmem:$0x10A00] =	vst v63  }
0x611: {  	s23 =	sadd.s32 $0xC710, s6;
	s24 =	sadd.s32 $0x20, s14  }
0x612: {  	[hbm4b:s24+s4] =	stream.linear.scatter [tilespmem:s23], [sflag:$0x6], $0x80, $0x38;
	[tilespmem:$0x10A00] =	vst v63  }
0x613: {  	s26 =	sadd.s32 $0xC798, s6;
	s28 =	sadd.s32 $0x30, s14  }
0x614: {  	[hbm4b:s28+s4] =	stream.linear.scatter [tilespmem:s26], [sflag:$0x6], $0x80, $0x38;
	[tilespmem:$0x10A00] =	vst v63  }
0x615: {  	s23 =	sadd.s32 $0xC820, s6;
	s24 =	sadd.s32 $0x40, s14  }
0x616: {  	[hbm4b:s24+s4] =	stream.linear.scatter [tilespmem:s23], [sflag:$0x6], $0x80, $0x38;
	[tilespmem:$0x10A00] =	vst v63  }
0x617: {  	s26 =	sadd.s32 $0xC8A8, s6;
	s28 =	sadd.s32 $0x50, s14  }
0x618: {  	[hbm4b:s28+s4] =	stream.linear.scatter [tilespmem:s26], [sflag:$0x6], $0x80, $0x38;
	[tilespmem:$0x10A00] =	vst v63  }
0x619: {  	s18 =	sadd.s32 $0xC930, s6;
	s23 =	sadd.s32 $0x60, s14  }
0x61a: {  	[hbm4b:s23+s4] =	stream.linear.scatter [tilespmem:s18], [sflag:$0x6], $0x80, $0x38;
	[tilespmem:$0x10A00] =	vst v63  }
0x61b: {  	s24 =	sadd.s32 $0xC9B8, s6;
	s26 =	sadd.s32 $0x70, s14  }
0x61c: {  	[hbm4b:s26+s4] =	stream.linear.scatter [tilespmem:s24], [sflag:$0x6], $0x80, $0x38;
	[tilespmem:$0x10A00] =	vst v63  }
0x61d: {  	s28 =	simm.s32 $0xE800;
	s24 =	rddreg [dreg:$0x13]  }
0x61e: {  	[hbm4b:s24+s4] =	stream.linear.scatter [tilespmem:s28], [sflag:$0x6], $0x80, $0x38;
	[tilespmem:$0x10A00] =	vst v63  }
0x61f: {  	s14 =	simm.s32 $0xE888;
	s17 =	sadd.s32 $0x10, s24  }
0x620: {  	[hbm4b:s17+s4] =	stream.linear.scatter [tilespmem:s14], [sflag:$0x6], $0x80, $0x38;
	[tilespmem:$0x10A00] =	vst v63  }
0x621: {  	s6 =	simm.s32 $0x440;
	s18 =	simm.s32 $0xE910;
	s23 =	sadd.s32 $0x20, s24  }
0x622: {  	[hbm4b:s23+s4] =	stream.linear.scatter [tilespmem:s18], [sflag:$0x6], $0x80, $0x38;
	[tilespmem:$0x10A00] =	vst v63  }
0x623: {  	s26 =	simm.s32 $0xE998;
	s28 =	sadd.s32 $0x30, s24;
	s14 =	simm.s32 $0xEA20  }
0x624: {  	[hbm4b:s28+s4] =	stream.linear.scatter [tilespmem:s26], [sflag:$0x6], $0x80, $0x38;
	[tilespmem:$0x10A00] =	vst v63  }
0x625: {  	s17 =	sadd.s32 $0x40, s24;
	s18 =	simm.s32 $0xEAA8;
	s23 =	sadd.s32 $0x50, s24  }
0x626: {  	[hbm4b:s17+s4] =	stream.linear.scatter [tilespmem:s14], [sflag:$0x6], $0x80, $0x38;
	[tilespmem:$0x10A00] =	vst v63  }
0x627: {  	s26 =	simm.s32 $0xEB30;
	s28 =	sadd.s32 $0x60, s24;
	s17 =	simm.s32 $0x2200  }
0x628: {  	[hbm4b:s23+s4] =	stream.linear.scatter [tilespmem:s18], [sflag:$0x6], $0x80, $0x38;
	[tilespmem:$0x10A00] =	vst v63  }
0x629: {  	s14 =	sadd.s32 $0x1000, s24;
	s18 =	simm.s32 $0xEBB8;
	s23 =	sadd.s32 $0x70, s24  }
0x62a: {  	[hbm4b:s28+s4] =	stream.linear.scatter [tilespmem:s26], [sflag:$0x6], $0x80, $0x38;
	[tilespmem:$0x10A00] =	vst v63  }
.LBB2_56:
0x62b: {  	[hbm4b:s23+s4] =	stream.linear.scatter [tilespmem:s18], [sflag:$0x6], $0x80, $0x38;
	[tilespmem:$0x10A00] =	vst v63  }
0x62c: {  	s18 =	smov.u32 s6;
	s6 =	smov.u32 s17  }
0x62d: {  	s24 =	sadd.s32 $0x1100, s17;
	s6 =	sshra.s32 s6, $0x2;
	s23 =	sadd.s32 $0xE800, s18  }
0x62e: {  	[hbm4b:s14+s4] =	stream.linear.scatter [tilespmem:s23], [sflag:$0x6], $0x80, $0x38;
	[tilespmem:$0x10A00] =	vst v63  }
0x62f: {  	p0 =	sne.s32 s17, $0x7700;
	s17 =	sadd.s32 $0xE888, s18;
	s23 =	sadd.s32 $0x10, s14  }
0x630: {  	[hbm4b:s23+s4] =	stream.linear.scatter [tilespmem:s17], [sflag:$0x6], $0x80, $0x38;
	[tilespmem:$0x10A00] =	vst v63  }
0x631: {  	s17 =	sadd.s32 $0xE910, s18;
	s23 =	sadd.s32 $0x20, s14  }
0x632: {  	[hbm4b:s23+s4] =	stream.linear.scatter [tilespmem:s17], [sflag:$0x6], $0x80, $0x38;
	[tilespmem:$0x10A00] =	vst v63  }
0x633: {  	s17 =	sadd.s32 $0xE998, s18;
	s23 =	sadd.s32 $0x30, s14  }
0x634: {  	[hbm4b:s23+s4] =	stream.linear.scatter [tilespmem:s17], [sflag:$0x6], $0x80, $0x38;
	[tilespmem:$0x10A00] =	vst v63  }
0x635: {  	s17 =	sadd.s32 $0xEA20, s18;
	s23 =	sadd.s32 $0x40, s14  }
0x636: {  	[hbm4b:s23+s4] =	stream.linear.scatter [tilespmem:s17], [sflag:$0x6], $0x80, $0x38;
	[tilespmem:$0x10A00] =	vst v63  }
.Ltmp27:
0x637: {  	s17 =	sadd.s32 $0xEAA8, s18;
	s23 =	sadd.s32 $0x50, s14;
	(pc) =	sbr.rel @p0 .LBB2_56-.Ltmp27, $4  }
0x638: {  	[hbm4b:s23+s4] =	stream.linear.scatter [tilespmem:s17], [sflag:$0x6], $0x80, $0x38;
	[tilespmem:$0x10A00] =	vst v63  }
0x639: {  	s17 =	sadd.s32 $0xEB30, s18;
	s23 =	sadd.s32 $0x60, s14;
	s18 =	sadd.s32 $0xEBB8, s18  }
0x63a: {  	[hbm4b:s23+s4] =	stream.linear.scatter [tilespmem:s17], [sflag:$0x6], $0x80, $0x38;
	[tilespmem:$0x10A00] =	vst v63  }
0x63b: {  	s23 =	sadd.s32 $0x70, s14;
	s14 =	sadd.s32 $0x1000, s14;
	s17 =	smov.u32 s24  }
0x63c: {  	[hbm4b:s23+s4] =	stream.linear.scatter [tilespmem:s18], [sflag:$0x6], $0x80, $0x38;
	[tilespmem:$0x10A00] =	vst v63  }
0x63d: {  	s17 =	sadd.s32 $0xE800, s6  }
0x63e: {  	[hbm4b:s14+s4] =	stream.linear.scatter [tilespmem:s17], [sflag:$0x6], $0x80, $0x38;
	[tilespmem:$0x10A00] =	vst v63  }
0x63f: {  	s23 =	sadd.s32 $0xE888, s6;
	s24 =	sadd.s32 $0x10, s14  }
0x640: {  	[hbm4b:s24+s4] =	stream.linear.scatter [tilespmem:s23], [sflag:$0x6], $0x80, $0x38;
	[tilespmem:$0x10A00] =	vst v63  }
0x641: {  	s26 =	sadd.s32 $0xE910, s6;
	s28 =	sadd.s32 $0x20, s14  }
0x642: {  	[hbm4b:s28+s4] =	stream.linear.scatter [tilespmem:s26], [sflag:$0x6], $0x80, $0x38;
	[tilespmem:$0x10A00] =	vst v63  }
0x643: {  	s23 =	sadd.s32 $0xE998, s6;
	s24 =	sadd.s32 $0x30, s14  }
0x644: {  	[hbm4b:s24+s4] =	stream.linear.scatter [tilespmem:s23], [sflag:$0x6], $0x80, $0x38;
	[tilespmem:$0x10A00] =	vst v63  }
0x645: {  	s26 =	sadd.s32 $0xEA20, s6;
	s28 =	sadd.s32 $0x40, s14  }
0x646: {  	[hbm4b:s28+s4] =	stream.linear.scatter [tilespmem:s26], [sflag:$0x6], $0x80, $0x38;
	[tilespmem:$0x10A00] =	vst v63  }
0x647: {  	s23 =	sadd.s32 $0xEAA8, s6;
	s24 =	sadd.s32 $0x50, s14  }
0x648: {  	[hbm4b:s24+s4] =	stream.linear.scatter [tilespmem:s23], [sflag:$0x6], $0x80, $0x38;
	[tilespmem:$0x10A00] =	vst v63  }
0x649: {  	s26 =	sadd.s32 $0xEB30, s6;
	s28 =	sadd.s32 $0x60, s14  }
0x64a: {  	[hbm4b:s28+s4] =	stream.linear.scatter [tilespmem:s26], [sflag:$0x6], $0x80, $0x38;
	[tilespmem:$0x10A00] =	vst v63  }
0x64b: {  	s23 =	sadd.s32 $0xEBB8, s6;
	s24 =	sadd.s32 $0x70, s14  }
0x64c: {  	[hbm4b:s24+s4] =	stream.linear.scatter [tilespmem:s23], [sflag:$0x6], $0x80, $0x38;
	[tilespmem:$0x10A00] =	vst v63  }
0x64d: {  	_ =	swait.ge [sflag:s16], $0x2000  }
0x64e: {  	[sflag:s16] =	ssyncset.done $0x0  }
0x64f: {  	[sflag:s16] =	ssyncadd.s32 $0xFFFFE000  }
0x650: {  	_ =	swait.ge [sflag:s16], $0x2000  }
0x651: {  	[sflag:s16] =	ssyncset.done $0x0  }
0x652: {  	[sflag:s16] =	ssyncadd.s32 $0xFFFFE000  }
0x653: {  	_ =	swait.ge [sflag:s25], $0x2000  }
0x654: {  	[sflag:s25] =	ssyncset.done $0x0  }
0x655: {  	[sflag:s25] =	ssyncadd.s32 $0xFFFFE000  }
0x656: {  	_ =	swait.ge [sflag:s25], $0x2000  }
0x657: {  	s26 =	rddreg [dreg:$0x14]  }
0x658: {  	s28 =	rddreg [dreg:$0x11];
	s14 =	sadd.s32 $0x1, s26  }
0x659: {  	p0 =	sne.s32 s14, s28  }
.Ltmp28:
0x65a: {  	_ = 	snop;
	(pc) =	sbr.rel @p0 .LBB2_1-.Ltmp28, $4  }
.Ltmp29:
0x65b: {  	_ = 	snop;
	(pc) =	sbr.rel @!p0 .LBB2_58-.Ltmp29, $4  }
0x65c: {  	_ = 	snop  }
0x65d: {  	[sflag:s25] =	ssyncset.done $0x0  }
0x65e: {  	[sflag:s25] =	ssyncadd.s32 $0xFFFFE000  }
0x65f: {  	_ = 	snop  }
.LBB2_4:
.Ltmp30:
0x660: {  	(pc) =	sbr.rel .LBB2_11-.Ltmp30, $2  }
0x661: {  	_ =	sdelay $0x2  }
0x662: {  	s17 =	simm.s32 $0x22F0;
	s24 =	simm.s32 $0x0  }
.LBB2_6:
.Ltmp31:
0x663: {  	(pc) =	sbr.rel .LBB2_11-.Ltmp31, $2  }
0x664: {  	_ =	sdelay $0x2  }
0x665: {  	s17 =	simm.s32 $0x22F0  }
.LBB2_8:
.Ltmp32:
0x666: {  	(pc) =	sbr.rel .LBB2_11-.Ltmp32, $2  }
0x667: {  	_ =	sdelay $0x2  }
0x668: {  	v26 =	vmovc v8;
	s23 =	simm.s32 $0x22F0;
	v8 =	vmovc v14;
	s24 =	simm.s32 $0x8;
	v11 =	vmov v12;
	v18 =	vmov v9;
	v10 =	vmov v13  }
.LBB2_58:
0x669: {  	_ =	sfence.sel $0x180000  }
0x66a: {  	[bflag:$0x0] =	sbarrier.arrive $0xFFFF  }
0x66b: {  	_ =	strace $0x90000047  }
0x66c: {  	s0 =	stileid.u32;
	[bflag:$0x2] =	sbarrier.arrive $0xFFFF  }
0x66d: {  	p0 =	sne.s32 s0, $0x0;
	s0 =	rddreg [dreg:$0x3]  }
0x66e: {  	s0 =	sadd.s32 @!p0 $0x100000, s0  }
0x66f: {  	[sflag:s0] =	ssyncadd.tile.s32 @!p0 $0x1;
	_ =	shalt  }
.Lfunc_end2:
_tile_overlayer_lowered:
.L_overlay_start_2:
0x670: {  	(tag) =	ssettag $0x2  }
0x671: {  	s0 =	rddreg [dreg:$0x0];
	s2 =	stileid.u32  }
0x672: {  	s1 =	rddreg [dreg:$0x1];
	p0 =	sne.s32 s2, $0x0  }
0x673: {  	s3 =	rddreg [dreg:$0x2];
	[bflag:$0x3] =	sbarrier.arrive $0xFFFF;
	s2 =	simm.s32 @!p0 $0x1C07  }
0x674: {  	[timem:s3], [sflag:s2] =	dma.local @!p0 [hbm:s0], s1  }
0x675: {  	s0 =	simm.s32 @!p0 $0x7  }
0x676: {  	_ =	swait.ge @!p0 [sflag:s0], s1  }
0x677: {  	s1 =	ssub.s32 @!p0 $0x0, s1;
	[sflag:s0] =	ssyncset.done @!p0 $0x0  }
0x678: {  	[sflag:s0] =	ssyncadd.s32 @!p0 s1  }
0x679: {  	[bflag:$0x3] =	sbarrier.arrive $0xFFFF  }
0x67a: {  	_ =	shalt  }

</sc_bundles>
